<compile_context>
chip_gen: v7x
topology: tpu7x:2x2x1
jax: 0.10.2.dev20260603
libtpu: 0.0.44.dev20260713+nightly
codegen_flags: <defaults>
</compile_context>

<pallas_src>
import functools

import jax
import jax.numpy as jnp
from jax import lax
from jax.experimental import pallas as pl
from jax.experimental.pallas import tpu as pltpu
from jax.experimental.pallas import tpu_sc as plsc

NB = 256
N_PTS = 2097152
MROWS = N_PTS // 128


_R1 = 4096
_GRID1 = MROWS // _R1


def _idx_body(x_ref, y_ref, z_ref, idx_ref):
    x = x_ref[...]
    y = y_ref[...]
    z = z_ref[...]
    cond = ((jnp.abs(x) < 0.5) & (jnp.abs(y) < 0.5) & (jnp.abs(z) < 0.5))
    ix = jnp.clip((x * 256.0 + 128.0).astype(jnp.int32), 0, NB - 1)
    iy = jnp.clip((y * 256.0 + 128.0).astype(jnp.int32), 0, NB - 1)
    iz = jnp.clip((z * 256.0 + 128.0).astype(jnp.int32), 0, NB - 1)
    base = (ix * NB + iy) * 1024 + (iz >> 7) * 512 + (iz & 127)
    idx_ref[...] = jnp.where(cond, base, -1)


_idx_kernel = pl.pallas_call(
    _idx_body,
    grid=(_GRID1,),
    in_specs=[pl.BlockSpec((_R1, 128), lambda i: (i, 0))] * 3,
    out_specs=pl.BlockSpec((_R1, 128), lambda i: (i, 0)),
    out_shape=jax.ShapeDtypeStruct((MROWS, 128), jnp.int32),
)


NC, NS, L = 2, 16, 16
NW = NC * NS
PER_W = N_PTS // NW
CHUNK = 4096
N_CHUNKS = PER_W // CHUNK
N_PAIRS = N_CHUNKS // 2
GROUPS = CHUNK // L
VOXN = NB * NB * NB * 4
GATHER_SEG = 512
N_SEG = CHUNK // GATHER_SEG

_mesh = plsc.VectorSubcoreMesh(
    core_axis_name="c", subcore_axis_name="s", num_cores=NC, num_subcores=NS
)


@functools.partial(
    pl.kernel,
    out_type=jax.ShapeDtypeStruct((4, N_PTS), jnp.float32),
    mesh=_mesh,
    scratch_types=[
        pltpu.VMEM((2, CHUNK), jnp.int32),
        pltpu.VMEM((2, CHUNK), jnp.float32),
        pltpu.VMEM((2, CHUNK), jnp.float32),
        pltpu.VMEM((2, CHUNK), jnp.float32),
        pltpu.VMEM((2, CHUNK), jnp.float32),
        pltpu.SemaphoreType.DMA,
        pltpu.SemaphoreType.DMA,
        pltpu.SemaphoreType.DMA,
        pltpu.SemaphoreType.DMA,
        pltpu.SemaphoreType.DMA,
        pltpu.SemaphoreType.DMA,
    ],
    compiler_params=pltpu.CompilerParams(use_tc_tiling_on_sc=False),
)
def _gather_sc(idx_hbm, vox_hbm, out_hbm,
               ib_v, c0_v, c1_v, c2_v, c3_v,
               isem0, isem1, gsem0, gsem1, osem0, osem1):
    wid = lax.axis_index("s") * NC + lax.axis_index("c")
    isem = (isem0, isem1)
    gsem = (gsem0, gsem1)
    osem = (osem0, osem1)

    def cbase(ci):
        return wid * PER_W + ci * CHUNK

    def gather_copies(par, ci):
        out = []
        for c in range(4):
            dst = (c0_v, c1_v, c2_v, c3_v)[c]
            tbl = vox_hbm.at[pl.ds(128 * c, VOXN - 128 * c)]
            for j in range(N_SEG):
                sl = pl.ds(j * GATHER_SEG, GATHER_SEG)
                out.append(pltpu.make_async_copy(
                    tbl.at[plsc.Indices(ib_v.at[par].at[sl],
                                        ignored_value=-1)],
                    dst.at[par].at[sl], gsem[par]))
        return out

    def out_copies(par, ci):
        return [pltpu.make_async_copy(
                    (c0_v, c1_v, c2_v, c3_v)[c].at[par],
                    out_hbm.at[c, pl.ds(cbase(ci), CHUNK)], osem[par])
                for c in range(4)]

    def in_copy(par, ci):
        return pltpu.make_async_copy(
            idx_hbm.at[pl.ds(cbase(ci), CHUNK)], ib_v.at[par], isem[par])

    in_copy(0, 0).start()

    def pair_body(p, carry):
        for par in (0, 1):
            ci = 2 * p + par
            oth = 1 - par
            in_copy(par, ci).wait()
            @pl.when(ci >= 2)
            def _():
                for cp in out_copies(par, ci - 2):
                    cp.wait()
            for cp in gather_copies(par, ci):
                cp.start()
            @pl.when(ci >= 1)
            def _():
                for cp in gather_copies(oth, ci - 1):
                    cp.wait()
                for cp in out_copies(oth, ci - 1):
                    cp.start()
            @pl.when(ci + 1 <= N_CHUNKS - 1)
            def _():
                in_copy(oth, ci + 1).start()
        return carry

    lax.fori_loop(0, N_PAIRS, pair_body, 0)

    last = N_CHUNKS - 1
    for cp in gather_copies(1, last):
        cp.wait()
    for cp in out_copies(1, last):
        cp.start()
    for cp in out_copies(0, last - 1):
        cp.wait()
    for cp in out_copies(1, last):
        cp.wait()



_R2 = 4096
_GRID2 = MROWS // _R2


def _act_body(idx_ref, r_ref, g_ref, b_ref, s_ref,
              ro_ref, go_ref, bo_ref, so_ref):
    cond = idx_ref[...] >= 0
    zero = jnp.float32(0.0)
    r = jnp.where(cond, r_ref[...], zero)
    g = jnp.where(cond, g_ref[...], zero)
    b = jnp.where(cond, b_ref[...], zero)
    s = jnp.where(cond, s_ref[...], zero)
    ro_ref[...] = jax.nn.sigmoid(r)
    go_ref[...] = jax.nn.sigmoid(g)
    bo_ref[...] = jax.nn.sigmoid(b)
    so_ref[...] = jnp.maximum(s, zero)


_act_kernel = pl.pallas_call(
    _act_body,
    grid=(_GRID2,),
    in_specs=[
        pl.BlockSpec((_R2, 128), lambda i: (i, 0)),
        pl.BlockSpec((_R2, 128), lambda i: (i, 0)),
        pl.BlockSpec((_R2, 128), lambda i: (i + _GRID2, 0)),
        pl.BlockSpec((_R2, 128), lambda i: (i + 2 * _GRID2, 0)),
        pl.BlockSpec((_R2, 128), lambda i: (i + 3 * _GRID2, 0)),
    ],
    out_specs=[pl.BlockSpec((_R2, 128), lambda i: (i, 0))] * 4,
    out_shape=[jax.ShapeDtypeStruct((MROWS, 128), jnp.float32)] * 4,
)


def kernel(xyz, voxels):
    x = xyz[:, 0].reshape(MROWS, 128)
    y = xyz[:, 1].reshape(MROWS, 128)
    z = xyz[:, 2].reshape(MROWS, 128)
    vox_lin = (voxels.reshape(NB, NB, 2, 128, 4)
               .transpose(0, 1, 2, 4, 3)
               .reshape(NB * NB * NB * 4))
    idx = _idx_kernel(x, y, z)
    g4 = _gather_sc(idx.reshape(N_PTS), vox_lin)
    g4v = g4.reshape(4 * MROWS, 128)
    rp, gp, bp, sp = _act_kernel(idx, g4v, g4v, g4v, g4v)
    rgb = jnp.stack(
        [rp.reshape(N_PTS), gp.reshape(N_PTS), bp.reshape(N_PTS)], axis=1)
    return rgb, sp.reshape(N_PTS, 1)

# --- scband reference (transcript-rebuilt; emitter-appended) ---
"""Pipeline reference for scband-voxels-52475910423151 (READ-ONLY COPY).

The authoritative reference and input builder live on the scoring server;
editing this copy changes nothing except your own understanding.
"""

import jax, jax.numpy as jnp
import numpy as np

NB_VOXELS = 256
SCALE = 1.0
N_POINTS = 2097152


def setup_inputs(seed: int = 0) -> dict:
    key = jax.random.key(seed)
    k1, k2 = jax.random.split(key)
    # query points, uniform in [0, 1); roughly half satisfy |coord| < scale/2
    xyz = jax.random.uniform(k1, (N_POINTS, 3), dtype=jnp.float32)
    # learned voxel grid parameter: torch.rand((nb, nb, nb, 4))
    voxels = jax.random.uniform(k2, (NB_VOXELS, NB_VOXELS, NB_VOXELS, 4), dtype=jnp.float32)
    return {"xyz": xyz, "voxels": voxels}


def reference(xyz, voxels):
    x = xyz[:, 0]
    y = xyz[:, 1]
    z = xyz[:, 2]
    half = SCALE / 2
    condition = (jnp.abs(x) < half) & (jnp.abs(y) < half) & (jnp.abs(z) < half)
    # voxel index computation (torch .type(torch.long) == truncation toward zero for these values)
    inv_cell = NB_VOXELS / SCALE
    idx_x = jnp.clip((x * inv_cell + NB_VOXELS / 2).astype(jnp.int32), 0, NB_VOXELS - 1)
    idx_y = jnp.clip((y * inv_cell + NB_VOXELS / 2).astype(jnp.int32), 0, NB_VOXELS - 1)
    idx_z = jnp.clip((z * inv_cell + NB_VOXELS / 2).astype(jnp.int32), 0, NB_VOXELS - 1)
    # gather all 4 channels from the voxel grid
    gathered = voxels[idx_x, idx_y, idx_z, :]  # (N, 4)
    # torch writes gathered values only where condition holds; zeros elsewhere
    colors_and_densities = jnp.where(condition[:, None], gathered, jnp.zeros_like(gathered))
    rgb = jax.nn.sigmoid(colors_and_densities[:, :3])
    sigma = jax.nn.relu(colors_and_densities[:, -1:])
    return (rgb, sigma)

if __name__ == "__main__":
    import jax
    _d = setup_inputs()
    print(jax.jit(kernel)(*tuple(_d.values())))

</pallas_src>

<mosaic_0001>
#map = affine_map<(d0, d1) -> (0)>
#map1 = affine_map<(d0, d1) -> (0, 0)>
module attributes {stable_mosaic.version = 14 : i64} {
  func.func @_gather_sc(%arg0: i32, %arg1: i32, %arg2: memref<2097152xi32, #tpu.memory_space<hbm>>, %arg3: memref<67108864xf32, #tpu.memory_space<hbm>>, %arg4: memref<4x2097152xf32, #tpu.memory_space<hbm>>, %arg5: memref<2x4096xi32, #tpu.memory_space<vmem>>, %arg6: memref<2x4096xf32, #tpu.memory_space<vmem>>, %arg7: memref<2x4096xf32, #tpu.memory_space<vmem>>, %arg8: memref<2x4096xf32, #tpu.memory_space<vmem>>, %arg9: memref<2x4096xf32, #tpu.memory_space<vmem>>, %arg10: memref<!tpu.dma_semaphore, #tpu.memory_space<semaphore_mem>>, %arg11: memref<!tpu.dma_semaphore, #tpu.memory_space<semaphore_mem>>, %arg12: memref<!tpu.dma_semaphore, #tpu.memory_space<semaphore_mem>>, %arg13: memref<!tpu.dma_semaphore, #tpu.memory_space<semaphore_mem>>, %arg14: memref<!tpu.dma_semaphore, #tpu.memory_space<semaphore_mem>>, %arg15: memref<!tpu.dma_semaphore, #tpu.memory_space<semaphore_mem>>) attributes {dimension_semantics = [#tpu.dimension_semantics<core_parallel>, #tpu.dimension_semantics<subcore_parallel>], iteration_bounds = array<i64: 2, 16>, scalar_prefetch = 0 : i64, scratch_operands = 11 : i64, tpu.core_type = #tpu.core_type<sc_vector_subcore>, window_params = [{transform_indices = #map}, {transform_indices = #map}, {transform_indices = #map1}]} {
    %mul3A = arith.constant 2 : i32
    %mul3A_0 = arith.muli %arg1, %mul3A : i32
    %add3A = arith.addi %mul3A_0, %arg0 : i32
    %mul3A_1 = arith.constant 65536 : i32
    %mul3A_2 = arith.muli %add3A, %mul3A_1 : i32
    %add3A_3 = arith.constant 0 : i32
    %add3A_4 = arith.addi %mul3A_2, %add3A_3 : i32
    %dma_start3A = arith.constant 0 : i32
    %dma_start3A_5 = arith.constant 0 : i32
    %dma_start3A_6 = tpu.memref_slice %arg5[%dma_start3A, %dma_start3A_5] : memref<2x4096xi32, #tpu.memory_space<vmem>> -> memref<1x4096xi32, #tpu.memory_space<vmem>>
    %dma_start3A_7 = tpu.memref_squeeze %dma_start3A_6 : memref<1x4096xi32, #tpu.memory_space<vmem>> -> memref<4096xi32, #tpu.memory_space<vmem>>
    %dma_start3A_8 = tpu.memref_slice %arg2[%add3A_4] : memref<2097152xi32, #tpu.memory_space<hbm>> -> memref<4096xi32, #tpu.memory_space<hbm>>
    %dma_start3A_9 = arith.constant 0 : i32
    %dma_start3A_10 = tpu.memref_slice %arg5[%dma_start3A, %dma_start3A_9] : memref<2x4096xi32, #tpu.memory_space<vmem>> -> memref<1x4096xi32, #tpu.memory_space<vmem>>
    %dma_start3A_11 = tpu.memref_squeeze %dma_start3A_10 : memref<1x4096xi32, #tpu.memory_space<vmem>> -> memref<4096xi32, #tpu.memory_space<vmem>>
    %dma_start3A_12 = tpu.memref_slice %arg2[%add3A_4] : memref<2097152xi32, #tpu.memory_space<hbm>> -> memref<4096xi32, #tpu.memory_space<hbm>>
    tpu.enqueue_dma source(%dma_start3A_12 : memref<4096xi32, #tpu.memory_space<hbm>>) target(%dma_start3A_11 : memref<4096xi32, #tpu.memory_space<vmem>>) target_semaphore(%arg10 : memref<!tpu.dma_semaphore, #tpu.memory_space<semaphore_mem>>)
    %scan3A = arith.constant 0 : i32
    %scan3A_13 = arith.constant 0 : i32
    %scan3A_14 = arith.constant 8 : i32
    %scan3A_15 = arith.addi %scan3A_13, %scan3A_14 : i32
    %scan3A_16 = arith.constant 1 : i32
    scf.for %scan3A_721 = %scan3A_13 to %scan3A_15 step %scan3A_16  : i32 {
      %mul3A_722 = arith.constant 2 : i32
      %mul3A_723 = arith.muli %mul3A_722, %scan3A_721 : i32
      %add3A_724 = arith.constant 0 : i32
      %add3A_725 = arith.addi %mul3A_723, %add3A_724 : i32
      %mul3A_726 = arith.constant 65536 : i32
      %mul3A_727 = arith.muli %add3A, %mul3A_726 : i32
      %mul3A_728 = arith.constant 4096 : i32
      %mul3A_729 = arith.muli %add3A_725, %mul3A_728 : i32
      %add3A_730 = arith.addi %mul3A_727, %mul3A_729 : i32
      %dma_wait3A_731 = arith.constant 0 : i32
      %dma_wait3A_732 = arith.constant 0 : i32
      %dma_wait3A_733 = tpu.memref_slice %arg5[%dma_wait3A_731, %dma_wait3A_732] : memref<2x4096xi32, #tpu.memory_space<vmem>> -> memref<1x4096xi32, #tpu.memory_space<vmem>>
      %dma_wait3A_734 = tpu.memref_squeeze %dma_wait3A_733 : memref<1x4096xi32, #tpu.memory_space<vmem>> -> memref<4096xi32, #tpu.memory_space<vmem>>
      %dma_wait3A_735 = tpu.memref_slice %arg2[%add3A_730] : memref<2097152xi32, #tpu.memory_space<hbm>> -> memref<4096xi32, #tpu.memory_space<hbm>>
      %dma_wait3A_736 = arith.constant 0 : i32
      %dma_wait3A_737 = tpu.memref_slice %arg5[%dma_wait3A_731, %dma_wait3A_736] : memref<2x4096xi32, #tpu.memory_space<vmem>> -> memref<1x4096xi32, #tpu.memory_space<vmem>>
      %dma_wait3A_738 = tpu.memref_squeeze %dma_wait3A_737 : memref<1x4096xi32, #tpu.memory_space<vmem>> -> memref<4096xi32, #tpu.memory_space<vmem>>
      %dma_wait3A_739 = tpu.memref_slice %arg2[%add3A_730] : memref<2097152xi32, #tpu.memory_space<hbm>> -> memref<4096xi32, #tpu.memory_space<hbm>>
      tpu.wait_dma2 semaphore(%arg10 : memref<!tpu.dma_semaphore, #tpu.memory_space<semaphore_mem>>) src(%dma_wait3A_739 : memref<4096xi32, #tpu.memory_space<hbm>>) dst(%dma_wait3A_738 : memref<4096xi32, #tpu.memory_space<vmem>>)
      %ge3A = arith.constant 2 : i32
      %ge3A_740 = arith.cmpi sge, %add3A_725, %ge3A : i32
      %convert_element_type3A = arith.extui %ge3A_740 : i1 to i32
      %cond3A = arith.constant 0 : i32
      %cond3A_741 = arith.cmpi ne, %convert_element_type3A, %cond3A : i32
      scf.if %cond3A_741 {
        %sub3A = arith.constant 2 : i32
        %sub3A_1876 = arith.subi %add3A_725, %sub3A : i32
        %mul3A_1877 = arith.constant 65536 : i32
        %mul3A_1878 = arith.muli %add3A, %mul3A_1877 : i32
        %mul3A_1879 = arith.constant 4096 : i32
        %mul3A_1880 = arith.muli %sub3A_1876, %mul3A_1879 : i32
        %add3A_1881 = arith.addi %mul3A_1878, %mul3A_1880 : i32
        %mul3A_1882 = arith.constant 65536 : i32
        %mul3A_1883 = arith.muli %add3A, %mul3A_1882 : i32
        %mul3A_1884 = arith.constant 4096 : i32
        %mul3A_1885 = arith.muli %sub3A_1876, %mul3A_1884 : i32
        %add3A_1886 = arith.addi %mul3A_1883, %mul3A_1885 : i32
        %mul3A_1887 = arith.constant 65536 : i32
        %mul3A_1888 = arith.muli %add3A, %mul3A_1887 : i32
        %mul3A_1889 = arith.constant 4096 : i32
        %mul3A_1890 = arith.muli %sub3A_1876, %mul3A_1889 : i32
        %add3A_1891 = arith.addi %mul3A_1888, %mul3A_1890 : i32
        %mul3A_1892 = arith.constant 65536 : i32
        %mul3A_1893 = arith.muli %add3A, %mul3A_1892 : i32
        %mul3A_1894 = arith.constant 4096 : i32
        %mul3A_1895 = arith.muli %sub3A_1876, %mul3A_1894 : i32
        %add3A_1896 = arith.addi %mul3A_1893, %mul3A_1895 : i32
        %dma_wait3A_1897 = arith.constant 0 : i32
        %dma_wait3A_1898 = arith.constant 0 : i32
        %dma_wait3A_1899 = arith.constant 0 : i32
        %dma_wait3A_1900 = tpu.memref_slice %arg6[%dma_wait3A_1897, %dma_wait3A_1899] : memref<2x4096xf32, #tpu.memory_space<vmem>> -> memref<1x4096xf32, #tpu.memory_space<vmem>>
        %dma_wait3A_1901 = tpu.memref_squeeze %dma_wait3A_1900 : memref<1x4096xf32, #tpu.memory_space<vmem>> -> memref<4096xf32, #tpu.memory_space<vmem>>
        %dma_wait3A_1902 = tpu.memref_slice %arg4[%dma_wait3A_1898, %add3A_1881] : memref<4x2097152xf32, #tpu.memory_space<hbm>> -> memref<1x4096xf32, #tpu.memory_space<hbm>>
        %dma_wait3A_1903 = tpu.memref_squeeze %dma_wait3A_1902 : memref<1x4096xf32, #tpu.memory_space<hbm>> -> memref<4096xf32, #tpu.memory_space<hbm>>
        %dma_wait3A_1904 = tpu.memref_slice %arg4[%dma_wait3A_1898, %add3A_1881] : memref<4x2097152xf32, #tpu.memory_space<hbm>> -> memref<1x4096xf32, #tpu.memory_space<hbm>>
        %dma_wait3A_1905 = tpu.memref_squeeze %dma_wait3A_1904 : memref<1x4096xf32, #tpu.memory_space<hbm>> -> memref<4096xf32, #tpu.memory_space<hbm>>
        %dma_wait3A_1906 = arith.constant 0 : i32
        %dma_wait3A_1907 = tpu.memref_slice %arg6[%dma_wait3A_1897, %dma_wait3A_1906] : memref<2x4096xf32, #tpu.memory_space<vmem>> -> memref<1x4096xf32, #tpu.memory_space<vmem>>
        %dma_wait3A_1908 = tpu.memref_squeeze %dma_wait3A_1907 : memref<1x4096xf32, #tpu.memory_space<vmem>> -> memref<4096xf32, #tpu.memory_space<vmem>>
        tpu.wait_dma2 semaphore(%arg14 : memref<!tpu.dma_semaphore, #tpu.memory_space<semaphore_mem>>) src(%dma_wait3A_1908 : memref<4096xf32, #tpu.memory_space<vmem>>) dst(%dma_wait3A_1905 : memref<4096xf32, #tpu.memory_space<hbm>>)
        %dma_wait3A_1909 = arith.constant 0 : i32
        %dma_wait3A_1910 = arith.constant 1 : i32
        %dma_wait3A_1911 = arith.constant 0 : i32
        %dma_wait3A_1912 = tpu.memref_slice %arg7[%dma_wait3A_1909, %dma_wait3A_1911] : memref<2x4096xf32, #tpu.memory_space<vmem>> -> memref<1x4096xf32, #tpu.memory_space<vmem>>
        %dma_wait3A_1913 = tpu.memref_squeeze %dma_wait3A_1912 : memref<1x4096xf32, #tpu.memory_space<vmem>> -> memref<4096xf32, #tpu.memory_space<vmem>>
        %dma_wait3A_1914 = tpu.memref_slice %arg4[%dma_wait3A_1910, %add3A_1886] : memref<4x2097152xf32, #tpu.memory_space<hbm>> -> memref<1x4096xf32, #tpu.memory_space<hbm>>
        %dma_wait3A_1915 = tpu.memref_squeeze %dma_wait3A_1914 : memref<1x4096xf32, #tpu.memory_space<hbm>> -> memref<4096xf32, #tpu.memory_space<hbm>>
        %dma_wait3A_1916 = tpu.memref_slice %arg4[%dma_wait3A_1910, %add3A_1886] : memref<4x2097152xf32, #tpu.memory_space<hbm>> -> memref<1x4096xf32, #tpu.memory_space<hbm>>
        %dma_wait3A_1917 = tpu.memref_squeeze %dma_wait3A_1916 : memref<1x4096xf32, #tpu.memory_space<hbm>> -> memref<4096xf32, #tpu.memory_space<hbm>>
        %dma_wait3A_1918 = arith.constant 0 : i32
        %dma_wait3A_1919 = tpu.memref_slice %arg7[%dma_wait3A_1909, %dma_wait3A_1918] : memref<2x4096xf32, #tpu.memory_space<vmem>> -> memref<1x4096xf32, #tpu.memory_space<vmem>>
        %dma_wait3A_1920 = tpu.memref_squeeze %dma_wait3A_1919 : memref<1x4096xf32, #tpu.memory_space<vmem>> -> memref<4096xf32, #tpu.memory_space<vmem>>
        tpu.wait_dma2 semaphore(%arg14 : memref<!tpu.dma_semaphore, #tpu.memory_space<semaphore_mem>>) src(%dma_wait3A_1920 : memref<4096xf32, #tpu.memory_space<vmem>>) dst(%dma_wait3A_1917 : memref<4096xf32, #tpu.memory_space<hbm>>)
        %dma_wait3A_1921 = arith.constant 0 : i32
        %dma_wait3A_1922 = arith.constant 2 : i32
        %dma_wait3A_1923 = arith.constant 0 : i32
        %dma_wait3A_1924 = tpu.memref_slice %arg8[%dma_wait3A_1921, %dma_wait3A_1923] : memref<2x4096xf32, #tpu.memory_space<vmem>> -> memref<1x4096xf32, #tpu.memory_space<vmem>>
        %dma_wait3A_1925 = tpu.memref_squeeze %dma_wait3A_1924 : memref<1x4096xf32, #tpu.memory_space<vmem>> -> memref<4096xf32, #tpu.memory_space<vmem>>
        %dma_wait3A_1926 = tpu.memref_slice %arg4[%dma_wait3A_1922, %add3A_1891] : memref<4x2097152xf32, #tpu.memory_space<hbm>> -> memref<1x4096xf32, #tpu.memory_space<hbm>>
        %dma_wait3A_1927 = tpu.memref_squeeze %dma_wait3A_1926 : memref<1x4096xf32, #tpu.memory_space<hbm>> -> memref<4096xf32, #tpu.memory_space<hbm>>
        %dma_wait3A_1928 = tpu.memref_slice %arg4[%dma_wait3A_1922, %add3A_1891] : memref<4x2097152xf32, #tpu.memory_space<hbm>> -> memref<1x4096xf32, #tpu.memory_space<hbm>>
        %dma_wait3A_1929 = tpu.memref_squeeze %dma_wait3A_1928 : memref<1x4096xf32, #tpu.memory_space<hbm>> -> memref<4096xf32, #tpu.memory_space<hbm>>
        %dma_wait3A_1930 = arith.constant 0 : i32
        %dma_wait3A_1931 = tpu.memref_slice %arg8[%dma_wait3A_1921, %dma_wait3A_1930] : memref<2x4096xf32, #tpu.memory_space<vmem>> -> memref<1x4096xf32, #tpu.memory_space<vmem>>
        %dma_wait3A_1932 = tpu.memref_squeeze %dma_wait3A_1931 : memref<1x4096xf32, #tpu.memory_space<vmem>> -> memref<4096xf32, #tpu.memory_space<vmem>>
        tpu.wait_dma2 semaphore(%arg14 : memref<!tpu.dma_semaphore, #tpu.memory_space<semaphore_mem>>) src(%dma_wait3A_1932 : memref<4096xf32, #tpu.memory_space<vmem>>) dst(%dma_wait3A_1929 : memref<4096xf32, #tpu.memory_space<hbm>>)
        %dma_wait3A_1933 = arith.constant 0 : i32
        %dma_wait3A_1934 = arith.constant 3 : i32
        %dma_wait3A_1935 = arith.constant 0 : i32
        %dma_wait3A_1936 = tpu.memref_slice %arg9[%dma_wait3A_1933, %dma_wait3A_1935] : memref<2x4096xf32, #tpu.memory_space<vmem>> -> memref<1x4096xf32, #tpu.memory_space<vmem>>
        %dma_wait3A_1937 = tpu.memref_squeeze %dma_wait3A_1936 : memref<1x4096xf32, #tpu.memory_space<vmem>> -> memref<4096xf32, #tpu.memory_space<vmem>>
        %dma_wait3A_1938 = tpu.memref_slice %arg4[%dma_wait3A_1934, %add3A_1896] : memref<4x2097152xf32, #tpu.memory_space<hbm>> -> memref<1x4096xf32, #tpu.memory_space<hbm>>
        %dma_wait3A_1939 = tpu.memref_squeeze %dma_wait3A_1938 : memref<1x4096xf32, #tpu.memory_space<hbm>> -> memref<4096xf32, #tpu.memory_space<hbm>>
        %dma_wait3A_1940 = tpu.memref_slice %arg4[%dma_wait3A_1934, %add3A_1896] : memref<4x2097152xf32, #tpu.memory_space<hbm>> -> memref<1x4096xf32, #tpu.memory_space<hbm>>
        %dma_wait3A_1941 = tpu.memref_squeeze %dma_wait3A_1940 : memref<1x4096xf32, #tpu.memory_space<hbm>> -> memref<4096xf32, #tpu.memory_space<hbm>>
        %dma_wait3A_1942 = arith.constant 0 : i32
        %dma_wait3A_1943 = tpu.memref_slice %arg9[%dma_wait3A_1933, %dma_wait3A_1942] : memref<2x4096xf32, #tpu.memory_space<vmem>> -> memref<1x4096xf32, #tpu.memory_space<vmem>>
        %dma_wait3A_1944 = tpu.memref_squeeze %dma_wait3A_1943 : memref<1x4096xf32, #tpu.memory_space<vmem>> -> memref<4096xf32, #tpu.memory_space<vmem>>
        tpu.wait_dma2 semaphore(%arg14 : memref<!tpu.dma_semaphore, #tpu.memory_space<semaphore_mem>>) src(%dma_wait3A_1944 : memref<4096xf32, #tpu.memory_space<vmem>>) dst(%dma_wait3A_1941 : memref<4096xf32, #tpu.memory_space<hbm>>)
      } else {
      }
      %dma_start3A_742 = arith.constant 0 : i32
      %dma_start3A_743 = arith.constant 0 : i32
      %dma_start3A_744 = arith.constant 0 : i32
      %dma_start3A_745 = tpu.memref_slice %arg6[%dma_start3A_743, %dma_start3A_744] : memref<2x4096xf32, #tpu.memory_space<vmem>> -> memref<1x4096xf32, #tpu.memory_space<vmem>>
      %dma_start3A_746 = tpu.memref_squeeze %dma_start3A_745 : memref<1x4096xf32, #tpu.memory_space<vmem>> -> memref<4096xf32, #tpu.memory_space<vmem>>
      %dma_start3A_747 = arith.constant 0 : i32
      %dma_start3A_748 = tpu.memref_slice %dma_start3A_746[%dma_start3A_747] : memref<4096xf32, #tpu.memory_space<vmem>> -> memref<512xf32, #tpu.memory_space<vmem>>
      %dma_start3A_749 = arith.constant 0 : i32
      %dma_start3A_750 = tpu.memref_slice %arg5[%dma_start3A_742, %dma_start3A_749] : memref<2x4096xi32, #tpu.memory_space<vmem>> -> memref<1x4096xi32, #tpu.memory_space<vmem>>
      %dma_start3A_751 = tpu.memref_squeeze %dma_start3A_750 : memref<1x4096xi32, #tpu.memory_space<vmem>> -> memref<4096xi32, #tpu.memory_space<vmem>>
      %dma_start3A_752 = arith.constant 0 : i32
      %dma_start3A_753 = tpu.memref_slice %dma_start3A_751[%dma_start3A_752] : memref<4096xi32, #tpu.memory_space<vmem>> -> memref<512xi32, #tpu.memory_space<vmem>>
      %dma_start3A_754 = arith.constant 0 : i32
      %dma_start3A_755 = tpu.memref_slice %arg3[%dma_start3A_754] : memref<67108864xf32, #tpu.memory_space<hbm>> -> memref<67108864xf32, #tpu.memory_space<hbm>>
      %dma_start3A_756 = arith.constant 0 : i32
      %dma_start3A_757 = tpu.memref_slice %dma_start3A_755[%dma_start3A_756] : memref<67108864xf32, #tpu.memory_space<hbm>> -> memref<67108864xf32, #tpu.memory_space<hbm>>
      %dma_start3A_758 = arith.constant -1 : i32
      tpu.enqueue_indirect_dma source(%dma_start3A_757 : memref<67108864xf32, #tpu.memory_space<hbm>>) target(%dma_start3A_748 : memref<512xf32, #tpu.memory_space<vmem>>) offsets(%dma_start3A_753 : memref<512xi32, #tpu.memory_space<vmem>>) offset_filter(%dma_start3A_758) semaphore(%arg12 : memref<!tpu.dma_semaphore, #tpu.memory_space<semaphore_mem>>)
      %dma_start3A_759 = arith.constant 0 : i32
      %dma_start3A_760 = arith.constant 0 : i32
      %dma_start3A_761 = arith.constant 0 : i32
      %dma_start3A_762 = tpu.memref_slice %arg6[%dma_start3A_760, %dma_start3A_761] : memref<2x4096xf32, #tpu.memory_space<vmem>> -> memref<1x4096xf32, #tpu.memory_space<vmem>>
      %dma_start3A_763 = tpu.memref_squeeze %dma_start3A_762 : memref<1x4096xf32, #tpu.memory_space<vmem>> -> memref<4096xf32, #tpu.memory_space<vmem>>
      %dma_start3A_764 = arith.constant 512 : i32
      %dma_start3A_765 = tpu.memref_slice %dma_start3A_763[%dma_start3A_764] : memref<4096xf32, #tpu.memory_space<vmem>> -> memref<512xf32, #tpu.memory_space<vmem>>
      %dma_start3A_766 = arith.constant 0 : i32
      %dma_start3A_767 = tpu.memref_slice %arg5[%dma_start3A_759, %dma_start3A_766] : memref<2x4096xi32, #tpu.memory_space<vmem>> -> memref<1x4096xi32, #tpu.memory_space<vmem>>
      %dma_start3A_768 = tpu.memref_squeeze %dma_start3A_767 : memref<1x4096xi32, #tpu.memory_space<vmem>> -> memref<4096xi32, #tpu.memory_space<vmem>>
      %dma_start3A_769 = arith.constant 512 : i32
      %dma_start3A_770 = tpu.memref_slice %dma_start3A_768[%dma_start3A_769] : memref<4096xi32, #tpu.memory_space<vmem>> -> memref<512xi32, #tpu.memory_space<vmem>>
      %dma_start3A_771 = arith.constant 0 : i32
      %dma_start3A_772 = tpu.memref_slice %arg3[%dma_start3A_771] : memref<67108864xf32, #tpu.memory_space<hbm>> -> memref<67108864xf32, #tpu.memory_space<hbm>>
      %dma_start3A_773 = arith.constant 0 : i32
      %dma_start3A_774 = tpu.memref_slice %dma_start3A_772[%dma_start3A_773] : memref<67108864xf32, #tpu.memory_space<hbm>> -> memref<67108864xf32, #tpu.memory_space<hbm>>
      %dma_start3A_775 = arith.constant -1 : i32
      tpu.enqueue_indirect_dma source(%dma_start3A_774 : memref<67108864xf32, #tpu.memory_space<hbm>>) target(%dma_start3A_765 : memref<512xf32, #tpu.memory_space<vmem>>) offsets(%dma_start3A_770 : memref<512xi32, #tpu.memory_space<vmem>>) offset_filter(%dma_start3A_775) semaphore(%arg12 : memref<!tpu.dma_semaphore, #tpu.memory_space<semaphore_mem>>)
      %dma_start3A_776 = arith.constant 0 : i32
      %dma_start3A_777 = arith.constant 0 : i32
      %dma_start3A_778 = arith.constant 0 : i32
      %dma_start3A_779 = tpu.memref_slice %arg6[%dma_start3A_777, %dma_start3A_778] : memref<2x4096xf32, #tpu.memory_space<vmem>> -> memref<1x4096xf32, #tpu.memory_space<vmem>>
      %dma_start3A_780 = tpu.memref_squeeze %dma_start3A_779 : memref<1x4096xf32, #tpu.memory_space<vmem>> -> memref<4096xf32, #tpu.memory_space<vmem>>
      %dma_start3A_781 = arith.constant 1024 : i32
      %dma_start3A_782 = tpu.memref_slice %dma_start3A_780[%dma_start3A_781] : memref<4096xf32, #tpu.memory_space<vmem>> -> memref<512xf32, #tpu.memory_space<vmem>>
      %dma_start3A_783 = arith.constant 0 : i32
      %dma_start3A_784 = tpu.memref_slice %arg5[%dma_start3A_776, %dma_start3A_783] : memref<2x4096xi32, #tpu.memory_space<vmem>> -> memref<1x4096xi32, #tpu.memory_space<vmem>>
      %dma_start3A_785 = tpu.memref_squeeze %dma_start3A_784 : memref<1x4096xi32, #tpu.memory_space<vmem>> -> memref<4096xi32, #tpu.memory_space<vmem>>
      %dma_start3A_786 = arith.constant 1024 : i32
      %dma_start3A_787 = tpu.memref_slice %dma_start3A_785[%dma_start3A_786] : memref<4096xi32, #tpu.memory_space<vmem>> -> memref<512xi32, #tpu.memory_space<vmem>>
      %dma_start3A_788 = arith.constant 0 : i32
      %dma_start3A_789 = tpu.memref_slice %arg3[%dma_start3A_788] : memref<67108864xf32, #tpu.memory_space<hbm>> -> memref<67108864xf32, #tpu.memory_space<hbm>>
      %dma_start3A_790 = arith.constant 0 : i32
      %dma_start3A_791 = tpu.memref_slice %dma_start3A_789[%dma_start3A_790] : memref<67108864xf32, #tpu.memory_space<hbm>> -> memref<67108864xf32, #tpu.memory_space<hbm>>
      %dma_start3A_792 = arith.constant -1 : i32
      tpu.enqueue_indirect_dma source(%dma_start3A_791 : memref<67108864xf32, #tpu.memory_space<hbm>>) target(%dma_start3A_782 : memref<512xf32, #tpu.memory_space<vmem>>) offsets(%dma_start3A_787 : memref<512xi32, #tpu.memory_space<vmem>>) offset_filter(%dma_start3A_792) semaphore(%arg12 : memref<!tpu.dma_semaphore, #tpu.memory_space<semaphore_mem>>)
      %dma_start3A_793 = arith.constant 0 : i32
      %dma_start3A_794 = arith.constant 0 : i32
      %dma_start3A_795 = arith.constant 0 : i32
      %dma_start3A_796 = tpu.memref_slice %arg6[%dma_start3A_794, %dma_start3A_795] : memref<2x4096xf32, #tpu.memory_space<vmem>> -> memref<1x4096xf32, #tpu.memory_space<vmem>>
      %dma_start3A_797 = tpu.memref_squeeze %dma_start3A_796 : memref<1x4096xf32, #tpu.memory_space<vmem>> -> memref<4096xf32, #tpu.memory_space<vmem>>
      %dma_start3A_798 = arith.constant 1536 : i32
      %dma_start3A_799 = tpu.memref_slice %dma_start3A_797[%dma_start3A_798] : memref<4096xf32, #tpu.memory_space<vmem>> -> memref<512xf32, #tpu.memory_space<vmem>>
      %dma_start3A_800 = arith.constant 0 : i32
      %dma_start3A_801 = tpu.memref_slice %arg5[%dma_start3A_793, %dma_start3A_800] : memref<2x4096xi32, #tpu.memory_space<vmem>> -> memref<1x4096xi32, #tpu.memory_space<vmem>>
      %dma_start3A_802 = tpu.memref_squeeze %dma_start3A_801 : memref<1x4096xi32, #tpu.memory_space<vmem>> -> memref<4096xi32, #tpu.memory_space<vmem>>
      %dma_start3A_803 = arith.constant 1536 : i32
      %dma_start3A_804 = tpu.memref_slice %dma_start3A_802[%dma_start3A_803] : memref<4096xi32, #tpu.memory_space<vmem>> -> memref<512xi32, #tpu.memory_space<vmem>>
      %dma_start3A_805 = arith.constant 0 : i32
      %dma_start3A_806 = tpu.memref_slice %arg3[%dma_start3A_805] : memref<67108864xf32, #tpu.memory_space<hbm>> -> memref<67108864xf32, #tpu.memory_space<hbm>>
      %dma_start3A_807 = arith.constant 0 : i32
      %dma_start3A_808 = tpu.memref_slice %dma_start3A_806[%dma_start3A_807] : memref<67108864xf32, #tpu.memory_space<hbm>> -> memref<67108864xf32, #tpu.memory_space<hbm>>
      %dma_start3A_809 = arith.constant -1 : i32
      tpu.enqueue_indirect_dma source(%dma_start3A_808 : memref<67108864xf32, #tpu.memory_space<hbm>>) target(%dma_start3A_799 : memref<512xf32, #tpu.memory_space<vmem>>) offsets(%dma_start3A_804 : memref<512xi32, #tpu.memory_space<vmem>>) offset_filter(%dma_start3A_809) semaphore(%arg12 : memref<!tpu.dma_semaphore, #tpu.memory_space<semaphore_mem>>)
      %dma_start3A_810 = arith.constant 0 : i32
      %dma_start3A_811 = arith.constant 0 : i32
      %dma_start3A_812 = arith.constant 0 : i32
      %dma_start3A_813 = tpu.memref_slice %arg6[%dma_start3A_811, %dma_start3A_812] : memref<2x4096xf32, #tpu.memory_space<vmem>> -> memref<1x4096xf32, #tpu.memory_space<vmem>>
      %dma_start3A_814 = tpu.memref_squeeze %dma_start3A_813 : memref<1x4096xf32, #tpu.memory_space<vmem>> -> memref<4096xf32, #tpu.memory_space<vmem>>
      %dma_start3A_815 = arith.constant 2048 : i32
      %dma_start3A_816 = tpu.memref_slice %dma_start3A_814[%dma_start3A_815] : memref<4096xf32, #tpu.memory_space<vmem>> -> memref<512xf32, #tpu.memory_space<vmem>>
      %dma_start3A_817 = arith.constant 0 : i32
      %dma_start3A_818 = tpu.memref_slice %arg5[%dma_start3A_810, %dma_start3A_817] : memref<2x4096xi32, #tpu.memory_space<vmem>> -> memref<1x4096xi32, #tpu.memory_space<vmem>>
      %dma_start3A_819 = tpu.memref_squeeze %dma_start3A_818 : memref<1x4096xi32, #tpu.memory_space<vmem>> -> memref<4096xi32, #tpu.memory_space<vmem>>
      %dma_start3A_820 = arith.constant 2048 : i32
      %dma_start3A_821 = tpu.memref_slice %dma_start3A_819[%dma_start3A_820] : memref<4096xi32, #tpu.memory_space<vmem>> -> memref<512xi32, #tpu.memory_space<vmem>>
      %dma_start3A_822 = arith.constant 0 : i32
      %dma_start3A_823 = tpu.memref_slice %arg3[%dma_start3A_822] : memref<67108864xf32, #tpu.memory_space<hbm>> -> memref<67108864xf32, #tpu.memory_space<hbm>>
      %dma_start3A_824 = arith.constant 0 : i32
      %dma_start3A_825 = tpu.memref_slice %dma_start3A_823[%dma_start3A_824] : memref<67108864xf32, #tpu.memory_space<hbm>> -> memref<67108864xf32, #tpu.memory_space<hbm>>
      %dma_start3A_826 = arith.constant -1 : i32
      tpu.enqueue_indirect_dma source(%dma_start3A_825 : memref<67108864xf32, #tpu.memory_space<hbm>>) target(%dma_start3A_816 : memref<512xf32, #tpu.memory_space<vmem>>) offsets(%dma_start3A_821 : memref<512xi32, #tpu.memory_space<vmem>>) offset_filter(%dma_start3A_826) semaphore(%arg12 : memref<!tpu.dma_semaphore, #tpu.memory_space<semaphore_mem>>)
      %dma_start3A_827 = arith.constant 0 : i32
      %dma_start3A_828 = arith.constant 0 : i32
      %dma_start3A_829 = arith.constant 0 : i32
      %dma_start3A_830 = tpu.memref_slice %arg6[%dma_start3A_828, %dma_start3A_829] : memref<2x4096xf32, #tpu.memory_space<vmem>> -> memref<1x4096xf32, #tpu.memory_space<vmem>>
      %dma_start3A_831 = tpu.memref_squeeze %dma_start3A_830 : memref<1x4096xf32, #tpu.memory_space<vmem>> -> memref<4096xf32, #tpu.memory_space<vmem>>
      %dma_start3A_832 = arith.constant 2560 : i32
      %dma_start3A_833 = tpu.memref_slice %dma_start3A_831[%dma_start3A_832] : memref<4096xf32, #tpu.memory_space<vmem>> -> memref<512xf32, #tpu.memory_space<vmem>>
      %dma_start3A_834 = arith.constant 0 : i32
      %dma_start3A_835 = tpu.memref_slice %arg5[%dma_start3A_827, %dma_start3A_834] : memref<2x4096xi32, #tpu.memory_space<vmem>> -> memref<1x4096xi32, #tpu.memory_space<vmem>>
      %dma_start3A_836 = tpu.memref_squeeze %dma_start3A_835 : memref<1x4096xi32, #tpu.memory_space<vmem>> -> memref<4096xi32, #tpu.memory_space<vmem>>
      %dma_start3A_837 = arith.constant 2560 : i32
      %dma_start3A_838 = tpu.memref_slice %dma_start3A_836[%dma_start3A_837] : memref<4096xi32, #tpu.memory_space<vmem>> -> memref<512xi32, #tpu.memory_space<vmem>>
      %dma_start3A_839 = arith.constant 0 : i32
      %dma_start3A_840 = tpu.memref_slice %arg3[%dma_start3A_839] : memref<67108864xf32, #tpu.memory_space<hbm>> -> memref<67108864xf32, #tpu.memory_space<hbm>>
      %dma_start3A_841 = arith.constant 0 : i32
      %dma_start3A_842 = tpu.memref_slice %dma_start3A_840[%dma_start3A_841] : memref<67108864xf32, #tpu.memory_space<hbm>> -> memref<67108864xf32, #tpu.memory_space<hbm>>
      %dma_start3A_843 = arith.constant -1 : i32
      tpu.enqueue_indirect_dma source(%dma_start3A_842 : memref<67108864xf32, #tpu.memory_space<hbm>>) target(%dma_start3A_833 : memref<512xf32, #tpu.memory_space<vmem>>) offsets(%dma_start3A_838 : memref<512xi32, #tpu.memory_space<vmem>>) offset_filter(%dma_start3A_843) semaphore(%arg12 : memref<!tpu.dma_semaphore, #tpu.memory_space<semaphore_mem>>)
      %dma_start3A_844 = arith.constant 0 : i32
      %dma_start3A_845 = arith.constant 0 : i32
      %dma_start3A_846 = arith.constant 0 : i32
      %dma_start3A_847 = tpu.memref_slice %arg6[%dma_start3A_845, %dma_start3A_846] : memref<2x4096xf32, #tpu.memory_space<vmem>> -> memref<1x4096xf32, #tpu.memory_space<vmem>>
      %dma_start3A_848 = tpu.memref_squeeze %dma_start3A_847 : memref<1x4096xf32, #tpu.memory_space<vmem>> -> memref<4096xf32, #tpu.memory_space<vmem>>
      %dma_start3A_849 = arith.constant 3072 : i32
      %dma_start3A_850 = tpu.memref_slice %dma_start3A_848[%dma_start3A_849] : memref<4096xf32, #tpu.memory_space<vmem>> -> memref<512xf32, #tpu.memory_space<vmem>>
      %dma_start3A_851 = arith.constant 0 : i32
      %dma_start3A_852 = tpu.memref_slice %arg5[%dma_start3A_844, %dma_start3A_851] : memref<2x4096xi32, #tpu.memory_space<vmem>> -> memref<1x4096xi32, #tpu.memory_space<vmem>>
      %dma_start3A_853 = tpu.memref_squeeze %dma_start3A_852 : memref<1x4096xi32, #tpu.memory_space<vmem>> -> memref<4096xi32, #tpu.memory_space<vmem>>
      %dma_start3A_854 = arith.constant 3072 : i32
      %dma_start3A_855 = tpu.memref_slice %dma_start3A_853[%dma_start3A_854] : memref<4096xi32, #tpu.memory_space<vmem>> -> memref<512xi32, #tpu.memory_space<vmem>>
      %dma_start3A_856 = arith.constant 0 : i32
      %dma_start3A_857 = tpu.memref_slice %arg3[%dma_start3A_856] : memref<67108864xf32, #tpu.memory_space<hbm>> -> memref<67108864xf32, #tpu.memory_space<hbm>>
      %dma_start3A_858 = arith.constant 0 : i32
      %dma_start3A_859 = tpu.memref_slice %dma_start3A_857[%dma_start3A_858] : memref<67108864xf32, #tpu.memory_space<hbm>> -> memref<67108864xf32, #tpu.memory_space<hbm>>
      %dma_start3A_860 = arith.constant -1 : i32
      tpu.enqueue_indirect_dma source(%dma_start3A_859 : memref<67108864xf32, #tpu.memory_space<hbm>>) target(%dma_start3A_850 : memref<512xf32, #tpu.memory_space<vmem>>) offsets(%dma_start3A_855 : memref<512xi32, #tpu.memory_space<vmem>>) offset_filter(%dma_start3A_860) semaphore(%arg12 : memref<!tpu.dma_semaphore, #tpu.memory_space<semaphore_mem>>)
      %dma_start3A_861 = arith.constant 0 : i32
      %dma_start3A_862 = arith.constant 0 : i32
      %dma_start3A_863 = arith.constant 0 : i32
      %dma_start3A_864 = tpu.memref_slice %arg6[%dma_start3A_862, %dma_start3A_863] : memref<2x4096xf32, #tpu.memory_space<vmem>> -> memref<1x4096xf32, #tpu.memory_space<vmem>>
      %dma_start3A_865 = tpu.memref_squeeze %dma_start3A_864 : memref<1x4096xf32, #tpu.memory_space<vmem>> -> memref<4096xf32, #tpu.memory_space<vmem>>
      %dma_start3A_866 = arith.constant 3584 : i32
      %dma_start3A_867 = tpu.memref_slice %dma_start3A_865[%dma_start3A_866] : memref<4096xf32, #tpu.memory_space<vmem>> -> memref<512xf32, #tpu.memory_space<vmem>>
      %dma_start3A_868 = arith.constant 0 : i32
      %dma_start3A_869 = tpu.memref_slice %arg5[%dma_start3A_861, %dma_start3A_868] : memref<2x4096xi32, #tpu.memory_space<vmem>> -> memref<1x4096xi32, #tpu.memory_space<vmem>>
      %dma_start3A_870 = tpu.memref_squeeze %dma_start3A_869 : memref<1x4096xi32, #tpu.memory_space<vmem>> -> memref<4096xi32, #tpu.memory_space<vmem>>
      %dma_start3A_871 = arith.constant 3584 : i32
      %dma_start3A_872 = tpu.memref_slice %dma_start3A_870[%dma_start3A_871] : memref<4096xi32, #tpu.memory_space<vmem>> -> memref<512xi32, #tpu.memory_space<vmem>>
      %dma_start3A_873 = arith.constant 0 : i32
      %dma_start3A_874 = tpu.memref_slice %arg3[%dma_start3A_873] : memref<67108864xf32, #tpu.memory_space<hbm>> -> memref<67108864xf32, #tpu.memory_space<hbm>>
      %dma_start3A_875 = arith.constant 0 : i32
      %dma_start3A_876 = tpu.memref_slice %dma_start3A_874[%dma_start3A_875] : memref<67108864xf32, #tpu.memory_space<hbm>> -> memref<67108864xf32, #tpu.memory_space<hbm>>
      %dma_start3A_877 = arith.constant -1 : i32
      tpu.enqueue_indirect_dma source(%dma_start3A_876 : memref<67108864xf32, #tpu.memory_space<hbm>>) target(%dma_start3A_867 : memref<512xf32, #tpu.memory_space<vmem>>) offsets(%dma_start3A_872 : memref<512xi32, #tpu.memory_space<vmem>>) offset_filter(%dma_start3A_877) semaphore(%arg12 : memref<!tpu.dma_semaphore, #tpu.memory_space<semaphore_mem>>)
      %dma_start3A_878 = arith.constant 0 : i32
      %dma_start3A_879 = arith.constant 0 : i32
      %dma_start3A_880 = arith.constant 0 : i32
      %dma_start3A_881 = tpu.memref_slice %arg7[%dma_start3A_879, %dma_start3A_880] : memref<2x4096xf32, #tpu.memory_space<vmem>> -> memref<1x4096xf32, #tpu.memory_space<vmem>>
      %dma_start3A_882 = tpu.memref_squeeze %dma_start3A_881 : memref<1x4096xf32, #tpu.memory_space<vmem>> -> memref<4096xf32, #tpu.memory_space<vmem>>
      %dma_start3A_883 = arith.constant 0 : i32
      %dma_start3A_884 = tpu.memref_slice %dma_start3A_882[%dma_start3A_883] : memref<4096xf32, #tpu.memory_space<vmem>> -> memref<512xf32, #tpu.memory_space<vmem>>
      %dma_start3A_885 = arith.constant 0 : i32
      %dma_start3A_886 = tpu.memref_slice %arg5[%dma_start3A_878, %dma_start3A_885] : memref<2x4096xi32, #tpu.memory_space<vmem>> -> memref<1x4096xi32, #tpu.memory_space<vmem>>
      %dma_start3A_887 = tpu.memref_squeeze %dma_start3A_886 : memref<1x4096xi32, #tpu.memory_space<vmem>> -> memref<4096xi32, #tpu.memory_space<vmem>>
      %dma_start3A_888 = arith.constant 0 : i32
      %dma_start3A_889 = tpu.memref_slice %dma_start3A_887[%dma_start3A_888] : memref<4096xi32, #tpu.memory_space<vmem>> -> memref<512xi32, #tpu.memory_space<vmem>>
      %dma_start3A_890 = arith.constant 128 : i32
      %dma_start3A_891 = tpu.memref_slice %arg3[%dma_start3A_890] : memref<67108864xf32, #tpu.memory_space<hbm>> -> memref<67108736xf32, #tpu.memory_space<hbm>>
      %dma_start3A_892 = arith.constant 0 : i32
      %dma_start3A_893 = tpu.memref_slice %dma_start3A_891[%dma_start3A_892] : memref<67108736xf32, #tpu.memory_space<hbm>> -> memref<67108736xf32, #tpu.memory_space<hbm>>
      %dma_start3A_894 = arith.constant -1 : i32
      tpu.enqueue_indirect_dma source(%dma_start3A_893 : memref<67108736xf32, #tpu.memory_space<hbm>>) target(%dma_start3A_884 : memref<512xf32, #tpu.memory_space<vmem>>) offsets(%dma_start3A_889 : memref<512xi32, #tpu.memory_space<vmem>>) offset_filter(%dma_start3A_894) semaphore(%arg12 : memref<!tpu.dma_semaphore, #tpu.memory_space<semaphore_mem>>)
      %dma_start3A_895 = arith.constant 0 : i32
      %dma_start3A_896 = arith.constant 0 : i32
      %dma_start3A_897 = arith.constant 0 : i32
      %dma_start3A_898 = tpu.memref_slice %arg7[%dma_start3A_896, %dma_start3A_897] : memref<2x4096xf32, #tpu.memory_space<vmem>> -> memref<1x4096xf32, #tpu.memory_space<vmem>>
      %dma_start3A_899 = tpu.memref_squeeze %dma_start3A_898 : memref<1x4096xf32, #tpu.memory_space<vmem>> -> memref<4096xf32, #tpu.memory_space<vmem>>
      %dma_start3A_900 = arith.constant 512 : i32
      %dma_start3A_901 = tpu.memref_slice %dma_start3A_899[%dma_start3A_900] : memref<4096xf32, #tpu.memory_space<vmem>> -> memref<512xf32, #tpu.memory_space<vmem>>
      %dma_start3A_902 = arith.constant 0 : i32
      %dma_start3A_903 = tpu.memref_slice %arg5[%dma_start3A_895, %dma_start3A_902] : memref<2x4096xi32, #tpu.memory_space<vmem>> -> memref<1x4096xi32, #tpu.memory_space<vmem>>
      %dma_start3A_904 = tpu.memref_squeeze %dma_start3A_903 : memref<1x4096xi32, #tpu.memory_space<vmem>> -> memref<4096xi32, #tpu.memory_space<vmem>>
      %dma_start3A_905 = arith.constant 512 : i32
      %dma_start3A_906 = tpu.memref_slice %dma_start3A_904[%dma_start3A_905] : memref<4096xi32, #tpu.memory_space<vmem>> -> memref<512xi32, #tpu.memory_space<vmem>>
      %dma_start3A_907 = arith.constant 128 : i32
      %dma_start3A_908 = tpu.memref_slice %arg3[%dma_start3A_907] : memref<67108864xf32, #tpu.memory_space<hbm>> -> memref<67108736xf32, #tpu.memory_space<hbm>>
      %dma_start3A_909 = arith.constant 0 : i32
      %dma_start3A_910 = tpu.memref_slice %dma_start3A_908[%dma_start3A_909] : memref<67108736xf32, #tpu.memory_space<hbm>> -> memref<67108736xf32, #tpu.memory_space<hbm>>
      %dma_start3A_911 = arith.constant -1 : i32
      tpu.enqueue_indirect_dma source(%dma_start3A_910 : memref<67108736xf32, #tpu.memory_space<hbm>>) target(%dma_start3A_901 : memref<512xf32, #tpu.memory_space<vmem>>) offsets(%dma_start3A_906 : memref<512xi32, #tpu.memory_space<vmem>>) offset_filter(%dma_start3A_911) semaphore(%arg12 : memref<!tpu.dma_semaphore, #tpu.memory_space<semaphore_mem>>)
      %dma_start3A_912 = arith.constant 0 : i32
      %dma_start3A_913 = arith.constant 0 : i32
      %dma_start3A_914 = arith.constant 0 : i32
      %dma_start3A_915 = tpu.memref_slice %arg7[%dma_start3A_913, %dma_start3A_914] : memref<2x4096xf32, #tpu.memory_space<vmem>> -> memref<1x4096xf32, #tpu.memory_space<vmem>>
      %dma_start3A_916 = tpu.memref_squeeze %dma_start3A_915 : memref<1x4096xf32, #tpu.memory_space<vmem>> -> memref<4096xf32, #tpu.memory_space<vmem>>
      %dma_start3A_917 = arith.constant 1024 : i32
      %dma_start3A_918 = tpu.memref_slice %dma_start3A_916[%dma_start3A_917] : memref<4096xf32, #tpu.memory_space<vmem>> -> memref<512xf32, #tpu.memory_space<vmem>>
      %dma_start3A_919 = arith.constant 0 : i32
      %dma_start3A_920 = tpu.memref_slice %arg5[%dma_start3A_912, %dma_start3A_919] : memref<2x4096xi32, #tpu.memory_space<vmem>> -> memref<1x4096xi32, #tpu.memory_space<vmem>>
      %dma_start3A_921 = tpu.memref_squeeze %dma_start3A_920 : memref<1x4096xi32, #tpu.memory_space<vmem>> -> memref<4096xi32, #tpu.memory_space<vmem>>
      %dma_start3A_922 = arith.constant 1024 : i32
      %dma_start3A_923 = tpu.memref_slice %dma_start3A_921[%dma_start3A_922] : memref<4096xi32, #tpu.memory_space<vmem>> -> memref<512xi32, #tpu.memory_space<vmem>>
      %dma_start3A_924 = arith.constant 128 : i32
      %dma_start3A_925 = tpu.memref_slice %arg3[%dma_start3A_924] : memref<67108864xf32, #tpu.memory_space<hbm>> -> memref<67108736xf32, #tpu.memory_space<hbm>>
      %dma_start3A_926 = arith.constant 0 : i32
      %dma_start3A_927 = tpu.memref_slice %dma_start3A_925[%dma_start3A_926] : memref<67108736xf32, #tpu.memory_space<hbm>> -> memref<67108736xf32, #tpu.memory_space<hbm>>
      %dma_start3A_928 = arith.constant -1 : i32
      tpu.enqueue_indirect_dma source(%dma_start3A_927 : memref<67108736xf32, #tpu.memory_space<hbm>>) target(%dma_start3A_918 : memref<512xf32, #tpu.memory_space<vmem>>) offsets(%dma_start3A_923 : memref<512xi32, #tpu.memory_space<vmem>>) offset_filter(%dma_start3A_928) semaphore(%arg12 : memref<!tpu.dma_semaphore, #tpu.memory_space<semaphore_mem>>)
      %dma_start3A_929 = arith.constant 0 : i32
      %dma_start3A_930 = arith.constant 0 : i32
      %dma_start3A_931 = arith.constant 0 : i32
      %dma_start3A_932 = tpu.memref_slice %arg7[%dma_start3A_930, %dma_start3A_931] : memref<2x4096xf32, #tpu.memory_space<vmem>> -> memref<1x4096xf32, #tpu.memory_space<vmem>>
      %dma_start3A_933 = tpu.memref_squeeze %dma_start3A_932 : memref<1x4096xf32, #tpu.memory_space<vmem>> -> memref<4096xf32, #tpu.memory_space<vmem>>
      %dma_start3A_934 = arith.constant 1536 : i32
      %dma_start3A_935 = tpu.memref_slice %dma_start3A_933[%dma_start3A_934] : memref<4096xf32, #tpu.memory_space<vmem>> -> memref<512xf32, #tpu.memory_space<vmem>>
      %dma_start3A_936 = arith.constant 0 : i32
      %dma_start3A_937 = tpu.memref_slice %arg5[%dma_start3A_929, %dma_start3A_936] : memref<2x4096xi32, #tpu.memory_space<vmem>> -> memref<1x4096xi32, #tpu.memory_space<vmem>>
      %dma_start3A_938 = tpu.memref_squeeze %dma_start3A_937 : memref<1x4096xi32, #tpu.memory_space<vmem>> -> memref<4096xi32, #tpu.memory_space<vmem>>
      %dma_start3A_939 = arith.constant 1536 : i32
      %dma_start3A_940 = tpu.memref_slice %dma_start3A_938[%dma_start3A_939] : memref<4096xi32, #tpu.memory_space<vmem>> -> memref<512xi32, #tpu.memory_space<vmem>>
      %dma_start3A_941 = arith.constant 128 : i32
      %dma_start3A_942 = tpu.memref_slice %arg3[%dma_start3A_941] : memref<67108864xf32, #tpu.memory_space<hbm>> -> memref<67108736xf32, #tpu.memory_space<hbm>>
      %dma_start3A_943 = arith.constant 0 : i32
      %dma_start3A_944 = tpu.memref_slice %dma_start3A_942[%dma_start3A_943] : memref<67108736xf32, #tpu.memory_space<hbm>> -> memref<67108736xf32, #tpu.memory_space<hbm>>
      %dma_start3A_945 = arith.constant -1 : i32
      tpu.enqueue_indirect_dma source(%dma_start3A_944 : memref<67108736xf32, #tpu.memory_space<hbm>>) target(%dma_start3A_935 : memref<512xf32, #tpu.memory_space<vmem>>) offsets(%dma_start3A_940 : memref<512xi32, #tpu.memory_space<vmem>>) offset_filter(%dma_start3A_945) semaphore(%arg12 : memref<!tpu.dma_semaphore, #tpu.memory_space<semaphore_mem>>)
      %dma_start3A_946 = arith.constant 0 : i32
      %dma_start3A_947 = arith.constant 0 : i32
      %dma_start3A_948 = arith.constant 0 : i32
      %dma_start3A_949 = tpu.memref_slice %arg7[%dma_start3A_947, %dma_start3A_948] : memref<2x4096xf32, #tpu.memory_space<vmem>> -> memref<1x4096xf32, #tpu.memory_space<vmem>>
      %dma_start3A_950 = tpu.memref_squeeze %dma_start3A_949 : memref<1x4096xf32, #tpu.memory_space<vmem>> -> memref<4096xf32, #tpu.memory_space<vmem>>
      %dma_start3A_951 = arith.constant 2048 : i32
      %dma_start3A_952 = tpu.memref_slice %dma_start3A_950[%dma_start3A_951] : memref<4096xf32, #tpu.memory_space<vmem>> -> memref<512xf32, #tpu.memory_space<vmem>>
      %dma_start3A_953 = arith.constant 0 : i32
      %dma_start3A_954 = tpu.memref_slice %arg5[%dma_start3A_946, %dma_start3A_953] : memref<2x4096xi32, #tpu.memory_space<vmem>> -> memref<1x4096xi32, #tpu.memory_space<vmem>>
      %dma_start3A_955 = tpu.memref_squeeze %dma_start3A_954 : memref<1x4096xi32, #tpu.memory_space<vmem>> -> memref<4096xi32, #tpu.memory_space<vmem>>
      %dma_start3A_956 = arith.constant 2048 : i32
      %dma_start3A_957 = tpu.memref_slice %dma_start3A_955[%dma_start3A_956] : memref<4096xi32, #tpu.memory_space<vmem>> -> memref<512xi32, #tpu.memory_space<vmem>>
      %dma_start3A_958 = arith.constant 128 : i32
      %dma_start3A_959 = tpu.memref_slice %arg3[%dma_start3A_958] : memref<67108864xf32, #tpu.memory_space<hbm>> -> memref<67108736xf32, #tpu.memory_space<hbm>>
      %dma_start3A_960 = arith.constant 0 : i32
      %dma_start3A_961 = tpu.memref_slice %dma_start3A_959[%dma_start3A_960] : memref<67108736xf32, #tpu.memory_space<hbm>> -> memref<67108736xf32, #tpu.memory_space<hbm>>
      %dma_start3A_962 = arith.constant -1 : i32
      tpu.enqueue_indirect_dma source(%dma_start3A_961 : memref<67108736xf32, #tpu.memory_space<hbm>>) target(%dma_start3A_952 : memref<512xf32, #tpu.memory_space<vmem>>) offsets(%dma_start3A_957 : memref<512xi32, #tpu.memory_space<vmem>>) offset_filter(%dma_start3A_962) semaphore(%arg12 : memref<!tpu.dma_semaphore, #tpu.memory_space<semaphore_mem>>)
      %dma_start3A_963 = arith.constant 0 : i32
      %dma_start3A_964 = arith.constant 0 : i32
      %dma_start3A_965 = arith.constant 0 : i32
      %dma_start3A_966 = tpu.memref_slice %arg7[%dma_start3A_964, %dma_start3A_965] : memref<2x4096xf32, #tpu.memory_space<vmem>> -> memref<1x4096xf32, #tpu.memory_space<vmem>>
      %dma_start3A_967 = tpu.memref_squeeze %dma_start3A_966 : memref<1x4096xf32, #tpu.memory_space<vmem>> -> memref<4096xf32, #tpu.memory_space<vmem>>
      %dma_start3A_968 = arith.constant 2560 : i32
      %dma_start3A_969 = tpu.memref_slice %dma_start3A_967[%dma_start3A_968] : memref<4096xf32, #tpu.memory_space<vmem>> -> memref<512xf32, #tpu.memory_space<vmem>>
      %dma_start3A_970 = arith.constant 0 : i32
      %dma_start3A_971 = tpu.memref_slice %arg5[%dma_start3A_963, %dma_start3A_970] : memref<2x4096xi32, #tpu.memory_space<vmem>> -> memref<1x4096xi32, #tpu.memory_space<vmem>>
      %dma_start3A_972 = tpu.memref_squeeze %dma_start3A_971 : memref<1x4096xi32, #tpu.memory_space<vmem>> -> memref<4096xi32, #tpu.memory_space<vmem>>
      %dma_start3A_973 = arith.constant 2560 : i32
      %dma_start3A_974 = tpu.memref_slice %dma_start3A_972[%dma_start3A_973] : memref<4096xi32, #tpu.memory_space<vmem>> -> memref<512xi32, #tpu.memory_space<vmem>>
      %dma_start3A_975 = arith.constant 128 : i32
      %dma_start3A_976 = tpu.memref_slice %arg3[%dma_start3A_975] : memref<67108864xf32, #tpu.memory_space<hbm>> -> memref<67108736xf32, #tpu.memory_space<hbm>>
      %dma_start3A_977 = arith.constant 0 : i32
      %dma_start3A_978 = tpu.memref_slice %dma_start3A_976[%dma_start3A_977] : memref<67108736xf32, #tpu.memory_space<hbm>> -> memref<67108736xf32, #tpu.memory_space<hbm>>
      %dma_start3A_979 = arith.constant -1 : i32
      tpu.enqueue_indirect_dma source(%dma_start3A_978 : memref<67108736xf32, #tpu.memory_space<hbm>>) target(%dma_start3A_969 : memref<512xf32, #tpu.memory_space<vmem>>) offsets(%dma_start3A_974 : memref<512xi32, #tpu.memory_space<vmem>>) offset_filter(%dma_start3A_979) semaphore(%arg12 : memref<!tpu.dma_semaphore, #tpu.memory_space<semaphore_mem>>)
      %dma_start3A_980 = arith.constant 0 : i32
      %dma_start3A_981 = arith.constant 0 : i32
      %dma_start3A_982 = arith.constant 0 : i32
      %dma_start3A_983 = tpu.memref_slice %arg7[%dma_start3A_981, %dma_start3A_982] : memref<2x4096xf32, #tpu.memory_space<vmem>> -> memref<1x4096xf32, #tpu.memory_space<vmem>>
      %dma_start3A_984 = tpu.memref_squeeze %dma_start3A_983 : memref<1x4096xf32, #tpu.memory_space<vmem>> -> memref<4096xf32, #tpu.memory_space<vmem>>
      %dma_start3A_985 = arith.constant 3072 : i32
      %dma_start3A_986 = tpu.memref_slice %dma_start3A_984[%dma_start3A_985] : memref<4096xf32, #tpu.memory_space<vmem>> -> memref<512xf32, #tpu.memory_space<vmem>>
      %dma_start3A_987 = arith.constant 0 : i32
      %dma_start3A_988 = tpu.memref_slice %arg5[%dma_start3A_980, %dma_start3A_987] : memref<2x4096xi32, #tpu.memory_space<vmem>> -> memref<1x4096xi32, #tpu.memory_space<vmem>>
      %dma_start3A_989 = tpu.memref_squeeze %dma_start3A_988 : memref<1x4096xi32, #tpu.memory_space<vmem>> -> memref<4096xi32, #tpu.memory_space<vmem>>
      %dma_start3A_990 = arith.constant 3072 : i32
      %dma_start3A_991 = tpu.memref_slice %dma_start3A_989[%dma_start3A_990] : memref<4096xi32, #tpu.memory_space<vmem>> -> memref<512xi32, #tpu.memory_space<vmem>>
      %dma_start3A_992 = arith.constant 128 : i32
      %dma_start3A_993 = tpu.memref_slice %arg3[%dma_start3A_992] : memref<67108864xf32, #tpu.memory_space<hbm>> -> memref<67108736xf32, #tpu.memory_space<hbm>>
      %dma_start3A_994 = arith.constant 0 : i32
      %dma_start3A_995 = tpu.memref_slice %dma_start3A_993[%dma_start3A_994] : memref<67108736xf32, #tpu.memory_space<hbm>> -> memref<67108736xf32, #tpu.memory_space<hbm>>
      %dma_start3A_996 = arith.constant -1 : i32
      tpu.enqueue_indirect_dma source(%dma_start3A_995 : memref<67108736xf32, #tpu.memory_space<hbm>>) target(%dma_start3A_986 : memref<512xf32, #tpu.memory_space<vmem>>) offsets(%dma_start3A_991 : memref<512xi32, #tpu.memory_space<vmem>>) offset_filter(%dma_start3A_996) semaphore(%arg12 : memref<!tpu.dma_semaphore, #tpu.memory_space<semaphore_mem>>)
      %dma_start3A_997 = arith.constant 0 : i32
      %dma_start3A_998 = arith.constant 0 : i32
      %dma_start3A_999 = arith.constant 0 : i32
      %dma_start3A_1000 = tpu.memref_slice %arg7[%dma_start3A_998, %dma_start3A_999] : memref<2x4096xf32, #tpu.memory_space<vmem>> -> memref<1x4096xf32, #tpu.memory_space<vmem>>
      %dma_start3A_1001 = tpu.memref_squeeze %dma_start3A_1000 : memref<1x4096xf32, #tpu.memory_space<vmem>> -> memref<4096xf32, #tpu.memory_space<vmem>>
      %dma_start3A_1002 = arith.constant 3584 : i32
      %dma_start3A_1003 = tpu.memref_slice %dma_start3A_1001[%dma_start3A_1002] : memref<4096xf32, #tpu.memory_space<vmem>> -> memref<512xf32, #tpu.memory_space<vmem>>
      %dma_start3A_1004 = arith.constant 0 : i32
      %dma_start3A_1005 = tpu.memref_slice %arg5[%dma_start3A_997, %dma_start3A_1004] : memref<2x4096xi32, #tpu.memory_space<vmem>> -> memref<1x4096xi32, #tpu.memory_space<vmem>>
      %dma_start3A_1006 = tpu.memref_squeeze %dma_start3A_1005 : memref<1x4096xi32, #tpu.memory_space<vmem>> -> memref<4096xi32, #tpu.memory_space<vmem>>
      %dma_start3A_1007 = arith.constant 3584 : i32
      %dma_start3A_1008 = tpu.memref_slice %dma_start3A_1006[%dma_start3A_1007] : memref<4096xi32, #tpu.memory_space<vmem>> -> memref<512xi32, #tpu.memory_space<vmem>>
      %dma_start3A_1009 = arith.constant 128 : i32
      %dma_start3A_1010 = tpu.memref_slice %arg3[%dma_start3A_1009] : memref<67108864xf32, #tpu.memory_space<hbm>> -> memref<67108736xf32, #tpu.memory_space<hbm>>
      %dma_start3A_1011 = arith.constant 0 : i32
      %dma_start3A_1012 = tpu.memref_slice %dma_start3A_1010[%dma_start3A_1011] : memref<67108736xf32, #tpu.memory_space<hbm>> -> memref<67108736xf32, #tpu.memory_space<hbm>>
      %dma_start3A_1013 = arith.constant -1 : i32
      tpu.enqueue_indirect_dma source(%dma_start3A_1012 : memref<67108736xf32, #tpu.memory_space<hbm>>) target(%dma_start3A_1003 : memref<512xf32, #tpu.memory_space<vmem>>) offsets(%dma_start3A_1008 : memref<512xi32, #tpu.memory_space<vmem>>) offset_filter(%dma_start3A_1013) semaphore(%arg12 : memref<!tpu.dma_semaphore, #tpu.memory_space<semaphore_mem>>)
      %dma_start3A_1014 = arith.constant 0 : i32
      %dma_start3A_1015 = arith.constant 0 : i32
      %dma_start3A_1016 = arith.constant 0 : i32
      %dma_start3A_1017 = tpu.memref_slice %arg8[%dma_start3A_1015, %dma_start3A_1016] : memref<2x4096xf32, #tpu.memory_space<vmem>> -> memref<1x4096xf32, #tpu.memory_space<vmem>>
      %dma_start3A_1018 = tpu.memref_squeeze %dma_start3A_1017 : memref<1x4096xf32, #tpu.memory_space<vmem>> -> memref<4096xf32, #tpu.memory_space<vmem>>
      %dma_start3A_1019 = arith.constant 0 : i32
      %dma_start3A_1020 = tpu.memref_slice %dma_start3A_1018[%dma_start3A_1019] : memref<4096xf32, #tpu.memory_space<vmem>> -> memref<512xf32, #tpu.memory_space<vmem>>
      %dma_start3A_1021 = arith.constant 0 : i32
      %dma_start3A_1022 = tpu.memref_slice %arg5[%dma_start3A_1014, %dma_start3A_1021] : memref<2x4096xi32, #tpu.memory_space<vmem>> -> memref<1x4096xi32, #tpu.memory_space<vmem>>
      %dma_start3A_1023 = tpu.memref_squeeze %dma_start3A_1022 : memref<1x4096xi32, #tpu.memory_space<vmem>> -> memref<4096xi32, #tpu.memory_space<vmem>>
      %dma_start3A_1024 = arith.constant 0 : i32
      %dma_start3A_1025 = tpu.memref_slice %dma_start3A_1023[%dma_start3A_1024] : memref<4096xi32, #tpu.memory_space<vmem>> -> memref<512xi32, #tpu.memory_space<vmem>>
      %dma_start3A_1026 = arith.constant 256 : i32
      %dma_start3A_1027 = tpu.memref_slice %arg3[%dma_start3A_1026] : memref<67108864xf32, #tpu.memory_space<hbm>> -> memref<67108608xf32, #tpu.memory_space<hbm>>
      %dma_start3A_1028 = arith.constant 0 : i32
      %dma_start3A_1029 = tpu.memref_slice %dma_start3A_1027[%dma_start3A_1028] : memref<67108608xf32, #tpu.memory_space<hbm>> -> memref<67108608xf32, #tpu.memory_space<hbm>>
      %dma_start3A_1030 = arith.constant -1 : i32
      tpu.enqueue_indirect_dma source(%dma_start3A_1029 : memref<67108608xf32, #tpu.memory_space<hbm>>) target(%dma_start3A_1020 : memref<512xf32, #tpu.memory_space<vmem>>) offsets(%dma_start3A_1025 : memref<512xi32, #tpu.memory_space<vmem>>) offset_filter(%dma_start3A_1030) semaphore(%arg12 : memref<!tpu.dma_semaphore, #tpu.memory_space<semaphore_mem>>)
      %dma_start3A_1031 = arith.constant 0 : i32
      %dma_start3A_1032 = arith.constant 0 : i32
      %dma_start3A_1033 = arith.constant 0 : i32
      %dma_start3A_1034 = tpu.memref_slice %arg8[%dma_start3A_1032, %dma_start3A_1033] : memref<2x4096xf32, #tpu.memory_space<vmem>> -> memref<1x4096xf32, #tpu.memory_space<vmem>>
      %dma_start3A_1035 = tpu.memref_squeeze %dma_start3A_1034 : memref<1x4096xf32, #tpu.memory_space<vmem>> -> memref<4096xf32, #tpu.memory_space<vmem>>
      %dma_start3A_1036 = arith.constant 512 : i32
      %dma_start3A_1037 = tpu.memref_slice %dma_start3A_1035[%dma_start3A_1036] : memref<4096xf32, #tpu.memory_space<vmem>> -> memref<512xf32, #tpu.memory_space<vmem>>
      %dma_start3A_1038 = arith.constant 0 : i32
      %dma_start3A_1039 = tpu.memref_slice %arg5[%dma_start3A_1031, %dma_start3A_1038] : memref<2x4096xi32, #tpu.memory_space<vmem>> -> memref<1x4096xi32, #tpu.memory_space<vmem>>
      %dma_start3A_1040 = tpu.memref_squeeze %dma_start3A_1039 : memref<1x4096xi32, #tpu.memory_space<vmem>> -> memref<4096xi32, #tpu.memory_space<vmem>>
      %dma_start3A_1041 = arith.constant 512 : i32
      %dma_start3A_1042 = tpu.memref_slice %dma_start3A_1040[%dma_start3A_1041] : memref<4096xi32, #tpu.memory_space<vmem>> -> memref<512xi32, #tpu.memory_space<vmem>>
      %dma_start3A_1043 = arith.constant 256 : i32
      %dma_start3A_1044 = tpu.memref_slice %arg3[%dma_start3A_1043] : memref<67108864xf32, #tpu.memory_space<hbm>> -> memref<67108608xf32, #tpu.memory_space<hbm>>
      %dma_start3A_1045 = arith.constant 0 : i32
      %dma_start3A_1046 = tpu.memref_slice %dma_start3A_1044[%dma_start3A_1045] : memref<67108608xf32, #tpu.memory_space<hbm>> -> memref<67108608xf32, #tpu.memory_space<hbm>>
      %dma_start3A_1047 = arith.constant -1 : i32
      tpu.enqueue_indirect_dma source(%dma_start3A_1046 : memref<67108608xf32, #tpu.memory_space<hbm>>) target(%dma_start3A_1037 : memref<512xf32, #tpu.memory_space<vmem>>) offsets(%dma_start3A_1042 : memref<512xi32, #tpu.memory_space<vmem>>) offset_filter(%dma_start3A_1047) semaphore(%arg12 : memref<!tpu.dma_semaphore, #tpu.memory_space<semaphore_mem>>)
      %dma_start3A_1048 = arith.constant 0 : i32
      %dma_start3A_1049 = arith.constant 0 : i32
      %dma_start3A_1050 = arith.constant 0 : i32
      %dma_start3A_1051 = tpu.memref_slice %arg8[%dma_start3A_1049, %dma_start3A_1050] : memref<2x4096xf32, #tpu.memory_space<vmem>> -> memref<1x4096xf32, #tpu.memory_space<vmem>>
      %dma_start3A_1052 = tpu.memref_squeeze %dma_start3A_1051 : memref<1x4096xf32, #tpu.memory_space<vmem>> -> memref<4096xf32, #tpu.memory_space<vmem>>
      %dma_start3A_1053 = arith.constant 1024 : i32
      %dma_start3A_1054 = tpu.memref_slice %dma_start3A_1052[%dma_start3A_1053] : memref<4096xf32, #tpu.memory_space<vmem>> -> memref<512xf32, #tpu.memory_space<vmem>>
      %dma_start3A_1055 = arith.constant 0 : i32
      %dma_start3A_1056 = tpu.memref_slice %arg5[%dma_start3A_1048, %dma_start3A_1055] : memref<2x4096xi32, #tpu.memory_space<vmem>> -> memref<1x4096xi32, #tpu.memory_space<vmem>>
      %dma_start3A_1057 = tpu.memref_squeeze %dma_start3A_1056 : memref<1x4096xi32, #tpu.memory_space<vmem>> -> memref<4096xi32, #tpu.memory_space<vmem>>
      %dma_start3A_1058 = arith.constant 1024 : i32
      %dma_start3A_1059 = tpu.memref_slice %dma_start3A_1057[%dma_start3A_1058] : memref<4096xi32, #tpu.memory_space<vmem>> -> memref<512xi32, #tpu.memory_space<vmem>>
      %dma_start3A_1060 = arith.constant 256 : i32
      %dma_start3A_1061 = tpu.memref_slice %arg3[%dma_start3A_1060] : memref<67108864xf32, #tpu.memory_space<hbm>> -> memref<67108608xf32, #tpu.memory_space<hbm>>
      %dma_start3A_1062 = arith.constant 0 : i32
      %dma_start3A_1063 = tpu.memref_slice %dma_start3A_1061[%dma_start3A_1062] : memref<67108608xf32, #tpu.memory_space<hbm>> -> memref<67108608xf32, #tpu.memory_space<hbm>>
      %dma_start3A_1064 = arith.constant -1 : i32
      tpu.enqueue_indirect_dma source(%dma_start3A_1063 : memref<67108608xf32, #tpu.memory_space<hbm>>) target(%dma_start3A_1054 : memref<512xf32, #tpu.memory_space<vmem>>) offsets(%dma_start3A_1059 : memref<512xi32, #tpu.memory_space<vmem>>) offset_filter(%dma_start3A_1064) semaphore(%arg12 : memref<!tpu.dma_semaphore, #tpu.memory_space<semaphore_mem>>)
      %dma_start3A_1065 = arith.constant 0 : i32
      %dma_start3A_1066 = arith.constant 0 : i32
      %dma_start3A_1067 = arith.constant 0 : i32
      %dma_start3A_1068 = tpu.memref_slice %arg8[%dma_start3A_1066, %dma_start3A_1067] : memref<2x4096xf32, #tpu.memory_space<vmem>> -> memref<1x4096xf32, #tpu.memory_space<vmem>>
      %dma_start3A_1069 = tpu.memref_squeeze %dma_start3A_1068 : memref<1x4096xf32, #tpu.memory_space<vmem>> -> memref<4096xf32, #tpu.memory_space<vmem>>
      %dma_start3A_1070 = arith.constant 1536 : i32
      %dma_start3A_1071 = tpu.memref_slice %dma_start3A_1069[%dma_start3A_1070] : memref<4096xf32, #tpu.memory_space<vmem>> -> memref<512xf32, #tpu.memory_space<vmem>>
      %dma_start3A_1072 = arith.constant 0 : i32
      %dma_start3A_1073 = tpu.memref_slice %arg5[%dma_start3A_1065, %dma_start3A_1072] : memref<2x4096xi32, #tpu.memory_space<vmem>> -> memref<1x4096xi32, #tpu.memory_space<vmem>>
      %dma_start3A_1074 = tpu.memref_squeeze %dma_start3A_1073 : memref<1x4096xi32, #tpu.memory_space<vmem>> -> memref<4096xi32, #tpu.memory_space<vmem>>
      %dma_start3A_1075 = arith.constant 1536 : i32
      %dma_start3A_1076 = tpu.memref_slice %dma_start3A_1074[%dma_start3A_1075] : memref<4096xi32, #tpu.memory_space<vmem>> -> memref<512xi32, #tpu.memory_space<vmem>>
      %dma_start3A_1077 = arith.constant 256 : i32
      %dma_start3A_1078 = tpu.memref_slice %arg3[%dma_start3A_1077] : memref<67108864xf32, #tpu.memory_space<hbm>> -> memref<67108608xf32, #tpu.memory_space<hbm>>
      %dma_start3A_1079 = arith.constant 0 : i32
      %dma_start3A_1080 = tpu.memref_slice %dma_start3A_1078[%dma_start3A_1079] : memref<67108608xf32, #tpu.memory_space<hbm>> -> memref<67108608xf32, #tpu.memory_space<hbm>>
      %dma_start3A_1081 = arith.constant -1 : i32
      tpu.enqueue_indirect_dma source(%dma_start3A_1080 : memref<67108608xf32, #tpu.memory_space<hbm>>) target(%dma_start3A_1071 : memref<512xf32, #tpu.memory_space<vmem>>) offsets(%dma_start3A_1076 : memref<512xi32, #tpu.memory_space<vmem>>) offset_filter(%dma_start3A_1081) semaphore(%arg12 : memref<!tpu.dma_semaphore, #tpu.memory_space<semaphore_mem>>)
      %dma_start3A_1082 = arith.constant 0 : i32
      %dma_start3A_1083 = arith.constant 0 : i32
      %dma_start3A_1084 = arith.constant 0 : i32
      %dma_start3A_1085 = tpu.memref_slice %arg8[%dma_start3A_1083, %dma_start3A_1084] : memref<2x4096xf32, #tpu.memory_space<vmem>> -> memref<1x4096xf32, #tpu.memory_space<vmem>>
      %dma_start3A_1086 = tpu.memref_squeeze %dma_start3A_1085 : memref<1x4096xf32, #tpu.memory_space<vmem>> -> memref<4096xf32, #tpu.memory_space<vmem>>
      %dma_start3A_1087 = arith.constant 2048 : i32
      %dma_start3A_1088 = tpu.memref_slice %dma_start3A_1086[%dma_start3A_1087] : memref<4096xf32, #tpu.memory_space<vmem>> -> memref<512xf32, #tpu.memory_space<vmem>>
      %dma_start3A_1089 = arith.constant 0 : i32
      %dma_start3A_1090 = tpu.memref_slice %arg5[%dma_start3A_1082, %dma_start3A_1089] : memref<2x4096xi32, #tpu.memory_space<vmem>> -> memref<1x4096xi32, #tpu.memory_space<vmem>>
      %dma_start3A_1091 = tpu.memref_squeeze %dma_start3A_1090 : memref<1x4096xi32, #tpu.memory_space<vmem>> -> memref<4096xi32, #tpu.memory_space<vmem>>
      %dma_start3A_1092 = arith.constant 2048 : i32
      %dma_start3A_1093 = tpu.memref_slice %dma_start3A_1091[%dma_start3A_1092] : memref<4096xi32, #tpu.memory_space<vmem>> -> memref<512xi32, #tpu.memory_space<vmem>>
      %dma_start3A_1094 = arith.constant 256 : i32
      %dma_start3A_1095 = tpu.memref_slice %arg3[%dma_start3A_1094] : memref<67108864xf32, #tpu.memory_space<hbm>> -> memref<67108608xf32, #tpu.memory_space<hbm>>
      %dma_start3A_1096 = arith.constant 0 : i32
      %dma_start3A_1097 = tpu.memref_slice %dma_start3A_1095[%dma_start3A_1096] : memref<67108608xf32, #tpu.memory_space<hbm>> -> memref<67108608xf32, #tpu.memory_space<hbm>>
      %dma_start3A_1098 = arith.constant -1 : i32
      tpu.enqueue_indirect_dma source(%dma_start3A_1097 : memref<67108608xf32, #tpu.memory_space<hbm>>) target(%dma_start3A_1088 : memref<512xf32, #tpu.memory_space<vmem>>) offsets(%dma_start3A_1093 : memref<512xi32, #tpu.memory_space<vmem>>) offset_filter(%dma_start3A_1098) semaphore(%arg12 : memref<!tpu.dma_semaphore, #tpu.memory_space<semaphore_mem>>)
      %dma_start3A_1099 = arith.constant 0 : i32
      %dma_start3A_1100 = arith.constant 0 : i32
      %dma_start3A_1101 = arith.constant 0 : i32
      %dma_start3A_1102 = tpu.memref_slice %arg8[%dma_start3A_1100, %dma_start3A_1101] : memref<2x4096xf32, #tpu.memory_space<vmem>> -> memref<1x4096xf32, #tpu.memory_space<vmem>>
      %dma_start3A_1103 = tpu.memref_squeeze %dma_start3A_1102 : memref<1x4096xf32, #tpu.memory_space<vmem>> -> memref<4096xf32, #tpu.memory_space<vmem>>
      %dma_start3A_1104 = arith.constant 2560 : i32
      %dma_start3A_1105 = tpu.memref_slice %dma_start3A_1103[%dma_start3A_1104] : memref<4096xf32, #tpu.memory_space<vmem>> -> memref<512xf32, #tpu.memory_space<vmem>>
      %dma_start3A_1106 = arith.constant 0 : i32
      %dma_start3A_1107 = tpu.memref_slice %arg5[%dma_start3A_1099, %dma_start3A_1106] : memref<2x4096xi32, #tpu.memory_space<vmem>> -> memref<1x4096xi32, #tpu.memory_space<vmem>>
      %dma_start3A_1108 = tpu.memref_squeeze %dma_start3A_1107 : memref<1x4096xi32, #tpu.memory_space<vmem>> -> memref<4096xi32, #tpu.memory_space<vmem>>
      %dma_start3A_1109 = arith.constant 2560 : i32
      %dma_start3A_1110 = tpu.memref_slice %dma_start3A_1108[%dma_start3A_1109] : memref<4096xi32, #tpu.memory_space<vmem>> -> memref<512xi32, #tpu.memory_space<vmem>>
      %dma_start3A_1111 = arith.constant 256 : i32
      %dma_start3A_1112 = tpu.memref_slice %arg3[%dma_start3A_1111] : memref<67108864xf32, #tpu.memory_space<hbm>> -> memref<67108608xf32, #tpu.memory_space<hbm>>
      %dma_start3A_1113 = arith.constant 0 : i32
      %dma_start3A_1114 = tpu.memref_slice %dma_start3A_1112[%dma_start3A_1113] : memref<67108608xf32, #tpu.memory_space<hbm>> -> memref<67108608xf32, #tpu.memory_space<hbm>>
      %dma_start3A_1115 = arith.constant -1 : i32
      tpu.enqueue_indirect_dma source(%dma_start3A_1114 : memref<67108608xf32, #tpu.memory_space<hbm>>) target(%dma_start3A_1105 : memref<512xf32, #tpu.memory_space<vmem>>) offsets(%dma_start3A_1110 : memref<512xi32, #tpu.memory_space<vmem>>) offset_filter(%dma_start3A_1115) semaphore(%arg12 : memref<!tpu.dma_semaphore, #tpu.memory_space<semaphore_mem>>)
      %dma_start3A_1116 = arith.constant 0 : i32
      %dma_start3A_1117 = arith.constant 0 : i32
      %dma_start3A_1118 = arith.constant 0 : i32
      %dma_start3A_1119 = tpu.memref_slice %arg8[%dma_start3A_1117, %dma_start3A_1118] : memref<2x4096xf32, #tpu.memory_space<vmem>> -> memref<1x4096xf32, #tpu.memory_space<vmem>>
      %dma_start3A_1120 = tpu.memref_squeeze %dma_start3A_1119 : memref<1x4096xf32, #tpu.memory_space<vmem>> -> memref<4096xf32, #tpu.memory_space<vmem>>
      %dma_start3A_1121 = arith.constant 3072 : i32
      %dma_start3A_1122 = tpu.memref_slice %dma_start3A_1120[%dma_start3A_1121] : memref<4096xf32, #tpu.memory_space<vmem>> -> memref<512xf32, #tpu.memory_space<vmem>>
      %dma_start3A_1123 = arith.constant 0 : i32
      %dma_start3A_1124 = tpu.memref_slice %arg5[%dma_start3A_1116, %dma_start3A_1123] : memref<2x4096xi32, #tpu.memory_space<vmem>> -> memref<1x4096xi32, #tpu.memory_space<vmem>>
      %dma_start3A_1125 = tpu.memref_squeeze %dma_start3A_1124 : memref<1x4096xi32, #tpu.memory_space<vmem>> -> memref<4096xi32, #tpu.memory_space<vmem>>
      %dma_start3A_1126 = arith.constant 3072 : i32
      %dma_start3A_1127 = tpu.memref_slice %dma_start3A_1125[%dma_start3A_1126] : memref<4096xi32, #tpu.memory_space<vmem>> -> memref<512xi32, #tpu.memory_space<vmem>>
      %dma_start3A_1128 = arith.constant 256 : i32
      %dma_start3A_1129 = tpu.memref_slice %arg3[%dma_start3A_1128] : memref<67108864xf32, #tpu.memory_space<hbm>> -> memref<67108608xf32, #tpu.memory_space<hbm>>
      %dma_start3A_1130 = arith.constant 0 : i32
      %dma_start3A_1131 = tpu.memref_slice %dma_start3A_1129[%dma_start3A_1130] : memref<67108608xf32, #tpu.memory_space<hbm>> -> memref<67108608xf32, #tpu.memory_space<hbm>>
      %dma_start3A_1132 = arith.constant -1 : i32
      tpu.enqueue_indirect_dma source(%dma_start3A_1131 : memref<67108608xf32, #tpu.memory_space<hbm>>) target(%dma_start3A_1122 : memref<512xf32, #tpu.memory_space<vmem>>) offsets(%dma_start3A_1127 : memref<512xi32, #tpu.memory_space<vmem>>) offset_filter(%dma_start3A_1132) semaphore(%arg12 : memref<!tpu.dma_semaphore, #tpu.memory_space<semaphore_mem>>)
      %dma_start3A_1133 = arith.constant 0 : i32
      %dma_start3A_1134 = arith.constant 0 : i32
      %dma_start3A_1135 = arith.constant 0 : i32
      %dma_start3A_1136 = tpu.memref_slice %arg8[%dma_start3A_1134, %dma_start3A_1135] : memref<2x4096xf32, #tpu.memory_space<vmem>> -> memref<1x4096xf32, #tpu.memory_space<vmem>>
      %dma_start3A_1137 = tpu.memref_squeeze %dma_start3A_1136 : memref<1x4096xf32, #tpu.memory_space<vmem>> -> memref<4096xf32, #tpu.memory_space<vmem>>
      %dma_start3A_1138 = arith.constant 3584 : i32
      %dma_start3A_1139 = tpu.memref_slice %dma_start3A_1137[%dma_start3A_1138] : memref<4096xf32, #tpu.memory_space<vmem>> -> memref<512xf32, #tpu.memory_space<vmem>>
      %dma_start3A_1140 = arith.constant 0 : i32
      %dma_start3A_1141 = tpu.memref_slice %arg5[%dma_start3A_1133, %dma_start3A_1140] : memref<2x4096xi32, #tpu.memory_space<vmem>> -> memref<1x4096xi32, #tpu.memory_space<vmem>>
      %dma_start3A_1142 = tpu.memref_squeeze %dma_start3A_1141 : memref<1x4096xi32, #tpu.memory_space<vmem>> -> memref<4096xi32, #tpu.memory_space<vmem>>
      %dma_start3A_1143 = arith.constant 3584 : i32
      %dma_start3A_1144 = tpu.memref_slice %dma_start3A_1142[%dma_start3A_1143] : memref<4096xi32, #tpu.memory_space<vmem>> -> memref<512xi32, #tpu.memory_space<vmem>>
      %dma_start3A_1145 = arith.constant 256 : i32
      %dma_start3A_1146 = tpu.memref_slice %arg3[%dma_start3A_1145] : memref<67108864xf32, #tpu.memory_space<hbm>> -> memref<67108608xf32, #tpu.memory_space<hbm>>
      %dma_start3A_1147 = arith.constant 0 : i32
      %dma_start3A_1148 = tpu.memref_slice %dma_start3A_1146[%dma_start3A_1147] : memref<67108608xf32, #tpu.memory_space<hbm>> -> memref<67108608xf32, #tpu.memory_space<hbm>>
      %dma_start3A_1149 = arith.constant -1 : i32
      tpu.enqueue_indirect_dma source(%dma_start3A_1148 : memref<67108608xf32, #tpu.memory_space<hbm>>) target(%dma_start3A_1139 : memref<512xf32, #tpu.memory_space<vmem>>) offsets(%dma_start3A_1144 : memref<512xi32, #tpu.memory_space<vmem>>) offset_filter(%dma_start3A_1149) semaphore(%arg12 : memref<!tpu.dma_semaphore, #tpu.memory_space<semaphore_mem>>)
      %dma_start3A_1150 = arith.constant 0 : i32
      %dma_start3A_1151 = arith.constant 0 : i32
      %dma_start3A_1152 = arith.constant 0 : i32
      %dma_start3A_1153 = tpu.memref_slice %arg9[%dma_start3A_1151, %dma_start3A_1152] : memref<2x4096xf32, #tpu.memory_space<vmem>> -> memref<1x4096xf32, #tpu.memory_space<vmem>>
      %dma_start3A_1154 = tpu.memref_squeeze %dma_start3A_1153 : memref<1x4096xf32, #tpu.memory_space<vmem>> -> memref<4096xf32, #tpu.memory_space<vmem>>
      %dma_start3A_1155 = arith.constant 0 : i32
      %dma_start3A_1156 = tpu.memref_slice %dma_start3A_1154[%dma_start3A_1155] : memref<4096xf32, #tpu.memory_space<vmem>> -> memref<512xf32, #tpu.memory_space<vmem>>
      %dma_start3A_1157 = arith.constant 0 : i32
      %dma_start3A_1158 = tpu.memref_slice %arg5[%dma_start3A_1150, %dma_start3A_1157] : memref<2x4096xi32, #tpu.memory_space<vmem>> -> memref<1x4096xi32, #tpu.memory_space<vmem>>
      %dma_start3A_1159 = tpu.memref_squeeze %dma_start3A_1158 : memref<1x4096xi32, #tpu.memory_space<vmem>> -> memref<4096xi32, #tpu.memory_space<vmem>>
      %dma_start3A_1160 = arith.constant 0 : i32
      %dma_start3A_1161 = tpu.memref_slice %dma_start3A_1159[%dma_start3A_1160] : memref<4096xi32, #tpu.memory_space<vmem>> -> memref<512xi32, #tpu.memory_space<vmem>>
      %dma_start3A_1162 = arith.constant 384 : i32
      %dma_start3A_1163 = tpu.memref_slice %arg3[%dma_start3A_1162] : memref<67108864xf32, #tpu.memory_space<hbm>> -> memref<67108480xf32, #tpu.memory_space<hbm>>
      %dma_start3A_1164 = arith.constant 0 : i32
      %dma_start3A_1165 = tpu.memref_slice %dma_start3A_1163[%dma_start3A_1164] : memref<67108480xf32, #tpu.memory_space<hbm>> -> memref<67108480xf32, #tpu.memory_space<hbm>>
      %dma_start3A_1166 = arith.constant -1 : i32
      tpu.enqueue_indirect_dma source(%dma_start3A_1165 : memref<67108480xf32, #tpu.memory_space<hbm>>) target(%dma_start3A_1156 : memref<512xf32, #tpu.memory_space<vmem>>) offsets(%dma_start3A_1161 : memref<512xi32, #tpu.memory_space<vmem>>) offset_filter(%dma_start3A_1166) semaphore(%arg12 : memref<!tpu.dma_semaphore, #tpu.memory_space<semaphore_mem>>)
      %dma_start3A_1167 = arith.constant 0 : i32
      %dma_start3A_1168 = arith.constant 0 : i32
      %dma_start3A_1169 = arith.constant 0 : i32
      %dma_start3A_1170 = tpu.memref_slice %arg9[%dma_start3A_1168, %dma_start3A_1169] : memref<2x4096xf32, #tpu.memory_space<vmem>> -> memref<1x4096xf32, #tpu.memory_space<vmem>>
      %dma_start3A_1171 = tpu.memref_squeeze %dma_start3A_1170 : memref<1x4096xf32, #tpu.memory_space<vmem>> -> memref<4096xf32, #tpu.memory_space<vmem>>
      %dma_start3A_1172 = arith.constant 512 : i32
      %dma_start3A_1173 = tpu.memref_slice %dma_start3A_1171[%dma_start3A_1172] : memref<4096xf32, #tpu.memory_space<vmem>> -> memref<512xf32, #tpu.memory_space<vmem>>
      %dma_start3A_1174 = arith.constant 0 : i32
      %dma_start3A_1175 = tpu.memref_slice %arg5[%dma_start3A_1167, %dma_start3A_1174] : memref<2x4096xi32, #tpu.memory_space<vmem>> -> memref<1x4096xi32, #tpu.memory_space<vmem>>
      %dma_start3A_1176 = tpu.memref_squeeze %dma_start3A_1175 : memref<1x4096xi32, #tpu.memory_space<vmem>> -> memref<4096xi32, #tpu.memory_space<vmem>>
      %dma_start3A_1177 = arith.constant 512 : i32
      %dma_start3A_1178 = tpu.memref_slice %dma_start3A_1176[%dma_start3A_1177] : memref<4096xi32, #tpu.memory_space<vmem>> -> memref<512xi32, #tpu.memory_space<vmem>>
      %dma_start3A_1179 = arith.constant 384 : i32
      %dma_start3A_1180 = tpu.memref_slice %arg3[%dma_start3A_1179] : memref<67108864xf32, #tpu.memory_space<hbm>> -> memref<67108480xf32, #tpu.memory_space<hbm>>
      %dma_start3A_1181 = arith.constant 0 : i32
      %dma_start3A_1182 = tpu.memref_slice %dma_start3A_1180[%dma_start3A_1181] : memref<67108480xf32, #tpu.memory_space<hbm>> -> memref<67108480xf32, #tpu.memory_space<hbm>>
      %dma_start3A_1183 = arith.constant -1 : i32
      tpu.enqueue_indirect_dma source(%dma_start3A_1182 : memref<67108480xf32, #tpu.memory_space<hbm>>) target(%dma_start3A_1173 : memref<512xf32, #tpu.memory_space<vmem>>) offsets(%dma_start3A_1178 : memref<512xi32, #tpu.memory_space<vmem>>) offset_filter(%dma_start3A_1183) semaphore(%arg12 : memref<!tpu.dma_semaphore, #tpu.memory_space<semaphore_mem>>)
      %dma_start3A_1184 = arith.constant 0 : i32
      %dma_start3A_1185 = arith.constant 0 : i32
      %dma_start3A_1186 = arith.constant 0 : i32
      %dma_start3A_1187 = tpu.memref_slice %arg9[%dma_start3A_1185, %dma_start3A_1186] : memref<2x4096xf32, #tpu.memory_space<vmem>> -> memref<1x4096xf32, #tpu.memory_space<vmem>>
      %dma_start3A_1188 = tpu.memref_squeeze %dma_start3A_1187 : memref<1x4096xf32, #tpu.memory_space<vmem>> -> memref<4096xf32, #tpu.memory_space<vmem>>
      %dma_start3A_1189 = arith.constant 1024 : i32
      %dma_start3A_1190 = tpu.memref_slice %dma_start3A_1188[%dma_start3A_1189] : memref<4096xf32, #tpu.memory_space<vmem>> -> memref<512xf32, #tpu.memory_space<vmem>>
      %dma_start3A_1191 = arith.constant 0 : i32
      %dma_start3A_1192 = tpu.memref_slice %arg5[%dma_start3A_1184, %dma_start3A_1191] : memref<2x4096xi32, #tpu.memory_space<vmem>> -> memref<1x4096xi32, #tpu.memory_space<vmem>>
      %dma_start3A_1193 = tpu.memref_squeeze %dma_start3A_1192 : memref<1x4096xi32, #tpu.memory_space<vmem>> -> memref<4096xi32, #tpu.memory_space<vmem>>
      %dma_start3A_1194 = arith.constant 1024 : i32
      %dma_start3A_1195 = tpu.memref_slice %dma_start3A_1193[%dma_start3A_1194] : memref<4096xi32, #tpu.memory_space<vmem>> -> memref<512xi32, #tpu.memory_space<vmem>>
      %dma_start3A_1196 = arith.constant 384 : i32
      %dma_start3A_1197 = tpu.memref_slice %arg3[%dma_start3A_1196] : memref<67108864xf32, #tpu.memory_space<hbm>> -> memref<67108480xf32, #tpu.memory_space<hbm>>
      %dma_start3A_1198 = arith.constant 0 : i32
      %dma_start3A_1199 = tpu.memref_slice %dma_start3A_1197[%dma_start3A_1198] : memref<67108480xf32, #tpu.memory_space<hbm>> -> memref<67108480xf32, #tpu.memory_space<hbm>>
      %dma_start3A_1200 = arith.constant -1 : i32
      tpu.enqueue_indirect_dma source(%dma_start3A_1199 : memref<67108480xf32, #tpu.memory_space<hbm>>) target(%dma_start3A_1190 : memref<512xf32, #tpu.memory_space<vmem>>) offsets(%dma_start3A_1195 : memref<512xi32, #tpu.memory_space<vmem>>) offset_filter(%dma_start3A_1200) semaphore(%arg12 : memref<!tpu.dma_semaphore, #tpu.memory_space<semaphore_mem>>)
      %dma_start3A_1201 = arith.constant 0 : i32
      %dma_start3A_1202 = arith.constant 0 : i32
      %dma_start3A_1203 = arith.constant 0 : i32
      %dma_start3A_1204 = tpu.memref_slice %arg9[%dma_start3A_1202, %dma_start3A_1203] : memref<2x4096xf32, #tpu.memory_space<vmem>> -> memref<1x4096xf32, #tpu.memory_space<vmem>>
      %dma_start3A_1205 = tpu.memref_squeeze %dma_start3A_1204 : memref<1x4096xf32, #tpu.memory_space<vmem>> -> memref<4096xf32, #tpu.memory_space<vmem>>
      %dma_start3A_1206 = arith.constant 1536 : i32
      %dma_start3A_1207 = tpu.memref_slice %dma_start3A_1205[%dma_start3A_1206] : memref<4096xf32, #tpu.memory_space<vmem>> -> memref<512xf32, #tpu.memory_space<vmem>>
      %dma_start3A_1208 = arith.constant 0 : i32
      %dma_start3A_1209 = tpu.memref_slice %arg5[%dma_start3A_1201, %dma_start3A_1208] : memref<2x4096xi32, #tpu.memory_space<vmem>> -> memref<1x4096xi32, #tpu.memory_space<vmem>>
      %dma_start3A_1210 = tpu.memref_squeeze %dma_start3A_1209 : memref<1x4096xi32, #tpu.memory_space<vmem>> -> memref<4096xi32, #tpu.memory_space<vmem>>
      %dma_start3A_1211 = arith.constant 1536 : i32
      %dma_start3A_1212 = tpu.memref_slice %dma_start3A_1210[%dma_start3A_1211] : memref<4096xi32, #tpu.memory_space<vmem>> -> memref<512xi32, #tpu.memory_space<vmem>>
      %dma_start3A_1213 = arith.constant 384 : i32
      %dma_start3A_1214 = tpu.memref_slice %arg3[%dma_start3A_1213] : memref<67108864xf32, #tpu.memory_space<hbm>> -> memref<67108480xf32, #tpu.memory_space<hbm>>
      %dma_start3A_1215 = arith.constant 0 : i32
      %dma_start3A_1216 = tpu.memref_slice %dma_start3A_1214[%dma_start3A_1215] : memref<67108480xf32, #tpu.memory_space<hbm>> -> memref<67108480xf32, #tpu.memory_space<hbm>>
      %dma_start3A_1217 = arith.constant -1 : i32
      tpu.enqueue_indirect_dma source(%dma_start3A_1216 : memref<67108480xf32, #tpu.memory_space<hbm>>) target(%dma_start3A_1207 : memref<512xf32, #tpu.memory_space<vmem>>) offsets(%dma_start3A_1212 : memref<512xi32, #tpu.memory_space<vmem>>) offset_filter(%dma_start3A_1217) semaphore(%arg12 : memref<!tpu.dma_semaphore, #tpu.memory_space<semaphore_mem>>)
      %dma_start3A_1218 = arith.constant 0 : i32
      %dma_start3A_1219 = arith.constant 0 : i32
      %dma_start3A_1220 = arith.constant 0 : i32
      %dma_start3A_1221 = tpu.memref_slice %arg9[%dma_start3A_1219, %dma_start3A_1220] : memref<2x4096xf32, #tpu.memory_space<vmem>> -> memref<1x4096xf32, #tpu.memory_space<vmem>>
      %dma_start3A_1222 = tpu.memref_squeeze %dma_start3A_1221 : memref<1x4096xf32, #tpu.memory_space<vmem>> -> memref<4096xf32, #tpu.memory_space<vmem>>
      %dma_start3A_1223 = arith.constant 2048 : i32
      %dma_start3A_1224 = tpu.memref_slice %dma_start3A_1222[%dma_start3A_1223] : memref<4096xf32, #tpu.memory_space<vmem>> -> memref<512xf32, #tpu.memory_space<vmem>>
      %dma_start3A_1225 = arith.constant 0 : i32
      %dma_start3A_1226 = tpu.memref_slice %arg5[%dma_start3A_1218, %dma_start3A_1225] : memref<2x4096xi32, #tpu.memory_space<vmem>> -> memref<1x4096xi32, #tpu.memory_space<vmem>>
      %dma_start3A_1227 = tpu.memref_squeeze %dma_start3A_1226 : memref<1x4096xi32, #tpu.memory_space<vmem>> -> memref<4096xi32, #tpu.memory_space<vmem>>
      %dma_start3A_1228 = arith.constant 2048 : i32
      %dma_start3A_1229 = tpu.memref_slice %dma_start3A_1227[%dma_start3A_1228] : memref<4096xi32, #tpu.memory_space<vmem>> -> memref<512xi32, #tpu.memory_space<vmem>>
      %dma_start3A_1230 = arith.constant 384 : i32
      %dma_start3A_1231 = tpu.memref_slice %arg3[%dma_start3A_1230] : memref<67108864xf32, #tpu.memory_space<hbm>> -> memref<67108480xf32, #tpu.memory_space<hbm>>
      %dma_start3A_1232 = arith.constant 0 : i32
      %dma_start3A_1233 = tpu.memref_slice %dma_start3A_1231[%dma_start3A_1232] : memref<67108480xf32, #tpu.memory_space<hbm>> -> memref<67108480xf32, #tpu.memory_space<hbm>>
      %dma_start3A_1234 = arith.constant -1 : i32
      tpu.enqueue_indirect_dma source(%dma_start3A_1233 : memref<67108480xf32, #tpu.memory_space<hbm>>) target(%dma_start3A_1224 : memref<512xf32, #tpu.memory_space<vmem>>) offsets(%dma_start3A_1229 : memref<512xi32, #tpu.memory_space<vmem>>) offset_filter(%dma_start3A_1234) semaphore(%arg12 : memref<!tpu.dma_semaphore, #tpu.memory_space<semaphore_mem>>)
      %dma_start3A_1235 = arith.constant 0 : i32
      %dma_start3A_1236 = arith.constant 0 : i32
      %dma_start3A_1237 = arith.constant 0 : i32
      %dma_start3A_1238 = tpu.memref_slice %arg9[%dma_start3A_1236, %dma_start3A_1237] : memref<2x4096xf32, #tpu.memory_space<vmem>> -> memref<1x4096xf32, #tpu.memory_space<vmem>>
      %dma_start3A_1239 = tpu.memref_squeeze %dma_start3A_1238 : memref<1x4096xf32, #tpu.memory_space<vmem>> -> memref<4096xf32, #tpu.memory_space<vmem>>
      %dma_start3A_1240 = arith.constant 2560 : i32
      %dma_start3A_1241 = tpu.memref_slice %dma_start3A_1239[%dma_start3A_1240] : memref<4096xf32, #tpu.memory_space<vmem>> -> memref<512xf32, #tpu.memory_space<vmem>>
      %dma_start3A_1242 = arith.constant 0 : i32
      %dma_start3A_1243 = tpu.memref_slice %arg5[%dma_start3A_1235, %dma_start3A_1242] : memref<2x4096xi32, #tpu.memory_space<vmem>> -> memref<1x4096xi32, #tpu.memory_space<vmem>>
      %dma_start3A_1244 = tpu.memref_squeeze %dma_start3A_1243 : memref<1x4096xi32, #tpu.memory_space<vmem>> -> memref<4096xi32, #tpu.memory_space<vmem>>
      %dma_start3A_1245 = arith.constant 2560 : i32
      %dma_start3A_1246 = tpu.memref_slice %dma_start3A_1244[%dma_start3A_1245] : memref<4096xi32, #tpu.memory_space<vmem>> -> memref<512xi32, #tpu.memory_space<vmem>>
      %dma_start3A_1247 = arith.constant 384 : i32
      %dma_start3A_1248 = tpu.memref_slice %arg3[%dma_start3A_1247] : memref<67108864xf32, #tpu.memory_space<hbm>> -> memref<67108480xf32, #tpu.memory_space<hbm>>
      %dma_start3A_1249 = arith.constant 0 : i32
      %dma_start3A_1250 = tpu.memref_slice %dma_start3A_1248[%dma_start3A_1249] : memref<67108480xf32, #tpu.memory_space<hbm>> -> memref<67108480xf32, #tpu.memory_space<hbm>>
      %dma_start3A_1251 = arith.constant -1 : i32
      tpu.enqueue_indirect_dma source(%dma_start3A_1250 : memref<67108480xf32, #tpu.memory_space<hbm>>) target(%dma_start3A_1241 : memref<512xf32, #tpu.memory_space<vmem>>) offsets(%dma_start3A_1246 : memref<512xi32, #tpu.memory_space<vmem>>) offset_filter(%dma_start3A_1251) semaphore(%arg12 : memref<!tpu.dma_semaphore, #tpu.memory_space<semaphore_mem>>)
      %dma_start3A_1252 = arith.constant 0 : i32
      %dma_start3A_1253 = arith.constant 0 : i32
      %dma_start3A_1254 = arith.constant 0 : i32
      %dma_start3A_1255 = tpu.memref_slice %arg9[%dma_start3A_1253, %dma_start3A_1254] : memref<2x4096xf32, #tpu.memory_space<vmem>> -> memref<1x4096xf32, #tpu.memory_space<vmem>>
      %dma_start3A_1256 = tpu.memref_squeeze %dma_start3A_1255 : memref<1x4096xf32, #tpu.memory_space<vmem>> -> memref<4096xf32, #tpu.memory_space<vmem>>
      %dma_start3A_1257 = arith.constant 3072 : i32
      %dma_start3A_1258 = tpu.memref_slice %dma_start3A_1256[%dma_start3A_1257] : memref<4096xf32, #tpu.memory_space<vmem>> -> memref<512xf32, #tpu.memory_space<vmem>>
      %dma_start3A_1259 = arith.constant 0 : i32
      %dma_start3A_1260 = tpu.memref_slice %arg5[%dma_start3A_1252, %dma_start3A_1259] : memref<2x4096xi32, #tpu.memory_space<vmem>> -> memref<1x4096xi32, #tpu.memory_space<vmem>>
      %dma_start3A_1261 = tpu.memref_squeeze %dma_start3A_1260 : memref<1x4096xi32, #tpu.memory_space<vmem>> -> memref<4096xi32, #tpu.memory_space<vmem>>
      %dma_start3A_1262 = arith.constant 3072 : i32
      %dma_start3A_1263 = tpu.memref_slice %dma_start3A_1261[%dma_start3A_1262] : memref<4096xi32, #tpu.memory_space<vmem>> -> memref<512xi32, #tpu.memory_space<vmem>>
      %dma_start3A_1264 = arith.constant 384 : i32
      %dma_start3A_1265 = tpu.memref_slice %arg3[%dma_start3A_1264] : memref<67108864xf32, #tpu.memory_space<hbm>> -> memref<67108480xf32, #tpu.memory_space<hbm>>
      %dma_start3A_1266 = arith.constant 0 : i32
      %dma_start3A_1267 = tpu.memref_slice %dma_start3A_1265[%dma_start3A_1266] : memref<67108480xf32, #tpu.memory_space<hbm>> -> memref<67108480xf32, #tpu.memory_space<hbm>>
      %dma_start3A_1268 = arith.constant -1 : i32
      tpu.enqueue_indirect_dma source(%dma_start3A_1267 : memref<67108480xf32, #tpu.memory_space<hbm>>) target(%dma_start3A_1258 : memref<512xf32, #tpu.memory_space<vmem>>) offsets(%dma_start3A_1263 : memref<512xi32, #tpu.memory_space<vmem>>) offset_filter(%dma_start3A_1268) semaphore(%arg12 : memref<!tpu.dma_semaphore, #tpu.memory_space<semaphore_mem>>)
      %dma_start3A_1269 = arith.constant 0 : i32
      %dma_start3A_1270 = arith.constant 0 : i32
      %dma_start3A_1271 = arith.constant 0 : i32
      %dma_start3A_1272 = tpu.memref_slice %arg9[%dma_start3A_1270, %dma_start3A_1271] : memref<2x4096xf32, #tpu.memory_space<vmem>> -> memref<1x4096xf32, #tpu.memory_space<vmem>>
      %dma_start3A_1273 = tpu.memref_squeeze %dma_start3A_1272 : memref<1x4096xf32, #tpu.memory_space<vmem>> -> memref<4096xf32, #tpu.memory_space<vmem>>
      %dma_start3A_1274 = arith.constant 3584 : i32
      %dma_start3A_1275 = tpu.memref_slice %dma_start3A_1273[%dma_start3A_1274] : memref<4096xf32, #tpu.memory_space<vmem>> -> memref<512xf32, #tpu.memory_space<vmem>>
      %dma_start3A_1276 = arith.constant 0 : i32
      %dma_start3A_1277 = tpu.memref_slice %arg5[%dma_start3A_1269, %dma_start3A_1276] : memref<2x4096xi32, #tpu.memory_space<vmem>> -> memref<1x4096xi32, #tpu.memory_space<vmem>>
      %dma_start3A_1278 = tpu.memref_squeeze %dma_start3A_1277 : memref<1x4096xi32, #tpu.memory_space<vmem>> -> memref<4096xi32, #tpu.memory_space<vmem>>
      %dma_start3A_1279 = arith.constant 3584 : i32
      %dma_start3A_1280 = tpu.memref_slice %dma_start3A_1278[%dma_start3A_1279] : memref<4096xi32, #tpu.memory_space<vmem>> -> memref<512xi32, #tpu.memory_space<vmem>>
      %dma_start3A_1281 = arith.constant 384 : i32
      %dma_start3A_1282 = tpu.memref_slice %arg3[%dma_start3A_1281] : memref<67108864xf32, #tpu.memory_space<hbm>> -> memref<67108480xf32, #tpu.memory_space<hbm>>
      %dma_start3A_1283 = arith.constant 0 : i32
      %dma_start3A_1284 = tpu.memref_slice %dma_start3A_1282[%dma_start3A_1283] : memref<67108480xf32, #tpu.memory_space<hbm>> -> memref<67108480xf32, #tpu.memory_space<hbm>>
      %dma_start3A_1285 = arith.constant -1 : i32
      tpu.enqueue_indirect_dma source(%dma_start3A_1284 : memref<67108480xf32, #tpu.memory_space<hbm>>) target(%dma_start3A_1275 : memref<512xf32, #tpu.memory_space<vmem>>) offsets(%dma_start3A_1280 : memref<512xi32, #tpu.memory_space<vmem>>) offset_filter(%dma_start3A_1285) semaphore(%arg12 : memref<!tpu.dma_semaphore, #tpu.memory_space<semaphore_mem>>)
      %ge3A_1286 = arith.constant 1 : i32
      %ge3A_1287 = arith.cmpi sge, %add3A_725, %ge3A_1286 : i32
      %convert_element_type3A_1288 = arith.extui %ge3A_1287 : i1 to i32
      %cond3A_1289 = arith.constant 0 : i32
      %cond3A_1290 = arith.cmpi ne, %convert_element_type3A_1288, %cond3A_1289 : i32
      scf.if %cond3A_1290 {
        %sub3A = arith.constant 1 : i32
        %sub3A_1876 = arith.subi %add3A_725, %sub3A : i32
        %dma_wait3A_1877 = arith.constant 1 : i32
        %dma_wait3A_1878 = arith.constant 1 : i32
        %dma_wait3A_1879 = arith.constant 0 : i32
        %dma_wait3A_1880 = tpu.memref_slice %arg6[%dma_wait3A_1878, %dma_wait3A_1879] : memref<2x4096xf32, #tpu.memory_space<vmem>> -> memref<1x4096xf32, #tpu.memory_space<vmem>>
        %dma_wait3A_1881 = tpu.memref_squeeze %dma_wait3A_1880 : memref<1x4096xf32, #tpu.memory_space<vmem>> -> memref<4096xf32, #tpu.memory_space<vmem>>
        %dma_wait3A_1882 = arith.constant 0 : i32
        %dma_wait3A_1883 = tpu.memref_slice %dma_wait3A_1881[%dma_wait3A_1882] : memref<4096xf32, #tpu.memory_space<vmem>> -> memref<512xf32, #tpu.memory_space<vmem>>
        %dma_wait3A_1884 = arith.constant 0 : i32
        %dma_wait3A_1885 = tpu.memref_slice %arg5[%dma_wait3A_1877, %dma_wait3A_1884] : memref<2x4096xi32, #tpu.memory_space<vmem>> -> memref<1x4096xi32, #tpu.memory_space<vmem>>
        %dma_wait3A_1886 = tpu.memref_squeeze %dma_wait3A_1885 : memref<1x4096xi32, #tpu.memory_space<vmem>> -> memref<4096xi32, #tpu.memory_space<vmem>>
        %dma_wait3A_1887 = arith.constant 0 : i32
        %dma_wait3A_1888 = tpu.memref_slice %dma_wait3A_1886[%dma_wait3A_1887] : memref<4096xi32, #tpu.memory_space<vmem>> -> memref<512xi32, #tpu.memory_space<vmem>>
        %dma_wait3A_1889 = arith.constant 0 : i32
        %dma_wait3A_1890 = tpu.memref_slice %arg3[%dma_wait3A_1889] : memref<67108864xf32, #tpu.memory_space<hbm>> -> memref<67108864xf32, #tpu.memory_space<hbm>>
        %dma_wait3A_1891 = arith.constant 0 : i32
        %dma_wait3A_1892 = tpu.memref_slice %dma_wait3A_1890[%dma_wait3A_1891] : memref<67108864xf32, #tpu.memory_space<hbm>> -> memref<67108864xf32, #tpu.memory_space<hbm>>
        tpu.wait_indirect_dma semaphore(%arg13 : memref<!tpu.dma_semaphore, #tpu.memory_space<semaphore_mem>>) src(%dma_wait3A_1892 : memref<67108864xf32, #tpu.memory_space<hbm>>) dst(%dma_wait3A_1883 : memref<512xf32, #tpu.memory_space<vmem>>)
        %dma_wait3A_1893 = arith.constant 1 : i32
        %dma_wait3A_1894 = arith.constant 1 : i32
        %dma_wait3A_1895 = arith.constant 0 : i32
        %dma_wait3A_1896 = tpu.memref_slice %arg6[%dma_wait3A_1894, %dma_wait3A_1895] : memref<2x4096xf32, #tpu.memory_space<vmem>> -> memref<1x4096xf32, #tpu.memory_space<vmem>>
        %dma_wait3A_1897 = tpu.memref_squeeze %dma_wait3A_1896 : memref<1x4096xf32, #tpu.memory_space<vmem>> -> memref<4096xf32, #tpu.memory_space<vmem>>
        %dma_wait3A_1898 = arith.constant 512 : i32
        %dma_wait3A_1899 = tpu.memref_slice %dma_wait3A_1897[%dma_wait3A_1898] : memref<4096xf32, #tpu.memory_space<vmem>> -> memref<512xf32, #tpu.memory_space<vmem>>
        %dma_wait3A_1900 = arith.constant 0 : i32
        %dma_wait3A_1901 = tpu.memref_slice %arg5[%dma_wait3A_1893, %dma_wait3A_1900] : memref<2x4096xi32, #tpu.memory_space<vmem>> -> memref<1x4096xi32, #tpu.memory_space<vmem>>
        %dma_wait3A_1902 = tpu.memref_squeeze %dma_wait3A_1901 : memref<1x4096xi32, #tpu.memory_space<vmem>> -> memref<4096xi32, #tpu.memory_space<vmem>>
        %dma_wait3A_1903 = arith.constant 512 : i32
        %dma_wait3A_1904 = tpu.memref_slice %dma_wait3A_1902[%dma_wait3A_1903] : memref<4096xi32, #tpu.memory_space<vmem>> -> memref<512xi32, #tpu.memory_space<vmem>>
        %dma_wait3A_1905 = arith.constant 0 : i32
        %dma_wait3A_1906 = tpu.memref_slice %arg3[%dma_wait3A_1905] : memref<67108864xf32, #tpu.memory_space<hbm>> -> memref<67108864xf32, #tpu.memory_space<hbm>>
        %dma_wait3A_1907 = arith.constant 0 : i32
        %dma_wait3A_1908 = tpu.memref_slice %dma_wait3A_1906[%dma_wait3A_1907] : memref<67108864xf32, #tpu.memory_space<hbm>> -> memref<67108864xf32, #tpu.memory_space<hbm>>
        tpu.wait_indirect_dma semaphore(%arg13 : memref<!tpu.dma_semaphore, #tpu.memory_space<semaphore_mem>>) src(%dma_wait3A_1908 : memref<67108864xf32, #tpu.memory_space<hbm>>) dst(%dma_wait3A_1899 : memref<512xf32, #tpu.memory_space<vmem>>)
        %dma_wait3A_1909 = arith.constant 1 : i32
        %dma_wait3A_1910 = arith.constant 1 : i32
        %dma_wait3A_1911 = arith.constant 0 : i32
        %dma_wait3A_1912 = tpu.memref_slice %arg6[%dma_wait3A_1910, %dma_wait3A_1911] : memref<2x4096xf32, #tpu.memory_space<vmem>> -> memref<1x4096xf32, #tpu.memory_space<vmem>>
        %dma_wait3A_1913 = tpu.memref_squeeze %dma_wait3A_1912 : memref<1x4096xf32, #tpu.memory_space<vmem>> -> memref<4096xf32, #tpu.memory_space<vmem>>
        %dma_wait3A_1914 = arith.constant 1024 : i32
        %dma_wait3A_1915 = tpu.memref_slice %dma_wait3A_1913[%dma_wait3A_1914] : memref<4096xf32, #tpu.memory_space<vmem>> -> memref<512xf32, #tpu.memory_space<vmem>>
        %dma_wait3A_1916 = arith.constant 0 : i32
        %dma_wait3A_1917 = tpu.memref_slice %arg5[%dma_wait3A_1909, %dma_wait3A_1916] : memref<2x4096xi32, #tpu.memory_space<vmem>> -> memref<1x4096xi32, #tpu.memory_space<vmem>>
        %dma_wait3A_1918 = tpu.memref_squeeze %dma_wait3A_1917 : memref<1x4096xi32, #tpu.memory_space<vmem>> -> memref<4096xi32, #tpu.memory_space<vmem>>
        %dma_wait3A_1919 = arith.constant 1024 : i32
        %dma_wait3A_1920 = tpu.memref_slice %dma_wait3A_1918[%dma_wait3A_1919] : memref<4096xi32, #tpu.memory_space<vmem>> -> memref<512xi32, #tpu.memory_space<vmem>>
        %dma_wait3A_1921 = arith.constant 0 : i32
        %dma_wait3A_1922 = tpu.memref_slice %arg3[%dma_wait3A_1921] : memref<67108864xf32, #tpu.memory_space<hbm>> -> memref<67108864xf32, #tpu.memory_space<hbm>>
        %dma_wait3A_1923 = arith.constant 0 : i32
        %dma_wait3A_1924 = tpu.memref_slice %dma_wait3A_1922[%dma_wait3A_1923] : memref<67108864xf32, #tpu.memory_space<hbm>> -> memref<67108864xf32, #tpu.memory_space<hbm>>
        tpu.wait_indirect_dma semaphore(%arg13 : memref<!tpu.dma_semaphore, #tpu.memory_space<semaphore_mem>>) src(%dma_wait3A_1924 : memref<67108864xf32, #tpu.memory_space<hbm>>) dst(%dma_wait3A_1915 : memref<512xf32, #tpu.memory_space<vmem>>)
        %dma_wait3A_1925 = arith.constant 1 : i32
        %dma_wait3A_1926 = arith.constant 1 : i32
        %dma_wait3A_1927 = arith.constant 0 : i32
        %dma_wait3A_1928 = tpu.memref_slice %arg6[%dma_wait3A_1926, %dma_wait3A_1927] : memref<2x4096xf32, #tpu.memory_space<vmem>> -> memref<1x4096xf32, #tpu.memory_space<vmem>>
        %dma_wait3A_1929 = tpu.memref_squeeze %dma_wait3A_1928 : memref<1x4096xf32, #tpu.memory_space<vmem>> -> memref<4096xf32, #tpu.memory_space<vmem>>
        %dma_wait3A_1930 = arith.constant 1536 : i32
        %dma_wait3A_1931 = tpu.memref_slice %dma_wait3A_1929[%dma_wait3A_1930] : memref<4096xf32, #tpu.memory_space<vmem>> -> memref<512xf32, #tpu.memory_space<vmem>>
        %dma_wait3A_1932 = arith.constant 0 : i32
        %dma_wait3A_1933 = tpu.memref_slice %arg5[%dma_wait3A_1925, %dma_wait3A_1932] : memref<2x4096xi32, #tpu.memory_space<vmem>> -> memref<1x4096xi32, #tpu.memory_space<vmem>>
        %dma_wait3A_1934 = tpu.memref_squeeze %dma_wait3A_1933 : memref<1x4096xi32, #tpu.memory_space<vmem>> -> memref<4096xi32, #tpu.memory_space<vmem>>
        %dma_wait3A_1935 = arith.constant 1536 : i32
        %dma_wait3A_1936 = tpu.memref_slice %dma_wait3A_1934[%dma_wait3A_1935] : memref<4096xi32, #tpu.memory_space<vmem>> -> memref<512xi32, #tpu.memory_space<vmem>>
        %dma_wait3A_1937 = arith.constant 0 : i32
        %dma_wait3A_1938 = tpu.memref_slice %arg3[%dma_wait3A_1937] : memref<67108864xf32, #tpu.memory_space<hbm>> -> memref<67108864xf32, #tpu.memory_space<hbm>>
        %dma_wait3A_1939 = arith.constant 0 : i32
        %dma_wait3A_1940 = tpu.memref_slice %dma_wait3A_1938[%dma_wait3A_1939] : memref<67108864xf32, #tpu.memory_space<hbm>> -> memref<67108864xf32, #tpu.memory_space<hbm>>
        tpu.wait_indirect_dma semaphore(%arg13 : memref<!tpu.dma_semaphore, #tpu.memory_space<semaphore_mem>>) src(%dma_wait3A_1940 : memref<67108864xf32, #tpu.memory_space<hbm>>) dst(%dma_wait3A_1931 : memref<512xf32, #tpu.memory_space<vmem>>)
        %dma_wait3A_1941 = arith.constant 1 : i32
        %dma_wait3A_1942 = arith.constant 1 : i32
        %dma_wait3A_1943 = arith.constant 0 : i32
        %dma_wait3A_1944 = tpu.memref_slice %arg6[%dma_wait3A_1942, %dma_wait3A_1943] : memref<2x4096xf32, #tpu.memory_space<vmem>> -> memref<1x4096xf32, #tpu.memory_space<vmem>>
        %dma_wait3A_1945 = tpu.memref_squeeze %dma_wait3A_1944 : memref<1x4096xf32, #tpu.memory_space<vmem>> -> memref<4096xf32, #tpu.memory_space<vmem>>
        %dma_wait3A_1946 = arith.constant 2048 : i32
        %dma_wait3A_1947 = tpu.memref_slice %dma_wait3A_1945[%dma_wait3A_1946] : memref<4096xf32, #tpu.memory_space<vmem>> -> memref<512xf32, #tpu.memory_space<vmem>>
        %dma_wait3A_1948 = arith.constant 0 : i32
        %dma_wait3A_1949 = tpu.memref_slice %arg5[%dma_wait3A_1941, %dma_wait3A_1948] : memref<2x4096xi32, #tpu.memory_space<vmem>> -> memref<1x4096xi32, #tpu.memory_space<vmem>>
        %dma_wait3A_1950 = tpu.memref_squeeze %dma_wait3A_1949 : memref<1x4096xi32, #tpu.memory_space<vmem>> -> memref<4096xi32, #tpu.memory_space<vmem>>
        %dma_wait3A_1951 = arith.constant 2048 : i32
        %dma_wait3A_1952 = tpu.memref_slice %dma_wait3A_1950[%dma_wait3A_1951] : memref<4096xi32, #tpu.memory_space<vmem>> -> memref<512xi32, #tpu.memory_space<vmem>>
        %dma_wait3A_1953 = arith.constant 0 : i32
        %dma_wait3A_1954 = tpu.memref_slice %arg3[%dma_wait3A_1953] : memref<67108864xf32, #tpu.memory_space<hbm>> -> memref<67108864xf32, #tpu.memory_space<hbm>>
        %dma_wait3A_1955 = arith.constant 0 : i32
        %dma_wait3A_1956 = tpu.memref_slice %dma_wait3A_1954[%dma_wait3A_1955] : memref<67108864xf32, #tpu.memory_space<hbm>> -> memref<67108864xf32, #tpu.memory_space<hbm>>
        tpu.wait_indirect_dma semaphore(%arg13 : memref<!tpu.dma_semaphore, #tpu.memory_space<semaphore_mem>>) src(%dma_wait3A_1956 : memref<67108864xf32, #tpu.memory_space<hbm>>) dst(%dma_wait3A_1947 : memref<512xf32, #tpu.memory_space<vmem>>)
        %dma_wait3A_1957 = arith.constant 1 : i32
        %dma_wait3A_1958 = arith.constant 1 : i32
        %dma_wait3A_1959 = arith.constant 0 : i32
        %dma_wait3A_1960 = tpu.memref_slice %arg6[%dma_wait3A_1958, %dma_wait3A_1959] : memref<2x4096xf32, #tpu.memory_space<vmem>> -> memref<1x4096xf32, #tpu.memory_space<vmem>>
        %dma_wait3A_1961 = tpu.memref_squeeze %dma_wait3A_1960 : memref<1x4096xf32, #tpu.memory_space<vmem>> -> memref<4096xf32, #tpu.memory_space<vmem>>
        %dma_wait3A_1962 = arith.constant 2560 : i32
        %dma_wait3A_1963 = tpu.memref_slice %dma_wait3A_1961[%dma_wait3A_1962] : memref<4096xf32, #tpu.memory_space<vmem>> -> memref<512xf32, #tpu.memory_space<vmem>>
        %dma_wait3A_1964 = arith.constant 0 : i32
        %dma_wait3A_1965 = tpu.memref_slice %arg5[%dma_wait3A_1957, %dma_wait3A_1964] : memref<2x4096xi32, #tpu.memory_space<vmem>> -> memref<1x4096xi32, #tpu.memory_space<vmem>>
        %dma_wait3A_1966 = tpu.memref_squeeze %dma_wait3A_1965 : memref<1x4096xi32, #tpu.memory_space<vmem>> -> memref<4096xi32, #tpu.memory_space<vmem>>
        %dma_wait3A_1967 = arith.constant 2560 : i32
        %dma_wait3A_1968 = tpu.memref_slice %dma_wait3A_1966[%dma_wait3A_1967] : memref<4096xi32, #tpu.memory_space<vmem>> -> memref<512xi32, #tpu.memory_space<vmem>>
        %dma_wait3A_1969 = arith.constant 0 : i32
        %dma_wait3A_1970 = tpu.memref_slice %arg3[%dma_wait3A_1969] : memref<67108864xf32, #tpu.memory_space<hbm>> -> memref<67108864xf32, #tpu.memory_space<hbm>>
        %dma_wait3A_1971 = arith.constant 0 : i32
        %dma_wait3A_1972 = tpu.memref_slice %dma_wait3A_1970[%dma_wait3A_1971] : memref<67108864xf32, #tpu.memory_space<hbm>> -> memref<67108864xf32, #tpu.memory_space<hbm>>
        tpu.wait_indirect_dma semaphore(%arg13 : memref<!tpu.dma_semaphore, #tpu.memory_space<semaphore_mem>>) src(%dma_wait3A_1972 : memref<67108864xf32, #tpu.memory_space<hbm>>) dst(%dma_wait3A_1963 : memref<512xf32, #tpu.memory_space<vmem>>)
        %dma_wait3A_1973 = arith.constant 1 : i32
        %dma_wait3A_1974 = arith.constant 1 : i32
        %dma_wait3A_1975 = arith.constant 0 : i32
        %dma_wait3A_1976 = tpu.memref_slice %arg6[%dma_wait3A_1974, %dma_wait3A_1975] : memref<2x4096xf32, #tpu.memory_space<vmem>> -> memref<1x4096xf32, #tpu.memory_space<vmem>>
        %dma_wait3A_1977 = tpu.memref_squeeze %dma_wait3A_1976 : memref<1x4096xf32, #tpu.memory_space<vmem>> -> memref<4096xf32, #tpu.memory_space<vmem>>
        %dma_wait3A_1978 = arith.constant 3072 : i32
        %dma_wait3A_1979 = tpu.memref_slice %dma_wait3A_1977[%dma_wait3A_1978] : memref<4096xf32, #tpu.memory_space<vmem>> -> memref<512xf32, #tpu.memory_space<vmem>>
        %dma_wait3A_1980 = arith.constant 0 : i32
        %dma_wait3A_1981 = tpu.memref_slice %arg5[%dma_wait3A_1973, %dma_wait3A_1980] : memref<2x4096xi32, #tpu.memory_space<vmem>> -> memref<1x4096xi32, #tpu.memory_space<vmem>>
        %dma_wait3A_1982 = tpu.memref_squeeze %dma_wait3A_1981 : memref<1x4096xi32, #tpu.memory_space<vmem>> -> memref<4096xi32, #tpu.memory_space<vmem>>
        %dma_wait3A_1983 = arith.constant 3072 : i32
        %dma_wait3A_1984 = tpu.memref_slice %dma_wait3A_1982[%dma_wait3A_1983] : memref<4096xi32, #tpu.memory_space<vmem>> -> memref<512xi32, #tpu.memory_space<vmem>>
        %dma_wait3A_1985 = arith.constant 0 : i32
        %dma_wait3A_1986 = tpu.memref_slice %arg3[%dma_wait3A_1985] : memref<67108864xf32, #tpu.memory_space<hbm>> -> memref<67108864xf32, #tpu.memory_space<hbm>>
        %dma_wait3A_1987 = arith.constant 0 : i32
        %dma_wait3A_1988 = tpu.memref_slice %dma_wait3A_1986[%dma_wait3A_1987] : memref<67108864xf32, #tpu.memory_space<hbm>> -> memref<67108864xf32, #tpu.memory_space<hbm>>
        tpu.wait_indirect_dma semaphore(%arg13 : memref<!tpu.dma_semaphore, #tpu.memory_space<semaphore_mem>>) src(%dma_wait3A_1988 : memref<67108864xf32, #tpu.memory_space<hbm>>) dst(%dma_wait3A_1979 : memref<512xf32, #tpu.memory_space<vmem>>)
        %dma_wait3A_1989 = arith.constant 1 : i32
        %dma_wait3A_1990 = arith.constant 1 : i32
        %dma_wait3A_1991 = arith.constant 0 : i32
        %dma_wait3A_1992 = tpu.memref_slice %arg6[%dma_wait3A_1990, %dma_wait3A_1991] : memref<2x4096xf32, #tpu.memory_space<vmem>> -> memref<1x4096xf32, #tpu.memory_space<vmem>>
        %dma_wait3A_1993 = tpu.memref_squeeze %dma_wait3A_1992 : memref<1x4096xf32, #tpu.memory_space<vmem>> -> memref<4096xf32, #tpu.memory_space<vmem>>
        %dma_wait3A_1994 = arith.constant 3584 : i32
        %dma_wait3A_1995 = tpu.memref_slice %dma_wait3A_1993[%dma_wait3A_1994] : memref<4096xf32, #tpu.memory_space<vmem>> -> memref<512xf32, #tpu.memory_space<vmem>>
        %dma_wait3A_1996 = arith.constant 0 : i32
        %dma_wait3A_1997 = tpu.memref_slice %arg5[%dma_wait3A_1989, %dma_wait3A_1996] : memref<2x4096xi32, #tpu.memory_space<vmem>> -> memref<1x4096xi32, #tpu.memory_space<vmem>>
        %dma_wait3A_1998 = tpu.memref_squeeze %dma_wait3A_1997 : memref<1x4096xi32, #tpu.memory_space<vmem>> -> memref<4096xi32, #tpu.memory_space<vmem>>
        %dma_wait3A_1999 = arith.constant 3584 : i32
        %dma_wait3A_2000 = tpu.memref_slice %dma_wait3A_1998[%dma_wait3A_1999] : memref<4096xi32, #tpu.memory_space<vmem>> -> memref<512xi32, #tpu.memory_space<vmem>>
        %dma_wait3A_2001 = arith.constant 0 : i32
        %dma_wait3A_2002 = tpu.memref_slice %arg3[%dma_wait3A_2001] : memref<67108864xf32, #tpu.memory_space<hbm>> -> memref<67108864xf32, #tpu.memory_space<hbm>>
        %dma_wait3A_2003 = arith.constant 0 : i32
        %dma_wait3A_2004 = tpu.memref_slice %dma_wait3A_2002[%dma_wait3A_2003] : memref<67108864xf32, #tpu.memory_space<hbm>> -> memref<67108864xf32, #tpu.memory_space<hbm>>
        tpu.wait_indirect_dma semaphore(%arg13 : memref<!tpu.dma_semaphore, #tpu.memory_space<semaphore_mem>>) src(%dma_wait3A_2004 : memref<67108864xf32, #tpu.memory_space<hbm>>) dst(%dma_wait3A_1995 : memref<512xf32, #tpu.memory_space<vmem>>)
        %dma_wait3A_2005 = arith.constant 1 : i32
        %dma_wait3A_2006 = arith.constant 1 : i32
        %dma_wait3A_2007 = arith.constant 0 : i32
        %dma_wait3A_2008 = tpu.memref_slice %arg7[%dma_wait3A_2006, %dma_wait3A_2007] : memref<2x4096xf32, #tpu.memory_space<vmem>> -> memref<1x4096xf32, #tpu.memory_space<vmem>>
        %dma_wait3A_2009 = tpu.memref_squeeze %dma_wait3A_2008 : memref<1x4096xf32, #tpu.memory_space<vmem>> -> memref<4096xf32, #tpu.memory_space<vmem>>
        %dma_wait3A_2010 = arith.constant 0 : i32
        %dma_wait3A_2011 = tpu.memref_slice %dma_wait3A_2009[%dma_wait3A_2010] : memref<4096xf32, #tpu.memory_space<vmem>> -> memref<512xf32, #tpu.memory_space<vmem>>
        %dma_wait3A_2012 = arith.constant 0 : i32
        %dma_wait3A_2013 = tpu.memref_slice %arg5[%dma_wait3A_2005, %dma_wait3A_2012] : memref<2x4096xi32, #tpu.memory_space<vmem>> -> memref<1x4096xi32, #tpu.memory_space<vmem>>
        %dma_wait3A_2014 = tpu.memref_squeeze %dma_wait3A_2013 : memref<1x4096xi32, #tpu.memory_space<vmem>> -> memref<4096xi32, #tpu.memory_space<vmem>>
        %dma_wait3A_2015 = arith.constant 0 : i32
        %dma_wait3A_2016 = tpu.memref_slice %dma_wait3A_2014[%dma_wait3A_2015] : memref<4096xi32, #tpu.memory_space<vmem>> -> memref<512xi32, #tpu.memory_space<vmem>>
        %dma_wait3A_2017 = arith.constant 128 : i32
        %dma_wait3A_2018 = tpu.memref_slice %arg3[%dma_wait3A_2017] : memref<67108864xf32, #tpu.memory_space<hbm>> -> memref<67108736xf32, #tpu.memory_space<hbm>>
        %dma_wait3A_2019 = arith.constant 0 : i32
        %dma_wait3A_2020 = tpu.memref_slice %dma_wait3A_2018[%dma_wait3A_2019] : memref<67108736xf32, #tpu.memory_space<hbm>> -> memref<67108736xf32, #tpu.memory_space<hbm>>
        tpu.wait_indirect_dma semaphore(%arg13 : memref<!tpu.dma_semaphore, #tpu.memory_space<semaphore_mem>>) src(%dma_wait3A_2020 : memref<67108736xf32, #tpu.memory_space<hbm>>) dst(%dma_wait3A_2011 : memref<512xf32, #tpu.memory_space<vmem>>)
        %dma_wait3A_2021 = arith.constant 1 : i32
        %dma_wait3A_2022 = arith.constant 1 : i32
        %dma_wait3A_2023 = arith.constant 0 : i32
        %dma_wait3A_2024 = tpu.memref_slice %arg7[%dma_wait3A_2022, %dma_wait3A_2023] : memref<2x4096xf32, #tpu.memory_space<vmem>> -> memref<1x4096xf32, #tpu.memory_space<vmem>>
        %dma_wait3A_2025 = tpu.memref_squeeze %dma_wait3A_2024 : memref<1x4096xf32, #tpu.memory_space<vmem>> -> memref<4096xf32, #tpu.memory_space<vmem>>
        %dma_wait3A_2026 = arith.constant 512 : i32
        %dma_wait3A_2027 = tpu.memref_slice %dma_wait3A_2025[%dma_wait3A_2026] : memref<4096xf32, #tpu.memory_space<vmem>> -> memref<512xf32, #tpu.memory_space<vmem>>
        %dma_wait3A_2028 = arith.constant 0 : i32
        %dma_wait3A_2029 = tpu.memref_slice %arg5[%dma_wait3A_2021, %dma_wait3A_2028] : memref<2x4096xi32, #tpu.memory_space<vmem>> -> memref<1x4096xi32, #tpu.memory_space<vmem>>
        %dma_wait3A_2030 = tpu.memref_squeeze %dma_wait3A_2029 : memref<1x4096xi32, #tpu.memory_space<vmem>> -> memref<4096xi32, #tpu.memory_space<vmem>>
        %dma_wait3A_2031 = arith.constant 512 : i32
        %dma_wait3A_2032 = tpu.memref_slice %dma_wait3A_2030[%dma_wait3A_2031] : memref<4096xi32, #tpu.memory_space<vmem>> -> memref<512xi32, #tpu.memory_space<vmem>>
        %dma_wait3A_2033 = arith.constant 128 : i32
        %dma_wait3A_2034 = tpu.memref_slice %arg3[%dma_wait3A_2033] : memref<67108864xf32, #tpu.memory_space<hbm>> -> memref<67108736xf32, #tpu.memory_space<hbm>>
        %dma_wait3A_2035 = arith.constant 0 : i32
        %dma_wait3A_2036 = tpu.memref_slice %dma_wait3A_2034[%dma_wait3A_2035] : memref<67108736xf32, #tpu.memory_space<hbm>> -> memref<67108736xf32, #tpu.memory_space<hbm>>
        tpu.wait_indirect_dma semaphore(%arg13 : memref<!tpu.dma_semaphore, #tpu.memory_space<semaphore_mem>>) src(%dma_wait3A_2036 : memref<67108736xf32, #tpu.memory_space<hbm>>) dst(%dma_wait3A_2027 : memref<512xf32, #tpu.memory_space<vmem>>)
        %dma_wait3A_2037 = arith.constant 1 : i32
        %dma_wait3A_2038 = arith.constant 1 : i32
        %dma_wait3A_2039 = arith.constant 0 : i32
        %dma_wait3A_2040 = tpu.memref_slice %arg7[%dma_wait3A_2038, %dma_wait3A_2039] : memref<2x4096xf32, #tpu.memory_space<vmem>> -> memref<1x4096xf32, #tpu.memory_space<vmem>>
        %dma_wait3A_2041 = tpu.memref_squeeze %dma_wait3A_2040 : memref<1x4096xf32, #tpu.memory_space<vmem>> -> memref<4096xf32, #tpu.memory_space<vmem>>
        %dma_wait3A_2042 = arith.constant 1024 : i32
        %dma_wait3A_2043 = tpu.memref_slice %dma_wait3A_2041[%dma_wait3A_2042] : memref<4096xf32, #tpu.memory_space<vmem>> -> memref<512xf32, #tpu.memory_space<vmem>>
        %dma_wait3A_2044 = arith.constant 0 : i32
        %dma_wait3A_2045 = tpu.memref_slice %arg5[%dma_wait3A_2037, %dma_wait3A_2044] : memref<2x4096xi32, #tpu.memory_space<vmem>> -> memref<1x4096xi32, #tpu.memory_space<vmem>>
        %dma_wait3A_2046 = tpu.memref_squeeze %dma_wait3A_2045 : memref<1x4096xi32, #tpu.memory_space<vmem>> -> memref<4096xi32, #tpu.memory_space<vmem>>
        %dma_wait3A_2047 = arith.constant 1024 : i32
        %dma_wait3A_2048 = tpu.memref_slice %dma_wait3A_2046[%dma_wait3A_2047] : memref<4096xi32, #tpu.memory_space<vmem>> -> memref<512xi32, #tpu.memory_space<vmem>>
        %dma_wait3A_2049 = arith.constant 128 : i32
        %dma_wait3A_2050 = tpu.memref_slice %arg3[%dma_wait3A_2049] : memref<67108864xf32, #tpu.memory_space<hbm>> -> memref<67108736xf32, #tpu.memory_space<hbm>>
        %dma_wait3A_2051 = arith.constant 0 : i32
        %dma_wait3A_2052 = tpu.memref_slice %dma_wait3A_2050[%dma_wait3A_2051] : memref<67108736xf32, #tpu.memory_space<hbm>> -> memref<67108736xf32, #tpu.memory_space<hbm>>
        tpu.wait_indirect_dma semaphore(%arg13 : memref<!tpu.dma_semaphore, #tpu.memory_space<semaphore_mem>>) src(%dma_wait3A_2052 : memref<67108736xf32, #tpu.memory_space<hbm>>) dst(%dma_wait3A_2043 : memref<512xf32, #tpu.memory_space<vmem>>)
        %dma_wait3A_2053 = arith.constant 1 : i32
        %dma_wait3A_2054 = arith.constant 1 : i32
        %dma_wait3A_2055 = arith.constant 0 : i32
        %dma_wait3A_2056 = tpu.memref_slice %arg7[%dma_wait3A_2054, %dma_wait3A_2055] : memref<2x4096xf32, #tpu.memory_space<vmem>> -> memref<1x4096xf32, #tpu.memory_space<vmem>>
        %dma_wait3A_2057 = tpu.memref_squeeze %dma_wait3A_2056 : memref<1x4096xf32, #tpu.memory_space<vmem>> -> memref<4096xf32, #tpu.memory_space<vmem>>
        %dma_wait3A_2058 = arith.constant 1536 : i32
        %dma_wait3A_2059 = tpu.memref_slice %dma_wait3A_2057[%dma_wait3A_2058] : memref<4096xf32, #tpu.memory_space<vmem>> -> memref<512xf32, #tpu.memory_space<vmem>>
        %dma_wait3A_2060 = arith.constant 0 : i32
        %dma_wait3A_2061 = tpu.memref_slice %arg5[%dma_wait3A_2053, %dma_wait3A_2060] : memref<2x4096xi32, #tpu.memory_space<vmem>> -> memref<1x4096xi32, #tpu.memory_space<vmem>>
        %dma_wait3A_2062 = tpu.memref_squeeze %dma_wait3A_2061 : memref<1x4096xi32, #tpu.memory_space<vmem>> -> memref<4096xi32, #tpu.memory_space<vmem>>
        %dma_wait3A_2063 = arith.constant 1536 : i32
        %dma_wait3A_2064 = tpu.memref_slice %dma_wait3A_2062[%dma_wait3A_2063] : memref<4096xi32, #tpu.memory_space<vmem>> -> memref<512xi32, #tpu.memory_space<vmem>>
        %dma_wait3A_2065 = arith.constant 128 : i32
        %dma_wait3A_2066 = tpu.memref_slice %arg3[%dma_wait3A_2065] : memref<67108864xf32, #tpu.memory_space<hbm>> -> memref<67108736xf32, #tpu.memory_space<hbm>>
        %dma_wait3A_2067 = arith.constant 0 : i32
        %dma_wait3A_2068 = tpu.memref_slice %dma_wait3A_2066[%dma_wait3A_2067] : memref<67108736xf32, #tpu.memory_space<hbm>> -> memref<67108736xf32, #tpu.memory_space<hbm>>
        tpu.wait_indirect_dma semaphore(%arg13 : memref<!tpu.dma_semaphore, #tpu.memory_space<semaphore_mem>>) src(%dma_wait3A_2068 : memref<67108736xf32, #tpu.memory_space<hbm>>) dst(%dma_wait3A_2059 : memref<512xf32, #tpu.memory_space<vmem>>)
        %dma_wait3A_2069 = arith.constant 1 : i32
        %dma_wait3A_2070 = arith.constant 1 : i32
        %dma_wait3A_2071 = arith.constant 0 : i32
        %dma_wait3A_2072 = tpu.memref_slice %arg7[%dma_wait3A_2070, %dma_wait3A_2071] : memref<2x4096xf32, #tpu.memory_space<vmem>> -> memref<1x4096xf32, #tpu.memory_space<vmem>>
        %dma_wait3A_2073 = tpu.memref_squeeze %dma_wait3A_2072 : memref<1x4096xf32, #tpu.memory_space<vmem>> -> memref<4096xf32, #tpu.memory_space<vmem>>
        %dma_wait3A_2074 = arith.constant 2048 : i32
        %dma_wait3A_2075 = tpu.memref_slice %dma_wait3A_2073[%dma_wait3A_2074] : memref<4096xf32, #tpu.memory_space<vmem>> -> memref<512xf32, #tpu.memory_space<vmem>>
        %dma_wait3A_2076 = arith.constant 0 : i32
        %dma_wait3A_2077 = tpu.memref_slice %arg5[%dma_wait3A_2069, %dma_wait3A_2076] : memref<2x4096xi32, #tpu.memory_space<vmem>> -> memref<1x4096xi32, #tpu.memory_space<vmem>>
        %dma_wait3A_2078 = tpu.memref_squeeze %dma_wait3A_2077 : memref<1x4096xi32, #tpu.memory_space<vmem>> -> memref<4096xi32, #tpu.memory_space<vmem>>
        %dma_wait3A_2079 = arith.constant 2048 : i32
        %dma_wait3A_2080 = tpu.memref_slice %dma_wait3A_2078[%dma_wait3A_2079] : memref<4096xi32, #tpu.memory_space<vmem>> -> memref<512xi32, #tpu.memory_space<vmem>>
        %dma_wait3A_2081 = arith.constant 128 : i32
        %dma_wait3A_2082 = tpu.memref_slice %arg3[%dma_wait3A_2081] : memref<67108864xf32, #tpu.memory_space<hbm>> -> memref<67108736xf32, #tpu.memory_space<hbm>>
        %dma_wait3A_2083 = arith.constant 0 : i32
        %dma_wait3A_2084 = tpu.memref_slice %dma_wait3A_2082[%dma_wait3A_2083] : memref<67108736xf32, #tpu.memory_space<hbm>> -> memref<67108736xf32, #tpu.memory_space<hbm>>
        tpu.wait_indirect_dma semaphore(%arg13 : memref<!tpu.dma_semaphore, #tpu.memory_space<semaphore_mem>>) src(%dma_wait3A_2084 : memref<67108736xf32, #tpu.memory_space<hbm>>) dst(%dma_wait3A_2075 : memref<512xf32, #tpu.memory_space<vmem>>)
        %dma_wait3A_2085 = arith.constant 1 : i32
        %dma_wait3A_2086 = arith.constant 1 : i32
        %dma_wait3A_2087 = arith.constant 0 : i32
        %dma_wait3A_2088 = tpu.memref_slice %arg7[%dma_wait3A_2086, %dma_wait3A_2087] : memref<2x4096xf32, #tpu.memory_space<vmem>> -> memref<1x4096xf32, #tpu.memory_space<vmem>>
        %dma_wait3A_2089 = tpu.memref_squeeze %dma_wait3A_2088 : memref<1x4096xf32, #tpu.memory_space<vmem>> -> memref<4096xf32, #tpu.memory_space<vmem>>
        %dma_wait3A_2090 = arith.constant 2560 : i32
        %dma_wait3A_2091 = tpu.memref_slice %dma_wait3A_2089[%dma_wait3A_2090] : memref<4096xf32, #tpu.memory_space<vmem>> -> memref<512xf32, #tpu.memory_space<vmem>>
        %dma_wait3A_2092 = arith.constant 0 : i32
        %dma_wait3A_2093 = tpu.memref_slice %arg5[%dma_wait3A_2085, %dma_wait3A_2092] : memref<2x4096xi32, #tpu.memory_space<vmem>> -> memref<1x4096xi32, #tpu.memory_space<vmem>>
        %dma_wait3A_2094 = tpu.memref_squeeze %dma_wait3A_2093 : memref<1x4096xi32, #tpu.memory_space<vmem>> -> memref<4096xi32, #tpu.memory_space<vmem>>
        %dma_wait3A_2095 = arith.constant 2560 : i32
        %dma_wait3A_2096 = tpu.memref_slice %dma_wait3A_2094[%dma_wait3A_2095] : memref<4096xi32, #tpu.memory_space<vmem>> -> memref<512xi32, #tpu.memory_space<vmem>>
        %dma_wait3A_2097 = arith.constant 128 : i32
        %dma_wait3A_2098 = tpu.memref_slice %arg3[%dma_wait3A_2097] : memref<67108864xf32, #tpu.memory_space<hbm>> -> memref<67108736xf32, #tpu.memory_space<hbm>>
        %dma_wait3A_2099 = arith.constant 0 : i32
        %dma_wait3A_2100 = tpu.memref_slice %dma_wait3A_2098[%dma_wait3A_2099] : memref<67108736xf32, #tpu.memory_space<hbm>> -> memref<67108736xf32, #tpu.memory_space<hbm>>
        tpu.wait_indirect_dma semaphore(%arg13 : memref<!tpu.dma_semaphore, #tpu.memory_space<semaphore_mem>>) src(%dma_wait3A_2100 : memref<67108736xf32, #tpu.memory_space<hbm>>) dst(%dma_wait3A_2091 : memref<512xf32, #tpu.memory_space<vmem>>)
        %dma_wait3A_2101 = arith.constant 1 : i32
        %dma_wait3A_2102 = arith.constant 1 : i32
        %dma_wait3A_2103 = arith.constant 0 : i32
        %dma_wait3A_2104 = tpu.memref_slice %arg7[%dma_wait3A_2102, %dma_wait3A_2103] : memref<2x4096xf32, #tpu.memory_space<vmem>> -> memref<1x4096xf32, #tpu.memory_space<vmem>>
        %dma_wait3A_2105 = tpu.memref_squeeze %dma_wait3A_2104 : memref<1x4096xf32, #tpu.memory_space<vmem>> -> memref<4096xf32, #tpu.memory_space<vmem>>
        %dma_wait3A_2106 = arith.constant 3072 : i32
        %dma_wait3A_2107 = tpu.memref_slice %dma_wait3A_2105[%dma_wait3A_2106] : memref<4096xf32, #tpu.memory_space<vmem>> -> memref<512xf32, #tpu.memory_space<vmem>>
        %dma_wait3A_2108 = arith.constant 0 : i32
        %dma_wait3A_2109 = tpu.memref_slice %arg5[%dma_wait3A_2101, %dma_wait3A_2108] : memref<2x4096xi32, #tpu.memory_space<vmem>> -> memref<1x4096xi32, #tpu.memory_space<vmem>>
        %dma_wait3A_2110 = tpu.memref_squeeze %dma_wait3A_2109 : memref<1x4096xi32, #tpu.memory_space<vmem>> -> memref<4096xi32, #tpu.memory_space<vmem>>
        %dma_wait3A_2111 = arith.constant 3072 : i32
        %dma_wait3A_2112 = tpu.memref_slice %dma_wait3A_2110[%dma_wait3A_2111] : memref<4096xi32, #tpu.memory_space<vmem>> -> memref<512xi32, #tpu.memory_space<vmem>>
        %dma_wait3A_2113 = arith.constant 128 : i32
        %dma_wait3A_2114 = tpu.memref_slice %arg3[%dma_wait3A_2113] : memref<67108864xf32, #tpu.memory_space<hbm>> -> memref<67108736xf32, #tpu.memory_space<hbm>>
        %dma_wait3A_2115 = arith.constant 0 : i32
        %dma_wait3A_2116 = tpu.memref_slice %dma_wait3A_2114[%dma_wait3A_2115] : memref<67108736xf32, #tpu.memory_space<hbm>> -> memref<67108736xf32, #tpu.memory_space<hbm>>
        tpu.wait_indirect_dma semaphore(%arg13 : memref<!tpu.dma_semaphore, #tpu.memory_space<semaphore_mem>>) src(%dma_wait3A_2116 : memref<67108736xf32, #tpu.memory_space<hbm>>) dst(%dma_wait3A_2107 : memref<512xf32, #tpu.memory_space<vmem>>)
        %dma_wait3A_2117 = arith.constant 1 : i32
        %dma_wait3A_2118 = arith.constant 1 : i32
        %dma_wait3A_2119 = arith.constant 0 : i32
        %dma_wait3A_2120 = tpu.memref_slice %arg7[%dma_wait3A_2118, %dma_wait3A_2119] : memref<2x4096xf32, #tpu.memory_space<vmem>> -> memref<1x4096xf32, #tpu.memory_space<vmem>>
        %dma_wait3A_2121 = tpu.memref_squeeze %dma_wait3A_2120 : memref<1x4096xf32, #tpu.memory_space<vmem>> -> memref<4096xf32, #tpu.memory_space<vmem>>
        %dma_wait3A_2122 = arith.constant 3584 : i32
        %dma_wait3A_2123 = tpu.memref_slice %dma_wait3A_2121[%dma_wait3A_2122] : memref<4096xf32, #tpu.memory_space<vmem>> -> memref<512xf32, #tpu.memory_space<vmem>>
        %dma_wait3A_2124 = arith.constant 0 : i32
        %dma_wait3A_2125 = tpu.memref_slice %arg5[%dma_wait3A_2117, %dma_wait3A_2124] : memref<2x4096xi32, #tpu.memory_space<vmem>> -> memref<1x4096xi32, #tpu.memory_space<vmem>>
        %dma_wait3A_2126 = tpu.memref_squeeze %dma_wait3A_2125 : memref<1x4096xi32, #tpu.memory_space<vmem>> -> memref<4096xi32, #tpu.memory_space<vmem>>
        %dma_wait3A_2127 = arith.constant 3584 : i32
        %dma_wait3A_2128 = tpu.memref_slice %dma_wait3A_2126[%dma_wait3A_2127] : memref<4096xi32, #tpu.memory_space<vmem>> -> memref<512xi32, #tpu.memory_space<vmem>>
        %dma_wait3A_2129 = arith.constant 128 : i32
        %dma_wait3A_2130 = tpu.memref_slice %arg3[%dma_wait3A_2129] : memref<67108864xf32, #tpu.memory_space<hbm>> -> memref<67108736xf32, #tpu.memory_space<hbm>>
        %dma_wait3A_2131 = arith.constant 0 : i32
        %dma_wait3A_2132 = tpu.memref_slice %dma_wait3A_2130[%dma_wait3A_2131] : memref<67108736xf32, #tpu.memory_space<hbm>> -> memref<67108736xf32, #tpu.memory_space<hbm>>
        tpu.wait_indirect_dma semaphore(%arg13 : memref<!tpu.dma_semaphore, #tpu.memory_space<semaphore_mem>>) src(%dma_wait3A_2132 : memref<67108736xf32, #tpu.memory_space<hbm>>) dst(%dma_wait3A_2123 : memref<512xf32, #tpu.memory_space<vmem>>)
        %dma_wait3A_2133 = arith.constant 1 : i32
        %dma_wait3A_2134 = arith.constant 1 : i32
        %dma_wait3A_2135 = arith.constant 0 : i32
        %dma_wait3A_2136 = tpu.memref_slice %arg8[%dma_wait3A_2134, %dma_wait3A_2135] : memref<2x4096xf32, #tpu.memory_space<vmem>> -> memref<1x4096xf32, #tpu.memory_space<vmem>>
        %dma_wait3A_2137 = tpu.memref_squeeze %dma_wait3A_2136 : memref<1x4096xf32, #tpu.memory_space<vmem>> -> memref<4096xf32, #tpu.memory_space<vmem>>
        %dma_wait3A_2138 = arith.constant 0 : i32
        %dma_wait3A_2139 = tpu.memref_slice %dma_wait3A_2137[%dma_wait3A_2138] : memref<4096xf32, #tpu.memory_space<vmem>> -> memref<512xf32, #tpu.memory_space<vmem>>
        %dma_wait3A_2140 = arith.constant 0 : i32
        %dma_wait3A_2141 = tpu.memref_slice %arg5[%dma_wait3A_2133, %dma_wait3A_2140] : memref<2x4096xi32, #tpu.memory_space<vmem>> -> memref<1x4096xi32, #tpu.memory_space<vmem>>
        %dma_wait3A_2142 = tpu.memref_squeeze %dma_wait3A_2141 : memref<1x4096xi32, #tpu.memory_space<vmem>> -> memref<4096xi32, #tpu.memory_space<vmem>>
        %dma_wait3A_2143 = arith.constant 0 : i32
        %dma_wait3A_2144 = tpu.memref_slice %dma_wait3A_2142[%dma_wait3A_2143] : memref<4096xi32, #tpu.memory_space<vmem>> -> memref<512xi32, #tpu.memory_space<vmem>>
        %dma_wait3A_2145 = arith.constant 256 : i32
        %dma_wait3A_2146 = tpu.memref_slice %arg3[%dma_wait3A_2145] : memref<67108864xf32, #tpu.memory_space<hbm>> -> memref<67108608xf32, #tpu.memory_space<hbm>>
        %dma_wait3A_2147 = arith.constant 0 : i32
        %dma_wait3A_2148 = tpu.memref_slice %dma_wait3A_2146[%dma_wait3A_2147] : memref<67108608xf32, #tpu.memory_space<hbm>> -> memref<67108608xf32, #tpu.memory_space<hbm>>
        tpu.wait_indirect_dma semaphore(%arg13 : memref<!tpu.dma_semaphore, #tpu.memory_space<semaphore_mem>>) src(%dma_wait3A_2148 : memref<67108608xf32, #tpu.memory_space<hbm>>) dst(%dma_wait3A_2139 : memref<512xf32, #tpu.memory_space<vmem>>)
        %dma_wait3A_2149 = arith.constant 1 : i32
        %dma_wait3A_2150 = arith.constant 1 : i32
        %dma_wait3A_2151 = arith.constant 0 : i32
        %dma_wait3A_2152 = tpu.memref_slice %arg8[%dma_wait3A_2150, %dma_wait3A_2151] : memref<2x4096xf32, #tpu.memory_space<vmem>> -> memref<1x4096xf32, #tpu.memory_space<vmem>>
        %dma_wait3A_2153 = tpu.memref_squeeze %dma_wait3A_2152 : memref<1x4096xf32, #tpu.memory_space<vmem>> -> memref<4096xf32, #tpu.memory_space<vmem>>
        %dma_wait3A_2154 = arith.constant 512 : i32
        %dma_wait3A_2155 = tpu.memref_slice %dma_wait3A_2153[%dma_wait3A_2154] : memref<4096xf32, #tpu.memory_space<vmem>> -> memref<512xf32, #tpu.memory_space<vmem>>
        %dma_wait3A_2156 = arith.constant 0 : i32
        %dma_wait3A_2157 = tpu.memref_slice %arg5[%dma_wait3A_2149, %dma_wait3A_2156] : memref<2x4096xi32, #tpu.memory_space<vmem>> -> memref<1x4096xi32, #tpu.memory_space<vmem>>
        %dma_wait3A_2158 = tpu.memref_squeeze %dma_wait3A_2157 : memref<1x4096xi32, #tpu.memory_space<vmem>> -> memref<4096xi32, #tpu.memory_space<vmem>>
        %dma_wait3A_2159 = arith.constant 512 : i32
        %dma_wait3A_2160 = tpu.memref_slice %dma_wait3A_2158[%dma_wait3A_2159] : memref<4096xi32, #tpu.memory_space<vmem>> -> memref<512xi32, #tpu.memory_space<vmem>>
        %dma_wait3A_2161 = arith.constant 256 : i32
        %dma_wait3A_2162 = tpu.memref_slice %arg3[%dma_wait3A_2161] : memref<67108864xf32, #tpu.memory_space<hbm>> -> memref<67108608xf32, #tpu.memory_space<hbm>>
        %dma_wait3A_2163 = arith.constant 0 : i32
        %dma_wait3A_2164 = tpu.memref_slice %dma_wait3A_2162[%dma_wait3A_2163] : memref<67108608xf32, #tpu.memory_space<hbm>> -> memref<67108608xf32, #tpu.memory_space<hbm>>
        tpu.wait_indirect_dma semaphore(%arg13 : memref<!tpu.dma_semaphore, #tpu.memory_space<semaphore_mem>>) src(%dma_wait3A_2164 : memref<67108608xf32, #tpu.memory_space<hbm>>) dst(%dma_wait3A_2155 : memref<512xf32, #tpu.memory_space<vmem>>)
        %dma_wait3A_2165 = arith.constant 1 : i32
        %dma_wait3A_2166 = arith.constant 1 : i32
        %dma_wait3A_2167 = arith.constant 0 : i32
        %dma_wait3A_2168 = tpu.memref_slice %arg8[%dma_wait3A_2166, %dma_wait3A_2167] : memref<2x4096xf32, #tpu.memory_space<vmem>> -> memref<1x4096xf32, #tpu.memory_space<vmem>>
        %dma_wait3A_2169 = tpu.memref_squeeze %dma_wait3A_2168 : memref<1x4096xf32, #tpu.memory_space<vmem>> -> memref<4096xf32, #tpu.memory_space<vmem>>
        %dma_wait3A_2170 = arith.constant 1024 : i32
        %dma_wait3A_2171 = tpu.memref_slice %dma_wait3A_2169[%dma_wait3A_2170] : memref<4096xf32, #tpu.memory_space<vmem>> -> memref<512xf32, #tpu.memory_space<vmem>>
        %dma_wait3A_2172 = arith.constant 0 : i32
        %dma_wait3A_2173 = tpu.memref_slice %arg5[%dma_wait3A_2165, %dma_wait3A_2172] : memref<2x4096xi32, #tpu.memory_space<vmem>> -> memref<1x4096xi32, #tpu.memory_space<vmem>>
        %dma_wait3A_2174 = tpu.memref_squeeze %dma_wait3A_2173 : memref<1x4096xi32, #tpu.memory_space<vmem>> -> memref<4096xi32, #tpu.memory_space<vmem>>
        %dma_wait3A_2175 = arith.constant 1024 : i32
        %dma_wait3A_2176 = tpu.memref_slice %dma_wait3A_2174[%dma_wait3A_2175] : memref<4096xi32, #tpu.memory_space<vmem>> -> memref<512xi32, #tpu.memory_space<vmem>>
        %dma_wait3A_2177 = arith.constant 256 : i32
        %dma_wait3A_2178 = tpu.memref_slice %arg3[%dma_wait3A_2177] : memref<67108864xf32, #tpu.memory_space<hbm>> -> memref<67108608xf32, #tpu.memory_space<hbm>>
        %dma_wait3A_2179 = arith.constant 0 : i32
        %dma_wait3A_2180 = tpu.memref_slice %dma_wait3A_2178[%dma_wait3A_2179] : memref<67108608xf32, #tpu.memory_space<hbm>> -> memref<67108608xf32, #tpu.memory_space<hbm>>
        tpu.wait_indirect_dma semaphore(%arg13 : memref<!tpu.dma_semaphore, #tpu.memory_space<semaphore_mem>>) src(%dma_wait3A_2180 : memref<67108608xf32, #tpu.memory_space<hbm>>) dst(%dma_wait3A_2171 : memref<512xf32, #tpu.memory_space<vmem>>)
        %dma_wait3A_2181 = arith.constant 1 : i32
        %dma_wait3A_2182 = arith.constant 1 : i32
        %dma_wait3A_2183 = arith.constant 0 : i32
        %dma_wait3A_2184 = tpu.memref_slice %arg8[%dma_wait3A_2182, %dma_wait3A_2183] : memref<2x4096xf32, #tpu.memory_space<vmem>> -> memref<1x4096xf32, #tpu.memory_space<vmem>>
        %dma_wait3A_2185 = tpu.memref_squeeze %dma_wait3A_2184 : memref<1x4096xf32, #tpu.memory_space<vmem>> -> memref<4096xf32, #tpu.memory_space<vmem>>
        %dma_wait3A_2186 = arith.constant 1536 : i32
        %dma_wait3A_2187 = tpu.memref_slice %dma_wait3A_2185[%dma_wait3A_2186] : memref<4096xf32, #tpu.memory_space<vmem>> -> memref<512xf32, #tpu.memory_space<vmem>>
        %dma_wait3A_2188 = arith.constant 0 : i32
        %dma_wait3A_2189 = tpu.memref_slice %arg5[%dma_wait3A_2181, %dma_wait3A_2188] : memref<2x4096xi32, #tpu.memory_space<vmem>> -> memref<1x4096xi32, #tpu.memory_space<vmem>>
        %dma_wait3A_2190 = tpu.memref_squeeze %dma_wait3A_2189 : memref<1x4096xi32, #tpu.memory_space<vmem>> -> memref<4096xi32, #tpu.memory_space<vmem>>
        %dma_wait3A_2191 = arith.constant 1536 : i32
        %dma_wait3A_2192 = tpu.memref_slice %dma_wait3A_2190[%dma_wait3A_2191] : memref<4096xi32, #tpu.memory_space<vmem>> -> memref<512xi32, #tpu.memory_space<vmem>>
        %dma_wait3A_2193 = arith.constant 256 : i32
        %dma_wait3A_2194 = tpu.memref_slice %arg3[%dma_wait3A_2193] : memref<67108864xf32, #tpu.memory_space<hbm>> -> memref<67108608xf32, #tpu.memory_space<hbm>>
        %dma_wait3A_2195 = arith.constant 0 : i32
        %dma_wait3A_2196 = tpu.memref_slice %dma_wait3A_2194[%dma_wait3A_2195] : memref<67108608xf32, #tpu.memory_space<hbm>> -> memref<67108608xf32, #tpu.memory_space<hbm>>
        tpu.wait_indirect_dma semaphore(%arg13 : memref<!tpu.dma_semaphore, #tpu.memory_space<semaphore_mem>>) src(%dma_wait3A_2196 : memref<67108608xf32, #tpu.memory_space<hbm>>) dst(%dma_wait3A_2187 : memref<512xf32, #tpu.memory_space<vmem>>)
        %dma_wait3A_2197 = arith.constant 1 : i32
        %dma_wait3A_2198 = arith.constant 1 : i32
        %dma_wait3A_2199 = arith.constant 0 : i32
        %dma_wait3A_2200 = tpu.memref_slice %arg8[%dma_wait3A_2198, %dma_wait3A_2199] : memref<2x4096xf32, #tpu.memory_space<vmem>> -> memref<1x4096xf32, #tpu.memory_space<vmem>>
        %dma_wait3A_2201 = tpu.memref_squeeze %dma_wait3A_2200 : memref<1x4096xf32, #tpu.memory_space<vmem>> -> memref<4096xf32, #tpu.memory_space<vmem>>
        %dma_wait3A_2202 = arith.constant 2048 : i32
        %dma_wait3A_2203 = tpu.memref_slice %dma_wait3A_2201[%dma_wait3A_2202] : memref<4096xf32, #tpu.memory_space<vmem>> -> memref<512xf32, #tpu.memory_space<vmem>>
        %dma_wait3A_2204 = arith.constant 0 : i32
        %dma_wait3A_2205 = tpu.memref_slice %arg5[%dma_wait3A_2197, %dma_wait3A_2204] : memref<2x4096xi32, #tpu.memory_space<vmem>> -> memref<1x4096xi32, #tpu.memory_space<vmem>>
        %dma_wait3A_2206 = tpu.memref_squeeze %dma_wait3A_2205 : memref<1x4096xi32, #tpu.memory_space<vmem>> -> memref<4096xi32, #tpu.memory_space<vmem>>
        %dma_wait3A_2207 = arith.constant 2048 : i32
        %dma_wait3A_2208 = tpu.memref_slice %dma_wait3A_2206[%dma_wait3A_2207] : memref<4096xi32, #tpu.memory_space<vmem>> -> memref<512xi32, #tpu.memory_space<vmem>>
        %dma_wait3A_2209 = arith.constant 256 : i32
        %dma_wait3A_2210 = tpu.memref_slice %arg3[%dma_wait3A_2209] : memref<67108864xf32, #tpu.memory_space<hbm>> -> memref<67108608xf32, #tpu.memory_space<hbm>>
        %dma_wait3A_2211 = arith.constant 0 : i32
        %dma_wait3A_2212 = tpu.memref_slice %dma_wait3A_2210[%dma_wait3A_2211] : memref<67108608xf32, #tpu.memory_space<hbm>> -> memref<67108608xf32, #tpu.memory_space<hbm>>
        tpu.wait_indirect_dma semaphore(%arg13 : memref<!tpu.dma_semaphore, #tpu.memory_space<semaphore_mem>>) src(%dma_wait3A_2212 : memref<67108608xf32, #tpu.memory_space<hbm>>) dst(%dma_wait3A_2203 : memref<512xf32, #tpu.memory_space<vmem>>)
        %dma_wait3A_2213 = arith.constant 1 : i32
        %dma_wait3A_2214 = arith.constant 1 : i32
        %dma_wait3A_2215 = arith.constant 0 : i32
        %dma_wait3A_2216 = tpu.memref_slice %arg8[%dma_wait3A_2214, %dma_wait3A_2215] : memref<2x4096xf32, #tpu.memory_space<vmem>> -> memref<1x4096xf32, #tpu.memory_space<vmem>>
        %dma_wait3A_2217 = tpu.memref_squeeze %dma_wait3A_2216 : memref<1x4096xf32, #tpu.memory_space<vmem>> -> memref<4096xf32, #tpu.memory_space<vmem>>
        %dma_wait3A_2218 = arith.constant 2560 : i32
        %dma_wait3A_2219 = tpu.memref_slice %dma_wait3A_2217[%dma_wait3A_2218] : memref<4096xf32, #tpu.memory_space<vmem>> -> memref<512xf32, #tpu.memory_space<vmem>>
        %dma_wait3A_2220 = arith.constant 0 : i32
        %dma_wait3A_2221 = tpu.memref_slice %arg5[%dma_wait3A_2213, %dma_wait3A_2220] : memref<2x4096xi32, #tpu.memory_space<vmem>> -> memref<1x4096xi32, #tpu.memory_space<vmem>>
        %dma_wait3A_2222 = tpu.memref_squeeze %dma_wait3A_2221 : memref<1x4096xi32, #tpu.memory_space<vmem>> -> memref<4096xi32, #tpu.memory_space<vmem>>
        %dma_wait3A_2223 = arith.constant 2560 : i32
        %dma_wait3A_2224 = tpu.memref_slice %dma_wait3A_2222[%dma_wait3A_2223] : memref<4096xi32, #tpu.memory_space<vmem>> -> memref<512xi32, #tpu.memory_space<vmem>>
        %dma_wait3A_2225 = arith.constant 256 : i32
        %dma_wait3A_2226 = tpu.memref_slice %arg3[%dma_wait3A_2225] : memref<67108864xf32, #tpu.memory_space<hbm>> -> memref<67108608xf32, #tpu.memory_space<hbm>>
        %dma_wait3A_2227 = arith.constant 0 : i32
        %dma_wait3A_2228 = tpu.memref_slice %dma_wait3A_2226[%dma_wait3A_2227] : memref<67108608xf32, #tpu.memory_space<hbm>> -> memref<67108608xf32, #tpu.memory_space<hbm>>
        tpu.wait_indirect_dma semaphore(%arg13 : memref<!tpu.dma_semaphore, #tpu.memory_space<semaphore_mem>>) src(%dma_wait3A_2228 : memref<67108608xf32, #tpu.memory_space<hbm>>) dst(%dma_wait3A_2219 : memref<512xf32, #tpu.memory_space<vmem>>)
        %dma_wait3A_2229 = arith.constant 1 : i32
        %dma_wait3A_2230 = arith.constant 1 : i32
        %dma_wait3A_2231 = arith.constant 0 : i32
        %dma_wait3A_2232 = tpu.memref_slice %arg8[%dma_wait3A_2230, %dma_wait3A_2231] : memref<2x4096xf32, #tpu.memory_space<vmem>> -> memref<1x4096xf32, #tpu.memory_space<vmem>>
        %dma_wait3A_2233 = tpu.memref_squeeze %dma_wait3A_2232 : memref<1x4096xf32, #tpu.memory_space<vmem>> -> memref<4096xf32, #tpu.memory_space<vmem>>
        %dma_wait3A_2234 = arith.constant 3072 : i32
        %dma_wait3A_2235 = tpu.memref_slice %dma_wait3A_2233[%dma_wait3A_2234] : memref<4096xf32, #tpu.memory_space<vmem>> -> memref<512xf32, #tpu.memory_space<vmem>>
        %dma_wait3A_2236 = arith.constant 0 : i32
        %dma_wait3A_2237 = tpu.memref_slice %arg5[%dma_wait3A_2229, %dma_wait3A_2236] : memref<2x4096xi32, #tpu.memory_space<vmem>> -> memref<1x4096xi32, #tpu.memory_space<vmem>>
        %dma_wait3A_2238 = tpu.memref_squeeze %dma_wait3A_2237 : memref<1x4096xi32, #tpu.memory_space<vmem>> -> memref<4096xi32, #tpu.memory_space<vmem>>
        %dma_wait3A_2239 = arith.constant 3072 : i32
        %dma_wait3A_2240 = tpu.memref_slice %dma_wait3A_2238[%dma_wait3A_2239] : memref<4096xi32, #tpu.memory_space<vmem>> -> memref<512xi32, #tpu.memory_space<vmem>>
        %dma_wait3A_2241 = arith.constant 256 : i32
        %dma_wait3A_2242 = tpu.memref_slice %arg3[%dma_wait3A_2241] : memref<67108864xf32, #tpu.memory_space<hbm>> -> memref<67108608xf32, #tpu.memory_space<hbm>>
        %dma_wait3A_2243 = arith.constant 0 : i32
        %dma_wait3A_2244 = tpu.memref_slice %dma_wait3A_2242[%dma_wait3A_2243] : memref<67108608xf32, #tpu.memory_space<hbm>> -> memref<67108608xf32, #tpu.memory_space<hbm>>
        tpu.wait_indirect_dma semaphore(%arg13 : memref<!tpu.dma_semaphore, #tpu.memory_space<semaphore_mem>>) src(%dma_wait3A_2244 : memref<67108608xf32, #tpu.memory_space<hbm>>) dst(%dma_wait3A_2235 : memref<512xf32, #tpu.memory_space<vmem>>)
        %dma_wait3A_2245 = arith.constant 1 : i32
        %dma_wait3A_2246 = arith.constant 1 : i32
        %dma_wait3A_2247 = arith.constant 0 : i32
        %dma_wait3A_2248 = tpu.memref_slice %arg8[%dma_wait3A_2246, %dma_wait3A_2247] : memref<2x4096xf32, #tpu.memory_space<vmem>> -> memref<1x4096xf32, #tpu.memory_space<vmem>>
        %dma_wait3A_2249 = tpu.memref_squeeze %dma_wait3A_2248 : memref<1x4096xf32, #tpu.memory_space<vmem>> -> memref<4096xf32, #tpu.memory_space<vmem>>
        %dma_wait3A_2250 = arith.constant 3584 : i32
        %dma_wait3A_2251 = tpu.memref_slice %dma_wait3A_2249[%dma_wait3A_2250] : memref<4096xf32, #tpu.memory_space<vmem>> -> memref<512xf32, #tpu.memory_space<vmem>>
        %dma_wait3A_2252 = arith.constant 0 : i32
        %dma_wait3A_2253 = tpu.memref_slice %arg5[%dma_wait3A_2245, %dma_wait3A_2252] : memref<2x4096xi32, #tpu.memory_space<vmem>> -> memref<1x4096xi32, #tpu.memory_space<vmem>>
        %dma_wait3A_2254 = tpu.memref_squeeze %dma_wait3A_2253 : memref<1x4096xi32, #tpu.memory_space<vmem>> -> memref<4096xi32, #tpu.memory_space<vmem>>
        %dma_wait3A_2255 = arith.constant 3584 : i32
        %dma_wait3A_2256 = tpu.memref_slice %dma_wait3A_2254[%dma_wait3A_2255] : memref<4096xi32, #tpu.memory_space<vmem>> -> memref<512xi32, #tpu.memory_space<vmem>>
        %dma_wait3A_2257 = arith.constant 256 : i32
        %dma_wait3A_2258 = tpu.memref_slice %arg3[%dma_wait3A_2257] : memref<67108864xf32, #tpu.memory_space<hbm>> -> memref<67108608xf32, #tpu.memory_space<hbm>>
        %dma_wait3A_2259 = arith.constant 0 : i32
        %dma_wait3A_2260 = tpu.memref_slice %dma_wait3A_2258[%dma_wait3A_2259] : memref<67108608xf32, #tpu.memory_space<hbm>> -> memref<67108608xf32, #tpu.memory_space<hbm>>
        tpu.wait_indirect_dma semaphore(%arg13 : memref<!tpu.dma_semaphore, #tpu.memory_space<semaphore_mem>>) src(%dma_wait3A_2260 : memref<67108608xf32, #tpu.memory_space<hbm>>) dst(%dma_wait3A_2251 : memref<512xf32, #tpu.memory_space<vmem>>)
        %dma_wait3A_2261 = arith.constant 1 : i32
        %dma_wait3A_2262 = arith.constant 1 : i32
        %dma_wait3A_2263 = arith.constant 0 : i32
        %dma_wait3A_2264 = tpu.memref_slice %arg9[%dma_wait3A_2262, %dma_wait3A_2263] : memref<2x4096xf32, #tpu.memory_space<vmem>> -> memref<1x4096xf32, #tpu.memory_space<vmem>>
        %dma_wait3A_2265 = tpu.memref_squeeze %dma_wait3A_2264 : memref<1x4096xf32, #tpu.memory_space<vmem>> -> memref<4096xf32, #tpu.memory_space<vmem>>
        %dma_wait3A_2266 = arith.constant 0 : i32
        %dma_wait3A_2267 = tpu.memref_slice %dma_wait3A_2265[%dma_wait3A_2266] : memref<4096xf32, #tpu.memory_space<vmem>> -> memref<512xf32, #tpu.memory_space<vmem>>
        %dma_wait3A_2268 = arith.constant 0 : i32
        %dma_wait3A_2269 = tpu.memref_slice %arg5[%dma_wait3A_2261, %dma_wait3A_2268] : memref<2x4096xi32, #tpu.memory_space<vmem>> -> memref<1x4096xi32, #tpu.memory_space<vmem>>
        %dma_wait3A_2270 = tpu.memref_squeeze %dma_wait3A_2269 : memref<1x4096xi32, #tpu.memory_space<vmem>> -> memref<4096xi32, #tpu.memory_space<vmem>>
        %dma_wait3A_2271 = arith.constant 0 : i32
        %dma_wait3A_2272 = tpu.memref_slice %dma_wait3A_2270[%dma_wait3A_2271] : memref<4096xi32, #tpu.memory_space<vmem>> -> memref<512xi32, #tpu.memory_space<vmem>>
        %dma_wait3A_2273 = arith.constant 384 : i32
        %dma_wait3A_2274 = tpu.memref_slice %arg3[%dma_wait3A_2273] : memref<67108864xf32, #tpu.memory_space<hbm>> -> memref<67108480xf32, #tpu.memory_space<hbm>>
        %dma_wait3A_2275 = arith.constant 0 : i32
        %dma_wait3A_2276 = tpu.memref_slice %dma_wait3A_2274[%dma_wait3A_2275] : memref<67108480xf32, #tpu.memory_space<hbm>> -> memref<67108480xf32, #tpu.memory_space<hbm>>
        tpu.wait_indirect_dma semaphore(%arg13 : memref<!tpu.dma_semaphore, #tpu.memory_space<semaphore_mem>>) src(%dma_wait3A_2276 : memref<67108480xf32, #tpu.memory_space<hbm>>) dst(%dma_wait3A_2267 : memref<512xf32, #tpu.memory_space<vmem>>)
        %dma_wait3A_2277 = arith.constant 1 : i32
        %dma_wait3A_2278 = arith.constant 1 : i32
        %dma_wait3A_2279 = arith.constant 0 : i32
        %dma_wait3A_2280 = tpu.memref_slice %arg9[%dma_wait3A_2278, %dma_wait3A_2279] : memref<2x4096xf32, #tpu.memory_space<vmem>> -> memref<1x4096xf32, #tpu.memory_space<vmem>>
        %dma_wait3A_2281 = tpu.memref_squeeze %dma_wait3A_2280 : memref<1x4096xf32, #tpu.memory_space<vmem>> -> memref<4096xf32, #tpu.memory_space<vmem>>
        %dma_wait3A_2282 = arith.constant 512 : i32
        %dma_wait3A_2283 = tpu.memref_slice %dma_wait3A_2281[%dma_wait3A_2282] : memref<4096xf32, #tpu.memory_space<vmem>> -> memref<512xf32, #tpu.memory_space<vmem>>
        %dma_wait3A_2284 = arith.constant 0 : i32
        %dma_wait3A_2285 = tpu.memref_slice %arg5[%dma_wait3A_2277, %dma_wait3A_2284] : memref<2x4096xi32, #tpu.memory_space<vmem>> -> memref<1x4096xi32, #tpu.memory_space<vmem>>
        %dma_wait3A_2286 = tpu.memref_squeeze %dma_wait3A_2285 : memref<1x4096xi32, #tpu.memory_space<vmem>> -> memref<4096xi32, #tpu.memory_space<vmem>>
        %dma_wait3A_2287 = arith.constant 512 : i32
        %dma_wait3A_2288 = tpu.memref_slice %dma_wait3A_2286[%dma_wait3A_2287] : memref<4096xi32, #tpu.memory_space<vmem>> -> memref<512xi32, #tpu.memory_space<vmem>>
        %dma_wait3A_2289 = arith.constant 384 : i32
        %dma_wait3A_2290 = tpu.memref_slice %arg3[%dma_wait3A_2289] : memref<67108864xf32, #tpu.memory_space<hbm>> -> memref<67108480xf32, #tpu.memory_space<hbm>>
        %dma_wait3A_2291 = arith.constant 0 : i32
        %dma_wait3A_2292 = tpu.memref_slice %dma_wait3A_2290[%dma_wait3A_2291] : memref<67108480xf32, #tpu.memory_space<hbm>> -> memref<67108480xf32, #tpu.memory_space<hbm>>
        tpu.wait_indirect_dma semaphore(%arg13 : memref<!tpu.dma_semaphore, #tpu.memory_space<semaphore_mem>>) src(%dma_wait3A_2292 : memref<67108480xf32, #tpu.memory_space<hbm>>) dst(%dma_wait3A_2283 : memref<512xf32, #tpu.memory_space<vmem>>)
        %dma_wait3A_2293 = arith.constant 1 : i32
        %dma_wait3A_2294 = arith.constant 1 : i32
        %dma_wait3A_2295 = arith.constant 0 : i32
        %dma_wait3A_2296 = tpu.memref_slice %arg9[%dma_wait3A_2294, %dma_wait3A_2295] : memref<2x4096xf32, #tpu.memory_space<vmem>> -> memref<1x4096xf32, #tpu.memory_space<vmem>>
        %dma_wait3A_2297 = tpu.memref_squeeze %dma_wait3A_2296 : memref<1x4096xf32, #tpu.memory_space<vmem>> -> memref<4096xf32, #tpu.memory_space<vmem>>
        %dma_wait3A_2298 = arith.constant 1024 : i32
        %dma_wait3A_2299 = tpu.memref_slice %dma_wait3A_2297[%dma_wait3A_2298] : memref<4096xf32, #tpu.memory_space<vmem>> -> memref<512xf32, #tpu.memory_space<vmem>>
        %dma_wait3A_2300 = arith.constant 0 : i32
        %dma_wait3A_2301 = tpu.memref_slice %arg5[%dma_wait3A_2293, %dma_wait3A_2300] : memref<2x4096xi32, #tpu.memory_space<vmem>> -> memref<1x4096xi32, #tpu.memory_space<vmem>>
        %dma_wait3A_2302 = tpu.memref_squeeze %dma_wait3A_2301 : memref<1x4096xi32, #tpu.memory_space<vmem>> -> memref<4096xi32, #tpu.memory_space<vmem>>
        %dma_wait3A_2303 = arith.constant 1024 : i32
        %dma_wait3A_2304 = tpu.memref_slice %dma_wait3A_2302[%dma_wait3A_2303] : memref<4096xi32, #tpu.memory_space<vmem>> -> memref<512xi32, #tpu.memory_space<vmem>>
        %dma_wait3A_2305 = arith.constant 384 : i32
        %dma_wait3A_2306 = tpu.memref_slice %arg3[%dma_wait3A_2305] : memref<67108864xf32, #tpu.memory_space<hbm>> -> memref<67108480xf32, #tpu.memory_space<hbm>>
        %dma_wait3A_2307 = arith.constant 0 : i32
        %dma_wait3A_2308 = tpu.memref_slice %dma_wait3A_2306[%dma_wait3A_2307] : memref<67108480xf32, #tpu.memory_space<hbm>> -> memref<67108480xf32, #tpu.memory_space<hbm>>
        tpu.wait_indirect_dma semaphore(%arg13 : memref<!tpu.dma_semaphore, #tpu.memory_space<semaphore_mem>>) src(%dma_wait3A_2308 : memref<67108480xf32, #tpu.memory_space<hbm>>) dst(%dma_wait3A_2299 : memref<512xf32, #tpu.memory_space<vmem>>)
        %dma_wait3A_2309 = arith.constant 1 : i32
        %dma_wait3A_2310 = arith.constant 1 : i32
        %dma_wait3A_2311 = arith.constant 0 : i32
        %dma_wait3A_2312 = tpu.memref_slice %arg9[%dma_wait3A_2310, %dma_wait3A_2311] : memref<2x4096xf32, #tpu.memory_space<vmem>> -> memref<1x4096xf32, #tpu.memory_space<vmem>>
        %dma_wait3A_2313 = tpu.memref_squeeze %dma_wait3A_2312 : memref<1x4096xf32, #tpu.memory_space<vmem>> -> memref<4096xf32, #tpu.memory_space<vmem>>
        %dma_wait3A_2314 = arith.constant 1536 : i32
        %dma_wait3A_2315 = tpu.memref_slice %dma_wait3A_2313[%dma_wait3A_2314] : memref<4096xf32, #tpu.memory_space<vmem>> -> memref<512xf32, #tpu.memory_space<vmem>>
        %dma_wait3A_2316 = arith.constant 0 : i32
        %dma_wait3A_2317 = tpu.memref_slice %arg5[%dma_wait3A_2309, %dma_wait3A_2316] : memref<2x4096xi32, #tpu.memory_space<vmem>> -> memref<1x4096xi32, #tpu.memory_space<vmem>>
        %dma_wait3A_2318 = tpu.memref_squeeze %dma_wait3A_2317 : memref<1x4096xi32, #tpu.memory_space<vmem>> -> memref<4096xi32, #tpu.memory_space<vmem>>
        %dma_wait3A_2319 = arith.constant 1536 : i32
        %dma_wait3A_2320 = tpu.memref_slice %dma_wait3A_2318[%dma_wait3A_2319] : memref<4096xi32, #tpu.memory_space<vmem>> -> memref<512xi32, #tpu.memory_space<vmem>>
        %dma_wait3A_2321 = arith.constant 384 : i32
        %dma_wait3A_2322 = tpu.memref_slice %arg3[%dma_wait3A_2321] : memref<67108864xf32, #tpu.memory_space<hbm>> -> memref<67108480xf32, #tpu.memory_space<hbm>>
        %dma_wait3A_2323 = arith.constant 0 : i32
        %dma_wait3A_2324 = tpu.memref_slice %dma_wait3A_2322[%dma_wait3A_2323] : memref<67108480xf32, #tpu.memory_space<hbm>> -> memref<67108480xf32, #tpu.memory_space<hbm>>
        tpu.wait_indirect_dma semaphore(%arg13 : memref<!tpu.dma_semaphore, #tpu.memory_space<semaphore_mem>>) src(%dma_wait3A_2324 : memref<67108480xf32, #tpu.memory_space<hbm>>) dst(%dma_wait3A_2315 : memref<512xf32, #tpu.memory_space<vmem>>)
        %dma_wait3A_2325 = arith.constant 1 : i32
        %dma_wait3A_2326 = arith.constant 1 : i32
        %dma_wait3A_2327 = arith.constant 0 : i32
        %dma_wait3A_2328 = tpu.memref_slice %arg9[%dma_wait3A_2326, %dma_wait3A_2327] : memref<2x4096xf32, #tpu.memory_space<vmem>> -> memref<1x4096xf32, #tpu.memory_space<vmem>>
        %dma_wait3A_2329 = tpu.memref_squeeze %dma_wait3A_2328 : memref<1x4096xf32, #tpu.memory_space<vmem>> -> memref<4096xf32, #tpu.memory_space<vmem>>
        %dma_wait3A_2330 = arith.constant 2048 : i32
        %dma_wait3A_2331 = tpu.memref_slice %dma_wait3A_2329[%dma_wait3A_2330] : memref<4096xf32, #tpu.memory_space<vmem>> -> memref<512xf32, #tpu.memory_space<vmem>>
        %dma_wait3A_2332 = arith.constant 0 : i32
        %dma_wait3A_2333 = tpu.memref_slice %arg5[%dma_wait3A_2325, %dma_wait3A_2332] : memref<2x4096xi32, #tpu.memory_space<vmem>> -> memref<1x4096xi32, #tpu.memory_space<vmem>>
        %dma_wait3A_2334 = tpu.memref_squeeze %dma_wait3A_2333 : memref<1x4096xi32, #tpu.memory_space<vmem>> -> memref<4096xi32, #tpu.memory_space<vmem>>
        %dma_wait3A_2335 = arith.constant 2048 : i32
        %dma_wait3A_2336 = tpu.memref_slice %dma_wait3A_2334[%dma_wait3A_2335] : memref<4096xi32, #tpu.memory_space<vmem>> -> memref<512xi32, #tpu.memory_space<vmem>>
        %dma_wait3A_2337 = arith.constant 384 : i32
        %dma_wait3A_2338 = tpu.memref_slice %arg3[%dma_wait3A_2337] : memref<67108864xf32, #tpu.memory_space<hbm>> -> memref<67108480xf32, #tpu.memory_space<hbm>>
        %dma_wait3A_2339 = arith.constant 0 : i32
        %dma_wait3A_2340 = tpu.memref_slice %dma_wait3A_2338[%dma_wait3A_2339] : memref<67108480xf32, #tpu.memory_space<hbm>> -> memref<67108480xf32, #tpu.memory_space<hbm>>
        tpu.wait_indirect_dma semaphore(%arg13 : memref<!tpu.dma_semaphore, #tpu.memory_space<semaphore_mem>>) src(%dma_wait3A_2340 : memref<67108480xf32, #tpu.memory_space<hbm>>) dst(%dma_wait3A_2331 : memref<512xf32, #tpu.memory_space<vmem>>)
        %dma_wait3A_2341 = arith.constant 1 : i32
        %dma_wait3A_2342 = arith.constant 1 : i32
        %dma_wait3A_2343 = arith.constant 0 : i32
        %dma_wait3A_2344 = tpu.memref_slice %arg9[%dma_wait3A_2342, %dma_wait3A_2343] : memref<2x4096xf32, #tpu.memory_space<vmem>> -> memref<1x4096xf32, #tpu.memory_space<vmem>>
        %dma_wait3A_2345 = tpu.memref_squeeze %dma_wait3A_2344 : memref<1x4096xf32, #tpu.memory_space<vmem>> -> memref<4096xf32, #tpu.memory_space<vmem>>
        %dma_wait3A_2346 = arith.constant 2560 : i32
        %dma_wait3A_2347 = tpu.memref_slice %dma_wait3A_2345[%dma_wait3A_2346] : memref<4096xf32, #tpu.memory_space<vmem>> -> memref<512xf32, #tpu.memory_space<vmem>>
        %dma_wait3A_2348 = arith.constant 0 : i32
        %dma_wait3A_2349 = tpu.memref_slice %arg5[%dma_wait3A_2341, %dma_wait3A_2348] : memref<2x4096xi32, #tpu.memory_space<vmem>> -> memref<1x4096xi32, #tpu.memory_space<vmem>>
        %dma_wait3A_2350 = tpu.memref_squeeze %dma_wait3A_2349 : memref<1x4096xi32, #tpu.memory_space<vmem>> -> memref<4096xi32, #tpu.memory_space<vmem>>
        %dma_wait3A_2351 = arith.constant 2560 : i32
        %dma_wait3A_2352 = tpu.memref_slice %dma_wait3A_2350[%dma_wait3A_2351] : memref<4096xi32, #tpu.memory_space<vmem>> -> memref<512xi32, #tpu.memory_space<vmem>>
        %dma_wait3A_2353 = arith.constant 384 : i32
        %dma_wait3A_2354 = tpu.memref_slice %arg3[%dma_wait3A_2353] : memref<67108864xf32, #tpu.memory_space<hbm>> -> memref<67108480xf32, #tpu.memory_space<hbm>>
        %dma_wait3A_2355 = arith.constant 0 : i32
        %dma_wait3A_2356 = tpu.memref_slice %dma_wait3A_2354[%dma_wait3A_2355] : memref<67108480xf32, #tpu.memory_space<hbm>> -> memref<67108480xf32, #tpu.memory_space<hbm>>
        tpu.wait_indirect_dma semaphore(%arg13 : memref<!tpu.dma_semaphore, #tpu.memory_space<semaphore_mem>>) src(%dma_wait3A_2356 : memref<67108480xf32, #tpu.memory_space<hbm>>) dst(%dma_wait3A_2347 : memref<512xf32, #tpu.memory_space<vmem>>)
        %dma_wait3A_2357 = arith.constant 1 : i32
        %dma_wait3A_2358 = arith.constant 1 : i32
        %dma_wait3A_2359 = arith.constant 0 : i32
        %dma_wait3A_2360 = tpu.memref_slice %arg9[%dma_wait3A_2358, %dma_wait3A_2359] : memref<2x4096xf32, #tpu.memory_space<vmem>> -> memref<1x4096xf32, #tpu.memory_space<vmem>>
        %dma_wait3A_2361 = tpu.memref_squeeze %dma_wait3A_2360 : memref<1x4096xf32, #tpu.memory_space<vmem>> -> memref<4096xf32, #tpu.memory_space<vmem>>
        %dma_wait3A_2362 = arith.constant 3072 : i32
        %dma_wait3A_2363 = tpu.memref_slice %dma_wait3A_2361[%dma_wait3A_2362] : memref<4096xf32, #tpu.memory_space<vmem>> -> memref<512xf32, #tpu.memory_space<vmem>>
        %dma_wait3A_2364 = arith.constant 0 : i32
        %dma_wait3A_2365 = tpu.memref_slice %arg5[%dma_wait3A_2357, %dma_wait3A_2364] : memref<2x4096xi32, #tpu.memory_space<vmem>> -> memref<1x4096xi32, #tpu.memory_space<vmem>>
        %dma_wait3A_2366 = tpu.memref_squeeze %dma_wait3A_2365 : memref<1x4096xi32, #tpu.memory_space<vmem>> -> memref<4096xi32, #tpu.memory_space<vmem>>
        %dma_wait3A_2367 = arith.constant 3072 : i32
        %dma_wait3A_2368 = tpu.memref_slice %dma_wait3A_2366[%dma_wait3A_2367] : memref<4096xi32, #tpu.memory_space<vmem>> -> memref<512xi32, #tpu.memory_space<vmem>>
        %dma_wait3A_2369 = arith.constant 384 : i32
        %dma_wait3A_2370 = tpu.memref_slice %arg3[%dma_wait3A_2369] : memref<67108864xf32, #tpu.memory_space<hbm>> -> memref<67108480xf32, #tpu.memory_space<hbm>>
        %dma_wait3A_2371 = arith.constant 0 : i32
        %dma_wait3A_2372 = tpu.memref_slice %dma_wait3A_2370[%dma_wait3A_2371] : memref<67108480xf32, #tpu.memory_space<hbm>> -> memref<67108480xf32, #tpu.memory_space<hbm>>
        tpu.wait_indirect_dma semaphore(%arg13 : memref<!tpu.dma_semaphore, #tpu.memory_space<semaphore_mem>>) src(%dma_wait3A_2372 : memref<67108480xf32, #tpu.memory_space<hbm>>) dst(%dma_wait3A_2363 : memref<512xf32, #tpu.memory_space<vmem>>)
        %dma_wait3A_2373 = arith.constant 1 : i32
        %dma_wait3A_2374 = arith.constant 1 : i32
        %dma_wait3A_2375 = arith.constant 0 : i32
        %dma_wait3A_2376 = tpu.memref_slice %arg9[%dma_wait3A_2374, %dma_wait3A_2375] : memref<2x4096xf32, #tpu.memory_space<vmem>> -> memref<1x4096xf32, #tpu.memory_space<vmem>>
        %dma_wait3A_2377 = tpu.memref_squeeze %dma_wait3A_2376 : memref<1x4096xf32, #tpu.memory_space<vmem>> -> memref<4096xf32, #tpu.memory_space<vmem>>
        %dma_wait3A_2378 = arith.constant 3584 : i32
        %dma_wait3A_2379 = tpu.memref_slice %dma_wait3A_2377[%dma_wait3A_2378] : memref<4096xf32, #tpu.memory_space<vmem>> -> memref<512xf32, #tpu.memory_space<vmem>>
        %dma_wait3A_2380 = arith.constant 0 : i32
        %dma_wait3A_2381 = tpu.memref_slice %arg5[%dma_wait3A_2373, %dma_wait3A_2380] : memref<2x4096xi32, #tpu.memory_space<vmem>> -> memref<1x4096xi32, #tpu.memory_space<vmem>>
        %dma_wait3A_2382 = tpu.memref_squeeze %dma_wait3A_2381 : memref<1x4096xi32, #tpu.memory_space<vmem>> -> memref<4096xi32, #tpu.memory_space<vmem>>
        %dma_wait3A_2383 = arith.constant 3584 : i32
        %dma_wait3A_2384 = tpu.memref_slice %dma_wait3A_2382[%dma_wait3A_2383] : memref<4096xi32, #tpu.memory_space<vmem>> -> memref<512xi32, #tpu.memory_space<vmem>>
        %dma_wait3A_2385 = arith.constant 384 : i32
        %dma_wait3A_2386 = tpu.memref_slice %arg3[%dma_wait3A_2385] : memref<67108864xf32, #tpu.memory_space<hbm>> -> memref<67108480xf32, #tpu.memory_space<hbm>>
        %dma_wait3A_2387 = arith.constant 0 : i32
        %dma_wait3A_2388 = tpu.memref_slice %dma_wait3A_2386[%dma_wait3A_2387] : memref<67108480xf32, #tpu.memory_space<hbm>> -> memref<67108480xf32, #tpu.memory_space<hbm>>
        tpu.wait_indirect_dma semaphore(%arg13 : memref<!tpu.dma_semaphore, #tpu.memory_space<semaphore_mem>>) src(%dma_wait3A_2388 : memref<67108480xf32, #tpu.memory_space<hbm>>) dst(%dma_wait3A_2379 : memref<512xf32, #tpu.memory_space<vmem>>)
        %sub3A_2389 = arith.constant 1 : i32
        %sub3A_2390 = arith.subi %add3A_725, %sub3A_2389 : i32
        %mul3A_2391 = arith.constant 65536 : i32
        %mul3A_2392 = arith.muli %add3A, %mul3A_2391 : i32
        %mul3A_2393 = arith.constant 4096 : i32
        %mul3A_2394 = arith.muli %sub3A_2390, %mul3A_2393 : i32
        %add3A_2395 = arith.addi %mul3A_2392, %mul3A_2394 : i32
        %mul3A_2396 = arith.constant 65536 : i32
        %mul3A_2397 = arith.muli %add3A, %mul3A_2396 : i32
        %mul3A_2398 = arith.constant 4096 : i32
        %mul3A_2399 = arith.muli %sub3A_2390, %mul3A_2398 : i32
        %add3A_2400 = arith.addi %mul3A_2397, %mul3A_2399 : i32
        %mul3A_2401 = arith.constant 65536 : i32
        %mul3A_2402 = arith.muli %add3A, %mul3A_2401 : i32
        %mul3A_2403 = arith.constant 4096 : i32
        %mul3A_2404 = arith.muli %sub3A_2390, %mul3A_2403 : i32
        %add3A_2405 = arith.addi %mul3A_2402, %mul3A_2404 : i32
        %mul3A_2406 = arith.constant 65536 : i32
        %mul3A_2407 = arith.muli %add3A, %mul3A_2406 : i32
        %mul3A_2408 = arith.constant 4096 : i32
        %mul3A_2409 = arith.muli %sub3A_2390, %mul3A_2408 : i32
        %add3A_2410 = arith.addi %mul3A_2407, %mul3A_2409 : i32
        %dma_start3A_2411 = arith.constant 1 : i32
        %dma_start3A_2412 = arith.constant 0 : i32
        %dma_start3A_2413 = arith.constant 0 : i32
        %dma_start3A_2414 = tpu.memref_slice %arg6[%dma_start3A_2411, %dma_start3A_2413] : memref<2x4096xf32, #tpu.memory_space<vmem>> -> memref<1x4096xf32, #tpu.memory_space<vmem>>
        %dma_start3A_2415 = tpu.memref_squeeze %dma_start3A_2414 : memref<1x4096xf32, #tpu.memory_space<vmem>> -> memref<4096xf32, #tpu.memory_space<vmem>>
        %dma_start3A_2416 = tpu.memref_slice %arg4[%dma_start3A_2412, %add3A_2395] : memref<4x2097152xf32, #tpu.memory_space<hbm>> -> memref<1x4096xf32, #tpu.memory_space<hbm>>
        %dma_start3A_2417 = tpu.memref_squeeze %dma_start3A_2416 : memref<1x4096xf32, #tpu.memory_space<hbm>> -> memref<4096xf32, #tpu.memory_space<hbm>>
        %dma_start3A_2418 = tpu.memref_slice %arg4[%dma_start3A_2412, %add3A_2395] : memref<4x2097152xf32, #tpu.memory_space<hbm>> -> memref<1x4096xf32, #tpu.memory_space<hbm>>
        %dma_start3A_2419 = tpu.memref_squeeze %dma_start3A_2418 : memref<1x4096xf32, #tpu.memory_space<hbm>> -> memref<4096xf32, #tpu.memory_space<hbm>>
        %dma_start3A_2420 = arith.constant 0 : i32
        %dma_start3A_2421 = tpu.memref_slice %arg6[%dma_start3A_2411, %dma_start3A_2420] : memref<2x4096xf32, #tpu.memory_space<vmem>> -> memref<1x4096xf32, #tpu.memory_space<vmem>>
        %dma_start3A_2422 = tpu.memref_squeeze %dma_start3A_2421 : memref<1x4096xf32, #tpu.memory_space<vmem>> -> memref<4096xf32, #tpu.memory_space<vmem>>
        tpu.enqueue_dma source(%dma_start3A_2422 : memref<4096xf32, #tpu.memory_space<vmem>>) target(%dma_start3A_2419 : memref<4096xf32, #tpu.memory_space<hbm>>) target_semaphore(%arg15 : memref<!tpu.dma_semaphore, #tpu.memory_space<semaphore_mem>>)
        %dma_start3A_2423 = arith.constant 1 : i32
        %dma_start3A_2424 = arith.constant 1 : i32
        %dma_start3A_2425 = arith.constant 0 : i32
        %dma_start3A_2426 = tpu.memref_slice %arg7[%dma_start3A_2423, %dma_start3A_2425] : memref<2x4096xf32, #tpu.memory_space<vmem>> -> memref<1x4096xf32, #tpu.memory_space<vmem>>
        %dma_start3A_2427 = tpu.memref_squeeze %dma_start3A_2426 : memref<1x4096xf32, #tpu.memory_space<vmem>> -> memref<4096xf32, #tpu.memory_space<vmem>>
        %dma_start3A_2428 = tpu.memref_slice %arg4[%dma_start3A_2424, %add3A_2400] : memref<4x2097152xf32, #tpu.memory_space<hbm>> -> memref<1x4096xf32, #tpu.memory_space<hbm>>
        %dma_start3A_2429 = tpu.memref_squeeze %dma_start3A_2428 : memref<1x4096xf32, #tpu.memory_space<hbm>> -> memref<4096xf32, #tpu.memory_space<hbm>>
        %dma_start3A_2430 = tpu.memref_slice %arg4[%dma_start3A_2424, %add3A_2400] : memref<4x2097152xf32, #tpu.memory_space<hbm>> -> memref<1x4096xf32, #tpu.memory_space<hbm>>
        %dma_start3A_2431 = tpu.memref_squeeze %dma_start3A_2430 : memref<1x4096xf32, #tpu.memory_space<hbm>> -> memref<4096xf32, #tpu.memory_space<hbm>>
        %dma_start3A_2432 = arith.constant 0 : i32
        %dma_start3A_2433 = tpu.memref_slice %arg7[%dma_start3A_2423, %dma_start3A_2432] : memref<2x4096xf32, #tpu.memory_space<vmem>> -> memref<1x4096xf32, #tpu.memory_space<vmem>>
        %dma_start3A_2434 = tpu.memref_squeeze %dma_start3A_2433 : memref<1x4096xf32, #tpu.memory_space<vmem>> -> memref<4096xf32, #tpu.memory_space<vmem>>
        tpu.enqueue_dma source(%dma_start3A_2434 : memref<4096xf32, #tpu.memory_space<vmem>>) target(%dma_start3A_2431 : memref<4096xf32, #tpu.memory_space<hbm>>) target_semaphore(%arg15 : memref<!tpu.dma_semaphore, #tpu.memory_space<semaphore_mem>>)
        %dma_start3A_2435 = arith.constant 1 : i32
        %dma_start3A_2436 = arith.constant 2 : i32
        %dma_start3A_2437 = arith.constant 0 : i32
        %dma_start3A_2438 = tpu.memref_slice %arg8[%dma_start3A_2435, %dma_start3A_2437] : memref<2x4096xf32, #tpu.memory_space<vmem>> -> memref<1x4096xf32, #tpu.memory_space<vmem>>
        %dma_start3A_2439 = tpu.memref_squeeze %dma_start3A_2438 : memref<1x4096xf32, #tpu.memory_space<vmem>> -> memref<4096xf32, #tpu.memory_space<vmem>>
        %dma_start3A_2440 = tpu.memref_slice %arg4[%dma_start3A_2436, %add3A_2405] : memref<4x2097152xf32, #tpu.memory_space<hbm>> -> memref<1x4096xf32, #tpu.memory_space<hbm>>
        %dma_start3A_2441 = tpu.memref_squeeze %dma_start3A_2440 : memref<1x4096xf32, #tpu.memory_space<hbm>> -> memref<4096xf32, #tpu.memory_space<hbm>>
        %dma_start3A_2442 = tpu.memref_slice %arg4[%dma_start3A_2436, %add3A_2405] : memref<4x2097152xf32, #tpu.memory_space<hbm>> -> memref<1x4096xf32, #tpu.memory_space<hbm>>
        %dma_start3A_2443 = tpu.memref_squeeze %dma_start3A_2442 : memref<1x4096xf32, #tpu.memory_space<hbm>> -> memref<4096xf32, #tpu.memory_space<hbm>>
        %dma_start3A_2444 = arith.constant 0 : i32
        %dma_start3A_2445 = tpu.memref_slice %arg8[%dma_start3A_2435, %dma_start3A_2444] : memref<2x4096xf32, #tpu.memory_space<vmem>> -> memref<1x4096xf32, #tpu.memory_space<vmem>>
        %dma_start3A_2446 = tpu.memref_squeeze %dma_start3A_2445 : memref<1x4096xf32, #tpu.memory_space<vmem>> -> memref<4096xf32, #tpu.memory_space<vmem>>
        tpu.enqueue_dma source(%dma_start3A_2446 : memref<4096xf32, #tpu.memory_space<vmem>>) target(%dma_start3A_2443 : memref<4096xf32, #tpu.memory_space<hbm>>) target_semaphore(%arg15 : memref<!tpu.dma_semaphore, #tpu.memory_space<semaphore_mem>>)
        %dma_start3A_2447 = arith.constant 1 : i32
        %dma_start3A_2448 = arith.constant 3 : i32
        %dma_start3A_2449 = arith.constant 0 : i32
        %dma_start3A_2450 = tpu.memref_slice %arg9[%dma_start3A_2447, %dma_start3A_2449] : memref<2x4096xf32, #tpu.memory_space<vmem>> -> memref<1x4096xf32, #tpu.memory_space<vmem>>
        %dma_start3A_2451 = tpu.memref_squeeze %dma_start3A_2450 : memref<1x4096xf32, #tpu.memory_space<vmem>> -> memref<4096xf32, #tpu.memory_space<vmem>>
        %dma_start3A_2452 = tpu.memref_slice %arg4[%dma_start3A_2448, %add3A_2410] : memref<4x2097152xf32, #tpu.memory_space<hbm>> -> memref<1x4096xf32, #tpu.memory_space<hbm>>
        %dma_start3A_2453 = tpu.memref_squeeze %dma_start3A_2452 : memref<1x4096xf32, #tpu.memory_space<hbm>> -> memref<4096xf32, #tpu.memory_space<hbm>>
        %dma_start3A_2454 = tpu.memref_slice %arg4[%dma_start3A_2448, %add3A_2410] : memref<4x2097152xf32, #tpu.memory_space<hbm>> -> memref<1x4096xf32, #tpu.memory_space<hbm>>
        %dma_start3A_2455 = tpu.memref_squeeze %dma_start3A_2454 : memref<1x4096xf32, #tpu.memory_space<hbm>> -> memref<4096xf32, #tpu.memory_space<hbm>>
        %dma_start3A_2456 = arith.constant 0 : i32
        %dma_start3A_2457 = tpu.memref_slice %arg9[%dma_start3A_2447, %dma_start3A_2456] : memref<2x4096xf32, #tpu.memory_space<vmem>> -> memref<1x4096xf32, #tpu.memory_space<vmem>>
        %dma_start3A_2458 = tpu.memref_squeeze %dma_start3A_2457 : memref<1x4096xf32, #tpu.memory_space<vmem>> -> memref<4096xf32, #tpu.memory_space<vmem>>
        tpu.enqueue_dma source(%dma_start3A_2458 : memref<4096xf32, #tpu.memory_space<vmem>>) target(%dma_start3A_2455 : memref<4096xf32, #tpu.memory_space<hbm>>) target_semaphore(%arg15 : memref<!tpu.dma_semaphore, #tpu.memory_space<semaphore_mem>>)
      } else {
      }
      %add3A_1291 = arith.constant 1 : i32
      %add3A_1292 = arith.addi %add3A_725, %add3A_1291 : i32
      %le3A = arith.constant 15 : i32
      %le3A_1293 = arith.cmpi sle, %add3A_1292, %le3A : i32
      %convert_element_type3A_1294 = arith.extui %le3A_1293 : i1 to i32
      %cond3A_1295 = arith.constant 0 : i32
      %cond3A_1296 = arith.cmpi ne, %convert_element_type3A_1294, %cond3A_1295 : i32
      scf.if %cond3A_1296 {
        %add3A_1876 = arith.constant 1 : i32
        %add3A_1877 = arith.addi %add3A_725, %add3A_1876 : i32
        %mul3A_1878 = arith.constant 65536 : i32
        %mul3A_1879 = arith.muli %add3A, %mul3A_1878 : i32
        %mul3A_1880 = arith.constant 4096 : i32
        %mul3A_1881 = arith.muli %add3A_1877, %mul3A_1880 : i32
        %add3A_1882 = arith.addi %mul3A_1879, %mul3A_1881 : i32
        %dma_start3A_1883 = arith.constant 1 : i32
        %dma_start3A_1884 = arith.constant 0 : i32
        %dma_start3A_1885 = tpu.memref_slice %arg5[%dma_start3A_1883, %dma_start3A_1884] : memref<2x4096xi32, #tpu.memory_space<vmem>> -> memref<1x4096xi32, #tpu.memory_space<vmem>>
        %dma_start3A_1886 = tpu.memref_squeeze %dma_start3A_1885 : memref<1x4096xi32, #tpu.memory_space<vmem>> -> memref<4096xi32, #tpu.memory_space<vmem>>
        %dma_start3A_1887 = tpu.memref_slice %arg2[%add3A_1882] : memref<2097152xi32, #tpu.memory_space<hbm>> -> memref<4096xi32, #tpu.memory_space<hbm>>
        %dma_start3A_1888 = arith.constant 0 : i32
        %dma_start3A_1889 = tpu.memref_slice %arg5[%dma_start3A_1883, %dma_start3A_1888] : memref<2x4096xi32, #tpu.memory_space<vmem>> -> memref<1x4096xi32, #tpu.memory_space<vmem>>
        %dma_start3A_1890 = tpu.memref_squeeze %dma_start3A_1889 : memref<1x4096xi32, #tpu.memory_space<vmem>> -> memref<4096xi32, #tpu.memory_space<vmem>>
        %dma_start3A_1891 = tpu.memref_slice %arg2[%add3A_1882] : memref<2097152xi32, #tpu.memory_space<hbm>> -> memref<4096xi32, #tpu.memory_space<hbm>>
        tpu.enqueue_dma source(%dma_start3A_1891 : memref<4096xi32, #tpu.memory_space<hbm>>) target(%dma_start3A_1890 : memref<4096xi32, #tpu.memory_space<vmem>>) target_semaphore(%arg11 : memref<!tpu.dma_semaphore, #tpu.memory_space<semaphore_mem>>)
      } else {
      }
      %mul3A_1297 = arith.constant 2 : i32
      %mul3A_1298 = arith.muli %mul3A_1297, %scan3A_721 : i32
      %add3A_1299 = arith.constant 1 : i32
      %add3A_1300 = arith.addi %mul3A_1298, %add3A_1299 : i32
      %mul3A_1301 = arith.constant 65536 : i32
      %mul3A_1302 = arith.muli %add3A, %mul3A_1301 : i32
      %mul3A_1303 = arith.constant 4096 : i32
      %mul3A_1304 = arith.muli %add3A_1300, %mul3A_1303 : i32
      %add3A_1305 = arith.addi %mul3A_1302, %mul3A_1304 : i32
      %dma_wait3A_1306 = arith.constant 1 : i32
      %dma_wait3A_1307 = arith.constant 0 : i32
      %dma_wait3A_1308 = tpu.memref_slice %arg5[%dma_wait3A_1306, %dma_wait3A_1307] : memref<2x4096xi32, #tpu.memory_space<vmem>> -> memref<1x4096xi32, #tpu.memory_space<vmem>>
      %dma_wait3A_1309 = tpu.memref_squeeze %dma_wait3A_1308 : memref<1x4096xi32, #tpu.memory_space<vmem>> -> memref<4096xi32, #tpu.memory_space<vmem>>
      %dma_wait3A_1310 = tpu.memref_slice %arg2[%add3A_1305] : memref<2097152xi32, #tpu.memory_space<hbm>> -> memref<4096xi32, #tpu.memory_space<hbm>>
      %dma_wait3A_1311 = arith.constant 0 : i32
      %dma_wait3A_1312 = tpu.memref_slice %arg5[%dma_wait3A_1306, %dma_wait3A_1311] : memref<2x4096xi32, #tpu.memory_space<vmem>> -> memref<1x4096xi32, #tpu.memory_space<vmem>>
      %dma_wait3A_1313 = tpu.memref_squeeze %dma_wait3A_1312 : memref<1x4096xi32, #tpu.memory_space<vmem>> -> memref<4096xi32, #tpu.memory_space<vmem>>
      %dma_wait3A_1314 = tpu.memref_slice %arg2[%add3A_1305] : memref<2097152xi32, #tpu.memory_space<hbm>> -> memref<4096xi32, #tpu.memory_space<hbm>>
      tpu.wait_dma2 semaphore(%arg11 : memref<!tpu.dma_semaphore, #tpu.memory_space<semaphore_mem>>) src(%dma_wait3A_1314 : memref<4096xi32, #tpu.memory_space<hbm>>) dst(%dma_wait3A_1313 : memref<4096xi32, #tpu.memory_space<vmem>>)
      %ge3A_1315 = arith.constant 2 : i32
      %ge3A_1316 = arith.cmpi sge, %add3A_1300, %ge3A_1315 : i32
      %convert_element_type3A_1317 = arith.extui %ge3A_1316 : i1 to i32
      %cond3A_1318 = arith.constant 0 : i32
      %cond3A_1319 = arith.cmpi ne, %convert_element_type3A_1317, %cond3A_1318 : i32
      scf.if %cond3A_1319 {
        %sub3A = arith.constant 2 : i32
        %sub3A_1876 = arith.subi %add3A_1300, %sub3A : i32
        %mul3A_1877 = arith.constant 65536 : i32
        %mul3A_1878 = arith.muli %add3A, %mul3A_1877 : i32
        %mul3A_1879 = arith.constant 4096 : i32
        %mul3A_1880 = arith.muli %sub3A_1876, %mul3A_1879 : i32
        %add3A_1881 = arith.addi %mul3A_1878, %mul3A_1880 : i32
        %mul3A_1882 = arith.constant 65536 : i32
        %mul3A_1883 = arith.muli %add3A, %mul3A_1882 : i32
        %mul3A_1884 = arith.constant 4096 : i32
        %mul3A_1885 = arith.muli %sub3A_1876, %mul3A_1884 : i32
        %add3A_1886 = arith.addi %mul3A_1883, %mul3A_1885 : i32
        %mul3A_1887 = arith.constant 65536 : i32
        %mul3A_1888 = arith.muli %add3A, %mul3A_1887 : i32
        %mul3A_1889 = arith.constant 4096 : i32
        %mul3A_1890 = arith.muli %sub3A_1876, %mul3A_1889 : i32
        %add3A_1891 = arith.addi %mul3A_1888, %mul3A_1890 : i32
        %mul3A_1892 = arith.constant 65536 : i32
        %mul3A_1893 = arith.muli %add3A, %mul3A_1892 : i32
        %mul3A_1894 = arith.constant 4096 : i32
        %mul3A_1895 = arith.muli %sub3A_1876, %mul3A_1894 : i32
        %add3A_1896 = arith.addi %mul3A_1893, %mul3A_1895 : i32
        %dma_wait3A_1897 = arith.constant 1 : i32
        %dma_wait3A_1898 = arith.constant 0 : i32
        %dma_wait3A_1899 = arith.constant 0 : i32
        %dma_wait3A_1900 = tpu.memref_slice %arg6[%dma_wait3A_1897, %dma_wait3A_1899] : memref<2x4096xf32, #tpu.memory_space<vmem>> -> memref<1x4096xf32, #tpu.memory_space<vmem>>
        %dma_wait3A_1901 = tpu.memref_squeeze %dma_wait3A_1900 : memref<1x4096xf32, #tpu.memory_space<vmem>> -> memref<4096xf32, #tpu.memory_space<vmem>>
        %dma_wait3A_1902 = tpu.memref_slice %arg4[%dma_wait3A_1898, %add3A_1881] : memref<4x2097152xf32, #tpu.memory_space<hbm>> -> memref<1x4096xf32, #tpu.memory_space<hbm>>
        %dma_wait3A_1903 = tpu.memref_squeeze %dma_wait3A_1902 : memref<1x4096xf32, #tpu.memory_space<hbm>> -> memref<4096xf32, #tpu.memory_space<hbm>>
        %dma_wait3A_1904 = tpu.memref_slice %arg4[%dma_wait3A_1898, %add3A_1881] : memref<4x2097152xf32, #tpu.memory_space<hbm>> -> memref<1x4096xf32, #tpu.memory_space<hbm>>
        %dma_wait3A_1905 = tpu.memref_squeeze %dma_wait3A_1904 : memref<1x4096xf32, #tpu.memory_space<hbm>> -> memref<4096xf32, #tpu.memory_space<hbm>>
        %dma_wait3A_1906 = arith.constant 0 : i32
        %dma_wait3A_1907 = tpu.memref_slice %arg6[%dma_wait3A_1897, %dma_wait3A_1906] : memref<2x4096xf32, #tpu.memory_space<vmem>> -> memref<1x4096xf32, #tpu.memory_space<vmem>>
        %dma_wait3A_1908 = tpu.memref_squeeze %dma_wait3A_1907 : memref<1x4096xf32, #tpu.memory_space<vmem>> -> memref<4096xf32, #tpu.memory_space<vmem>>
        tpu.wait_dma2 semaphore(%arg15 : memref<!tpu.dma_semaphore, #tpu.memory_space<semaphore_mem>>) src(%dma_wait3A_1908 : memref<4096xf32, #tpu.memory_space<vmem>>) dst(%dma_wait3A_1905 : memref<4096xf32, #tpu.memory_space<hbm>>)
        %dma_wait3A_1909 = arith.constant 1 : i32
        %dma_wait3A_1910 = arith.constant 1 : i32
        %dma_wait3A_1911 = arith.constant 0 : i32
        %dma_wait3A_1912 = tpu.memref_slice %arg7[%dma_wait3A_1909, %dma_wait3A_1911] : memref<2x4096xf32, #tpu.memory_space<vmem>> -> memref<1x4096xf32, #tpu.memory_space<vmem>>
        %dma_wait3A_1913 = tpu.memref_squeeze %dma_wait3A_1912 : memref<1x4096xf32, #tpu.memory_space<vmem>> -> memref<4096xf32, #tpu.memory_space<vmem>>
        %dma_wait3A_1914 = tpu.memref_slice %arg4[%dma_wait3A_1910, %add3A_1886] : memref<4x2097152xf32, #tpu.memory_space<hbm>> -> memref<1x4096xf32, #tpu.memory_space<hbm>>
        %dma_wait3A_1915 = tpu.memref_squeeze %dma_wait3A_1914 : memref<1x4096xf32, #tpu.memory_space<hbm>> -> memref<4096xf32, #tpu.memory_space<hbm>>
        %dma_wait3A_1916 = tpu.memref_slice %arg4[%dma_wait3A_1910, %add3A_1886] : memref<4x2097152xf32, #tpu.memory_space<hbm>> -> memref<1x4096xf32, #tpu.memory_space<hbm>>
        %dma_wait3A_1917 = tpu.memref_squeeze %dma_wait3A_1916 : memref<1x4096xf32, #tpu.memory_space<hbm>> -> memref<4096xf32, #tpu.memory_space<hbm>>
        %dma_wait3A_1918 = arith.constant 0 : i32
        %dma_wait3A_1919 = tpu.memref_slice %arg7[%dma_wait3A_1909, %dma_wait3A_1918] : memref<2x4096xf32, #tpu.memory_space<vmem>> -> memref<1x4096xf32, #tpu.memory_space<vmem>>
        %dma_wait3A_1920 = tpu.memref_squeeze %dma_wait3A_1919 : memref<1x4096xf32, #tpu.memory_space<vmem>> -> memref<4096xf32, #tpu.memory_space<vmem>>
        tpu.wait_dma2 semaphore(%arg15 : memref<!tpu.dma_semaphore, #tpu.memory_space<semaphore_mem>>) src(%dma_wait3A_1920 : memref<4096xf32, #tpu.memory_space<vmem>>) dst(%dma_wait3A_1917 : memref<4096xf32, #tpu.memory_space<hbm>>)
        %dma_wait3A_1921 = arith.constant 1 : i32
        %dma_wait3A_1922 = arith.constant 2 : i32
        %dma_wait3A_1923 = arith.constant 0 : i32
        %dma_wait3A_1924 = tpu.memref_slice %arg8[%dma_wait3A_1921, %dma_wait3A_1923] : memref<2x4096xf32, #tpu.memory_space<vmem>> -> memref<1x4096xf32, #tpu.memory_space<vmem>>
        %dma_wait3A_1925 = tpu.memref_squeeze %dma_wait3A_1924 : memref<1x4096xf32, #tpu.memory_space<vmem>> -> memref<4096xf32, #tpu.memory_space<vmem>>
        %dma_wait3A_1926 = tpu.memref_slice %arg4[%dma_wait3A_1922, %add3A_1891] : memref<4x2097152xf32, #tpu.memory_space<hbm>> -> memref<1x4096xf32, #tpu.memory_space<hbm>>
        %dma_wait3A_1927 = tpu.memref_squeeze %dma_wait3A_1926 : memref<1x4096xf32, #tpu.memory_space<hbm>> -> memref<4096xf32, #tpu.memory_space<hbm>>
        %dma_wait3A_1928 = tpu.memref_slice %arg4[%dma_wait3A_1922, %add3A_1891] : memref<4x2097152xf32, #tpu.memory_space<hbm>> -> memref<1x4096xf32, #tpu.memory_space<hbm>>
        %dma_wait3A_1929 = tpu.memref_squeeze %dma_wait3A_1928 : memref<1x4096xf32, #tpu.memory_space<hbm>> -> memref<4096xf32, #tpu.memory_space<hbm>>
        %dma_wait3A_1930 = arith.constant 0 : i32
        %dma_wait3A_1931 = tpu.memref_slice %arg8[%dma_wait3A_1921, %dma_wait3A_1930] : memref<2x4096xf32, #tpu.memory_space<vmem>> -> memref<1x4096xf32, #tpu.memory_space<vmem>>
        %dma_wait3A_1932 = tpu.memref_squeeze %dma_wait3A_1931 : memref<1x4096xf32, #tpu.memory_space<vmem>> -> memref<4096xf32, #tpu.memory_space<vmem>>
        tpu.wait_dma2 semaphore(%arg15 : memref<!tpu.dma_semaphore, #tpu.memory_space<semaphore_mem>>) src(%dma_wait3A_1932 : memref<4096xf32, #tpu.memory_space<vmem>>) dst(%dma_wait3A_1929 : memref<4096xf32, #tpu.memory_space<hbm>>)
        %dma_wait3A_1933 = arith.constant 1 : i32
        %dma_wait3A_1934 = arith.constant 3 : i32
        %dma_wait3A_1935 = arith.constant 0 : i32
        %dma_wait3A_1936 = tpu.memref_slice %arg9[%dma_wait3A_1933, %dma_wait3A_1935] : memref<2x4096xf32, #tpu.memory_space<vmem>> -> memref<1x4096xf32, #tpu.memory_space<vmem>>
        %dma_wait3A_1937 = tpu.memref_squeeze %dma_wait3A_1936 : memref<1x4096xf32, #tpu.memory_space<vmem>> -> memref<4096xf32, #tpu.memory_space<vmem>>
        %dma_wait3A_1938 = tpu.memref_slice %arg4[%dma_wait3A_1934, %add3A_1896] : memref<4x2097152xf32, #tpu.memory_space<hbm>> -> memref<1x4096xf32, #tpu.memory_space<hbm>>
        %dma_wait3A_1939 = tpu.memref_squeeze %dma_wait3A_1938 : memref<1x4096xf32, #tpu.memory_space<hbm>> -> memref<4096xf32, #tpu.memory_space<hbm>>
        %dma_wait3A_1940 = tpu.memref_slice %arg4[%dma_wait3A_1934, %add3A_1896] : memref<4x2097152xf32, #tpu.memory_space<hbm>> -> memref<1x4096xf32, #tpu.memory_space<hbm>>
        %dma_wait3A_1941 = tpu.memref_squeeze %dma_wait3A_1940 : memref<1x4096xf32, #tpu.memory_space<hbm>> -> memref<4096xf32, #tpu.memory_space<hbm>>
        %dma_wait3A_1942 = arith.constant 0 : i32
        %dma_wait3A_1943 = tpu.memref_slice %arg9[%dma_wait3A_1933, %dma_wait3A_1942] : memref<2x4096xf32, #tpu.memory_space<vmem>> -> memref<1x4096xf32, #tpu.memory_space<vmem>>
        %dma_wait3A_1944 = tpu.memref_squeeze %dma_wait3A_1943 : memref<1x4096xf32, #tpu.memory_space<vmem>> -> memref<4096xf32, #tpu.memory_space<vmem>>
        tpu.wait_dma2 semaphore(%arg15 : memref<!tpu.dma_semaphore, #tpu.memory_space<semaphore_mem>>) src(%dma_wait3A_1944 : memref<4096xf32, #tpu.memory_space<vmem>>) dst(%dma_wait3A_1941 : memref<4096xf32, #tpu.memory_space<hbm>>)
      } else {
      }
      %dma_start3A_1320 = arith.constant 1 : i32
      %dma_start3A_1321 = arith.constant 1 : i32
      %dma_start3A_1322 = arith.constant 0 : i32
      %dma_start3A_1323 = tpu.memref_slice %arg6[%dma_start3A_1321, %dma_start3A_1322] : memref<2x4096xf32, #tpu.memory_space<vmem>> -> memref<1x4096xf32, #tpu.memory_space<vmem>>
      %dma_start3A_1324 = tpu.memref_squeeze %dma_start3A_1323 : memref<1x4096xf32, #tpu.memory_space<vmem>> -> memref<4096xf32, #tpu.memory_space<vmem>>
      %dma_start3A_1325 = arith.constant 0 : i32
      %dma_start3A_1326 = tpu.memref_slice %dma_start3A_1324[%dma_start3A_1325] : memref<4096xf32, #tpu.memory_space<vmem>> -> memref<512xf32, #tpu.memory_space<vmem>>
      %dma_start3A_1327 = arith.constant 0 : i32
      %dma_start3A_1328 = tpu.memref_slice %arg5[%dma_start3A_1320, %dma_start3A_1327] : memref<2x4096xi32, #tpu.memory_space<vmem>> -> memref<1x4096xi32, #tpu.memory_space<vmem>>
      %dma_start3A_1329 = tpu.memref_squeeze %dma_start3A_1328 : memref<1x4096xi32, #tpu.memory_space<vmem>> -> memref<4096xi32, #tpu.memory_space<vmem>>
      %dma_start3A_1330 = arith.constant 0 : i32
      %dma_start3A_1331 = tpu.memref_slice %dma_start3A_1329[%dma_start3A_1330] : memref<4096xi32, #tpu.memory_space<vmem>> -> memref<512xi32, #tpu.memory_space<vmem>>
      %dma_start3A_1332 = arith.constant 0 : i32
      %dma_start3A_1333 = tpu.memref_slice %arg3[%dma_start3A_1332] : memref<67108864xf32, #tpu.memory_space<hbm>> -> memref<67108864xf32, #tpu.memory_space<hbm>>
      %dma_start3A_1334 = arith.constant 0 : i32
      %dma_start3A_1335 = tpu.memref_slice %dma_start3A_1333[%dma_start3A_1334] : memref<67108864xf32, #tpu.memory_space<hbm>> -> memref<67108864xf32, #tpu.memory_space<hbm>>
      %dma_start3A_1336 = arith.constant -1 : i32
      tpu.enqueue_indirect_dma source(%dma_start3A_1335 : memref<67108864xf32, #tpu.memory_space<hbm>>) target(%dma_start3A_1326 : memref<512xf32, #tpu.memory_space<vmem>>) offsets(%dma_start3A_1331 : memref<512xi32, #tpu.memory_space<vmem>>) offset_filter(%dma_start3A_1336) semaphore(%arg13 : memref<!tpu.dma_semaphore, #tpu.memory_space<semaphore_mem>>)
      %dma_start3A_1337 = arith.constant 1 : i32
      %dma_start3A_1338 = arith.constant 1 : i32
      %dma_start3A_1339 = arith.constant 0 : i32
      %dma_start3A_1340 = tpu.memref_slice %arg6[%dma_start3A_1338, %dma_start3A_1339] : memref<2x4096xf32, #tpu.memory_space<vmem>> -> memref<1x4096xf32, #tpu.memory_space<vmem>>
      %dma_start3A_1341 = tpu.memref_squeeze %dma_start3A_1340 : memref<1x4096xf32, #tpu.memory_space<vmem>> -> memref<4096xf32, #tpu.memory_space<vmem>>
      %dma_start3A_1342 = arith.constant 512 : i32
      %dma_start3A_1343 = tpu.memref_slice %dma_start3A_1341[%dma_start3A_1342] : memref<4096xf32, #tpu.memory_space<vmem>> -> memref<512xf32, #tpu.memory_space<vmem>>
      %dma_start3A_1344 = arith.constant 0 : i32
      %dma_start3A_1345 = tpu.memref_slice %arg5[%dma_start3A_1337, %dma_start3A_1344] : memref<2x4096xi32, #tpu.memory_space<vmem>> -> memref<1x4096xi32, #tpu.memory_space<vmem>>
      %dma_start3A_1346 = tpu.memref_squeeze %dma_start3A_1345 : memref<1x4096xi32, #tpu.memory_space<vmem>> -> memref<4096xi32, #tpu.memory_space<vmem>>
      %dma_start3A_1347 = arith.constant 512 : i32
      %dma_start3A_1348 = tpu.memref_slice %dma_start3A_1346[%dma_start3A_1347] : memref<4096xi32, #tpu.memory_space<vmem>> -> memref<512xi32, #tpu.memory_space<vmem>>
      %dma_start3A_1349 = arith.constant 0 : i32
      %dma_start3A_1350 = tpu.memref_slice %arg3[%dma_start3A_1349] : memref<67108864xf32, #tpu.memory_space<hbm>> -> memref<67108864xf32, #tpu.memory_space<hbm>>
      %dma_start3A_1351 = arith.constant 0 : i32
      %dma_start3A_1352 = tpu.memref_slice %dma_start3A_1350[%dma_start3A_1351] : memref<67108864xf32, #tpu.memory_space<hbm>> -> memref<67108864xf32, #tpu.memory_space<hbm>>
      %dma_start3A_1353 = arith.constant -1 : i32
      tpu.enqueue_indirect_dma source(%dma_start3A_1352 : memref<67108864xf32, #tpu.memory_space<hbm>>) target(%dma_start3A_1343 : memref<512xf32, #tpu.memory_space<vmem>>) offsets(%dma_start3A_1348 : memref<512xi32, #tpu.memory_space<vmem>>) offset_filter(%dma_start3A_1353) semaphore(%arg13 : memref<!tpu.dma_semaphore, #tpu.memory_space<semaphore_mem>>)
      %dma_start3A_1354 = arith.constant 1 : i32
      %dma_start3A_1355 = arith.constant 1 : i32
      %dma_start3A_1356 = arith.constant 0 : i32
      %dma_start3A_1357 = tpu.memref_slice %arg6[%dma_start3A_1355, %dma_start3A_1356] : memref<2x4096xf32, #tpu.memory_space<vmem>> -> memref<1x4096xf32, #tpu.memory_space<vmem>>
      %dma_start3A_1358 = tpu.memref_squeeze %dma_start3A_1357 : memref<1x4096xf32, #tpu.memory_space<vmem>> -> memref<4096xf32, #tpu.memory_space<vmem>>
      %dma_start3A_1359 = arith.constant 1024 : i32
      %dma_start3A_1360 = tpu.memref_slice %dma_start3A_1358[%dma_start3A_1359] : memref<4096xf32, #tpu.memory_space<vmem>> -> memref<512xf32, #tpu.memory_space<vmem>>
      %dma_start3A_1361 = arith.constant 0 : i32
      %dma_start3A_1362 = tpu.memref_slice %arg5[%dma_start3A_1354, %dma_start3A_1361] : memref<2x4096xi32, #tpu.memory_space<vmem>> -> memref<1x4096xi32, #tpu.memory_space<vmem>>
      %dma_start3A_1363 = tpu.memref_squeeze %dma_start3A_1362 : memref<1x4096xi32, #tpu.memory_space<vmem>> -> memref<4096xi32, #tpu.memory_space<vmem>>
      %dma_start3A_1364 = arith.constant 1024 : i32
      %dma_start3A_1365 = tpu.memref_slice %dma_start3A_1363[%dma_start3A_1364] : memref<4096xi32, #tpu.memory_space<vmem>> -> memref<512xi32, #tpu.memory_space<vmem>>
      %dma_start3A_1366 = arith.constant 0 : i32
      %dma_start3A_1367 = tpu.memref_slice %arg3[%dma_start3A_1366] : memref<67108864xf32, #tpu.memory_space<hbm>> -> memref<67108864xf32, #tpu.memory_space<hbm>>
      %dma_start3A_1368 = arith.constant 0 : i32
      %dma_start3A_1369 = tpu.memref_slice %dma_start3A_1367[%dma_start3A_1368] : memref<67108864xf32, #tpu.memory_space<hbm>> -> memref<67108864xf32, #tpu.memory_space<hbm>>
      %dma_start3A_1370 = arith.constant -1 : i32
      tpu.enqueue_indirect_dma source(%dma_start3A_1369 : memref<67108864xf32, #tpu.memory_space<hbm>>) target(%dma_start3A_1360 : memref<512xf32, #tpu.memory_space<vmem>>) offsets(%dma_start3A_1365 : memref<512xi32, #tpu.memory_space<vmem>>) offset_filter(%dma_start3A_1370) semaphore(%arg13 : memref<!tpu.dma_semaphore, #tpu.memory_space<semaphore_mem>>)
      %dma_start3A_1371 = arith.constant 1 : i32
      %dma_start3A_1372 = arith.constant 1 : i32
      %dma_start3A_1373 = arith.constant 0 : i32
      %dma_start3A_1374 = tpu.memref_slice %arg6[%dma_start3A_1372, %dma_start3A_1373] : memref<2x4096xf32, #tpu.memory_space<vmem>> -> memref<1x4096xf32, #tpu.memory_space<vmem>>
      %dma_start3A_1375 = tpu.memref_squeeze %dma_start3A_1374 : memref<1x4096xf32, #tpu.memory_space<vmem>> -> memref<4096xf32, #tpu.memory_space<vmem>>
      %dma_start3A_1376 = arith.constant 1536 : i32
      %dma_start3A_1377 = tpu.memref_slice %dma_start3A_1375[%dma_start3A_1376] : memref<4096xf32, #tpu.memory_space<vmem>> -> memref<512xf32, #tpu.memory_space<vmem>>
      %dma_start3A_1378 = arith.constant 0 : i32
      %dma_start3A_1379 = tpu.memref_slice %arg5[%dma_start3A_1371, %dma_start3A_1378] : memref<2x4096xi32, #tpu.memory_space<vmem>> -> memref<1x4096xi32, #tpu.memory_space<vmem>>
      %dma_start3A_1380 = tpu.memref_squeeze %dma_start3A_1379 : memref<1x4096xi32, #tpu.memory_space<vmem>> -> memref<4096xi32, #tpu.memory_space<vmem>>
      %dma_start3A_1381 = arith.constant 1536 : i32
      %dma_start3A_1382 = tpu.memref_slice %dma_start3A_1380[%dma_start3A_1381] : memref<4096xi32, #tpu.memory_space<vmem>> -> memref<512xi32, #tpu.memory_space<vmem>>
      %dma_start3A_1383 = arith.constant 0 : i32
      %dma_start3A_1384 = tpu.memref_slice %arg3[%dma_start3A_1383] : memref<67108864xf32, #tpu.memory_space<hbm>> -> memref<67108864xf32, #tpu.memory_space<hbm>>
      %dma_start3A_1385 = arith.constant 0 : i32
      %dma_start3A_1386 = tpu.memref_slice %dma_start3A_1384[%dma_start3A_1385] : memref<67108864xf32, #tpu.memory_space<hbm>> -> memref<67108864xf32, #tpu.memory_space<hbm>>
      %dma_start3A_1387 = arith.constant -1 : i32
      tpu.enqueue_indirect_dma source(%dma_start3A_1386 : memref<67108864xf32, #tpu.memory_space<hbm>>) target(%dma_start3A_1377 : memref<512xf32, #tpu.memory_space<vmem>>) offsets(%dma_start3A_1382 : memref<512xi32, #tpu.memory_space<vmem>>) offset_filter(%dma_start3A_1387) semaphore(%arg13 : memref<!tpu.dma_semaphore, #tpu.memory_space<semaphore_mem>>)
      %dma_start3A_1388 = arith.constant 1 : i32
      %dma_start3A_1389 = arith.constant 1 : i32
      %dma_start3A_1390 = arith.constant 0 : i32
      %dma_start3A_1391 = tpu.memref_slice %arg6[%dma_start3A_1389, %dma_start3A_1390] : memref<2x4096xf32, #tpu.memory_space<vmem>> -> memref<1x4096xf32, #tpu.memory_space<vmem>>
      %dma_start3A_1392 = tpu.memref_squeeze %dma_start3A_1391 : memref<1x4096xf32, #tpu.memory_space<vmem>> -> memref<4096xf32, #tpu.memory_space<vmem>>
      %dma_start3A_1393 = arith.constant 2048 : i32
      %dma_start3A_1394 = tpu.memref_slice %dma_start3A_1392[%dma_start3A_1393] : memref<4096xf32, #tpu.memory_space<vmem>> -> memref<512xf32, #tpu.memory_space<vmem>>
      %dma_start3A_1395 = arith.constant 0 : i32
      %dma_start3A_1396 = tpu.memref_slice %arg5[%dma_start3A_1388, %dma_start3A_1395] : memref<2x4096xi32, #tpu.memory_space<vmem>> -> memref<1x4096xi32, #tpu.memory_space<vmem>>
      %dma_start3A_1397 = tpu.memref_squeeze %dma_start3A_1396 : memref<1x4096xi32, #tpu.memory_space<vmem>> -> memref<4096xi32, #tpu.memory_space<vmem>>
      %dma_start3A_1398 = arith.constant 2048 : i32
      %dma_start3A_1399 = tpu.memref_slice %dma_start3A_1397[%dma_start3A_1398] : memref<4096xi32, #tpu.memory_space<vmem>> -> memref<512xi32, #tpu.memory_space<vmem>>
      %dma_start3A_1400 = arith.constant 0 : i32
      %dma_start3A_1401 = tpu.memref_slice %arg3[%dma_start3A_1400] : memref<67108864xf32, #tpu.memory_space<hbm>> -> memref<67108864xf32, #tpu.memory_space<hbm>>
      %dma_start3A_1402 = arith.constant 0 : i32
      %dma_start3A_1403 = tpu.memref_slice %dma_start3A_1401[%dma_start3A_1402] : memref<67108864xf32, #tpu.memory_space<hbm>> -> memref<67108864xf32, #tpu.memory_space<hbm>>
      %dma_start3A_1404 = arith.constant -1 : i32
      tpu.enqueue_indirect_dma source(%dma_start3A_1403 : memref<67108864xf32, #tpu.memory_space<hbm>>) target(%dma_start3A_1394 : memref<512xf32, #tpu.memory_space<vmem>>) offsets(%dma_start3A_1399 : memref<512xi32, #tpu.memory_space<vmem>>) offset_filter(%dma_start3A_1404) semaphore(%arg13 : memref<!tpu.dma_semaphore, #tpu.memory_space<semaphore_mem>>)
      %dma_start3A_1405 = arith.constant 1 : i32
      %dma_start3A_1406 = arith.constant 1 : i32
      %dma_start3A_1407 = arith.constant 0 : i32
      %dma_start3A_1408 = tpu.memref_slice %arg6[%dma_start3A_1406, %dma_start3A_1407] : memref<2x4096xf32, #tpu.memory_space<vmem>> -> memref<1x4096xf32, #tpu.memory_space<vmem>>
      %dma_start3A_1409 = tpu.memref_squeeze %dma_start3A_1408 : memref<1x4096xf32, #tpu.memory_space<vmem>> -> memref<4096xf32, #tpu.memory_space<vmem>>
      %dma_start3A_1410 = arith.constant 2560 : i32
      %dma_start3A_1411 = tpu.memref_slice %dma_start3A_1409[%dma_start3A_1410] : memref<4096xf32, #tpu.memory_space<vmem>> -> memref<512xf32, #tpu.memory_space<vmem>>
      %dma_start3A_1412 = arith.constant 0 : i32
      %dma_start3A_1413 = tpu.memref_slice %arg5[%dma_start3A_1405, %dma_start3A_1412] : memref<2x4096xi32, #tpu.memory_space<vmem>> -> memref<1x4096xi32, #tpu.memory_space<vmem>>
      %dma_start3A_1414 = tpu.memref_squeeze %dma_start3A_1413 : memref<1x4096xi32, #tpu.memory_space<vmem>> -> memref<4096xi32, #tpu.memory_space<vmem>>
      %dma_start3A_1415 = arith.constant 2560 : i32
      %dma_start3A_1416 = tpu.memref_slice %dma_start3A_1414[%dma_start3A_1415] : memref<4096xi32, #tpu.memory_space<vmem>> -> memref<512xi32, #tpu.memory_space<vmem>>
      %dma_start3A_1417 = arith.constant 0 : i32
      %dma_start3A_1418 = tpu.memref_slice %arg3[%dma_start3A_1417] : memref<67108864xf32, #tpu.memory_space<hbm>> -> memref<67108864xf32, #tpu.memory_space<hbm>>
      %dma_start3A_1419 = arith.constant 0 : i32
      %dma_start3A_1420 = tpu.memref_slice %dma_start3A_1418[%dma_start3A_1419] : memref<67108864xf32, #tpu.memory_space<hbm>> -> memref<67108864xf32, #tpu.memory_space<hbm>>
      %dma_start3A_1421 = arith.constant -1 : i32
      tpu.enqueue_indirect_dma source(%dma_start3A_1420 : memref<67108864xf32, #tpu.memory_space<hbm>>) target(%dma_start3A_1411 : memref<512xf32, #tpu.memory_space<vmem>>) offsets(%dma_start3A_1416 : memref<512xi32, #tpu.memory_space<vmem>>) offset_filter(%dma_start3A_1421) semaphore(%arg13 : memref<!tpu.dma_semaphore, #tpu.memory_space<semaphore_mem>>)
      %dma_start3A_1422 = arith.constant 1 : i32
      %dma_start3A_1423 = arith.constant 1 : i32
      %dma_start3A_1424 = arith.constant 0 : i32
      %dma_start3A_1425 = tpu.memref_slice %arg6[%dma_start3A_1423, %dma_start3A_1424] : memref<2x4096xf32, #tpu.memory_space<vmem>> -> memref<1x4096xf32, #tpu.memory_space<vmem>>
      %dma_start3A_1426 = tpu.memref_squeeze %dma_start3A_1425 : memref<1x4096xf32, #tpu.memory_space<vmem>> -> memref<4096xf32, #tpu.memory_space<vmem>>
      %dma_start3A_1427 = arith.constant 3072 : i32
      %dma_start3A_1428 = tpu.memref_slice %dma_start3A_1426[%dma_start3A_1427] : memref<4096xf32, #tpu.memory_space<vmem>> -> memref<512xf32, #tpu.memory_space<vmem>>
      %dma_start3A_1429 = arith.constant 0 : i32
      %dma_start3A_1430 = tpu.memref_slice %arg5[%dma_start3A_1422, %dma_start3A_1429] : memref<2x4096xi32, #tpu.memory_space<vmem>> -> memref<1x4096xi32, #tpu.memory_space<vmem>>
      %dma_start3A_1431 = tpu.memref_squeeze %dma_start3A_1430 : memref<1x4096xi32, #tpu.memory_space<vmem>> -> memref<4096xi32, #tpu.memory_space<vmem>>
      %dma_start3A_1432 = arith.constant 3072 : i32
      %dma_start3A_1433 = tpu.memref_slice %dma_start3A_1431[%dma_start3A_1432] : memref<4096xi32, #tpu.memory_space<vmem>> -> memref<512xi32, #tpu.memory_space<vmem>>
      %dma_start3A_1434 = arith.constant 0 : i32
      %dma_start3A_1435 = tpu.memref_slice %arg3[%dma_start3A_1434] : memref<67108864xf32, #tpu.memory_space<hbm>> -> memref<67108864xf32, #tpu.memory_space<hbm>>
      %dma_start3A_1436 = arith.constant 0 : i32
      %dma_start3A_1437 = tpu.memref_slice %dma_start3A_1435[%dma_start3A_1436] : memref<67108864xf32, #tpu.memory_space<hbm>> -> memref<67108864xf32, #tpu.memory_space<hbm>>
      %dma_start3A_1438 = arith.constant -1 : i32
      tpu.enqueue_indirect_dma source(%dma_start3A_1437 : memref<67108864xf32, #tpu.memory_space<hbm>>) target(%dma_start3A_1428 : memref<512xf32, #tpu.memory_space<vmem>>) offsets(%dma_start3A_1433 : memref<512xi32, #tpu.memory_space<vmem>>) offset_filter(%dma_start3A_1438) semaphore(%arg13 : memref<!tpu.dma_semaphore, #tpu.memory_space<semaphore_mem>>)
      %dma_start3A_1439 = arith.constant 1 : i32
      %dma_start3A_1440 = arith.constant 1 : i32
      %dma_start3A_1441 = arith.constant 0 : i32
      %dma_start3A_1442 = tpu.memref_slice %arg6[%dma_start3A_1440, %dma_start3A_1441] : memref<2x4096xf32, #tpu.memory_space<vmem>> -> memref<1x4096xf32, #tpu.memory_space<vmem>>
      %dma_start3A_1443 = tpu.memref_squeeze %dma_start3A_1442 : memref<1x4096xf32, #tpu.memory_space<vmem>> -> memref<4096xf32, #tpu.memory_space<vmem>>
      %dma_start3A_1444 = arith.constant 3584 : i32
      %dma_start3A_1445 = tpu.memref_slice %dma_start3A_1443[%dma_start3A_1444] : memref<4096xf32, #tpu.memory_space<vmem>> -> memref<512xf32, #tpu.memory_space<vmem>>
      %dma_start3A_1446 = arith.constant 0 : i32
      %dma_start3A_1447 = tpu.memref_slice %arg5[%dma_start3A_1439, %dma_start3A_1446] : memref<2x4096xi32, #tpu.memory_space<vmem>> -> memref<1x4096xi32, #tpu.memory_space<vmem>>
      %dma_start3A_1448 = tpu.memref_squeeze %dma_start3A_1447 : memref<1x4096xi32, #tpu.memory_space<vmem>> -> memref<4096xi32, #tpu.memory_space<vmem>>
      %dma_start3A_1449 = arith.constant 3584 : i32
      %dma_start3A_1450 = tpu.memref_slice %dma_start3A_1448[%dma_start3A_1449] : memref<4096xi32, #tpu.memory_space<vmem>> -> memref<512xi32, #tpu.memory_space<vmem>>
      %dma_start3A_1451 = arith.constant 0 : i32
      %dma_start3A_1452 = tpu.memref_slice %arg3[%dma_start3A_1451] : memref<67108864xf32, #tpu.memory_space<hbm>> -> memref<67108864xf32, #tpu.memory_space<hbm>>
      %dma_start3A_1453 = arith.constant 0 : i32
      %dma_start3A_1454 = tpu.memref_slice %dma_start3A_1452[%dma_start3A_1453] : memref<67108864xf32, #tpu.memory_space<hbm>> -> memref<67108864xf32, #tpu.memory_space<hbm>>
      %dma_start3A_1455 = arith.constant -1 : i32
      tpu.enqueue_indirect_dma source(%dma_start3A_1454 : memref<67108864xf32, #tpu.memory_space<hbm>>) target(%dma_start3A_1445 : memref<512xf32, #tpu.memory_space<vmem>>) offsets(%dma_start3A_1450 : memref<512xi32, #tpu.memory_space<vmem>>) offset_filter(%dma_start3A_1455) semaphore(%arg13 : memref<!tpu.dma_semaphore, #tpu.memory_space<semaphore_mem>>)
      %dma_start3A_1456 = arith.constant 1 : i32
      %dma_start3A_1457 = arith.constant 1 : i32
      %dma_start3A_1458 = arith.constant 0 : i32
      %dma_start3A_1459 = tpu.memref_slice %arg7[%dma_start3A_1457, %dma_start3A_1458] : memref<2x4096xf32, #tpu.memory_space<vmem>> -> memref<1x4096xf32, #tpu.memory_space<vmem>>
      %dma_start3A_1460 = tpu.memref_squeeze %dma_start3A_1459 : memref<1x4096xf32, #tpu.memory_space<vmem>> -> memref<4096xf32, #tpu.memory_space<vmem>>
      %dma_start3A_1461 = arith.constant 0 : i32
      %dma_start3A_1462 = tpu.memref_slice %dma_start3A_1460[%dma_start3A_1461] : memref<4096xf32, #tpu.memory_space<vmem>> -> memref<512xf32, #tpu.memory_space<vmem>>
      %dma_start3A_1463 = arith.constant 0 : i32
      %dma_start3A_1464 = tpu.memref_slice %arg5[%dma_start3A_1456, %dma_start3A_1463] : memref<2x4096xi32, #tpu.memory_space<vmem>> -> memref<1x4096xi32, #tpu.memory_space<vmem>>
      %dma_start3A_1465 = tpu.memref_squeeze %dma_start3A_1464 : memref<1x4096xi32, #tpu.memory_space<vmem>> -> memref<4096xi32, #tpu.memory_space<vmem>>
      %dma_start3A_1466 = arith.constant 0 : i32
      %dma_start3A_1467 = tpu.memref_slice %dma_start3A_1465[%dma_start3A_1466] : memref<4096xi32, #tpu.memory_space<vmem>> -> memref<512xi32, #tpu.memory_space<vmem>>
      %dma_start3A_1468 = arith.constant 128 : i32
      %dma_start3A_1469 = tpu.memref_slice %arg3[%dma_start3A_1468] : memref<67108864xf32, #tpu.memory_space<hbm>> -> memref<67108736xf32, #tpu.memory_space<hbm>>
      %dma_start3A_1470 = arith.constant 0 : i32
      %dma_start3A_1471 = tpu.memref_slice %dma_start3A_1469[%dma_start3A_1470] : memref<67108736xf32, #tpu.memory_space<hbm>> -> memref<67108736xf32, #tpu.memory_space<hbm>>
      %dma_start3A_1472 = arith.constant -1 : i32
      tpu.enqueue_indirect_dma source(%dma_start3A_1471 : memref<67108736xf32, #tpu.memory_space<hbm>>) target(%dma_start3A_1462 : memref<512xf32, #tpu.memory_space<vmem>>) offsets(%dma_start3A_1467 : memref<512xi32, #tpu.memory_space<vmem>>) offset_filter(%dma_start3A_1472) semaphore(%arg13 : memref<!tpu.dma_semaphore, #tpu.memory_space<semaphore_mem>>)
      %dma_start3A_1473 = arith.constant 1 : i32
      %dma_start3A_1474 = arith.constant 1 : i32
      %dma_start3A_1475 = arith.constant 0 : i32
      %dma_start3A_1476 = tpu.memref_slice %arg7[%dma_start3A_1474, %dma_start3A_1475] : memref<2x4096xf32, #tpu.memory_space<vmem>> -> memref<1x4096xf32, #tpu.memory_space<vmem>>
      %dma_start3A_1477 = tpu.memref_squeeze %dma_start3A_1476 : memref<1x4096xf32, #tpu.memory_space<vmem>> -> memref<4096xf32, #tpu.memory_space<vmem>>
      %dma_start3A_1478 = arith.constant 512 : i32
      %dma_start3A_1479 = tpu.memref_slice %dma_start3A_1477[%dma_start3A_1478] : memref<4096xf32, #tpu.memory_space<vmem>> -> memref<512xf32, #tpu.memory_space<vmem>>
      %dma_start3A_1480 = arith.constant 0 : i32
      %dma_start3A_1481 = tpu.memref_slice %arg5[%dma_start3A_1473, %dma_start3A_1480] : memref<2x4096xi32, #tpu.memory_space<vmem>> -> memref<1x4096xi32, #tpu.memory_space<vmem>>
      %dma_start3A_1482 = tpu.memref_squeeze %dma_start3A_1481 : memref<1x4096xi32, #tpu.memory_space<vmem>> -> memref<4096xi32, #tpu.memory_space<vmem>>
      %dma_start3A_1483 = arith.constant 512 : i32
      %dma_start3A_1484 = tpu.memref_slice %dma_start3A_1482[%dma_start3A_1483] : memref<4096xi32, #tpu.memory_space<vmem>> -> memref<512xi32, #tpu.memory_space<vmem>>
      %dma_start3A_1485 = arith.constant 128 : i32
      %dma_start3A_1486 = tpu.memref_slice %arg3[%dma_start3A_1485] : memref<67108864xf32, #tpu.memory_space<hbm>> -> memref<67108736xf32, #tpu.memory_space<hbm>>
      %dma_start3A_1487 = arith.constant 0 : i32
      %dma_start3A_1488 = tpu.memref_slice %dma_start3A_1486[%dma_start3A_1487] : memref<67108736xf32, #tpu.memory_space<hbm>> -> memref<67108736xf32, #tpu.memory_space<hbm>>
      %dma_start3A_1489 = arith.constant -1 : i32
      tpu.enqueue_indirect_dma source(%dma_start3A_1488 : memref<67108736xf32, #tpu.memory_space<hbm>>) target(%dma_start3A_1479 : memref<512xf32, #tpu.memory_space<vmem>>) offsets(%dma_start3A_1484 : memref<512xi32, #tpu.memory_space<vmem>>) offset_filter(%dma_start3A_1489) semaphore(%arg13 : memref<!tpu.dma_semaphore, #tpu.memory_space<semaphore_mem>>)
      %dma_start3A_1490 = arith.constant 1 : i32
      %dma_start3A_1491 = arith.constant 1 : i32
      %dma_start3A_1492 = arith.constant 0 : i32
      %dma_start3A_1493 = tpu.memref_slice %arg7[%dma_start3A_1491, %dma_start3A_1492] : memref<2x4096xf32, #tpu.memory_space<vmem>> -> memref<1x4096xf32, #tpu.memory_space<vmem>>
      %dma_start3A_1494 = tpu.memref_squeeze %dma_start3A_1493 : memref<1x4096xf32, #tpu.memory_space<vmem>> -> memref<4096xf32, #tpu.memory_space<vmem>>
      %dma_start3A_1495 = arith.constant 1024 : i32
      %dma_start3A_1496 = tpu.memref_slice %dma_start3A_1494[%dma_start3A_1495] : memref<4096xf32, #tpu.memory_space<vmem>> -> memref<512xf32, #tpu.memory_space<vmem>>
      %dma_start3A_1497 = arith.constant 0 : i32
      %dma_start3A_1498 = tpu.memref_slice %arg5[%dma_start3A_1490, %dma_start3A_1497] : memref<2x4096xi32, #tpu.memory_space<vmem>> -> memref<1x4096xi32, #tpu.memory_space<vmem>>
      %dma_start3A_1499 = tpu.memref_squeeze %dma_start3A_1498 : memref<1x4096xi32, #tpu.memory_space<vmem>> -> memref<4096xi32, #tpu.memory_space<vmem>>
      %dma_start3A_1500 = arith.constant 1024 : i32
      %dma_start3A_1501 = tpu.memref_slice %dma_start3A_1499[%dma_start3A_1500] : memref<4096xi32, #tpu.memory_space<vmem>> -> memref<512xi32, #tpu.memory_space<vmem>>
      %dma_start3A_1502 = arith.constant 128 : i32
      %dma_start3A_1503 = tpu.memref_slice %arg3[%dma_start3A_1502] : memref<67108864xf32, #tpu.memory_space<hbm>> -> memref<67108736xf32, #tpu.memory_space<hbm>>
      %dma_start3A_1504 = arith.constant 0 : i32
      %dma_start3A_1505 = tpu.memref_slice %dma_start3A_1503[%dma_start3A_1504] : memref<67108736xf32, #tpu.memory_space<hbm>> -> memref<67108736xf32, #tpu.memory_space<hbm>>
      %dma_start3A_1506 = arith.constant -1 : i32
      tpu.enqueue_indirect_dma source(%dma_start3A_1505 : memref<67108736xf32, #tpu.memory_space<hbm>>) target(%dma_start3A_1496 : memref<512xf32, #tpu.memory_space<vmem>>) offsets(%dma_start3A_1501 : memref<512xi32, #tpu.memory_space<vmem>>) offset_filter(%dma_start3A_1506) semaphore(%arg13 : memref<!tpu.dma_semaphore, #tpu.memory_space<semaphore_mem>>)
      %dma_start3A_1507 = arith.constant 1 : i32
      %dma_start3A_1508 = arith.constant 1 : i32
      %dma_start3A_1509 = arith.constant 0 : i32
      %dma_start3A_1510 = tpu.memref_slice %arg7[%dma_start3A_1508, %dma_start3A_1509] : memref<2x4096xf32, #tpu.memory_space<vmem>> -> memref<1x4096xf32, #tpu.memory_space<vmem>>
      %dma_start3A_1511 = tpu.memref_squeeze %dma_start3A_1510 : memref<1x4096xf32, #tpu.memory_space<vmem>> -> memref<4096xf32, #tpu.memory_space<vmem>>
      %dma_start3A_1512 = arith.constant 1536 : i32
      %dma_start3A_1513 = tpu.memref_slice %dma_start3A_1511[%dma_start3A_1512] : memref<4096xf32, #tpu.memory_space<vmem>> -> memref<512xf32, #tpu.memory_space<vmem>>
      %dma_start3A_1514 = arith.constant 0 : i32
      %dma_start3A_1515 = tpu.memref_slice %arg5[%dma_start3A_1507, %dma_start3A_1514] : memref<2x4096xi32, #tpu.memory_space<vmem>> -> memref<1x4096xi32, #tpu.memory_space<vmem>>
      %dma_start3A_1516 = tpu.memref_squeeze %dma_start3A_1515 : memref<1x4096xi32, #tpu.memory_space<vmem>> -> memref<4096xi32, #tpu.memory_space<vmem>>
      %dma_start3A_1517 = arith.constant 1536 : i32
      %dma_start3A_1518 = tpu.memref_slice %dma_start3A_1516[%dma_start3A_1517] : memref<4096xi32, #tpu.memory_space<vmem>> -> memref<512xi32, #tpu.memory_space<vmem>>
      %dma_start3A_1519 = arith.constant 128 : i32
      %dma_start3A_1520 = tpu.memref_slice %arg3[%dma_start3A_1519] : memref<67108864xf32, #tpu.memory_space<hbm>> -> memref<67108736xf32, #tpu.memory_space<hbm>>
      %dma_start3A_1521 = arith.constant 0 : i32
      %dma_start3A_1522 = tpu.memref_slice %dma_start3A_1520[%dma_start3A_1521] : memref<67108736xf32, #tpu.memory_space<hbm>> -> memref<67108736xf32, #tpu.memory_space<hbm>>
      %dma_start3A_1523 = arith.constant -1 : i32
      tpu.enqueue_indirect_dma source(%dma_start3A_1522 : memref<67108736xf32, #tpu.memory_space<hbm>>) target(%dma_start3A_1513 : memref<512xf32, #tpu.memory_space<vmem>>) offsets(%dma_start3A_1518 : memref<512xi32, #tpu.memory_space<vmem>>) offset_filter(%dma_start3A_1523) semaphore(%arg13 : memref<!tpu.dma_semaphore, #tpu.memory_space<semaphore_mem>>)
      %dma_start3A_1524 = arith.constant 1 : i32
      %dma_start3A_1525 = arith.constant 1 : i32
      %dma_start3A_1526 = arith.constant 0 : i32
      %dma_start3A_1527 = tpu.memref_slice %arg7[%dma_start3A_1525, %dma_start3A_1526] : memref<2x4096xf32, #tpu.memory_space<vmem>> -> memref<1x4096xf32, #tpu.memory_space<vmem>>
      %dma_start3A_1528 = tpu.memref_squeeze %dma_start3A_1527 : memref<1x4096xf32, #tpu.memory_space<vmem>> -> memref<4096xf32, #tpu.memory_space<vmem>>
      %dma_start3A_1529 = arith.constant 2048 : i32
      %dma_start3A_1530 = tpu.memref_slice %dma_start3A_1528[%dma_start3A_1529] : memref<4096xf32, #tpu.memory_space<vmem>> -> memref<512xf32, #tpu.memory_space<vmem>>
      %dma_start3A_1531 = arith.constant 0 : i32
      %dma_start3A_1532 = tpu.memref_slice %arg5[%dma_start3A_1524, %dma_start3A_1531] : memref<2x4096xi32, #tpu.memory_space<vmem>> -> memref<1x4096xi32, #tpu.memory_space<vmem>>
      %dma_start3A_1533 = tpu.memref_squeeze %dma_start3A_1532 : memref<1x4096xi32, #tpu.memory_space<vmem>> -> memref<4096xi32, #tpu.memory_space<vmem>>
      %dma_start3A_1534 = arith.constant 2048 : i32
      %dma_start3A_1535 = tpu.memref_slice %dma_start3A_1533[%dma_start3A_1534] : memref<4096xi32, #tpu.memory_space<vmem>> -> memref<512xi32, #tpu.memory_space<vmem>>
      %dma_start3A_1536 = arith.constant 128 : i32
      %dma_start3A_1537 = tpu.memref_slice %arg3[%dma_start3A_1536] : memref<67108864xf32, #tpu.memory_space<hbm>> -> memref<67108736xf32, #tpu.memory_space<hbm>>
      %dma_start3A_1538 = arith.constant 0 : i32
      %dma_start3A_1539 = tpu.memref_slice %dma_start3A_1537[%dma_start3A_1538] : memref<67108736xf32, #tpu.memory_space<hbm>> -> memref<67108736xf32, #tpu.memory_space<hbm>>
      %dma_start3A_1540 = arith.constant -1 : i32
      tpu.enqueue_indirect_dma source(%dma_start3A_1539 : memref<67108736xf32, #tpu.memory_space<hbm>>) target(%dma_start3A_1530 : memref<512xf32, #tpu.memory_space<vmem>>) offsets(%dma_start3A_1535 : memref<512xi32, #tpu.memory_space<vmem>>) offset_filter(%dma_start3A_1540) semaphore(%arg13 : memref<!tpu.dma_semaphore, #tpu.memory_space<semaphore_mem>>)
      %dma_start3A_1541 = arith.constant 1 : i32
      %dma_start3A_1542 = arith.constant 1 : i32
      %dma_start3A_1543 = arith.constant 0 : i32
      %dma_start3A_1544 = tpu.memref_slice %arg7[%dma_start3A_1542, %dma_start3A_1543] : memref<2x4096xf32, #tpu.memory_space<vmem>> -> memref<1x4096xf32, #tpu.memory_space<vmem>>
      %dma_start3A_1545 = tpu.memref_squeeze %dma_start3A_1544 : memref<1x4096xf32, #tpu.memory_space<vmem>> -> memref<4096xf32, #tpu.memory_space<vmem>>
      %dma_start3A_1546 = arith.constant 2560 : i32
      %dma_start3A_1547 = tpu.memref_slice %dma_start3A_1545[%dma_start3A_1546] : memref<4096xf32, #tpu.memory_space<vmem>> -> memref<512xf32, #tpu.memory_space<vmem>>
      %dma_start3A_1548 = arith.constant 0 : i32
      %dma_start3A_1549 = tpu.memref_slice %arg5[%dma_start3A_1541, %dma_start3A_1548] : memref<2x4096xi32, #tpu.memory_space<vmem>> -> memref<1x4096xi32, #tpu.memory_space<vmem>>
      %dma_start3A_1550 = tpu.memref_squeeze %dma_start3A_1549 : memref<1x4096xi32, #tpu.memory_space<vmem>> -> memref<4096xi32, #tpu.memory_space<vmem>>
      %dma_start3A_1551 = arith.constant 2560 : i32
      %dma_start3A_1552 = tpu.memref_slice %dma_start3A_1550[%dma_start3A_1551] : memref<4096xi32, #tpu.memory_space<vmem>> -> memref<512xi32, #tpu.memory_space<vmem>>
      %dma_start3A_1553 = arith.constant 128 : i32
      %dma_start3A_1554 = tpu.memref_slice %arg3[%dma_start3A_1553] : memref<67108864xf32, #tpu.memory_space<hbm>> -> memref<67108736xf32, #tpu.memory_space<hbm>>
      %dma_start3A_1555 = arith.constant 0 : i32
      %dma_start3A_1556 = tpu.memref_slice %dma_start3A_1554[%dma_start3A_1555] : memref<67108736xf32, #tpu.memory_space<hbm>> -> memref<67108736xf32, #tpu.memory_space<hbm>>
      %dma_start3A_1557 = arith.constant -1 : i32
      tpu.enqueue_indirect_dma source(%dma_start3A_1556 : memref<67108736xf32, #tpu.memory_space<hbm>>) target(%dma_start3A_1547 : memref<512xf32, #tpu.memory_space<vmem>>) offsets(%dma_start3A_1552 : memref<512xi32, #tpu.memory_space<vmem>>) offset_filter(%dma_start3A_1557) semaphore(%arg13 : memref<!tpu.dma_semaphore, #tpu.memory_space<semaphore_mem>>)
      %dma_start3A_1558 = arith.constant 1 : i32
      %dma_start3A_1559 = arith.constant 1 : i32
      %dma_start3A_1560 = arith.constant 0 : i32
      %dma_start3A_1561 = tpu.memref_slice %arg7[%dma_start3A_1559, %dma_start3A_1560] : memref<2x4096xf32, #tpu.memory_space<vmem>> -> memref<1x4096xf32, #tpu.memory_space<vmem>>
      %dma_start3A_1562 = tpu.memref_squeeze %dma_start3A_1561 : memref<1x4096xf32, #tpu.memory_space<vmem>> -> memref<4096xf32, #tpu.memory_space<vmem>>
      %dma_start3A_1563 = arith.constant 3072 : i32
      %dma_start3A_1564 = tpu.memref_slice %dma_start3A_1562[%dma_start3A_1563] : memref<4096xf32, #tpu.memory_space<vmem>> -> memref<512xf32, #tpu.memory_space<vmem>>
      %dma_start3A_1565 = arith.constant 0 : i32
      %dma_start3A_1566 = tpu.memref_slice %arg5[%dma_start3A_1558, %dma_start3A_1565] : memref<2x4096xi32, #tpu.memory_space<vmem>> -> memref<1x4096xi32, #tpu.memory_space<vmem>>
      %dma_start3A_1567 = tpu.memref_squeeze %dma_start3A_1566 : memref<1x4096xi32, #tpu.memory_space<vmem>> -> memref<4096xi32, #tpu.memory_space<vmem>>
      %dma_start3A_1568 = arith.constant 3072 : i32
      %dma_start3A_1569 = tpu.memref_slice %dma_start3A_1567[%dma_start3A_1568] : memref<4096xi32, #tpu.memory_space<vmem>> -> memref<512xi32, #tpu.memory_space<vmem>>
      %dma_start3A_1570 = arith.constant 128 : i32
      %dma_start3A_1571 = tpu.memref_slice %arg3[%dma_start3A_1570] : memref<67108864xf32, #tpu.memory_space<hbm>> -> memref<67108736xf32, #tpu.memory_space<hbm>>
      %dma_start3A_1572 = arith.constant 0 : i32
      %dma_start3A_1573 = tpu.memref_slice %dma_start3A_1571[%dma_start3A_1572] : memref<67108736xf32, #tpu.memory_space<hbm>> -> memref<67108736xf32, #tpu.memory_space<hbm>>
      %dma_start3A_1574 = arith.constant -1 : i32
      tpu.enqueue_indirect_dma source(%dma_start3A_1573 : memref<67108736xf32, #tpu.memory_space<hbm>>) target(%dma_start3A_1564 : memref<512xf32, #tpu.memory_space<vmem>>) offsets(%dma_start3A_1569 : memref<512xi32, #tpu.memory_space<vmem>>) offset_filter(%dma_start3A_1574) semaphore(%arg13 : memref<!tpu.dma_semaphore, #tpu.memory_space<semaphore_mem>>)
      %dma_start3A_1575 = arith.constant 1 : i32
      %dma_start3A_1576 = arith.constant 1 : i32
      %dma_start3A_1577 = arith.constant 0 : i32
      %dma_start3A_1578 = tpu.memref_slice %arg7[%dma_start3A_1576, %dma_start3A_1577] : memref<2x4096xf32, #tpu.memory_space<vmem>> -> memref<1x4096xf32, #tpu.memory_space<vmem>>
      %dma_start3A_1579 = tpu.memref_squeeze %dma_start3A_1578 : memref<1x4096xf32, #tpu.memory_space<vmem>> -> memref<4096xf32, #tpu.memory_space<vmem>>
      %dma_start3A_1580 = arith.constant 3584 : i32
      %dma_start3A_1581 = tpu.memref_slice %dma_start3A_1579[%dma_start3A_1580] : memref<4096xf32, #tpu.memory_space<vmem>> -> memref<512xf32, #tpu.memory_space<vmem>>
      %dma_start3A_1582 = arith.constant 0 : i32
      %dma_start3A_1583 = tpu.memref_slice %arg5[%dma_start3A_1575, %dma_start3A_1582] : memref<2x4096xi32, #tpu.memory_space<vmem>> -> memref<1x4096xi32, #tpu.memory_space<vmem>>
      %dma_start3A_1584 = tpu.memref_squeeze %dma_start3A_1583 : memref<1x4096xi32, #tpu.memory_space<vmem>> -> memref<4096xi32, #tpu.memory_space<vmem>>
      %dma_start3A_1585 = arith.constant 3584 : i32
      %dma_start3A_1586 = tpu.memref_slice %dma_start3A_1584[%dma_start3A_1585] : memref<4096xi32, #tpu.memory_space<vmem>> -> memref<512xi32, #tpu.memory_space<vmem>>
      %dma_start3A_1587 = arith.constant 128 : i32
      %dma_start3A_1588 = tpu.memref_slice %arg3[%dma_start3A_1587] : memref<67108864xf32, #tpu.memory_space<hbm>> -> memref<67108736xf32, #tpu.memory_space<hbm>>
      %dma_start3A_1589 = arith.constant 0 : i32
      %dma_start3A_1590 = tpu.memref_slice %dma_start3A_1588[%dma_start3A_1589] : memref<67108736xf32, #tpu.memory_space<hbm>> -> memref<67108736xf32, #tpu.memory_space<hbm>>
      %dma_start3A_1591 = arith.constant -1 : i32
      tpu.enqueue_indirect_dma source(%dma_start3A_1590 : memref<67108736xf32, #tpu.memory_space<hbm>>) target(%dma_start3A_1581 : memref<512xf32, #tpu.memory_space<vmem>>) offsets(%dma_start3A_1586 : memref<512xi32, #tpu.memory_space<vmem>>) offset_filter(%dma_start3A_1591) semaphore(%arg13 : memref<!tpu.dma_semaphore, #tpu.memory_space<semaphore_mem>>)
      %dma_start3A_1592 = arith.constant 1 : i32
      %dma_start3A_1593 = arith.constant 1 : i32
      %dma_start3A_1594 = arith.constant 0 : i32
      %dma_start3A_1595 = tpu.memref_slice %arg8[%dma_start3A_1593, %dma_start3A_1594] : memref<2x4096xf32, #tpu.memory_space<vmem>> -> memref<1x4096xf32, #tpu.memory_space<vmem>>
      %dma_start3A_1596 = tpu.memref_squeeze %dma_start3A_1595 : memref<1x4096xf32, #tpu.memory_space<vmem>> -> memref<4096xf32, #tpu.memory_space<vmem>>
      %dma_start3A_1597 = arith.constant 0 : i32
      %dma_start3A_1598 = tpu.memref_slice %dma_start3A_1596[%dma_start3A_1597] : memref<4096xf32, #tpu.memory_space<vmem>> -> memref<512xf32, #tpu.memory_space<vmem>>
      %dma_start3A_1599 = arith.constant 0 : i32
      %dma_start3A_1600 = tpu.memref_slice %arg5[%dma_start3A_1592, %dma_start3A_1599] : memref<2x4096xi32, #tpu.memory_space<vmem>> -> memref<1x4096xi32, #tpu.memory_space<vmem>>
      %dma_start3A_1601 = tpu.memref_squeeze %dma_start3A_1600 : memref<1x4096xi32, #tpu.memory_space<vmem>> -> memref<4096xi32, #tpu.memory_space<vmem>>
      %dma_start3A_1602 = arith.constant 0 : i32
      %dma_start3A_1603 = tpu.memref_slice %dma_start3A_1601[%dma_start3A_1602] : memref<4096xi32, #tpu.memory_space<vmem>> -> memref<512xi32, #tpu.memory_space<vmem>>
      %dma_start3A_1604 = arith.constant 256 : i32
      %dma_start3A_1605 = tpu.memref_slice %arg3[%dma_start3A_1604] : memref<67108864xf32, #tpu.memory_space<hbm>> -> memref<67108608xf32, #tpu.memory_space<hbm>>
      %dma_start3A_1606 = arith.constant 0 : i32
      %dma_start3A_1607 = tpu.memref_slice %dma_start3A_1605[%dma_start3A_1606] : memref<67108608xf32, #tpu.memory_space<hbm>> -> memref<67108608xf32, #tpu.memory_space<hbm>>
      %dma_start3A_1608 = arith.constant -1 : i32
      tpu.enqueue_indirect_dma source(%dma_start3A_1607 : memref<67108608xf32, #tpu.memory_space<hbm>>) target(%dma_start3A_1598 : memref<512xf32, #tpu.memory_space<vmem>>) offsets(%dma_start3A_1603 : memref<512xi32, #tpu.memory_space<vmem>>) offset_filter(%dma_start3A_1608) semaphore(%arg13 : memref<!tpu.dma_semaphore, #tpu.memory_space<semaphore_mem>>)
      %dma_start3A_1609 = arith.constant 1 : i32
      %dma_start3A_1610 = arith.constant 1 : i32
      %dma_start3A_1611 = arith.constant 0 : i32
      %dma_start3A_1612 = tpu.memref_slice %arg8[%dma_start3A_1610, %dma_start3A_1611] : memref<2x4096xf32, #tpu.memory_space<vmem>> -> memref<1x4096xf32, #tpu.memory_space<vmem>>
      %dma_start3A_1613 = tpu.memref_squeeze %dma_start3A_1612 : memref<1x4096xf32, #tpu.memory_space<vmem>> -> memref<4096xf32, #tpu.memory_space<vmem>>
      %dma_start3A_1614 = arith.constant 512 : i32
      %dma_start3A_1615 = tpu.memref_slice %dma_start3A_1613[%dma_start3A_1614] : memref<4096xf32, #tpu.memory_space<vmem>> -> memref<512xf32, #tpu.memory_space<vmem>>
      %dma_start3A_1616 = arith.constant 0 : i32
      %dma_start3A_1617 = tpu.memref_slice %arg5[%dma_start3A_1609, %dma_start3A_1616] : memref<2x4096xi32, #tpu.memory_space<vmem>> -> memref<1x4096xi32, #tpu.memory_space<vmem>>
      %dma_start3A_1618 = tpu.memref_squeeze %dma_start3A_1617 : memref<1x4096xi32, #tpu.memory_space<vmem>> -> memref<4096xi32, #tpu.memory_space<vmem>>
      %dma_start3A_1619 = arith.constant 512 : i32
      %dma_start3A_1620 = tpu.memref_slice %dma_start3A_1618[%dma_start3A_1619] : memref<4096xi32, #tpu.memory_space<vmem>> -> memref<512xi32, #tpu.memory_space<vmem>>
      %dma_start3A_1621 = arith.constant 256 : i32
      %dma_start3A_1622 = tpu.memref_slice %arg3[%dma_start3A_1621] : memref<67108864xf32, #tpu.memory_space<hbm>> -> memref<67108608xf32, #tpu.memory_space<hbm>>
      %dma_start3A_1623 = arith.constant 0 : i32
      %dma_start3A_1624 = tpu.memref_slice %dma_start3A_1622[%dma_start3A_1623] : memref<67108608xf32, #tpu.memory_space<hbm>> -> memref<67108608xf32, #tpu.memory_space<hbm>>
      %dma_start3A_1625 = arith.constant -1 : i32
      tpu.enqueue_indirect_dma source(%dma_start3A_1624 : memref<67108608xf32, #tpu.memory_space<hbm>>) target(%dma_start3A_1615 : memref<512xf32, #tpu.memory_space<vmem>>) offsets(%dma_start3A_1620 : memref<512xi32, #tpu.memory_space<vmem>>) offset_filter(%dma_start3A_1625) semaphore(%arg13 : memref<!tpu.dma_semaphore, #tpu.memory_space<semaphore_mem>>)
      %dma_start3A_1626 = arith.constant 1 : i32
      %dma_start3A_1627 = arith.constant 1 : i32
      %dma_start3A_1628 = arith.constant 0 : i32
      %dma_start3A_1629 = tpu.memref_slice %arg8[%dma_start3A_1627, %dma_start3A_1628] : memref<2x4096xf32, #tpu.memory_space<vmem>> -> memref<1x4096xf32, #tpu.memory_space<vmem>>
      %dma_start3A_1630 = tpu.memref_squeeze %dma_start3A_1629 : memref<1x4096xf32, #tpu.memory_space<vmem>> -> memref<4096xf32, #tpu.memory_space<vmem>>
      %dma_start3A_1631 = arith.constant 1024 : i32
      %dma_start3A_1632 = tpu.memref_slice %dma_start3A_1630[%dma_start3A_1631] : memref<4096xf32, #tpu.memory_space<vmem>> -> memref<512xf32, #tpu.memory_space<vmem>>
      %dma_start3A_1633 = arith.constant 0 : i32
      %dma_start3A_1634 = tpu.memref_slice %arg5[%dma_start3A_1626, %dma_start3A_1633] : memref<2x4096xi32, #tpu.memory_space<vmem>> -> memref<1x4096xi32, #tpu.memory_space<vmem>>
      %dma_start3A_1635 = tpu.memref_squeeze %dma_start3A_1634 : memref<1x4096xi32, #tpu.memory_space<vmem>> -> memref<4096xi32, #tpu.memory_space<vmem>>
      %dma_start3A_1636 = arith.constant 1024 : i32
      %dma_start3A_1637 = tpu.memref_slice %dma_start3A_1635[%dma_start3A_1636] : memref<4096xi32, #tpu.memory_space<vmem>> -> memref<512xi32, #tpu.memory_space<vmem>>
      %dma_start3A_1638 = arith.constant 256 : i32
      %dma_start3A_1639 = tpu.memref_slice %arg3[%dma_start3A_1638] : memref<67108864xf32, #tpu.memory_space<hbm>> -> memref<67108608xf32, #tpu.memory_space<hbm>>
      %dma_start3A_1640 = arith.constant 0 : i32
      %dma_start3A_1641 = tpu.memref_slice %dma_start3A_1639[%dma_start3A_1640] : memref<67108608xf32, #tpu.memory_space<hbm>> -> memref<67108608xf32, #tpu.memory_space<hbm>>
      %dma_start3A_1642 = arith.constant -1 : i32
      tpu.enqueue_indirect_dma source(%dma_start3A_1641 : memref<67108608xf32, #tpu.memory_space<hbm>>) target(%dma_start3A_1632 : memref<512xf32, #tpu.memory_space<vmem>>) offsets(%dma_start3A_1637 : memref<512xi32, #tpu.memory_space<vmem>>) offset_filter(%dma_start3A_1642) semaphore(%arg13 : memref<!tpu.dma_semaphore, #tpu.memory_space<semaphore_mem>>)
      %dma_start3A_1643 = arith.constant 1 : i32
      %dma_start3A_1644 = arith.constant 1 : i32
      %dma_start3A_1645 = arith.constant 0 : i32
      %dma_start3A_1646 = tpu.memref_slice %arg8[%dma_start3A_1644, %dma_start3A_1645] : memref<2x4096xf32, #tpu.memory_space<vmem>> -> memref<1x4096xf32, #tpu.memory_space<vmem>>
      %dma_start3A_1647 = tpu.memref_squeeze %dma_start3A_1646 : memref<1x4096xf32, #tpu.memory_space<vmem>> -> memref<4096xf32, #tpu.memory_space<vmem>>
      %dma_start3A_1648 = arith.constant 1536 : i32
      %dma_start3A_1649 = tpu.memref_slice %dma_start3A_1647[%dma_start3A_1648] : memref<4096xf32, #tpu.memory_space<vmem>> -> memref<512xf32, #tpu.memory_space<vmem>>
      %dma_start3A_1650 = arith.constant 0 : i32
      %dma_start3A_1651 = tpu.memref_slice %arg5[%dma_start3A_1643, %dma_start3A_1650] : memref<2x4096xi32, #tpu.memory_space<vmem>> -> memref<1x4096xi32, #tpu.memory_space<vmem>>
      %dma_start3A_1652 = tpu.memref_squeeze %dma_start3A_1651 : memref<1x4096xi32, #tpu.memory_space<vmem>> -> memref<4096xi32, #tpu.memory_space<vmem>>
      %dma_start3A_1653 = arith.constant 1536 : i32
      %dma_start3A_1654 = tpu.memref_slice %dma_start3A_1652[%dma_start3A_1653] : memref<4096xi32, #tpu.memory_space<vmem>> -> memref<512xi32, #tpu.memory_space<vmem>>
      %dma_start3A_1655 = arith.constant 256 : i32
      %dma_start3A_1656 = tpu.memref_slice %arg3[%dma_start3A_1655] : memref<67108864xf32, #tpu.memory_space<hbm>> -> memref<67108608xf32, #tpu.memory_space<hbm>>
      %dma_start3A_1657 = arith.constant 0 : i32
      %dma_start3A_1658 = tpu.memref_slice %dma_start3A_1656[%dma_start3A_1657] : memref<67108608xf32, #tpu.memory_space<hbm>> -> memref<67108608xf32, #tpu.memory_space<hbm>>
      %dma_start3A_1659 = arith.constant -1 : i32
      tpu.enqueue_indirect_dma source(%dma_start3A_1658 : memref<67108608xf32, #tpu.memory_space<hbm>>) target(%dma_start3A_1649 : memref<512xf32, #tpu.memory_space<vmem>>) offsets(%dma_start3A_1654 : memref<512xi32, #tpu.memory_space<vmem>>) offset_filter(%dma_start3A_1659) semaphore(%arg13 : memref<!tpu.dma_semaphore, #tpu.memory_space<semaphore_mem>>)
      %dma_start3A_1660 = arith.constant 1 : i32
      %dma_start3A_1661 = arith.constant 1 : i32
      %dma_start3A_1662 = arith.constant 0 : i32
      %dma_start3A_1663 = tpu.memref_slice %arg8[%dma_start3A_1661, %dma_start3A_1662] : memref<2x4096xf32, #tpu.memory_space<vmem>> -> memref<1x4096xf32, #tpu.memory_space<vmem>>
      %dma_start3A_1664 = tpu.memref_squeeze %dma_start3A_1663 : memref<1x4096xf32, #tpu.memory_space<vmem>> -> memref<4096xf32, #tpu.memory_space<vmem>>
      %dma_start3A_1665 = arith.constant 2048 : i32
      %dma_start3A_1666 = tpu.memref_slice %dma_start3A_1664[%dma_start3A_1665] : memref<4096xf32, #tpu.memory_space<vmem>> -> memref<512xf32, #tpu.memory_space<vmem>>
      %dma_start3A_1667 = arith.constant 0 : i32
      %dma_start3A_1668 = tpu.memref_slice %arg5[%dma_start3A_1660, %dma_start3A_1667] : memref<2x4096xi32, #tpu.memory_space<vmem>> -> memref<1x4096xi32, #tpu.memory_space<vmem>>
      %dma_start3A_1669 = tpu.memref_squeeze %dma_start3A_1668 : memref<1x4096xi32, #tpu.memory_space<vmem>> -> memref<4096xi32, #tpu.memory_space<vmem>>
      %dma_start3A_1670 = arith.constant 2048 : i32
      %dma_start3A_1671 = tpu.memref_slice %dma_start3A_1669[%dma_start3A_1670] : memref<4096xi32, #tpu.memory_space<vmem>> -> memref<512xi32, #tpu.memory_space<vmem>>
      %dma_start3A_1672 = arith.constant 256 : i32
      %dma_start3A_1673 = tpu.memref_slice %arg3[%dma_start3A_1672] : memref<67108864xf32, #tpu.memory_space<hbm>> -> memref<67108608xf32, #tpu.memory_space<hbm>>
      %dma_start3A_1674 = arith.constant 0 : i32
      %dma_start3A_1675 = tpu.memref_slice %dma_start3A_1673[%dma_start3A_1674] : memref<67108608xf32, #tpu.memory_space<hbm>> -> memref<67108608xf32, #tpu.memory_space<hbm>>
      %dma_start3A_1676 = arith.constant -1 : i32
      tpu.enqueue_indirect_dma source(%dma_start3A_1675 : memref<67108608xf32, #tpu.memory_space<hbm>>) target(%dma_start3A_1666 : memref<512xf32, #tpu.memory_space<vmem>>) offsets(%dma_start3A_1671 : memref<512xi32, #tpu.memory_space<vmem>>) offset_filter(%dma_start3A_1676) semaphore(%arg13 : memref<!tpu.dma_semaphore, #tpu.memory_space<semaphore_mem>>)
      %dma_start3A_1677 = arith.constant 1 : i32
      %dma_start3A_1678 = arith.constant 1 : i32
      %dma_start3A_1679 = arith.constant 0 : i32
      %dma_start3A_1680 = tpu.memref_slice %arg8[%dma_start3A_1678, %dma_start3A_1679] : memref<2x4096xf32, #tpu.memory_space<vmem>> -> memref<1x4096xf32, #tpu.memory_space<vmem>>
      %dma_start3A_1681 = tpu.memref_squeeze %dma_start3A_1680 : memref<1x4096xf32, #tpu.memory_space<vmem>> -> memref<4096xf32, #tpu.memory_space<vmem>>
      %dma_start3A_1682 = arith.constant 2560 : i32
      %dma_start3A_1683 = tpu.memref_slice %dma_start3A_1681[%dma_start3A_1682] : memref<4096xf32, #tpu.memory_space<vmem>> -> memref<512xf32, #tpu.memory_space<vmem>>
      %dma_start3A_1684 = arith.constant 0 : i32
      %dma_start3A_1685 = tpu.memref_slice %arg5[%dma_start3A_1677, %dma_start3A_1684] : memref<2x4096xi32, #tpu.memory_space<vmem>> -> memref<1x4096xi32, #tpu.memory_space<vmem>>
      %dma_start3A_1686 = tpu.memref_squeeze %dma_start3A_1685 : memref<1x4096xi32, #tpu.memory_space<vmem>> -> memref<4096xi32, #tpu.memory_space<vmem>>
      %dma_start3A_1687 = arith.constant 2560 : i32
      %dma_start3A_1688 = tpu.memref_slice %dma_start3A_1686[%dma_start3A_1687] : memref<4096xi32, #tpu.memory_space<vmem>> -> memref<512xi32, #tpu.memory_space<vmem>>
      %dma_start3A_1689 = arith.constant 256 : i32
      %dma_start3A_1690 = tpu.memref_slice %arg3[%dma_start3A_1689] : memref<67108864xf32, #tpu.memory_space<hbm>> -> memref<67108608xf32, #tpu.memory_space<hbm>>
      %dma_start3A_1691 = arith.constant 0 : i32
      %dma_start3A_1692 = tpu.memref_slice %dma_start3A_1690[%dma_start3A_1691] : memref<67108608xf32, #tpu.memory_space<hbm>> -> memref<67108608xf32, #tpu.memory_space<hbm>>
      %dma_start3A_1693 = arith.constant -1 : i32
      tpu.enqueue_indirect_dma source(%dma_start3A_1692 : memref<67108608xf32, #tpu.memory_space<hbm>>) target(%dma_start3A_1683 : memref<512xf32, #tpu.memory_space<vmem>>) offsets(%dma_start3A_1688 : memref<512xi32, #tpu.memory_space<vmem>>) offset_filter(%dma_start3A_1693) semaphore(%arg13 : memref<!tpu.dma_semaphore, #tpu.memory_space<semaphore_mem>>)
      %dma_start3A_1694 = arith.constant 1 : i32
      %dma_start3A_1695 = arith.constant 1 : i32
      %dma_start3A_1696 = arith.constant 0 : i32
      %dma_start3A_1697 = tpu.memref_slice %arg8[%dma_start3A_1695, %dma_start3A_1696] : memref<2x4096xf32, #tpu.memory_space<vmem>> -> memref<1x4096xf32, #tpu.memory_space<vmem>>
      %dma_start3A_1698 = tpu.memref_squeeze %dma_start3A_1697 : memref<1x4096xf32, #tpu.memory_space<vmem>> -> memref<4096xf32, #tpu.memory_space<vmem>>
      %dma_start3A_1699 = arith.constant 3072 : i32
      %dma_start3A_1700 = tpu.memref_slice %dma_start3A_1698[%dma_start3A_1699] : memref<4096xf32, #tpu.memory_space<vmem>> -> memref<512xf32, #tpu.memory_space<vmem>>
      %dma_start3A_1701 = arith.constant 0 : i32
      %dma_start3A_1702 = tpu.memref_slice %arg5[%dma_start3A_1694, %dma_start3A_1701] : memref<2x4096xi32, #tpu.memory_space<vmem>> -> memref<1x4096xi32, #tpu.memory_space<vmem>>
      %dma_start3A_1703 = tpu.memref_squeeze %dma_start3A_1702 : memref<1x4096xi32, #tpu.memory_space<vmem>> -> memref<4096xi32, #tpu.memory_space<vmem>>
      %dma_start3A_1704 = arith.constant 3072 : i32
      %dma_start3A_1705 = tpu.memref_slice %dma_start3A_1703[%dma_start3A_1704] : memref<4096xi32, #tpu.memory_space<vmem>> -> memref<512xi32, #tpu.memory_space<vmem>>
      %dma_start3A_1706 = arith.constant 256 : i32
      %dma_start3A_1707 = tpu.memref_slice %arg3[%dma_start3A_1706] : memref<67108864xf32, #tpu.memory_space<hbm>> -> memref<67108608xf32, #tpu.memory_space<hbm>>
      %dma_start3A_1708 = arith.constant 0 : i32
      %dma_start3A_1709 = tpu.memref_slice %dma_start3A_1707[%dma_start3A_1708] : memref<67108608xf32, #tpu.memory_space<hbm>> -> memref<67108608xf32, #tpu.memory_space<hbm>>
      %dma_start3A_1710 = arith.constant -1 : i32
      tpu.enqueue_indirect_dma source(%dma_start3A_1709 : memref<67108608xf32, #tpu.memory_space<hbm>>) target(%dma_start3A_1700 : memref<512xf32, #tpu.memory_space<vmem>>) offsets(%dma_start3A_1705 : memref<512xi32, #tpu.memory_space<vmem>>) offset_filter(%dma_start3A_1710) semaphore(%arg13 : memref<!tpu.dma_semaphore, #tpu.memory_space<semaphore_mem>>)
      %dma_start3A_1711 = arith.constant 1 : i32
      %dma_start3A_1712 = arith.constant 1 : i32
      %dma_start3A_1713 = arith.constant 0 : i32
      %dma_start3A_1714 = tpu.memref_slice %arg8[%dma_start3A_1712, %dma_start3A_1713] : memref<2x4096xf32, #tpu.memory_space<vmem>> -> memref<1x4096xf32, #tpu.memory_space<vmem>>
      %dma_start3A_1715 = tpu.memref_squeeze %dma_start3A_1714 : memref<1x4096xf32, #tpu.memory_space<vmem>> -> memref<4096xf32, #tpu.memory_space<vmem>>
      %dma_start3A_1716 = arith.constant 3584 : i32
      %dma_start3A_1717 = tpu.memref_slice %dma_start3A_1715[%dma_start3A_1716] : memref<4096xf32, #tpu.memory_space<vmem>> -> memref<512xf32, #tpu.memory_space<vmem>>
      %dma_start3A_1718 = arith.constant 0 : i32
      %dma_start3A_1719 = tpu.memref_slice %arg5[%dma_start3A_1711, %dma_start3A_1718] : memref<2x4096xi32, #tpu.memory_space<vmem>> -> memref<1x4096xi32, #tpu.memory_space<vmem>>
      %dma_start3A_1720 = tpu.memref_squeeze %dma_start3A_1719 : memref<1x4096xi32, #tpu.memory_space<vmem>> -> memref<4096xi32, #tpu.memory_space<vmem>>
      %dma_start3A_1721 = arith.constant 3584 : i32
      %dma_start3A_1722 = tpu.memref_slice %dma_start3A_1720[%dma_start3A_1721] : memref<4096xi32, #tpu.memory_space<vmem>> -> memref<512xi32, #tpu.memory_space<vmem>>
      %dma_start3A_1723 = arith.constant 256 : i32
      %dma_start3A_1724 = tpu.memref_slice %arg3[%dma_start3A_1723] : memref<67108864xf32, #tpu.memory_space<hbm>> -> memref<67108608xf32, #tpu.memory_space<hbm>>
      %dma_start3A_1725 = arith.constant 0 : i32
      %dma_start3A_1726 = tpu.memref_slice %dma_start3A_1724[%dma_start3A_1725] : memref<67108608xf32, #tpu.memory_space<hbm>> -> memref<67108608xf32, #tpu.memory_space<hbm>>
      %dma_start3A_1727 = arith.constant -1 : i32
      tpu.enqueue_indirect_dma source(%dma_start3A_1726 : memref<67108608xf32, #tpu.memory_space<hbm>>) target(%dma_start3A_1717 : memref<512xf32, #tpu.memory_space<vmem>>) offsets(%dma_start3A_1722 : memref<512xi32, #tpu.memory_space<vmem>>) offset_filter(%dma_start3A_1727) semaphore(%arg13 : memref<!tpu.dma_semaphore, #tpu.memory_space<semaphore_mem>>)
      %dma_start3A_1728 = arith.constant 1 : i32
      %dma_start3A_1729 = arith.constant 1 : i32
      %dma_start3A_1730 = arith.constant 0 : i32
      %dma_start3A_1731 = tpu.memref_slice %arg9[%dma_start3A_1729, %dma_start3A_1730] : memref<2x4096xf32, #tpu.memory_space<vmem>> -> memref<1x4096xf32, #tpu.memory_space<vmem>>
      %dma_start3A_1732 = tpu.memref_squeeze %dma_start3A_1731 : memref<1x4096xf32, #tpu.memory_space<vmem>> -> memref<4096xf32, #tpu.memory_space<vmem>>
      %dma_start3A_1733 = arith.constant 0 : i32
      %dma_start3A_1734 = tpu.memref_slice %dma_start3A_1732[%dma_start3A_1733] : memref<4096xf32, #tpu.memory_space<vmem>> -> memref<512xf32, #tpu.memory_space<vmem>>
      %dma_start3A_1735 = arith.constant 0 : i32
      %dma_start3A_1736 = tpu.memref_slice %arg5[%dma_start3A_1728, %dma_start3A_1735] : memref<2x4096xi32, #tpu.memory_space<vmem>> -> memref<1x4096xi32, #tpu.memory_space<vmem>>
      %dma_start3A_1737 = tpu.memref_squeeze %dma_start3A_1736 : memref<1x4096xi32, #tpu.memory_space<vmem>> -> memref<4096xi32, #tpu.memory_space<vmem>>
      %dma_start3A_1738 = arith.constant 0 : i32
      %dma_start3A_1739 = tpu.memref_slice %dma_start3A_1737[%dma_start3A_1738] : memref<4096xi32, #tpu.memory_space<vmem>> -> memref<512xi32, #tpu.memory_space<vmem>>
      %dma_start3A_1740 = arith.constant 384 : i32
      %dma_start3A_1741 = tpu.memref_slice %arg3[%dma_start3A_1740] : memref<67108864xf32, #tpu.memory_space<hbm>> -> memref<67108480xf32, #tpu.memory_space<hbm>>
      %dma_start3A_1742 = arith.constant 0 : i32
      %dma_start3A_1743 = tpu.memref_slice %dma_start3A_1741[%dma_start3A_1742] : memref<67108480xf32, #tpu.memory_space<hbm>> -> memref<67108480xf32, #tpu.memory_space<hbm>>
      %dma_start3A_1744 = arith.constant -1 : i32
      tpu.enqueue_indirect_dma source(%dma_start3A_1743 : memref<67108480xf32, #tpu.memory_space<hbm>>) target(%dma_start3A_1734 : memref<512xf32, #tpu.memory_space<vmem>>) offsets(%dma_start3A_1739 : memref<512xi32, #tpu.memory_space<vmem>>) offset_filter(%dma_start3A_1744) semaphore(%arg13 : memref<!tpu.dma_semaphore, #tpu.memory_space<semaphore_mem>>)
      %dma_start3A_1745 = arith.constant 1 : i32
      %dma_start3A_1746 = arith.constant 1 : i32
      %dma_start3A_1747 = arith.constant 0 : i32
      %dma_start3A_1748 = tpu.memref_slice %arg9[%dma_start3A_1746, %dma_start3A_1747] : memref<2x4096xf32, #tpu.memory_space<vmem>> -> memref<1x4096xf32, #tpu.memory_space<vmem>>
      %dma_start3A_1749 = tpu.memref_squeeze %dma_start3A_1748 : memref<1x4096xf32, #tpu.memory_space<vmem>> -> memref<4096xf32, #tpu.memory_space<vmem>>
      %dma_start3A_1750 = arith.constant 512 : i32
      %dma_start3A_1751 = tpu.memref_slice %dma_start3A_1749[%dma_start3A_1750] : memref<4096xf32, #tpu.memory_space<vmem>> -> memref<512xf32, #tpu.memory_space<vmem>>
      %dma_start3A_1752 = arith.constant 0 : i32
      %dma_start3A_1753 = tpu.memref_slice %arg5[%dma_start3A_1745, %dma_start3A_1752] : memref<2x4096xi32, #tpu.memory_space<vmem>> -> memref<1x4096xi32, #tpu.memory_space<vmem>>
      %dma_start3A_1754 = tpu.memref_squeeze %dma_start3A_1753 : memref<1x4096xi32, #tpu.memory_space<vmem>> -> memref<4096xi32, #tpu.memory_space<vmem>>
      %dma_start3A_1755 = arith.constant 512 : i32
      %dma_start3A_1756 = tpu.memref_slice %dma_start3A_1754[%dma_start3A_1755] : memref<4096xi32, #tpu.memory_space<vmem>> -> memref<512xi32, #tpu.memory_space<vmem>>
      %dma_start3A_1757 = arith.constant 384 : i32
      %dma_start3A_1758 = tpu.memref_slice %arg3[%dma_start3A_1757] : memref<67108864xf32, #tpu.memory_space<hbm>> -> memref<67108480xf32, #tpu.memory_space<hbm>>
      %dma_start3A_1759 = arith.constant 0 : i32
      %dma_start3A_1760 = tpu.memref_slice %dma_start3A_1758[%dma_start3A_1759] : memref<67108480xf32, #tpu.memory_space<hbm>> -> memref<67108480xf32, #tpu.memory_space<hbm>>
      %dma_start3A_1761 = arith.constant -1 : i32
      tpu.enqueue_indirect_dma source(%dma_start3A_1760 : memref<67108480xf32, #tpu.memory_space<hbm>>) target(%dma_start3A_1751 : memref<512xf32, #tpu.memory_space<vmem>>) offsets(%dma_start3A_1756 : memref<512xi32, #tpu.memory_space<vmem>>) offset_filter(%dma_start3A_1761) semaphore(%arg13 : memref<!tpu.dma_semaphore, #tpu.memory_space<semaphore_mem>>)
      %dma_start3A_1762 = arith.constant 1 : i32
      %dma_start3A_1763 = arith.constant 1 : i32
      %dma_start3A_1764 = arith.constant 0 : i32
      %dma_start3A_1765 = tpu.memref_slice %arg9[%dma_start3A_1763, %dma_start3A_1764] : memref<2x4096xf32, #tpu.memory_space<vmem>> -> memref<1x4096xf32, #tpu.memory_space<vmem>>
      %dma_start3A_1766 = tpu.memref_squeeze %dma_start3A_1765 : memref<1x4096xf32, #tpu.memory_space<vmem>> -> memref<4096xf32, #tpu.memory_space<vmem>>
      %dma_start3A_1767 = arith.constant 1024 : i32
      %dma_start3A_1768 = tpu.memref_slice %dma_start3A_1766[%dma_start3A_1767] : memref<4096xf32, #tpu.memory_space<vmem>> -> memref<512xf32, #tpu.memory_space<vmem>>
      %dma_start3A_1769 = arith.constant 0 : i32
      %dma_start3A_1770 = tpu.memref_slice %arg5[%dma_start3A_1762, %dma_start3A_1769] : memref<2x4096xi32, #tpu.memory_space<vmem>> -> memref<1x4096xi32, #tpu.memory_space<vmem>>
      %dma_start3A_1771 = tpu.memref_squeeze %dma_start3A_1770 : memref<1x4096xi32, #tpu.memory_space<vmem>> -> memref<4096xi32, #tpu.memory_space<vmem>>
      %dma_start3A_1772 = arith.constant 1024 : i32
      %dma_start3A_1773 = tpu.memref_slice %dma_start3A_1771[%dma_start3A_1772] : memref<4096xi32, #tpu.memory_space<vmem>> -> memref<512xi32, #tpu.memory_space<vmem>>
      %dma_start3A_1774 = arith.constant 384 : i32
      %dma_start3A_1775 = tpu.memref_slice %arg3[%dma_start3A_1774] : memref<67108864xf32, #tpu.memory_space<hbm>> -> memref<67108480xf32, #tpu.memory_space<hbm>>
      %dma_start3A_1776 = arith.constant 0 : i32
      %dma_start3A_1777 = tpu.memref_slice %dma_start3A_1775[%dma_start3A_1776] : memref<67108480xf32, #tpu.memory_space<hbm>> -> memref<67108480xf32, #tpu.memory_space<hbm>>
      %dma_start3A_1778 = arith.constant -1 : i32
      tpu.enqueue_indirect_dma source(%dma_start3A_1777 : memref<67108480xf32, #tpu.memory_space<hbm>>) target(%dma_start3A_1768 : memref<512xf32, #tpu.memory_space<vmem>>) offsets(%dma_start3A_1773 : memref<512xi32, #tpu.memory_space<vmem>>) offset_filter(%dma_start3A_1778) semaphore(%arg13 : memref<!tpu.dma_semaphore, #tpu.memory_space<semaphore_mem>>)
      %dma_start3A_1779 = arith.constant 1 : i32
      %dma_start3A_1780 = arith.constant 1 : i32
      %dma_start3A_1781 = arith.constant 0 : i32
      %dma_start3A_1782 = tpu.memref_slice %arg9[%dma_start3A_1780, %dma_start3A_1781] : memref<2x4096xf32, #tpu.memory_space<vmem>> -> memref<1x4096xf32, #tpu.memory_space<vmem>>
      %dma_start3A_1783 = tpu.memref_squeeze %dma_start3A_1782 : memref<1x4096xf32, #tpu.memory_space<vmem>> -> memref<4096xf32, #tpu.memory_space<vmem>>
      %dma_start3A_1784 = arith.constant 1536 : i32
      %dma_start3A_1785 = tpu.memref_slice %dma_start3A_1783[%dma_start3A_1784] : memref<4096xf32, #tpu.memory_space<vmem>> -> memref<512xf32, #tpu.memory_space<vmem>>
      %dma_start3A_1786 = arith.constant 0 : i32
      %dma_start3A_1787 = tpu.memref_slice %arg5[%dma_start3A_1779, %dma_start3A_1786] : memref<2x4096xi32, #tpu.memory_space<vmem>> -> memref<1x4096xi32, #tpu.memory_space<vmem>>
      %dma_start3A_1788 = tpu.memref_squeeze %dma_start3A_1787 : memref<1x4096xi32, #tpu.memory_space<vmem>> -> memref<4096xi32, #tpu.memory_space<vmem>>
      %dma_start3A_1789 = arith.constant 1536 : i32
      %dma_start3A_1790 = tpu.memref_slice %dma_start3A_1788[%dma_start3A_1789] : memref<4096xi32, #tpu.memory_space<vmem>> -> memref<512xi32, #tpu.memory_space<vmem>>
      %dma_start3A_1791 = arith.constant 384 : i32
      %dma_start3A_1792 = tpu.memref_slice %arg3[%dma_start3A_1791] : memref<67108864xf32, #tpu.memory_space<hbm>> -> memref<67108480xf32, #tpu.memory_space<hbm>>
      %dma_start3A_1793 = arith.constant 0 : i32
      %dma_start3A_1794 = tpu.memref_slice %dma_start3A_1792[%dma_start3A_1793] : memref<67108480xf32, #tpu.memory_space<hbm>> -> memref<67108480xf32, #tpu.memory_space<hbm>>
      %dma_start3A_1795 = arith.constant -1 : i32
      tpu.enqueue_indirect_dma source(%dma_start3A_1794 : memref<67108480xf32, #tpu.memory_space<hbm>>) target(%dma_start3A_1785 : memref<512xf32, #tpu.memory_space<vmem>>) offsets(%dma_start3A_1790 : memref<512xi32, #tpu.memory_space<vmem>>) offset_filter(%dma_start3A_1795) semaphore(%arg13 : memref<!tpu.dma_semaphore, #tpu.memory_space<semaphore_mem>>)
      %dma_start3A_1796 = arith.constant 1 : i32
      %dma_start3A_1797 = arith.constant 1 : i32
      %dma_start3A_1798 = arith.constant 0 : i32
      %dma_start3A_1799 = tpu.memref_slice %arg9[%dma_start3A_1797, %dma_start3A_1798] : memref<2x4096xf32, #tpu.memory_space<vmem>> -> memref<1x4096xf32, #tpu.memory_space<vmem>>
      %dma_start3A_1800 = tpu.memref_squeeze %dma_start3A_1799 : memref<1x4096xf32, #tpu.memory_space<vmem>> -> memref<4096xf32, #tpu.memory_space<vmem>>
      %dma_start3A_1801 = arith.constant 2048 : i32
      %dma_start3A_1802 = tpu.memref_slice %dma_start3A_1800[%dma_start3A_1801] : memref<4096xf32, #tpu.memory_space<vmem>> -> memref<512xf32, #tpu.memory_space<vmem>>
      %dma_start3A_1803 = arith.constant 0 : i32
      %dma_start3A_1804 = tpu.memref_slice %arg5[%dma_start3A_1796, %dma_start3A_1803] : memref<2x4096xi32, #tpu.memory_space<vmem>> -> memref<1x4096xi32, #tpu.memory_space<vmem>>
      %dma_start3A_1805 = tpu.memref_squeeze %dma_start3A_1804 : memref<1x4096xi32, #tpu.memory_space<vmem>> -> memref<4096xi32, #tpu.memory_space<vmem>>
      %dma_start3A_1806 = arith.constant 2048 : i32
      %dma_start3A_1807 = tpu.memref_slice %dma_start3A_1805[%dma_start3A_1806] : memref<4096xi32, #tpu.memory_space<vmem>> -> memref<512xi32, #tpu.memory_space<vmem>>
      %dma_start3A_1808 = arith.constant 384 : i32
      %dma_start3A_1809 = tpu.memref_slice %arg3[%dma_start3A_1808] : memref<67108864xf32, #tpu.memory_space<hbm>> -> memref<67108480xf32, #tpu.memory_space<hbm>>
      %dma_start3A_1810 = arith.constant 0 : i32
      %dma_start3A_1811 = tpu.memref_slice %dma_start3A_1809[%dma_start3A_1810] : memref<67108480xf32, #tpu.memory_space<hbm>> -> memref<67108480xf32, #tpu.memory_space<hbm>>
      %dma_start3A_1812 = arith.constant -1 : i32
      tpu.enqueue_indirect_dma source(%dma_start3A_1811 : memref<67108480xf32, #tpu.memory_space<hbm>>) target(%dma_start3A_1802 : memref<512xf32, #tpu.memory_space<vmem>>) offsets(%dma_start3A_1807 : memref<512xi32, #tpu.memory_space<vmem>>) offset_filter(%dma_start3A_1812) semaphore(%arg13 : memref<!tpu.dma_semaphore, #tpu.memory_space<semaphore_mem>>)
      %dma_start3A_1813 = arith.constant 1 : i32
      %dma_start3A_1814 = arith.constant 1 : i32
      %dma_start3A_1815 = arith.constant 0 : i32
      %dma_start3A_1816 = tpu.memref_slice %arg9[%dma_start3A_1814, %dma_start3A_1815] : memref<2x4096xf32, #tpu.memory_space<vmem>> -> memref<1x4096xf32, #tpu.memory_space<vmem>>
      %dma_start3A_1817 = tpu.memref_squeeze %dma_start3A_1816 : memref<1x4096xf32, #tpu.memory_space<vmem>> -> memref<4096xf32, #tpu.memory_space<vmem>>
      %dma_start3A_1818 = arith.constant 2560 : i32
      %dma_start3A_1819 = tpu.memref_slice %dma_start3A_1817[%dma_start3A_1818] : memref<4096xf32, #tpu.memory_space<vmem>> -> memref<512xf32, #tpu.memory_space<vmem>>
      %dma_start3A_1820 = arith.constant 0 : i32
      %dma_start3A_1821 = tpu.memref_slice %arg5[%dma_start3A_1813, %dma_start3A_1820] : memref<2x4096xi32, #tpu.memory_space<vmem>> -> memref<1x4096xi32, #tpu.memory_space<vmem>>
      %dma_start3A_1822 = tpu.memref_squeeze %dma_start3A_1821 : memref<1x4096xi32, #tpu.memory_space<vmem>> -> memref<4096xi32, #tpu.memory_space<vmem>>
      %dma_start3A_1823 = arith.constant 2560 : i32
      %dma_start3A_1824 = tpu.memref_slice %dma_start3A_1822[%dma_start3A_1823] : memref<4096xi32, #tpu.memory_space<vmem>> -> memref<512xi32, #tpu.memory_space<vmem>>
      %dma_start3A_1825 = arith.constant 384 : i32
      %dma_start3A_1826 = tpu.memref_slice %arg3[%dma_start3A_1825] : memref<67108864xf32, #tpu.memory_space<hbm>> -> memref<67108480xf32, #tpu.memory_space<hbm>>
      %dma_start3A_1827 = arith.constant 0 : i32
      %dma_start3A_1828 = tpu.memref_slice %dma_start3A_1826[%dma_start3A_1827] : memref<67108480xf32, #tpu.memory_space<hbm>> -> memref<67108480xf32, #tpu.memory_space<hbm>>
      %dma_start3A_1829 = arith.constant -1 : i32
      tpu.enqueue_indirect_dma source(%dma_start3A_1828 : memref<67108480xf32, #tpu.memory_space<hbm>>) target(%dma_start3A_1819 : memref<512xf32, #tpu.memory_space<vmem>>) offsets(%dma_start3A_1824 : memref<512xi32, #tpu.memory_space<vmem>>) offset_filter(%dma_start3A_1829) semaphore(%arg13 : memref<!tpu.dma_semaphore, #tpu.memory_space<semaphore_mem>>)
      %dma_start3A_1830 = arith.constant 1 : i32
      %dma_start3A_1831 = arith.constant 1 : i32
      %dma_start3A_1832 = arith.constant 0 : i32
      %dma_start3A_1833 = tpu.memref_slice %arg9[%dma_start3A_1831, %dma_start3A_1832] : memref<2x4096xf32, #tpu.memory_space<vmem>> -> memref<1x4096xf32, #tpu.memory_space<vmem>>
      %dma_start3A_1834 = tpu.memref_squeeze %dma_start3A_1833 : memref<1x4096xf32, #tpu.memory_space<vmem>> -> memref<4096xf32, #tpu.memory_space<vmem>>
      %dma_start3A_1835 = arith.constant 3072 : i32
      %dma_start3A_1836 = tpu.memref_slice %dma_start3A_1834[%dma_start3A_1835] : memref<4096xf32, #tpu.memory_space<vmem>> -> memref<512xf32, #tpu.memory_space<vmem>>
      %dma_start3A_1837 = arith.constant 0 : i32
      %dma_start3A_1838 = tpu.memref_slice %arg5[%dma_start3A_1830, %dma_start3A_1837] : memref<2x4096xi32, #tpu.memory_space<vmem>> -> memref<1x4096xi32, #tpu.memory_space<vmem>>
      %dma_start3A_1839 = tpu.memref_squeeze %dma_start3A_1838 : memref<1x4096xi32, #tpu.memory_space<vmem>> -> memref<4096xi32, #tpu.memory_space<vmem>>
      %dma_start3A_1840 = arith.constant 3072 : i32
      %dma_start3A_1841 = tpu.memref_slice %dma_start3A_1839[%dma_start3A_1840] : memref<4096xi32, #tpu.memory_space<vmem>> -> memref<512xi32, #tpu.memory_space<vmem>>
      %dma_start3A_1842 = arith.constant 384 : i32
      %dma_start3A_1843 = tpu.memref_slice %arg3[%dma_start3A_1842] : memref<67108864xf32, #tpu.memory_space<hbm>> -> memref<67108480xf32, #tpu.memory_space<hbm>>
      %dma_start3A_1844 = arith.constant 0 : i32
      %dma_start3A_1845 = tpu.memref_slice %dma_start3A_1843[%dma_start3A_1844] : memref<67108480xf32, #tpu.memory_space<hbm>> -> memref<67108480xf32, #tpu.memory_space<hbm>>
      %dma_start3A_1846 = arith.constant -1 : i32
      tpu.enqueue_indirect_dma source(%dma_start3A_1845 : memref<67108480xf32, #tpu.memory_space<hbm>>) target(%dma_start3A_1836 : memref<512xf32, #tpu.memory_space<vmem>>) offsets(%dma_start3A_1841 : memref<512xi32, #tpu.memory_space<vmem>>) offset_filter(%dma_start3A_1846) semaphore(%arg13 : memref<!tpu.dma_semaphore, #tpu.memory_space<semaphore_mem>>)
      %dma_start3A_1847 = arith.constant 1 : i32
      %dma_start3A_1848 = arith.constant 1 : i32
      %dma_start3A_1849 = arith.constant 0 : i32
      %dma_start3A_1850 = tpu.memref_slice %arg9[%dma_start3A_1848, %dma_start3A_1849] : memref<2x4096xf32, #tpu.memory_space<vmem>> -> memref<1x4096xf32, #tpu.memory_space<vmem>>
      %dma_start3A_1851 = tpu.memref_squeeze %dma_start3A_1850 : memref<1x4096xf32, #tpu.memory_space<vmem>> -> memref<4096xf32, #tpu.memory_space<vmem>>
      %dma_start3A_1852 = arith.constant 3584 : i32
      %dma_start3A_1853 = tpu.memref_slice %dma_start3A_1851[%dma_start3A_1852] : memref<4096xf32, #tpu.memory_space<vmem>> -> memref<512xf32, #tpu.memory_space<vmem>>
      %dma_start3A_1854 = arith.constant 0 : i32
      %dma_start3A_1855 = tpu.memref_slice %arg5[%dma_start3A_1847, %dma_start3A_1854] : memref<2x4096xi32, #tpu.memory_space<vmem>> -> memref<1x4096xi32, #tpu.memory_space<vmem>>
      %dma_start3A_1856 = tpu.memref_squeeze %dma_start3A_1855 : memref<1x4096xi32, #tpu.memory_space<vmem>> -> memref<4096xi32, #tpu.memory_space<vmem>>
      %dma_start3A_1857 = arith.constant 3584 : i32
      %dma_start3A_1858 = tpu.memref_slice %dma_start3A_1856[%dma_start3A_1857] : memref<4096xi32, #tpu.memory_space<vmem>> -> memref<512xi32, #tpu.memory_space<vmem>>
      %dma_start3A_1859 = arith.constant 384 : i32
      %dma_start3A_1860 = tpu.memref_slice %arg3[%dma_start3A_1859] : memref<67108864xf32, #tpu.memory_space<hbm>> -> memref<67108480xf32, #tpu.memory_space<hbm>>
      %dma_start3A_1861 = arith.constant 0 : i32
      %dma_start3A_1862 = tpu.memref_slice %dma_start3A_1860[%dma_start3A_1861] : memref<67108480xf32, #tpu.memory_space<hbm>> -> memref<67108480xf32, #tpu.memory_space<hbm>>
      %dma_start3A_1863 = arith.constant -1 : i32
      tpu.enqueue_indirect_dma source(%dma_start3A_1862 : memref<67108480xf32, #tpu.memory_space<hbm>>) target(%dma_start3A_1853 : memref<512xf32, #tpu.memory_space<vmem>>) offsets(%dma_start3A_1858 : memref<512xi32, #tpu.memory_space<vmem>>) offset_filter(%dma_start3A_1863) semaphore(%arg13 : memref<!tpu.dma_semaphore, #tpu.memory_space<semaphore_mem>>)
      %ge3A_1864 = arith.constant 1 : i32
      %ge3A_1865 = arith.cmpi sge, %add3A_1300, %ge3A_1864 : i32
      %convert_element_type3A_1866 = arith.extui %ge3A_1865 : i1 to i32
      %cond3A_1867 = arith.constant 0 : i32
      %cond3A_1868 = arith.cmpi ne, %convert_element_type3A_1866, %cond3A_1867 : i32
      scf.if %cond3A_1868 {
        %sub3A = arith.constant 1 : i32
        %sub3A_1876 = arith.subi %add3A_1300, %sub3A : i32
        %dma_wait3A_1877 = arith.constant 0 : i32
        %dma_wait3A_1878 = arith.constant 0 : i32
        %dma_wait3A_1879 = arith.constant 0 : i32
        %dma_wait3A_1880 = tpu.memref_slice %arg6[%dma_wait3A_1878, %dma_wait3A_1879] : memref<2x4096xf32, #tpu.memory_space<vmem>> -> memref<1x4096xf32, #tpu.memory_space<vmem>>
        %dma_wait3A_1881 = tpu.memref_squeeze %dma_wait3A_1880 : memref<1x4096xf32, #tpu.memory_space<vmem>> -> memref<4096xf32, #tpu.memory_space<vmem>>
        %dma_wait3A_1882 = arith.constant 0 : i32
        %dma_wait3A_1883 = tpu.memref_slice %dma_wait3A_1881[%dma_wait3A_1882] : memref<4096xf32, #tpu.memory_space<vmem>> -> memref<512xf32, #tpu.memory_space<vmem>>
        %dma_wait3A_1884 = arith.constant 0 : i32
        %dma_wait3A_1885 = tpu.memref_slice %arg5[%dma_wait3A_1877, %dma_wait3A_1884] : memref<2x4096xi32, #tpu.memory_space<vmem>> -> memref<1x4096xi32, #tpu.memory_space<vmem>>
        %dma_wait3A_1886 = tpu.memref_squeeze %dma_wait3A_1885 : memref<1x4096xi32, #tpu.memory_space<vmem>> -> memref<4096xi32, #tpu.memory_space<vmem>>
        %dma_wait3A_1887 = arith.constant 0 : i32
        %dma_wait3A_1888 = tpu.memref_slice %dma_wait3A_1886[%dma_wait3A_1887] : memref<4096xi32, #tpu.memory_space<vmem>> -> memref<512xi32, #tpu.memory_space<vmem>>
        %dma_wait3A_1889 = arith.constant 0 : i32
        %dma_wait3A_1890 = tpu.memref_slice %arg3[%dma_wait3A_1889] : memref<67108864xf32, #tpu.memory_space<hbm>> -> memref<67108864xf32, #tpu.memory_space<hbm>>
        %dma_wait3A_1891 = arith.constant 0 : i32
        %dma_wait3A_1892 = tpu.memref_slice %dma_wait3A_1890[%dma_wait3A_1891] : memref<67108864xf32, #tpu.memory_space<hbm>> -> memref<67108864xf32, #tpu.memory_space<hbm>>
        tpu.wait_indirect_dma semaphore(%arg12 : memref<!tpu.dma_semaphore, #tpu.memory_space<semaphore_mem>>) src(%dma_wait3A_1892 : memref<67108864xf32, #tpu.memory_space<hbm>>) dst(%dma_wait3A_1883 : memref<512xf32, #tpu.memory_space<vmem>>)
        %dma_wait3A_1893 = arith.constant 0 : i32
        %dma_wait3A_1894 = arith.constant 0 : i32
        %dma_wait3A_1895 = arith.constant 0 : i32
        %dma_wait3A_1896 = tpu.memref_slice %arg6[%dma_wait3A_1894, %dma_wait3A_1895] : memref<2x4096xf32, #tpu.memory_space<vmem>> -> memref<1x4096xf32, #tpu.memory_space<vmem>>
        %dma_wait3A_1897 = tpu.memref_squeeze %dma_wait3A_1896 : memref<1x4096xf32, #tpu.memory_space<vmem>> -> memref<4096xf32, #tpu.memory_space<vmem>>
        %dma_wait3A_1898 = arith.constant 512 : i32
        %dma_wait3A_1899 = tpu.memref_slice %dma_wait3A_1897[%dma_wait3A_1898] : memref<4096xf32, #tpu.memory_space<vmem>> -> memref<512xf32, #tpu.memory_space<vmem>>
        %dma_wait3A_1900 = arith.constant 0 : i32
        %dma_wait3A_1901 = tpu.memref_slice %arg5[%dma_wait3A_1893, %dma_wait3A_1900] : memref<2x4096xi32, #tpu.memory_space<vmem>> -> memref<1x4096xi32, #tpu.memory_space<vmem>>
        %dma_wait3A_1902 = tpu.memref_squeeze %dma_wait3A_1901 : memref<1x4096xi32, #tpu.memory_space<vmem>> -> memref<4096xi32, #tpu.memory_space<vmem>>
        %dma_wait3A_1903 = arith.constant 512 : i32
        %dma_wait3A_1904 = tpu.memref_slice %dma_wait3A_1902[%dma_wait3A_1903] : memref<4096xi32, #tpu.memory_space<vmem>> -> memref<512xi32, #tpu.memory_space<vmem>>
        %dma_wait3A_1905 = arith.constant 0 : i32
        %dma_wait3A_1906 = tpu.memref_slice %arg3[%dma_wait3A_1905] : memref<67108864xf32, #tpu.memory_space<hbm>> -> memref<67108864xf32, #tpu.memory_space<hbm>>
        %dma_wait3A_1907 = arith.constant 0 : i32
        %dma_wait3A_1908 = tpu.memref_slice %dma_wait3A_1906[%dma_wait3A_1907] : memref<67108864xf32, #tpu.memory_space<hbm>> -> memref<67108864xf32, #tpu.memory_space<hbm>>
        tpu.wait_indirect_dma semaphore(%arg12 : memref<!tpu.dma_semaphore, #tpu.memory_space<semaphore_mem>>) src(%dma_wait3A_1908 : memref<67108864xf32, #tpu.memory_space<hbm>>) dst(%dma_wait3A_1899 : memref<512xf32, #tpu.memory_space<vmem>>)
        %dma_wait3A_1909 = arith.constant 0 : i32
        %dma_wait3A_1910 = arith.constant 0 : i32
        %dma_wait3A_1911 = arith.constant 0 : i32
        %dma_wait3A_1912 = tpu.memref_slice %arg6[%dma_wait3A_1910, %dma_wait3A_1911] : memref<2x4096xf32, #tpu.memory_space<vmem>> -> memref<1x4096xf32, #tpu.memory_space<vmem>>
        %dma_wait3A_1913 = tpu.memref_squeeze %dma_wait3A_1912 : memref<1x4096xf32, #tpu.memory_space<vmem>> -> memref<4096xf32, #tpu.memory_space<vmem>>
        %dma_wait3A_1914 = arith.constant 1024 : i32
        %dma_wait3A_1915 = tpu.memref_slice %dma_wait3A_1913[%dma_wait3A_1914] : memref<4096xf32, #tpu.memory_space<vmem>> -> memref<512xf32, #tpu.memory_space<vmem>>
        %dma_wait3A_1916 = arith.constant 0 : i32
        %dma_wait3A_1917 = tpu.memref_slice %arg5[%dma_wait3A_1909, %dma_wait3A_1916] : memref<2x4096xi32, #tpu.memory_space<vmem>> -> memref<1x4096xi32, #tpu.memory_space<vmem>>
        %dma_wait3A_1918 = tpu.memref_squeeze %dma_wait3A_1917 : memref<1x4096xi32, #tpu.memory_space<vmem>> -> memref<4096xi32, #tpu.memory_space<vmem>>
        %dma_wait3A_1919 = arith.constant 1024 : i32
        %dma_wait3A_1920 = tpu.memref_slice %dma_wait3A_1918[%dma_wait3A_1919] : memref<4096xi32, #tpu.memory_space<vmem>> -> memref<512xi32, #tpu.memory_space<vmem>>
        %dma_wait3A_1921 = arith.constant 0 : i32
        %dma_wait3A_1922 = tpu.memref_slice %arg3[%dma_wait3A_1921] : memref<67108864xf32, #tpu.memory_space<hbm>> -> memref<67108864xf32, #tpu.memory_space<hbm>>
        %dma_wait3A_1923 = arith.constant 0 : i32
        %dma_wait3A_1924 = tpu.memref_slice %dma_wait3A_1922[%dma_wait3A_1923] : memref<67108864xf32, #tpu.memory_space<hbm>> -> memref<67108864xf32, #tpu.memory_space<hbm>>
        tpu.wait_indirect_dma semaphore(%arg12 : memref<!tpu.dma_semaphore, #tpu.memory_space<semaphore_mem>>) src(%dma_wait3A_1924 : memref<67108864xf32, #tpu.memory_space<hbm>>) dst(%dma_wait3A_1915 : memref<512xf32, #tpu.memory_space<vmem>>)
        %dma_wait3A_1925 = arith.constant 0 : i32
        %dma_wait3A_1926 = arith.constant 0 : i32
        %dma_wait3A_1927 = arith.constant 0 : i32
        %dma_wait3A_1928 = tpu.memref_slice %arg6[%dma_wait3A_1926, %dma_wait3A_1927] : memref<2x4096xf32, #tpu.memory_space<vmem>> -> memref<1x4096xf32, #tpu.memory_space<vmem>>
        %dma_wait3A_1929 = tpu.memref_squeeze %dma_wait3A_1928 : memref<1x4096xf32, #tpu.memory_space<vmem>> -> memref<4096xf32, #tpu.memory_space<vmem>>
        %dma_wait3A_1930 = arith.constant 1536 : i32
        %dma_wait3A_1931 = tpu.memref_slice %dma_wait3A_1929[%dma_wait3A_1930] : memref<4096xf32, #tpu.memory_space<vmem>> -> memref<512xf32, #tpu.memory_space<vmem>>
        %dma_wait3A_1932 = arith.constant 0 : i32
        %dma_wait3A_1933 = tpu.memref_slice %arg5[%dma_wait3A_1925, %dma_wait3A_1932] : memref<2x4096xi32, #tpu.memory_space<vmem>> -> memref<1x4096xi32, #tpu.memory_space<vmem>>
        %dma_wait3A_1934 = tpu.memref_squeeze %dma_wait3A_1933 : memref<1x4096xi32, #tpu.memory_space<vmem>> -> memref<4096xi32, #tpu.memory_space<vmem>>
        %dma_wait3A_1935 = arith.constant 1536 : i32
        %dma_wait3A_1936 = tpu.memref_slice %dma_wait3A_1934[%dma_wait3A_1935] : memref<4096xi32, #tpu.memory_space<vmem>> -> memref<512xi32, #tpu.memory_space<vmem>>
        %dma_wait3A_1937 = arith.constant 0 : i32
        %dma_wait3A_1938 = tpu.memref_slice %arg3[%dma_wait3A_1937] : memref<67108864xf32, #tpu.memory_space<hbm>> -> memref<67108864xf32, #tpu.memory_space<hbm>>
        %dma_wait3A_1939 = arith.constant 0 : i32
        %dma_wait3A_1940 = tpu.memref_slice %dma_wait3A_1938[%dma_wait3A_1939] : memref<67108864xf32, #tpu.memory_space<hbm>> -> memref<67108864xf32, #tpu.memory_space<hbm>>
        tpu.wait_indirect_dma semaphore(%arg12 : memref<!tpu.dma_semaphore, #tpu.memory_space<semaphore_mem>>) src(%dma_wait3A_1940 : memref<67108864xf32, #tpu.memory_space<hbm>>) dst(%dma_wait3A_1931 : memref<512xf32, #tpu.memory_space<vmem>>)
        %dma_wait3A_1941 = arith.constant 0 : i32
        %dma_wait3A_1942 = arith.constant 0 : i32
        %dma_wait3A_1943 = arith.constant 0 : i32
        %dma_wait3A_1944 = tpu.memref_slice %arg6[%dma_wait3A_1942, %dma_wait3A_1943] : memref<2x4096xf32, #tpu.memory_space<vmem>> -> memref<1x4096xf32, #tpu.memory_space<vmem>>
        %dma_wait3A_1945 = tpu.memref_squeeze %dma_wait3A_1944 : memref<1x4096xf32, #tpu.memory_space<vmem>> -> memref<4096xf32, #tpu.memory_space<vmem>>
        %dma_wait3A_1946 = arith.constant 2048 : i32
        %dma_wait3A_1947 = tpu.memref_slice %dma_wait3A_1945[%dma_wait3A_1946] : memref<4096xf32, #tpu.memory_space<vmem>> -> memref<512xf32, #tpu.memory_space<vmem>>
        %dma_wait3A_1948 = arith.constant 0 : i32
        %dma_wait3A_1949 = tpu.memref_slice %arg5[%dma_wait3A_1941, %dma_wait3A_1948] : memref<2x4096xi32, #tpu.memory_space<vmem>> -> memref<1x4096xi32, #tpu.memory_space<vmem>>
        %dma_wait3A_1950 = tpu.memref_squeeze %dma_wait3A_1949 : memref<1x4096xi32, #tpu.memory_space<vmem>> -> memref<4096xi32, #tpu.memory_space<vmem>>
        %dma_wait3A_1951 = arith.constant 2048 : i32
        %dma_wait3A_1952 = tpu.memref_slice %dma_wait3A_1950[%dma_wait3A_1951] : memref<4096xi32, #tpu.memory_space<vmem>> -> memref<512xi32, #tpu.memory_space<vmem>>
        %dma_wait3A_1953 = arith.constant 0 : i32
        %dma_wait3A_1954 = tpu.memref_slice %arg3[%dma_wait3A_1953] : memref<67108864xf32, #tpu.memory_space<hbm>> -> memref<67108864xf32, #tpu.memory_space<hbm>>
        %dma_wait3A_1955 = arith.constant 0 : i32
        %dma_wait3A_1956 = tpu.memref_slice %dma_wait3A_1954[%dma_wait3A_1955] : memref<67108864xf32, #tpu.memory_space<hbm>> -> memref<67108864xf32, #tpu.memory_space<hbm>>
        tpu.wait_indirect_dma semaphore(%arg12 : memref<!tpu.dma_semaphore, #tpu.memory_space<semaphore_mem>>) src(%dma_wait3A_1956 : memref<67108864xf32, #tpu.memory_space<hbm>>) dst(%dma_wait3A_1947 : memref<512xf32, #tpu.memory_space<vmem>>)
        %dma_wait3A_1957 = arith.constant 0 : i32
        %dma_wait3A_1958 = arith.constant 0 : i32
        %dma_wait3A_1959 = arith.constant 0 : i32
        %dma_wait3A_1960 = tpu.memref_slice %arg6[%dma_wait3A_1958, %dma_wait3A_1959] : memref<2x4096xf32, #tpu.memory_space<vmem>> -> memref<1x4096xf32, #tpu.memory_space<vmem>>
        %dma_wait3A_1961 = tpu.memref_squeeze %dma_wait3A_1960 : memref<1x4096xf32, #tpu.memory_space<vmem>> -> memref<4096xf32, #tpu.memory_space<vmem>>
        %dma_wait3A_1962 = arith.constant 2560 : i32
        %dma_wait3A_1963 = tpu.memref_slice %dma_wait3A_1961[%dma_wait3A_1962] : memref<4096xf32, #tpu.memory_space<vmem>> -> memref<512xf32, #tpu.memory_space<vmem>>
        %dma_wait3A_1964 = arith.constant 0 : i32
        %dma_wait3A_1965 = tpu.memref_slice %arg5[%dma_wait3A_1957, %dma_wait3A_1964] : memref<2x4096xi32, #tpu.memory_space<vmem>> -> memref<1x4096xi32, #tpu.memory_space<vmem>>
        %dma_wait3A_1966 = tpu.memref_squeeze %dma_wait3A_1965 : memref<1x4096xi32, #tpu.memory_space<vmem>> -> memref<4096xi32, #tpu.memory_space<vmem>>
        %dma_wait3A_1967 = arith.constant 2560 : i32
        %dma_wait3A_1968 = tpu.memref_slice %dma_wait3A_1966[%dma_wait3A_1967] : memref<4096xi32, #tpu.memory_space<vmem>> -> memref<512xi32, #tpu.memory_space<vmem>>
        %dma_wait3A_1969 = arith.constant 0 : i32
        %dma_wait3A_1970 = tpu.memref_slice %arg3[%dma_wait3A_1969] : memref<67108864xf32, #tpu.memory_space<hbm>> -> memref<67108864xf32, #tpu.memory_space<hbm>>
        %dma_wait3A_1971 = arith.constant 0 : i32
        %dma_wait3A_1972 = tpu.memref_slice %dma_wait3A_1970[%dma_wait3A_1971] : memref<67108864xf32, #tpu.memory_space<hbm>> -> memref<67108864xf32, #tpu.memory_space<hbm>>
        tpu.wait_indirect_dma semaphore(%arg12 : memref<!tpu.dma_semaphore, #tpu.memory_space<semaphore_mem>>) src(%dma_wait3A_1972 : memref<67108864xf32, #tpu.memory_space<hbm>>) dst(%dma_wait3A_1963 : memref<512xf32, #tpu.memory_space<vmem>>)
        %dma_wait3A_1973 = arith.constant 0 : i32
        %dma_wait3A_1974 = arith.constant 0 : i32
        %dma_wait3A_1975 = arith.constant 0 : i32
        %dma_wait3A_1976 = tpu.memref_slice %arg6[%dma_wait3A_1974, %dma_wait3A_1975] : memref<2x4096xf32, #tpu.memory_space<vmem>> -> memref<1x4096xf32, #tpu.memory_space<vmem>>
        %dma_wait3A_1977 = tpu.memref_squeeze %dma_wait3A_1976 : memref<1x4096xf32, #tpu.memory_space<vmem>> -> memref<4096xf32, #tpu.memory_space<vmem>>
        %dma_wait3A_1978 = arith.constant 3072 : i32
        %dma_wait3A_1979 = tpu.memref_slice %dma_wait3A_1977[%dma_wait3A_1978] : memref<4096xf32, #tpu.memory_space<vmem>> -> memref<512xf32, #tpu.memory_space<vmem>>
        %dma_wait3A_1980 = arith.constant 0 : i32
        %dma_wait3A_1981 = tpu.memref_slice %arg5[%dma_wait3A_1973, %dma_wait3A_1980] : memref<2x4096xi32, #tpu.memory_space<vmem>> -> memref<1x4096xi32, #tpu.memory_space<vmem>>
        %dma_wait3A_1982 = tpu.memref_squeeze %dma_wait3A_1981 : memref<1x4096xi32, #tpu.memory_space<vmem>> -> memref<4096xi32, #tpu.memory_space<vmem>>
        %dma_wait3A_1983 = arith.constant 3072 : i32
        %dma_wait3A_1984 = tpu.memref_slice %dma_wait3A_1982[%dma_wait3A_1983] : memref<4096xi32, #tpu.memory_space<vmem>> -> memref<512xi32, #tpu.memory_space<vmem>>
        %dma_wait3A_1985 = arith.constant 0 : i32
        %dma_wait3A_1986 = tpu.memref_slice %arg3[%dma_wait3A_1985] : memref<67108864xf32, #tpu.memory_space<hbm>> -> memref<67108864xf32, #tpu.memory_space<hbm>>
        %dma_wait3A_1987 = arith.constant 0 : i32
        %dma_wait3A_1988 = tpu.memref_slice %dma_wait3A_1986[%dma_wait3A_1987] : memref<67108864xf32, #tpu.memory_space<hbm>> -> memref<67108864xf32, #tpu.memory_space<hbm>>
        tpu.wait_indirect_dma semaphore(%arg12 : memref<!tpu.dma_semaphore, #tpu.memory_space<semaphore_mem>>) src(%dma_wait3A_1988 : memref<67108864xf32, #tpu.memory_space<hbm>>) dst(%dma_wait3A_1979 : memref<512xf32, #tpu.memory_space<vmem>>)
        %dma_wait3A_1989 = arith.constant 0 : i32
        %dma_wait3A_1990 = arith.constant 0 : i32
        %dma_wait3A_1991 = arith.constant 0 : i32
        %dma_wait3A_1992 = tpu.memref_slice %arg6[%dma_wait3A_1990, %dma_wait3A_1991] : memref<2x4096xf32, #tpu.memory_space<vmem>> -> memref<1x4096xf32, #tpu.memory_space<vmem>>
        %dma_wait3A_1993 = tpu.memref_squeeze %dma_wait3A_1992 : memref<1x4096xf32, #tpu.memory_space<vmem>> -> memref<4096xf32, #tpu.memory_space<vmem>>
        %dma_wait3A_1994 = arith.constant 3584 : i32
        %dma_wait3A_1995 = tpu.memref_slice %dma_wait3A_1993[%dma_wait3A_1994] : memref<4096xf32, #tpu.memory_space<vmem>> -> memref<512xf32, #tpu.memory_space<vmem>>
        %dma_wait3A_1996 = arith.constant 0 : i32
        %dma_wait3A_1997 = tpu.memref_slice %arg5[%dma_wait3A_1989, %dma_wait3A_1996] : memref<2x4096xi32, #tpu.memory_space<vmem>> -> memref<1x4096xi32, #tpu.memory_space<vmem>>
        %dma_wait3A_1998 = tpu.memref_squeeze %dma_wait3A_1997 : memref<1x4096xi32, #tpu.memory_space<vmem>> -> memref<4096xi32, #tpu.memory_space<vmem>>
        %dma_wait3A_1999 = arith.constant 3584 : i32
        %dma_wait3A_2000 = tpu.memref_slice %dma_wait3A_1998[%dma_wait3A_1999] : memref<4096xi32, #tpu.memory_space<vmem>> -> memref<512xi32, #tpu.memory_space<vmem>>
        %dma_wait3A_2001 = arith.constant 0 : i32
        %dma_wait3A_2002 = tpu.memref_slice %arg3[%dma_wait3A_2001] : memref<67108864xf32, #tpu.memory_space<hbm>> -> memref<67108864xf32, #tpu.memory_space<hbm>>
        %dma_wait3A_2003 = arith.constant 0 : i32
        %dma_wait3A_2004 = tpu.memref_slice %dma_wait3A_2002[%dma_wait3A_2003] : memref<67108864xf32, #tpu.memory_space<hbm>> -> memref<67108864xf32, #tpu.memory_space<hbm>>
        tpu.wait_indirect_dma semaphore(%arg12 : memref<!tpu.dma_semaphore, #tpu.memory_space<semaphore_mem>>) src(%dma_wait3A_2004 : memref<67108864xf32, #tpu.memory_space<hbm>>) dst(%dma_wait3A_1995 : memref<512xf32, #tpu.memory_space<vmem>>)
        %dma_wait3A_2005 = arith.constant 0 : i32
        %dma_wait3A_2006 = arith.constant 0 : i32
        %dma_wait3A_2007 = arith.constant 0 : i32
        %dma_wait3A_2008 = tpu.memref_slice %arg7[%dma_wait3A_2006, %dma_wait3A_2007] : memref<2x4096xf32, #tpu.memory_space<vmem>> -> memref<1x4096xf32, #tpu.memory_space<vmem>>
        %dma_wait3A_2009 = tpu.memref_squeeze %dma_wait3A_2008 : memref<1x4096xf32, #tpu.memory_space<vmem>> -> memref<4096xf32, #tpu.memory_space<vmem>>
        %dma_wait3A_2010 = arith.constant 0 : i32
        %dma_wait3A_2011 = tpu.memref_slice %dma_wait3A_2009[%dma_wait3A_2010] : memref<4096xf32, #tpu.memory_space<vmem>> -> memref<512xf32, #tpu.memory_space<vmem>>
        %dma_wait3A_2012 = arith.constant 0 : i32
        %dma_wait3A_2013 = tpu.memref_slice %arg5[%dma_wait3A_2005, %dma_wait3A_2012] : memref<2x4096xi32, #tpu.memory_space<vmem>> -> memref<1x4096xi32, #tpu.memory_space<vmem>>
        %dma_wait3A_2014 = tpu.memref_squeeze %dma_wait3A_2013 : memref<1x4096xi32, #tpu.memory_space<vmem>> -> memref<4096xi32, #tpu.memory_space<vmem>>
        %dma_wait3A_2015 = arith.constant 0 : i32
        %dma_wait3A_2016 = tpu.memref_slice %dma_wait3A_2014[%dma_wait3A_2015] : memref<4096xi32, #tpu.memory_space<vmem>> -> memref<512xi32, #tpu.memory_space<vmem>>
        %dma_wait3A_2017 = arith.constant 128 : i32
        %dma_wait3A_2018 = tpu.memref_slice %arg3[%dma_wait3A_2017] : memref<67108864xf32, #tpu.memory_space<hbm>> -> memref<67108736xf32, #tpu.memory_space<hbm>>
        %dma_wait3A_2019 = arith.constant 0 : i32
        %dma_wait3A_2020 = tpu.memref_slice %dma_wait3A_2018[%dma_wait3A_2019] : memref<67108736xf32, #tpu.memory_space<hbm>> -> memref<67108736xf32, #tpu.memory_space<hbm>>
        tpu.wait_indirect_dma semaphore(%arg12 : memref<!tpu.dma_semaphore, #tpu.memory_space<semaphore_mem>>) src(%dma_wait3A_2020 : memref<67108736xf32, #tpu.memory_space<hbm>>) dst(%dma_wait3A_2011 : memref<512xf32, #tpu.memory_space<vmem>>)
        %dma_wait3A_2021 = arith.constant 0 : i32
        %dma_wait3A_2022 = arith.constant 0 : i32
        %dma_wait3A_2023 = arith.constant 0 : i32
        %dma_wait3A_2024 = tpu.memref_slice %arg7[%dma_wait3A_2022, %dma_wait3A_2023] : memref<2x4096xf32, #tpu.memory_space<vmem>> -> memref<1x4096xf32, #tpu.memory_space<vmem>>
        %dma_wait3A_2025 = tpu.memref_squeeze %dma_wait3A_2024 : memref<1x4096xf32, #tpu.memory_space<vmem>> -> memref<4096xf32, #tpu.memory_space<vmem>>
        %dma_wait3A_2026 = arith.constant 512 : i32
        %dma_wait3A_2027 = tpu.memref_slice %dma_wait3A_2025[%dma_wait3A_2026] : memref<4096xf32, #tpu.memory_space<vmem>> -> memref<512xf32, #tpu.memory_space<vmem>>
        %dma_wait3A_2028 = arith.constant 0 : i32
        %dma_wait3A_2029 = tpu.memref_slice %arg5[%dma_wait3A_2021, %dma_wait3A_2028] : memref<2x4096xi32, #tpu.memory_space<vmem>> -> memref<1x4096xi32, #tpu.memory_space<vmem>>
        %dma_wait3A_2030 = tpu.memref_squeeze %dma_wait3A_2029 : memref<1x4096xi32, #tpu.memory_space<vmem>> -> memref<4096xi32, #tpu.memory_space<vmem>>
        %dma_wait3A_2031 = arith.constant 512 : i32
        %dma_wait3A_2032 = tpu.memref_slice %dma_wait3A_2030[%dma_wait3A_2031] : memref<4096xi32, #tpu.memory_space<vmem>> -> memref<512xi32, #tpu.memory_space<vmem>>
        %dma_wait3A_2033 = arith.constant 128 : i32
        %dma_wait3A_2034 = tpu.memref_slice %arg3[%dma_wait3A_2033] : memref<67108864xf32, #tpu.memory_space<hbm>> -> memref<67108736xf32, #tpu.memory_space<hbm>>
        %dma_wait3A_2035 = arith.constant 0 : i32
        %dma_wait3A_2036 = tpu.memref_slice %dma_wait3A_2034[%dma_wait3A_2035] : memref<67108736xf32, #tpu.memory_space<hbm>> -> memref<67108736xf32, #tpu.memory_space<hbm>>
        tpu.wait_indirect_dma semaphore(%arg12 : memref<!tpu.dma_semaphore, #tpu.memory_space<semaphore_mem>>) src(%dma_wait3A_2036 : memref<67108736xf32, #tpu.memory_space<hbm>>) dst(%dma_wait3A_2027 : memref<512xf32, #tpu.memory_space<vmem>>)
        %dma_wait3A_2037 = arith.constant 0 : i32
        %dma_wait3A_2038 = arith.constant 0 : i32
        %dma_wait3A_2039 = arith.constant 0 : i32
        %dma_wait3A_2040 = tpu.memref_slice %arg7[%dma_wait3A_2038, %dma_wait3A_2039] : memref<2x4096xf32, #tpu.memory_space<vmem>> -> memref<1x4096xf32, #tpu.memory_space<vmem>>
        %dma_wait3A_2041 = tpu.memref_squeeze %dma_wait3A_2040 : memref<1x4096xf32, #tpu.memory_space<vmem>> -> memref<4096xf32, #tpu.memory_space<vmem>>
        %dma_wait3A_2042 = arith.constant 1024 : i32
        %dma_wait3A_2043 = tpu.memref_slice %dma_wait3A_2041[%dma_wait3A_2042] : memref<4096xf32, #tpu.memory_space<vmem>> -> memref<512xf32, #tpu.memory_space<vmem>>
        %dma_wait3A_2044 = arith.constant 0 : i32
        %dma_wait3A_2045 = tpu.memref_slice %arg5[%dma_wait3A_2037, %dma_wait3A_2044] : memref<2x4096xi32, #tpu.memory_space<vmem>> -> memref<1x4096xi32, #tpu.memory_space<vmem>>
        %dma_wait3A_2046 = tpu.memref_squeeze %dma_wait3A_2045 : memref<1x4096xi32, #tpu.memory_space<vmem>> -> memref<4096xi32, #tpu.memory_space<vmem>>
        %dma_wait3A_2047 = arith.constant 1024 : i32
        %dma_wait3A_2048 = tpu.memref_slice %dma_wait3A_2046[%dma_wait3A_2047] : memref<4096xi32, #tpu.memory_space<vmem>> -> memref<512xi32, #tpu.memory_space<vmem>>
        %dma_wait3A_2049 = arith.constant 128 : i32
        %dma_wait3A_2050 = tpu.memref_slice %arg3[%dma_wait3A_2049] : memref<67108864xf32, #tpu.memory_space<hbm>> -> memref<67108736xf32, #tpu.memory_space<hbm>>
        %dma_wait3A_2051 = arith.constant 0 : i32
        %dma_wait3A_2052 = tpu.memref_slice %dma_wait3A_2050[%dma_wait3A_2051] : memref<67108736xf32, #tpu.memory_space<hbm>> -> memref<67108736xf32, #tpu.memory_space<hbm>>
        tpu.wait_indirect_dma semaphore(%arg12 : memref<!tpu.dma_semaphore, #tpu.memory_space<semaphore_mem>>) src(%dma_wait3A_2052 : memref<67108736xf32, #tpu.memory_space<hbm>>) dst(%dma_wait3A_2043 : memref<512xf32, #tpu.memory_space<vmem>>)
        %dma_wait3A_2053 = arith.constant 0 : i32
        %dma_wait3A_2054 = arith.constant 0 : i32
        %dma_wait3A_2055 = arith.constant 0 : i32
        %dma_wait3A_2056 = tpu.memref_slice %arg7[%dma_wait3A_2054, %dma_wait3A_2055] : memref<2x4096xf32, #tpu.memory_space<vmem>> -> memref<1x4096xf32, #tpu.memory_space<vmem>>
        %dma_wait3A_2057 = tpu.memref_squeeze %dma_wait3A_2056 : memref<1x4096xf32, #tpu.memory_space<vmem>> -> memref<4096xf32, #tpu.memory_space<vmem>>
        %dma_wait3A_2058 = arith.constant 1536 : i32
        %dma_wait3A_2059 = tpu.memref_slice %dma_wait3A_2057[%dma_wait3A_2058] : memref<4096xf32, #tpu.memory_space<vmem>> -> memref<512xf32, #tpu.memory_space<vmem>>
        %dma_wait3A_2060 = arith.constant 0 : i32
        %dma_wait3A_2061 = tpu.memref_slice %arg5[%dma_wait3A_2053, %dma_wait3A_2060] : memref<2x4096xi32, #tpu.memory_space<vmem>> -> memref<1x4096xi32, #tpu.memory_space<vmem>>
        %dma_wait3A_2062 = tpu.memref_squeeze %dma_wait3A_2061 : memref<1x4096xi32, #tpu.memory_space<vmem>> -> memref<4096xi32, #tpu.memory_space<vmem>>
        %dma_wait3A_2063 = arith.constant 1536 : i32
        %dma_wait3A_2064 = tpu.memref_slice %dma_wait3A_2062[%dma_wait3A_2063] : memref<4096xi32, #tpu.memory_space<vmem>> -> memref<512xi32, #tpu.memory_space<vmem>>
        %dma_wait3A_2065 = arith.constant 128 : i32
        %dma_wait3A_2066 = tpu.memref_slice %arg3[%dma_wait3A_2065] : memref<67108864xf32, #tpu.memory_space<hbm>> -> memref<67108736xf32, #tpu.memory_space<hbm>>
        %dma_wait3A_2067 = arith.constant 0 : i32
        %dma_wait3A_2068 = tpu.memref_slice %dma_wait3A_2066[%dma_wait3A_2067] : memref<67108736xf32, #tpu.memory_space<hbm>> -> memref<67108736xf32, #tpu.memory_space<hbm>>
        tpu.wait_indirect_dma semaphore(%arg12 : memref<!tpu.dma_semaphore, #tpu.memory_space<semaphore_mem>>) src(%dma_wait3A_2068 : memref<67108736xf32, #tpu.memory_space<hbm>>) dst(%dma_wait3A_2059 : memref<512xf32, #tpu.memory_space<vmem>>)
        %dma_wait3A_2069 = arith.constant 0 : i32
        %dma_wait3A_2070 = arith.constant 0 : i32
        %dma_wait3A_2071 = arith.constant 0 : i32
        %dma_wait3A_2072 = tpu.memref_slice %arg7[%dma_wait3A_2070, %dma_wait3A_2071] : memref<2x4096xf32, #tpu.memory_space<vmem>> -> memref<1x4096xf32, #tpu.memory_space<vmem>>
        %dma_wait3A_2073 = tpu.memref_squeeze %dma_wait3A_2072 : memref<1x4096xf32, #tpu.memory_space<vmem>> -> memref<4096xf32, #tpu.memory_space<vmem>>
        %dma_wait3A_2074 = arith.constant 2048 : i32
        %dma_wait3A_2075 = tpu.memref_slice %dma_wait3A_2073[%dma_wait3A_2074] : memref<4096xf32, #tpu.memory_space<vmem>> -> memref<512xf32, #tpu.memory_space<vmem>>
        %dma_wait3A_2076 = arith.constant 0 : i32
        %dma_wait3A_2077 = tpu.memref_slice %arg5[%dma_wait3A_2069, %dma_wait3A_2076] : memref<2x4096xi32, #tpu.memory_space<vmem>> -> memref<1x4096xi32, #tpu.memory_space<vmem>>
        %dma_wait3A_2078 = tpu.memref_squeeze %dma_wait3A_2077 : memref<1x4096xi32, #tpu.memory_space<vmem>> -> memref<4096xi32, #tpu.memory_space<vmem>>
        %dma_wait3A_2079 = arith.constant 2048 : i32
        %dma_wait3A_2080 = tpu.memref_slice %dma_wait3A_2078[%dma_wait3A_2079] : memref<4096xi32, #tpu.memory_space<vmem>> -> memref<512xi32, #tpu.memory_space<vmem>>
        %dma_wait3A_2081 = arith.constant 128 : i32
        %dma_wait3A_2082 = tpu.memref_slice %arg3[%dma_wait3A_2081] : memref<67108864xf32, #tpu.memory_space<hbm>> -> memref<67108736xf32, #tpu.memory_space<hbm>>
        %dma_wait3A_2083 = arith.constant 0 : i32
        %dma_wait3A_2084 = tpu.memref_slice %dma_wait3A_2082[%dma_wait3A_2083] : memref<67108736xf32, #tpu.memory_space<hbm>> -> memref<67108736xf32, #tpu.memory_space<hbm>>
        tpu.wait_indirect_dma semaphore(%arg12 : memref<!tpu.dma_semaphore, #tpu.memory_space<semaphore_mem>>) src(%dma_wait3A_2084 : memref<67108736xf32, #tpu.memory_space<hbm>>) dst(%dma_wait3A_2075 : memref<512xf32, #tpu.memory_space<vmem>>)
        %dma_wait3A_2085 = arith.constant 0 : i32
        %dma_wait3A_2086 = arith.constant 0 : i32
        %dma_wait3A_2087 = arith.constant 0 : i32
        %dma_wait3A_2088 = tpu.memref_slice %arg7[%dma_wait3A_2086, %dma_wait3A_2087] : memref<2x4096xf32, #tpu.memory_space<vmem>> -> memref<1x4096xf32, #tpu.memory_space<vmem>>
        %dma_wait3A_2089 = tpu.memref_squeeze %dma_wait3A_2088 : memref<1x4096xf32, #tpu.memory_space<vmem>> -> memref<4096xf32, #tpu.memory_space<vmem>>
        %dma_wait3A_2090 = arith.constant 2560 : i32
        %dma_wait3A_2091 = tpu.memref_slice %dma_wait3A_2089[%dma_wait3A_2090] : memref<4096xf32, #tpu.memory_space<vmem>> -> memref<512xf32, #tpu.memory_space<vmem>>
        %dma_wait3A_2092 = arith.constant 0 : i32
        %dma_wait3A_2093 = tpu.memref_slice %arg5[%dma_wait3A_2085, %dma_wait3A_2092] : memref<2x4096xi32, #tpu.memory_space<vmem>> -> memref<1x4096xi32, #tpu.memory_space<vmem>>
        %dma_wait3A_2094 = tpu.memref_squeeze %dma_wait3A_2093 : memref<1x4096xi32, #tpu.memory_space<vmem>> -> memref<4096xi32, #tpu.memory_space<vmem>>
        %dma_wait3A_2095 = arith.constant 2560 : i32
        %dma_wait3A_2096 = tpu.memref_slice %dma_wait3A_2094[%dma_wait3A_2095] : memref<4096xi32, #tpu.memory_space<vmem>> -> memref<512xi32, #tpu.memory_space<vmem>>
        %dma_wait3A_2097 = arith.constant 128 : i32
        %dma_wait3A_2098 = tpu.memref_slice %arg3[%dma_wait3A_2097] : memref<67108864xf32, #tpu.memory_space<hbm>> -> memref<67108736xf32, #tpu.memory_space<hbm>>
        %dma_wait3A_2099 = arith.constant 0 : i32
        %dma_wait3A_2100 = tpu.memref_slice %dma_wait3A_2098[%dma_wait3A_2099] : memref<67108736xf32, #tpu.memory_space<hbm>> -> memref<67108736xf32, #tpu.memory_space<hbm>>
        tpu.wait_indirect_dma semaphore(%arg12 : memref<!tpu.dma_semaphore, #tpu.memory_space<semaphore_mem>>) src(%dma_wait3A_2100 : memref<67108736xf32, #tpu.memory_space<hbm>>) dst(%dma_wait3A_2091 : memref<512xf32, #tpu.memory_space<vmem>>)
        %dma_wait3A_2101 = arith.constant 0 : i32
        %dma_wait3A_2102 = arith.constant 0 : i32
        %dma_wait3A_2103 = arith.constant 0 : i32
        %dma_wait3A_2104 = tpu.memref_slice %arg7[%dma_wait3A_2102, %dma_wait3A_2103] : memref<2x4096xf32, #tpu.memory_space<vmem>> -> memref<1x4096xf32, #tpu.memory_space<vmem>>
        %dma_wait3A_2105 = tpu.memref_squeeze %dma_wait3A_2104 : memref<1x4096xf32, #tpu.memory_space<vmem>> -> memref<4096xf32, #tpu.memory_space<vmem>>
        %dma_wait3A_2106 = arith.constant 3072 : i32
        %dma_wait3A_2107 = tpu.memref_slice %dma_wait3A_2105[%dma_wait3A_2106] : memref<4096xf32, #tpu.memory_space<vmem>> -> memref<512xf32, #tpu.memory_space<vmem>>
        %dma_wait3A_2108 = arith.constant 0 : i32
        %dma_wait3A_2109 = tpu.memref_slice %arg5[%dma_wait3A_2101, %dma_wait3A_2108] : memref<2x4096xi32, #tpu.memory_space<vmem>> -> memref<1x4096xi32, #tpu.memory_space<vmem>>
        %dma_wait3A_2110 = tpu.memref_squeeze %dma_wait3A_2109 : memref<1x4096xi32, #tpu.memory_space<vmem>> -> memref<4096xi32, #tpu.memory_space<vmem>>
        %dma_wait3A_2111 = arith.constant 3072 : i32
        %dma_wait3A_2112 = tpu.memref_slice %dma_wait3A_2110[%dma_wait3A_2111] : memref<4096xi32, #tpu.memory_space<vmem>> -> memref<512xi32, #tpu.memory_space<vmem>>
        %dma_wait3A_2113 = arith.constant 128 : i32
        %dma_wait3A_2114 = tpu.memref_slice %arg3[%dma_wait3A_2113] : memref<67108864xf32, #tpu.memory_space<hbm>> -> memref<67108736xf32, #tpu.memory_space<hbm>>
        %dma_wait3A_2115 = arith.constant 0 : i32
        %dma_wait3A_2116 = tpu.memref_slice %dma_wait3A_2114[%dma_wait3A_2115] : memref<67108736xf32, #tpu.memory_space<hbm>> -> memref<67108736xf32, #tpu.memory_space<hbm>>
        tpu.wait_indirect_dma semaphore(%arg12 : memref<!tpu.dma_semaphore, #tpu.memory_space<semaphore_mem>>) src(%dma_wait3A_2116 : memref<67108736xf32, #tpu.memory_space<hbm>>) dst(%dma_wait3A_2107 : memref<512xf32, #tpu.memory_space<vmem>>)
        %dma_wait3A_2117 = arith.constant 0 : i32
        %dma_wait3A_2118 = arith.constant 0 : i32
        %dma_wait3A_2119 = arith.constant 0 : i32
        %dma_wait3A_2120 = tpu.memref_slice %arg7[%dma_wait3A_2118, %dma_wait3A_2119] : memref<2x4096xf32, #tpu.memory_space<vmem>> -> memref<1x4096xf32, #tpu.memory_space<vmem>>
        %dma_wait3A_2121 = tpu.memref_squeeze %dma_wait3A_2120 : memref<1x4096xf32, #tpu.memory_space<vmem>> -> memref<4096xf32, #tpu.memory_space<vmem>>
        %dma_wait3A_2122 = arith.constant 3584 : i32
        %dma_wait3A_2123 = tpu.memref_slice %dma_wait3A_2121[%dma_wait3A_2122] : memref<4096xf32, #tpu.memory_space<vmem>> -> memref<512xf32, #tpu.memory_space<vmem>>
        %dma_wait3A_2124 = arith.constant 0 : i32
        %dma_wait3A_2125 = tpu.memref_slice %arg5[%dma_wait3A_2117, %dma_wait3A_2124] : memref<2x4096xi32, #tpu.memory_space<vmem>> -> memref<1x4096xi32, #tpu.memory_space<vmem>>
        %dma_wait3A_2126 = tpu.memref_squeeze %dma_wait3A_2125 : memref<1x4096xi32, #tpu.memory_space<vmem>> -> memref<4096xi32, #tpu.memory_space<vmem>>
        %dma_wait3A_2127 = arith.constant 3584 : i32
        %dma_wait3A_2128 = tpu.memref_slice %dma_wait3A_2126[%dma_wait3A_2127] : memref<4096xi32, #tpu.memory_space<vmem>> -> memref<512xi32, #tpu.memory_space<vmem>>
        %dma_wait3A_2129 = arith.constant 128 : i32
        %dma_wait3A_2130 = tpu.memref_slice %arg3[%dma_wait3A_2129] : memref<67108864xf32, #tpu.memory_space<hbm>> -> memref<67108736xf32, #tpu.memory_space<hbm>>
        %dma_wait3A_2131 = arith.constant 0 : i32
        %dma_wait3A_2132 = tpu.memref_slice %dma_wait3A_2130[%dma_wait3A_2131] : memref<67108736xf32, #tpu.memory_space<hbm>> -> memref<67108736xf32, #tpu.memory_space<hbm>>
        tpu.wait_indirect_dma semaphore(%arg12 : memref<!tpu.dma_semaphore, #tpu.memory_space<semaphore_mem>>) src(%dma_wait3A_2132 : memref<67108736xf32, #tpu.memory_space<hbm>>) dst(%dma_wait3A_2123 : memref<512xf32, #tpu.memory_space<vmem>>)
        %dma_wait3A_2133 = arith.constant 0 : i32
        %dma_wait3A_2134 = arith.constant 0 : i32
        %dma_wait3A_2135 = arith.constant 0 : i32
        %dma_wait3A_2136 = tpu.memref_slice %arg8[%dma_wait3A_2134, %dma_wait3A_2135] : memref<2x4096xf32, #tpu.memory_space<vmem>> -> memref<1x4096xf32, #tpu.memory_space<vmem>>
        %dma_wait3A_2137 = tpu.memref_squeeze %dma_wait3A_2136 : memref<1x4096xf32, #tpu.memory_space<vmem>> -> memref<4096xf32, #tpu.memory_space<vmem>>
        %dma_wait3A_2138 = arith.constant 0 : i32
        %dma_wait3A_2139 = tpu.memref_slice %dma_wait3A_2137[%dma_wait3A_2138] : memref<4096xf32, #tpu.memory_space<vmem>> -> memref<512xf32, #tpu.memory_space<vmem>>
        %dma_wait3A_2140 = arith.constant 0 : i32
        %dma_wait3A_2141 = tpu.memref_slice %arg5[%dma_wait3A_2133, %dma_wait3A_2140] : memref<2x4096xi32, #tpu.memory_space<vmem>> -> memref<1x4096xi32, #tpu.memory_space<vmem>>
        %dma_wait3A_2142 = tpu.memref_squeeze %dma_wait3A_2141 : memref<1x4096xi32, #tpu.memory_space<vmem>> -> memref<4096xi32, #tpu.memory_space<vmem>>
        %dma_wait3A_2143 = arith.constant 0 : i32
        %dma_wait3A_2144 = tpu.memref_slice %dma_wait3A_2142[%dma_wait3A_2143] : memref<4096xi32, #tpu.memory_space<vmem>> -> memref<512xi32, #tpu.memory_space<vmem>>
        %dma_wait3A_2145 = arith.constant 256 : i32
        %dma_wait3A_2146 = tpu.memref_slice %arg3[%dma_wait3A_2145] : memref<67108864xf32, #tpu.memory_space<hbm>> -> memref<67108608xf32, #tpu.memory_space<hbm>>
        %dma_wait3A_2147 = arith.constant 0 : i32
        %dma_wait3A_2148 = tpu.memref_slice %dma_wait3A_2146[%dma_wait3A_2147] : memref<67108608xf32, #tpu.memory_space<hbm>> -> memref<67108608xf32, #tpu.memory_space<hbm>>
        tpu.wait_indirect_dma semaphore(%arg12 : memref<!tpu.dma_semaphore, #tpu.memory_space<semaphore_mem>>) src(%dma_wait3A_2148 : memref<67108608xf32, #tpu.memory_space<hbm>>) dst(%dma_wait3A_2139 : memref<512xf32, #tpu.memory_space<vmem>>)
        %dma_wait3A_2149 = arith.constant 0 : i32
        %dma_wait3A_2150 = arith.constant 0 : i32
        %dma_wait3A_2151 = arith.constant 0 : i32
        %dma_wait3A_2152 = tpu.memref_slice %arg8[%dma_wait3A_2150, %dma_wait3A_2151] : memref<2x4096xf32, #tpu.memory_space<vmem>> -> memref<1x4096xf32, #tpu.memory_space<vmem>>
        %dma_wait3A_2153 = tpu.memref_squeeze %dma_wait3A_2152 : memref<1x4096xf32, #tpu.memory_space<vmem>> -> memref<4096xf32, #tpu.memory_space<vmem>>
        %dma_wait3A_2154 = arith.constant 512 : i32
        %dma_wait3A_2155 = tpu.memref_slice %dma_wait3A_2153[%dma_wait3A_2154] : memref<4096xf32, #tpu.memory_space<vmem>> -> memref<512xf32, #tpu.memory_space<vmem>>
        %dma_wait3A_2156 = arith.constant 0 : i32
        %dma_wait3A_2157 = tpu.memref_slice %arg5[%dma_wait3A_2149, %dma_wait3A_2156] : memref<2x4096xi32, #tpu.memory_space<vmem>> -> memref<1x4096xi32, #tpu.memory_space<vmem>>
        %dma_wait3A_2158 = tpu.memref_squeeze %dma_wait3A_2157 : memref<1x4096xi32, #tpu.memory_space<vmem>> -> memref<4096xi32, #tpu.memory_space<vmem>>
        %dma_wait3A_2159 = arith.constant 512 : i32
        %dma_wait3A_2160 = tpu.memref_slice %dma_wait3A_2158[%dma_wait3A_2159] : memref<4096xi32, #tpu.memory_space<vmem>> -> memref<512xi32, #tpu.memory_space<vmem>>
        %dma_wait3A_2161 = arith.constant 256 : i32
        %dma_wait3A_2162 = tpu.memref_slice %arg3[%dma_wait3A_2161] : memref<67108864xf32, #tpu.memory_space<hbm>> -> memref<67108608xf32, #tpu.memory_space<hbm>>
        %dma_wait3A_2163 = arith.constant 0 : i32
        %dma_wait3A_2164 = tpu.memref_slice %dma_wait3A_2162[%dma_wait3A_2163] : memref<67108608xf32, #tpu.memory_space<hbm>> -> memref<67108608xf32, #tpu.memory_space<hbm>>
        tpu.wait_indirect_dma semaphore(%arg12 : memref<!tpu.dma_semaphore, #tpu.memory_space<semaphore_mem>>) src(%dma_wait3A_2164 : memref<67108608xf32, #tpu.memory_space<hbm>>) dst(%dma_wait3A_2155 : memref<512xf32, #tpu.memory_space<vmem>>)
        %dma_wait3A_2165 = arith.constant 0 : i32
        %dma_wait3A_2166 = arith.constant 0 : i32
        %dma_wait3A_2167 = arith.constant 0 : i32
        %dma_wait3A_2168 = tpu.memref_slice %arg8[%dma_wait3A_2166, %dma_wait3A_2167] : memref<2x4096xf32, #tpu.memory_space<vmem>> -> memref<1x4096xf32, #tpu.memory_space<vmem>>
        %dma_wait3A_2169 = tpu.memref_squeeze %dma_wait3A_2168 : memref<1x4096xf32, #tpu.memory_space<vmem>> -> memref<4096xf32, #tpu.memory_space<vmem>>
        %dma_wait3A_2170 = arith.constant 1024 : i32
        %dma_wait3A_2171 = tpu.memref_slice %dma_wait3A_2169[%dma_wait3A_2170] : memref<4096xf32, #tpu.memory_space<vmem>> -> memref<512xf32, #tpu.memory_space<vmem>>
        %dma_wait3A_2172 = arith.constant 0 : i32
        %dma_wait3A_2173 = tpu.memref_slice %arg5[%dma_wait3A_2165, %dma_wait3A_2172] : memref<2x4096xi32, #tpu.memory_space<vmem>> -> memref<1x4096xi32, #tpu.memory_space<vmem>>
        %dma_wait3A_2174 = tpu.memref_squeeze %dma_wait3A_2173 : memref<1x4096xi32, #tpu.memory_space<vmem>> -> memref<4096xi32, #tpu.memory_space<vmem>>
        %dma_wait3A_2175 = arith.constant 1024 : i32
        %dma_wait3A_2176 = tpu.memref_slice %dma_wait3A_2174[%dma_wait3A_2175] : memref<4096xi32, #tpu.memory_space<vmem>> -> memref<512xi32, #tpu.memory_space<vmem>>
        %dma_wait3A_2177 = arith.constant 256 : i32
        %dma_wait3A_2178 = tpu.memref_slice %arg3[%dma_wait3A_2177] : memref<67108864xf32, #tpu.memory_space<hbm>> -> memref<67108608xf32, #tpu.memory_space<hbm>>
        %dma_wait3A_2179 = arith.constant 0 : i32
        %dma_wait3A_2180 = tpu.memref_slice %dma_wait3A_2178[%dma_wait3A_2179] : memref<67108608xf32, #tpu.memory_space<hbm>> -> memref<67108608xf32, #tpu.memory_space<hbm>>
        tpu.wait_indirect_dma semaphore(%arg12 : memref<!tpu.dma_semaphore, #tpu.memory_space<semaphore_mem>>) src(%dma_wait3A_2180 : memref<67108608xf32, #tpu.memory_space<hbm>>) dst(%dma_wait3A_2171 : memref<512xf32, #tpu.memory_space<vmem>>)
        %dma_wait3A_2181 = arith.constant 0 : i32
        %dma_wait3A_2182 = arith.constant 0 : i32
        %dma_wait3A_2183 = arith.constant 0 : i32
        %dma_wait3A_2184 = tpu.memref_slice %arg8[%dma_wait3A_2182, %dma_wait3A_2183] : memref<2x4096xf32, #tpu.memory_space<vmem>> -> memref<1x4096xf32, #tpu.memory_space<vmem>>
        %dma_wait3A_2185 = tpu.memref_squeeze %dma_wait3A_2184 : memref<1x4096xf32, #tpu.memory_space<vmem>> -> memref<4096xf32, #tpu.memory_space<vmem>>
        %dma_wait3A_2186 = arith.constant 1536 : i32
        %dma_wait3A_2187 = tpu.memref_slice %dma_wait3A_2185[%dma_wait3A_2186] : memref<4096xf32, #tpu.memory_space<vmem>> -> memref<512xf32, #tpu.memory_space<vmem>>
        %dma_wait3A_2188 = arith.constant 0 : i32
        %dma_wait3A_2189 = tpu.memref_slice %arg5[%dma_wait3A_2181, %dma_wait3A_2188] : memref<2x4096xi32, #tpu.memory_space<vmem>> -> memref<1x4096xi32, #tpu.memory_space<vmem>>
        %dma_wait3A_2190 = tpu.memref_squeeze %dma_wait3A_2189 : memref<1x4096xi32, #tpu.memory_space<vmem>> -> memref<4096xi32, #tpu.memory_space<vmem>>
        %dma_wait3A_2191 = arith.constant 1536 : i32
        %dma_wait3A_2192 = tpu.memref_slice %dma_wait3A_2190[%dma_wait3A_2191] : memref<4096xi32, #tpu.memory_space<vmem>> -> memref<512xi32, #tpu.memory_space<vmem>>
        %dma_wait3A_2193 = arith.constant 256 : i32
        %dma_wait3A_2194 = tpu.memref_slice %arg3[%dma_wait3A_2193] : memref<67108864xf32, #tpu.memory_space<hbm>> -> memref<67108608xf32, #tpu.memory_space<hbm>>
        %dma_wait3A_2195 = arith.constant 0 : i32
        %dma_wait3A_2196 = tpu.memref_slice %dma_wait3A_2194[%dma_wait3A_2195] : memref<67108608xf32, #tpu.memory_space<hbm>> -> memref<67108608xf32, #tpu.memory_space<hbm>>
        tpu.wait_indirect_dma semaphore(%arg12 : memref<!tpu.dma_semaphore, #tpu.memory_space<semaphore_mem>>) src(%dma_wait3A_2196 : memref<67108608xf32, #tpu.memory_space<hbm>>) dst(%dma_wait3A_2187 : memref<512xf32, #tpu.memory_space<vmem>>)
        %dma_wait3A_2197 = arith.constant 0 : i32
        %dma_wait3A_2198 = arith.constant 0 : i32
        %dma_wait3A_2199 = arith.constant 0 : i32
        %dma_wait3A_2200 = tpu.memref_slice %arg8[%dma_wait3A_2198, %dma_wait3A_2199] : memref<2x4096xf32, #tpu.memory_space<vmem>> -> memref<1x4096xf32, #tpu.memory_space<vmem>>
        %dma_wait3A_2201 = tpu.memref_squeeze %dma_wait3A_2200 : memref<1x4096xf32, #tpu.memory_space<vmem>> -> memref<4096xf32, #tpu.memory_space<vmem>>
        %dma_wait3A_2202 = arith.constant 2048 : i32
        %dma_wait3A_2203 = tpu.memref_slice %dma_wait3A_2201[%dma_wait3A_2202] : memref<4096xf32, #tpu.memory_space<vmem>> -> memref<512xf32, #tpu.memory_space<vmem>>
        %dma_wait3A_2204 = arith.constant 0 : i32
        %dma_wait3A_2205 = tpu.memref_slice %arg5[%dma_wait3A_2197, %dma_wait3A_2204] : memref<2x4096xi32, #tpu.memory_space<vmem>> -> memref<1x4096xi32, #tpu.memory_space<vmem>>
        %dma_wait3A_2206 = tpu.memref_squeeze %dma_wait3A_2205 : memref<1x4096xi32, #tpu.memory_space<vmem>> -> memref<4096xi32, #tpu.memory_space<vmem>>
        %dma_wait3A_2207 = arith.constant 2048 : i32
        %dma_wait3A_2208 = tpu.memref_slice %dma_wait3A_2206[%dma_wait3A_2207] : memref<4096xi32, #tpu.memory_space<vmem>> -> memref<512xi32, #tpu.memory_space<vmem>>
        %dma_wait3A_2209 = arith.constant 256 : i32
        %dma_wait3A_2210 = tpu.memref_slice %arg3[%dma_wait3A_2209] : memref<67108864xf32, #tpu.memory_space<hbm>> -> memref<67108608xf32, #tpu.memory_space<hbm>>
        %dma_wait3A_2211 = arith.constant 0 : i32
        %dma_wait3A_2212 = tpu.memref_slice %dma_wait3A_2210[%dma_wait3A_2211] : memref<67108608xf32, #tpu.memory_space<hbm>> -> memref<67108608xf32, #tpu.memory_space<hbm>>
        tpu.wait_indirect_dma semaphore(%arg12 : memref<!tpu.dma_semaphore, #tpu.memory_space<semaphore_mem>>) src(%dma_wait3A_2212 : memref<67108608xf32, #tpu.memory_space<hbm>>) dst(%dma_wait3A_2203 : memref<512xf32, #tpu.memory_space<vmem>>)
        %dma_wait3A_2213 = arith.constant 0 : i32
        %dma_wait3A_2214 = arith.constant 0 : i32
        %dma_wait3A_2215 = arith.constant 0 : i32
        %dma_wait3A_2216 = tpu.memref_slice %arg8[%dma_wait3A_2214, %dma_wait3A_2215] : memref<2x4096xf32, #tpu.memory_space<vmem>> -> memref<1x4096xf32, #tpu.memory_space<vmem>>
        %dma_wait3A_2217 = tpu.memref_squeeze %dma_wait3A_2216 : memref<1x4096xf32, #tpu.memory_space<vmem>> -> memref<4096xf32, #tpu.memory_space<vmem>>
        %dma_wait3A_2218 = arith.constant 2560 : i32
        %dma_wait3A_2219 = tpu.memref_slice %dma_wait3A_2217[%dma_wait3A_2218] : memref<4096xf32, #tpu.memory_space<vmem>> -> memref<512xf32, #tpu.memory_space<vmem>>
        %dma_wait3A_2220 = arith.constant 0 : i32
        %dma_wait3A_2221 = tpu.memref_slice %arg5[%dma_wait3A_2213, %dma_wait3A_2220] : memref<2x4096xi32, #tpu.memory_space<vmem>> -> memref<1x4096xi32, #tpu.memory_space<vmem>>
        %dma_wait3A_2222 = tpu.memref_squeeze %dma_wait3A_2221 : memref<1x4096xi32, #tpu.memory_space<vmem>> -> memref<4096xi32, #tpu.memory_space<vmem>>
        %dma_wait3A_2223 = arith.constant 2560 : i32
        %dma_wait3A_2224 = tpu.memref_slice %dma_wait3A_2222[%dma_wait3A_2223] : memref<4096xi32, #tpu.memory_space<vmem>> -> memref<512xi32, #tpu.memory_space<vmem>>
        %dma_wait3A_2225 = arith.constant 256 : i32
        %dma_wait3A_2226 = tpu.memref_slice %arg3[%dma_wait3A_2225] : memref<67108864xf32, #tpu.memory_space<hbm>> -> memref<67108608xf32, #tpu.memory_space<hbm>>
        %dma_wait3A_2227 = arith.constant 0 : i32
        %dma_wait3A_2228 = tpu.memref_slice %dma_wait3A_2226[%dma_wait3A_2227] : memref<67108608xf32, #tpu.memory_space<hbm>> -> memref<67108608xf32, #tpu.memory_space<hbm>>
        tpu.wait_indirect_dma semaphore(%arg12 : memref<!tpu.dma_semaphore, #tpu.memory_space<semaphore_mem>>) src(%dma_wait3A_2228 : memref<67108608xf32, #tpu.memory_space<hbm>>) dst(%dma_wait3A_2219 : memref<512xf32, #tpu.memory_space<vmem>>)
        %dma_wait3A_2229 = arith.constant 0 : i32
        %dma_wait3A_2230 = arith.constant 0 : i32
        %dma_wait3A_2231 = arith.constant 0 : i32
        %dma_wait3A_2232 = tpu.memref_slice %arg8[%dma_wait3A_2230, %dma_wait3A_2231] : memref<2x4096xf32, #tpu.memory_space<vmem>> -> memref<1x4096xf32, #tpu.memory_space<vmem>>
        %dma_wait3A_2233 = tpu.memref_squeeze %dma_wait3A_2232 : memref<1x4096xf32, #tpu.memory_space<vmem>> -> memref<4096xf32, #tpu.memory_space<vmem>>
        %dma_wait3A_2234 = arith.constant 3072 : i32
        %dma_wait3A_2235 = tpu.memref_slice %dma_wait3A_2233[%dma_wait3A_2234] : memref<4096xf32, #tpu.memory_space<vmem>> -> memref<512xf32, #tpu.memory_space<vmem>>
        %dma_wait3A_2236 = arith.constant 0 : i32
        %dma_wait3A_2237 = tpu.memref_slice %arg5[%dma_wait3A_2229, %dma_wait3A_2236] : memref<2x4096xi32, #tpu.memory_space<vmem>> -> memref<1x4096xi32, #tpu.memory_space<vmem>>
        %dma_wait3A_2238 = tpu.memref_squeeze %dma_wait3A_2237 : memref<1x4096xi32, #tpu.memory_space<vmem>> -> memref<4096xi32, #tpu.memory_space<vmem>>
        %dma_wait3A_2239 = arith.constant 3072 : i32
        %dma_wait3A_2240 = tpu.memref_slice %dma_wait3A_2238[%dma_wait3A_2239] : memref<4096xi32, #tpu.memory_space<vmem>> -> memref<512xi32, #tpu.memory_space<vmem>>
        %dma_wait3A_2241 = arith.constant 256 : i32
        %dma_wait3A_2242 = tpu.memref_slice %arg3[%dma_wait3A_2241] : memref<67108864xf32, #tpu.memory_space<hbm>> -> memref<67108608xf32, #tpu.memory_space<hbm>>
        %dma_wait3A_2243 = arith.constant 0 : i32
        %dma_wait3A_2244 = tpu.memref_slice %dma_wait3A_2242[%dma_wait3A_2243] : memref<67108608xf32, #tpu.memory_space<hbm>> -> memref<67108608xf32, #tpu.memory_space<hbm>>
        tpu.wait_indirect_dma semaphore(%arg12 : memref<!tpu.dma_semaphore, #tpu.memory_space<semaphore_mem>>) src(%dma_wait3A_2244 : memref<67108608xf32, #tpu.memory_space<hbm>>) dst(%dma_wait3A_2235 : memref<512xf32, #tpu.memory_space<vmem>>)
        %dma_wait3A_2245 = arith.constant 0 : i32
        %dma_wait3A_2246 = arith.constant 0 : i32
        %dma_wait3A_2247 = arith.constant 0 : i32
        %dma_wait3A_2248 = tpu.memref_slice %arg8[%dma_wait3A_2246, %dma_wait3A_2247] : memref<2x4096xf32, #tpu.memory_space<vmem>> -> memref<1x4096xf32, #tpu.memory_space<vmem>>
        %dma_wait3A_2249 = tpu.memref_squeeze %dma_wait3A_2248 : memref<1x4096xf32, #tpu.memory_space<vmem>> -> memref<4096xf32, #tpu.memory_space<vmem>>
        %dma_wait3A_2250 = arith.constant 3584 : i32
        %dma_wait3A_2251 = tpu.memref_slice %dma_wait3A_2249[%dma_wait3A_2250] : memref<4096xf32, #tpu.memory_space<vmem>> -> memref<512xf32, #tpu.memory_space<vmem>>
        %dma_wait3A_2252 = arith.constant 0 : i32
        %dma_wait3A_2253 = tpu.memref_slice %arg5[%dma_wait3A_2245, %dma_wait3A_2252] : memref<2x4096xi32, #tpu.memory_space<vmem>> -> memref<1x4096xi32, #tpu.memory_space<vmem>>
        %dma_wait3A_2254 = tpu.memref_squeeze %dma_wait3A_2253 : memref<1x4096xi32, #tpu.memory_space<vmem>> -> memref<4096xi32, #tpu.memory_space<vmem>>
        %dma_wait3A_2255 = arith.constant 3584 : i32
        %dma_wait3A_2256 = tpu.memref_slice %dma_wait3A_2254[%dma_wait3A_2255] : memref<4096xi32, #tpu.memory_space<vmem>> -> memref<512xi32, #tpu.memory_space<vmem>>
        %dma_wait3A_2257 = arith.constant 256 : i32
        %dma_wait3A_2258 = tpu.memref_slice %arg3[%dma_wait3A_2257] : memref<67108864xf32, #tpu.memory_space<hbm>> -> memref<67108608xf32, #tpu.memory_space<hbm>>
        %dma_wait3A_2259 = arith.constant 0 : i32
        %dma_wait3A_2260 = tpu.memref_slice %dma_wait3A_2258[%dma_wait3A_2259] : memref<67108608xf32, #tpu.memory_space<hbm>> -> memref<67108608xf32, #tpu.memory_space<hbm>>
        tpu.wait_indirect_dma semaphore(%arg12 : memref<!tpu.dma_semaphore, #tpu.memory_space<semaphore_mem>>) src(%dma_wait3A_2260 : memref<67108608xf32, #tpu.memory_space<hbm>>) dst(%dma_wait3A_2251 : memref<512xf32, #tpu.memory_space<vmem>>)
        %dma_wait3A_2261 = arith.constant 0 : i32
        %dma_wait3A_2262 = arith.constant 0 : i32
        %dma_wait3A_2263 = arith.constant 0 : i32
        %dma_wait3A_2264 = tpu.memref_slice %arg9[%dma_wait3A_2262, %dma_wait3A_2263] : memref<2x4096xf32, #tpu.memory_space<vmem>> -> memref<1x4096xf32, #tpu.memory_space<vmem>>
        %dma_wait3A_2265 = tpu.memref_squeeze %dma_wait3A_2264 : memref<1x4096xf32, #tpu.memory_space<vmem>> -> memref<4096xf32, #tpu.memory_space<vmem>>
        %dma_wait3A_2266 = arith.constant 0 : i32
        %dma_wait3A_2267 = tpu.memref_slice %dma_wait3A_2265[%dma_wait3A_2266] : memref<4096xf32, #tpu.memory_space<vmem>> -> memref<512xf32, #tpu.memory_space<vmem>>
        %dma_wait3A_2268 = arith.constant 0 : i32
        %dma_wait3A_2269 = tpu.memref_slice %arg5[%dma_wait3A_2261, %dma_wait3A_2268] : memref<2x4096xi32, #tpu.memory_space<vmem>> -> memref<1x4096xi32, #tpu.memory_space<vmem>>
        %dma_wait3A_2270 = tpu.memref_squeeze %dma_wait3A_2269 : memref<1x4096xi32, #tpu.memory_space<vmem>> -> memref<4096xi32, #tpu.memory_space<vmem>>
        %dma_wait3A_2271 = arith.constant 0 : i32
        %dma_wait3A_2272 = tpu.memref_slice %dma_wait3A_2270[%dma_wait3A_2271] : memref<4096xi32, #tpu.memory_space<vmem>> -> memref<512xi32, #tpu.memory_space<vmem>>
        %dma_wait3A_2273 = arith.constant 384 : i32
        %dma_wait3A_2274 = tpu.memref_slice %arg3[%dma_wait3A_2273] : memref<67108864xf32, #tpu.memory_space<hbm>> -> memref<67108480xf32, #tpu.memory_space<hbm>>
        %dma_wait3A_2275 = arith.constant 0 : i32
        %dma_wait3A_2276 = tpu.memref_slice %dma_wait3A_2274[%dma_wait3A_2275] : memref<67108480xf32, #tpu.memory_space<hbm>> -> memref<67108480xf32, #tpu.memory_space<hbm>>
        tpu.wait_indirect_dma semaphore(%arg12 : memref<!tpu.dma_semaphore, #tpu.memory_space<semaphore_mem>>) src(%dma_wait3A_2276 : memref<67108480xf32, #tpu.memory_space<hbm>>) dst(%dma_wait3A_2267 : memref<512xf32, #tpu.memory_space<vmem>>)
        %dma_wait3A_2277 = arith.constant 0 : i32
        %dma_wait3A_2278 = arith.constant 0 : i32
        %dma_wait3A_2279 = arith.constant 0 : i32
        %dma_wait3A_2280 = tpu.memref_slice %arg9[%dma_wait3A_2278, %dma_wait3A_2279] : memref<2x4096xf32, #tpu.memory_space<vmem>> -> memref<1x4096xf32, #tpu.memory_space<vmem>>
        %dma_wait3A_2281 = tpu.memref_squeeze %dma_wait3A_2280 : memref<1x4096xf32, #tpu.memory_space<vmem>> -> memref<4096xf32, #tpu.memory_space<vmem>>
        %dma_wait3A_2282 = arith.constant 512 : i32
        %dma_wait3A_2283 = tpu.memref_slice %dma_wait3A_2281[%dma_wait3A_2282] : memref<4096xf32, #tpu.memory_space<vmem>> -> memref<512xf32, #tpu.memory_space<vmem>>
        %dma_wait3A_2284 = arith.constant 0 : i32
        %dma_wait3A_2285 = tpu.memref_slice %arg5[%dma_wait3A_2277, %dma_wait3A_2284] : memref<2x4096xi32, #tpu.memory_space<vmem>> -> memref<1x4096xi32, #tpu.memory_space<vmem>>
        %dma_wait3A_2286 = tpu.memref_squeeze %dma_wait3A_2285 : memref<1x4096xi32, #tpu.memory_space<vmem>> -> memref<4096xi32, #tpu.memory_space<vmem>>
        %dma_wait3A_2287 = arith.constant 512 : i32
        %dma_wait3A_2288 = tpu.memref_slice %dma_wait3A_2286[%dma_wait3A_2287] : memref<4096xi32, #tpu.memory_space<vmem>> -> memref<512xi32, #tpu.memory_space<vmem>>
        %dma_wait3A_2289 = arith.constant 384 : i32
        %dma_wait3A_2290 = tpu.memref_slice %arg3[%dma_wait3A_2289] : memref<67108864xf32, #tpu.memory_space<hbm>> -> memref<67108480xf32, #tpu.memory_space<hbm>>
        %dma_wait3A_2291 = arith.constant 0 : i32
        %dma_wait3A_2292 = tpu.memref_slice %dma_wait3A_2290[%dma_wait3A_2291] : memref<67108480xf32, #tpu.memory_space<hbm>> -> memref<67108480xf32, #tpu.memory_space<hbm>>
        tpu.wait_indirect_dma semaphore(%arg12 : memref<!tpu.dma_semaphore, #tpu.memory_space<semaphore_mem>>) src(%dma_wait3A_2292 : memref<67108480xf32, #tpu.memory_space<hbm>>) dst(%dma_wait3A_2283 : memref<512xf32, #tpu.memory_space<vmem>>)
        %dma_wait3A_2293 = arith.constant 0 : i32
        %dma_wait3A_2294 = arith.constant 0 : i32
        %dma_wait3A_2295 = arith.constant 0 : i32
        %dma_wait3A_2296 = tpu.memref_slice %arg9[%dma_wait3A_2294, %dma_wait3A_2295] : memref<2x4096xf32, #tpu.memory_space<vmem>> -> memref<1x4096xf32, #tpu.memory_space<vmem>>
        %dma_wait3A_2297 = tpu.memref_squeeze %dma_wait3A_2296 : memref<1x4096xf32, #tpu.memory_space<vmem>> -> memref<4096xf32, #tpu.memory_space<vmem>>
        %dma_wait3A_2298 = arith.constant 1024 : i32
        %dma_wait3A_2299 = tpu.memref_slice %dma_wait3A_2297[%dma_wait3A_2298] : memref<4096xf32, #tpu.memory_space<vmem>> -> memref<512xf32, #tpu.memory_space<vmem>>
        %dma_wait3A_2300 = arith.constant 0 : i32
        %dma_wait3A_2301 = tpu.memref_slice %arg5[%dma_wait3A_2293, %dma_wait3A_2300] : memref<2x4096xi32, #tpu.memory_space<vmem>> -> memref<1x4096xi32, #tpu.memory_space<vmem>>
        %dma_wait3A_2302 = tpu.memref_squeeze %dma_wait3A_2301 : memref<1x4096xi32, #tpu.memory_space<vmem>> -> memref<4096xi32, #tpu.memory_space<vmem>>
        %dma_wait3A_2303 = arith.constant 1024 : i32
        %dma_wait3A_2304 = tpu.memref_slice %dma_wait3A_2302[%dma_wait3A_2303] : memref<4096xi32, #tpu.memory_space<vmem>> -> memref<512xi32, #tpu.memory_space<vmem>>
        %dma_wait3A_2305 = arith.constant 384 : i32
        %dma_wait3A_2306 = tpu.memref_slice %arg3[%dma_wait3A_2305] : memref<67108864xf32, #tpu.memory_space<hbm>> -> memref<67108480xf32, #tpu.memory_space<hbm>>
        %dma_wait3A_2307 = arith.constant 0 : i32
        %dma_wait3A_2308 = tpu.memref_slice %dma_wait3A_2306[%dma_wait3A_2307] : memref<67108480xf32, #tpu.memory_space<hbm>> -> memref<67108480xf32, #tpu.memory_space<hbm>>
        tpu.wait_indirect_dma semaphore(%arg12 : memref<!tpu.dma_semaphore, #tpu.memory_space<semaphore_mem>>) src(%dma_wait3A_2308 : memref<67108480xf32, #tpu.memory_space<hbm>>) dst(%dma_wait3A_2299 : memref<512xf32, #tpu.memory_space<vmem>>)
        %dma_wait3A_2309 = arith.constant 0 : i32
        %dma_wait3A_2310 = arith.constant 0 : i32
        %dma_wait3A_2311 = arith.constant 0 : i32
        %dma_wait3A_2312 = tpu.memref_slice %arg9[%dma_wait3A_2310, %dma_wait3A_2311] : memref<2x4096xf32, #tpu.memory_space<vmem>> -> memref<1x4096xf32, #tpu.memory_space<vmem>>
        %dma_wait3A_2313 = tpu.memref_squeeze %dma_wait3A_2312 : memref<1x4096xf32, #tpu.memory_space<vmem>> -> memref<4096xf32, #tpu.memory_space<vmem>>
        %dma_wait3A_2314 = arith.constant 1536 : i32
        %dma_wait3A_2315 = tpu.memref_slice %dma_wait3A_2313[%dma_wait3A_2314] : memref<4096xf32, #tpu.memory_space<vmem>> -> memref<512xf32, #tpu.memory_space<vmem>>
        %dma_wait3A_2316 = arith.constant 0 : i32
        %dma_wait3A_2317 = tpu.memref_slice %arg5[%dma_wait3A_2309, %dma_wait3A_2316] : memref<2x4096xi32, #tpu.memory_space<vmem>> -> memref<1x4096xi32, #tpu.memory_space<vmem>>
        %dma_wait3A_2318 = tpu.memref_squeeze %dma_wait3A_2317 : memref<1x4096xi32, #tpu.memory_space<vmem>> -> memref<4096xi32, #tpu.memory_space<vmem>>
        %dma_wait3A_2319 = arith.constant 1536 : i32
        %dma_wait3A_2320 = tpu.memref_slice %dma_wait3A_2318[%dma_wait3A_2319] : memref<4096xi32, #tpu.memory_space<vmem>> -> memref<512xi32, #tpu.memory_space<vmem>>
        %dma_wait3A_2321 = arith.constant 384 : i32
        %dma_wait3A_2322 = tpu.memref_slice %arg3[%dma_wait3A_2321] : memref<67108864xf32, #tpu.memory_space<hbm>> -> memref<67108480xf32, #tpu.memory_space<hbm>>
        %dma_wait3A_2323 = arith.constant 0 : i32
        %dma_wait3A_2324 = tpu.memref_slice %dma_wait3A_2322[%dma_wait3A_2323] : memref<67108480xf32, #tpu.memory_space<hbm>> -> memref<67108480xf32, #tpu.memory_space<hbm>>
        tpu.wait_indirect_dma semaphore(%arg12 : memref<!tpu.dma_semaphore, #tpu.memory_space<semaphore_mem>>) src(%dma_wait3A_2324 : memref<67108480xf32, #tpu.memory_space<hbm>>) dst(%dma_wait3A_2315 : memref<512xf32, #tpu.memory_space<vmem>>)
        %dma_wait3A_2325 = arith.constant 0 : i32
        %dma_wait3A_2326 = arith.constant 0 : i32
        %dma_wait3A_2327 = arith.constant 0 : i32
        %dma_wait3A_2328 = tpu.memref_slice %arg9[%dma_wait3A_2326, %dma_wait3A_2327] : memref<2x4096xf32, #tpu.memory_space<vmem>> -> memref<1x4096xf32, #tpu.memory_space<vmem>>
        %dma_wait3A_2329 = tpu.memref_squeeze %dma_wait3A_2328 : memref<1x4096xf32, #tpu.memory_space<vmem>> -> memref<4096xf32, #tpu.memory_space<vmem>>
        %dma_wait3A_2330 = arith.constant 2048 : i32
        %dma_wait3A_2331 = tpu.memref_slice %dma_wait3A_2329[%dma_wait3A_2330] : memref<4096xf32, #tpu.memory_space<vmem>> -> memref<512xf32, #tpu.memory_space<vmem>>
        %dma_wait3A_2332 = arith.constant 0 : i32
        %dma_wait3A_2333 = tpu.memref_slice %arg5[%dma_wait3A_2325, %dma_wait3A_2332] : memref<2x4096xi32, #tpu.memory_space<vmem>> -> memref<1x4096xi32, #tpu.memory_space<vmem>>
        %dma_wait3A_2334 = tpu.memref_squeeze %dma_wait3A_2333 : memref<1x4096xi32, #tpu.memory_space<vmem>> -> memref<4096xi32, #tpu.memory_space<vmem>>
        %dma_wait3A_2335 = arith.constant 2048 : i32
        %dma_wait3A_2336 = tpu.memref_slice %dma_wait3A_2334[%dma_wait3A_2335] : memref<4096xi32, #tpu.memory_space<vmem>> -> memref<512xi32, #tpu.memory_space<vmem>>
        %dma_wait3A_2337 = arith.constant 384 : i32
        %dma_wait3A_2338 = tpu.memref_slice %arg3[%dma_wait3A_2337] : memref<67108864xf32, #tpu.memory_space<hbm>> -> memref<67108480xf32, #tpu.memory_space<hbm>>
        %dma_wait3A_2339 = arith.constant 0 : i32
        %dma_wait3A_2340 = tpu.memref_slice %dma_wait3A_2338[%dma_wait3A_2339] : memref<67108480xf32, #tpu.memory_space<hbm>> -> memref<67108480xf32, #tpu.memory_space<hbm>>
        tpu.wait_indirect_dma semaphore(%arg12 : memref<!tpu.dma_semaphore, #tpu.memory_space<semaphore_mem>>) src(%dma_wait3A_2340 : memref<67108480xf32, #tpu.memory_space<hbm>>) dst(%dma_wait3A_2331 : memref<512xf32, #tpu.memory_space<vmem>>)
        %dma_wait3A_2341 = arith.constant 0 : i32
        %dma_wait3A_2342 = arith.constant 0 : i32
        %dma_wait3A_2343 = arith.constant 0 : i32
        %dma_wait3A_2344 = tpu.memref_slice %arg9[%dma_wait3A_2342, %dma_wait3A_2343] : memref<2x4096xf32, #tpu.memory_space<vmem>> -> memref<1x4096xf32, #tpu.memory_space<vmem>>
        %dma_wait3A_2345 = tpu.memref_squeeze %dma_wait3A_2344 : memref<1x4096xf32, #tpu.memory_space<vmem>> -> memref<4096xf32, #tpu.memory_space<vmem>>
        %dma_wait3A_2346 = arith.constant 2560 : i32
        %dma_wait3A_2347 = tpu.memref_slice %dma_wait3A_2345[%dma_wait3A_2346] : memref<4096xf32, #tpu.memory_space<vmem>> -> memref<512xf32, #tpu.memory_space<vmem>>
        %dma_wait3A_2348 = arith.constant 0 : i32
        %dma_wait3A_2349 = tpu.memref_slice %arg5[%dma_wait3A_2341, %dma_wait3A_2348] : memref<2x4096xi32, #tpu.memory_space<vmem>> -> memref<1x4096xi32, #tpu.memory_space<vmem>>
        %dma_wait3A_2350 = tpu.memref_squeeze %dma_wait3A_2349 : memref<1x4096xi32, #tpu.memory_space<vmem>> -> memref<4096xi32, #tpu.memory_space<vmem>>
        %dma_wait3A_2351 = arith.constant 2560 : i32
        %dma_wait3A_2352 = tpu.memref_slice %dma_wait3A_2350[%dma_wait3A_2351] : memref<4096xi32, #tpu.memory_space<vmem>> -> memref<512xi32, #tpu.memory_space<vmem>>
        %dma_wait3A_2353 = arith.constant 384 : i32
        %dma_wait3A_2354 = tpu.memref_slice %arg3[%dma_wait3A_2353] : memref<67108864xf32, #tpu.memory_space<hbm>> -> memref<67108480xf32, #tpu.memory_space<hbm>>
        %dma_wait3A_2355 = arith.constant 0 : i32
        %dma_wait3A_2356 = tpu.memref_slice %dma_wait3A_2354[%dma_wait3A_2355] : memref<67108480xf32, #tpu.memory_space<hbm>> -> memref<67108480xf32, #tpu.memory_space<hbm>>
        tpu.wait_indirect_dma semaphore(%arg12 : memref<!tpu.dma_semaphore, #tpu.memory_space<semaphore_mem>>) src(%dma_wait3A_2356 : memref<67108480xf32, #tpu.memory_space<hbm>>) dst(%dma_wait3A_2347 : memref<512xf32, #tpu.memory_space<vmem>>)
        %dma_wait3A_2357 = arith.constant 0 : i32
        %dma_wait3A_2358 = arith.constant 0 : i32
        %dma_wait3A_2359 = arith.constant 0 : i32
        %dma_wait3A_2360 = tpu.memref_slice %arg9[%dma_wait3A_2358, %dma_wait3A_2359] : memref<2x4096xf32, #tpu.memory_space<vmem>> -> memref<1x4096xf32, #tpu.memory_space<vmem>>
        %dma_wait3A_2361 = tpu.memref_squeeze %dma_wait3A_2360 : memref<1x4096xf32, #tpu.memory_space<vmem>> -> memref<4096xf32, #tpu.memory_space<vmem>>
        %dma_wait3A_2362 = arith.constant 3072 : i32
        %dma_wait3A_2363 = tpu.memref_slice %dma_wait3A_2361[%dma_wait3A_2362] : memref<4096xf32, #tpu.memory_space<vmem>> -> memref<512xf32, #tpu.memory_space<vmem>>
        %dma_wait3A_2364 = arith.constant 0 : i32
        %dma_wait3A_2365 = tpu.memref_slice %arg5[%dma_wait3A_2357, %dma_wait3A_2364] : memref<2x4096xi32, #tpu.memory_space<vmem>> -> memref<1x4096xi32, #tpu.memory_space<vmem>>
        %dma_wait3A_2366 = tpu.memref_squeeze %dma_wait3A_2365 : memref<1x4096xi32, #tpu.memory_space<vmem>> -> memref<4096xi32, #tpu.memory_space<vmem>>
        %dma_wait3A_2367 = arith.constant 3072 : i32
        %dma_wait3A_2368 = tpu.memref_slice %dma_wait3A_2366[%dma_wait3A_2367] : memref<4096xi32, #tpu.memory_space<vmem>> -> memref<512xi32, #tpu.memory_space<vmem>>
        %dma_wait3A_2369 = arith.constant 384 : i32
        %dma_wait3A_2370 = tpu.memref_slice %arg3[%dma_wait3A_2369] : memref<67108864xf32, #tpu.memory_space<hbm>> -> memref<67108480xf32, #tpu.memory_space<hbm>>
        %dma_wait3A_2371 = arith.constant 0 : i32
        %dma_wait3A_2372 = tpu.memref_slice %dma_wait3A_2370[%dma_wait3A_2371] : memref<67108480xf32, #tpu.memory_space<hbm>> -> memref<67108480xf32, #tpu.memory_space<hbm>>
        tpu.wait_indirect_dma semaphore(%arg12 : memref<!tpu.dma_semaphore, #tpu.memory_space<semaphore_mem>>) src(%dma_wait3A_2372 : memref<67108480xf32, #tpu.memory_space<hbm>>) dst(%dma_wait3A_2363 : memref<512xf32, #tpu.memory_space<vmem>>)
        %dma_wait3A_2373 = arith.constant 0 : i32
        %dma_wait3A_2374 = arith.constant 0 : i32
        %dma_wait3A_2375 = arith.constant 0 : i32
        %dma_wait3A_2376 = tpu.memref_slice %arg9[%dma_wait3A_2374, %dma_wait3A_2375] : memref<2x4096xf32, #tpu.memory_space<vmem>> -> memref<1x4096xf32, #tpu.memory_space<vmem>>
        %dma_wait3A_2377 = tpu.memref_squeeze %dma_wait3A_2376 : memref<1x4096xf32, #tpu.memory_space<vmem>> -> memref<4096xf32, #tpu.memory_space<vmem>>
        %dma_wait3A_2378 = arith.constant 3584 : i32
        %dma_wait3A_2379 = tpu.memref_slice %dma_wait3A_2377[%dma_wait3A_2378] : memref<4096xf32, #tpu.memory_space<vmem>> -> memref<512xf32, #tpu.memory_space<vmem>>
        %dma_wait3A_2380 = arith.constant 0 : i32
        %dma_wait3A_2381 = tpu.memref_slice %arg5[%dma_wait3A_2373, %dma_wait3A_2380] : memref<2x4096xi32, #tpu.memory_space<vmem>> -> memref<1x4096xi32, #tpu.memory_space<vmem>>
        %dma_wait3A_2382 = tpu.memref_squeeze %dma_wait3A_2381 : memref<1x4096xi32, #tpu.memory_space<vmem>> -> memref<4096xi32, #tpu.memory_space<vmem>>
        %dma_wait3A_2383 = arith.constant 3584 : i32
        %dma_wait3A_2384 = tpu.memref_slice %dma_wait3A_2382[%dma_wait3A_2383] : memref<4096xi32, #tpu.memory_space<vmem>> -> memref<512xi32, #tpu.memory_space<vmem>>
        %dma_wait3A_2385 = arith.constant 384 : i32
        %dma_wait3A_2386 = tpu.memref_slice %arg3[%dma_wait3A_2385] : memref<67108864xf32, #tpu.memory_space<hbm>> -> memref<67108480xf32, #tpu.memory_space<hbm>>
        %dma_wait3A_2387 = arith.constant 0 : i32
        %dma_wait3A_2388 = tpu.memref_slice %dma_wait3A_2386[%dma_wait3A_2387] : memref<67108480xf32, #tpu.memory_space<hbm>> -> memref<67108480xf32, #tpu.memory_space<hbm>>
        tpu.wait_indirect_dma semaphore(%arg12 : memref<!tpu.dma_semaphore, #tpu.memory_space<semaphore_mem>>) src(%dma_wait3A_2388 : memref<67108480xf32, #tpu.memory_space<hbm>>) dst(%dma_wait3A_2379 : memref<512xf32, #tpu.memory_space<vmem>>)
        %sub3A_2389 = arith.constant 1 : i32
        %sub3A_2390 = arith.subi %add3A_1300, %sub3A_2389 : i32
        %mul3A_2391 = arith.constant 65536 : i32
        %mul3A_2392 = arith.muli %add3A, %mul3A_2391 : i32
        %mul3A_2393 = arith.constant 4096 : i32
        %mul3A_2394 = arith.muli %sub3A_2390, %mul3A_2393 : i32
        %add3A_2395 = arith.addi %mul3A_2392, %mul3A_2394 : i32
        %mul3A_2396 = arith.constant 65536 : i32
        %mul3A_2397 = arith.muli %add3A, %mul3A_2396 : i32
        %mul3A_2398 = arith.constant 4096 : i32
        %mul3A_2399 = arith.muli %sub3A_2390, %mul3A_2398 : i32
        %add3A_2400 = arith.addi %mul3A_2397, %mul3A_2399 : i32
        %mul3A_2401 = arith.constant 65536 : i32
        %mul3A_2402 = arith.muli %add3A, %mul3A_2401 : i32
        %mul3A_2403 = arith.constant 4096 : i32
        %mul3A_2404 = arith.muli %sub3A_2390, %mul3A_2403 : i32
        %add3A_2405 = arith.addi %mul3A_2402, %mul3A_2404 : i32
        %mul3A_2406 = arith.constant 65536 : i32
        %mul3A_2407 = arith.muli %add3A, %mul3A_2406 : i32
        %mul3A_2408 = arith.constant 4096 : i32
        %mul3A_2409 = arith.muli %sub3A_2390, %mul3A_2408 : i32
        %add3A_2410 = arith.addi %mul3A_2407, %mul3A_2409 : i32
        %dma_start3A_2411 = arith.constant 0 : i32
        %dma_start3A_2412 = arith.constant 0 : i32
        %dma_start3A_2413 = arith.constant 0 : i32
        %dma_start3A_2414 = tpu.memref_slice %arg6[%dma_start3A_2411, %dma_start3A_2413] : memref<2x4096xf32, #tpu.memory_space<vmem>> -> memref<1x4096xf32, #tpu.memory_space<vmem>>
        %dma_start3A_2415 = tpu.memref_squeeze %dma_start3A_2414 : memref<1x4096xf32, #tpu.memory_space<vmem>> -> memref<4096xf32, #tpu.memory_space<vmem>>
        %dma_start3A_2416 = tpu.memref_slice %arg4[%dma_start3A_2412, %add3A_2395] : memref<4x2097152xf32, #tpu.memory_space<hbm>> -> memref<1x4096xf32, #tpu.memory_space<hbm>>
        %dma_start3A_2417 = tpu.memref_squeeze %dma_start3A_2416 : memref<1x4096xf32, #tpu.memory_space<hbm>> -> memref<4096xf32, #tpu.memory_space<hbm>>
        %dma_start3A_2418 = tpu.memref_slice %arg4[%dma_start3A_2412, %add3A_2395] : memref<4x2097152xf32, #tpu.memory_space<hbm>> -> memref<1x4096xf32, #tpu.memory_space<hbm>>
        %dma_start3A_2419 = tpu.memref_squeeze %dma_start3A_2418 : memref<1x4096xf32, #tpu.memory_space<hbm>> -> memref<4096xf32, #tpu.memory_space<hbm>>
        %dma_start3A_2420 = arith.constant 0 : i32
        %dma_start3A_2421 = tpu.memref_slice %arg6[%dma_start3A_2411, %dma_start3A_2420] : memref<2x4096xf32, #tpu.memory_space<vmem>> -> memref<1x4096xf32, #tpu.memory_space<vmem>>
        %dma_start3A_2422 = tpu.memref_squeeze %dma_start3A_2421 : memref<1x4096xf32, #tpu.memory_space<vmem>> -> memref<4096xf32, #tpu.memory_space<vmem>>
        tpu.enqueue_dma source(%dma_start3A_2422 : memref<4096xf32, #tpu.memory_space<vmem>>) target(%dma_start3A_2419 : memref<4096xf32, #tpu.memory_space<hbm>>) target_semaphore(%arg14 : memref<!tpu.dma_semaphore, #tpu.memory_space<semaphore_mem>>)
        %dma_start3A_2423 = arith.constant 0 : i32
        %dma_start3A_2424 = arith.constant 1 : i32
        %dma_start3A_2425 = arith.constant 0 : i32
        %dma_start3A_2426 = tpu.memref_slice %arg7[%dma_start3A_2423, %dma_start3A_2425] : memref<2x4096xf32, #tpu.memory_space<vmem>> -> memref<1x4096xf32, #tpu.memory_space<vmem>>
        %dma_start3A_2427 = tpu.memref_squeeze %dma_start3A_2426 : memref<1x4096xf32, #tpu.memory_space<vmem>> -> memref<4096xf32, #tpu.memory_space<vmem>>
        %dma_start3A_2428 = tpu.memref_slice %arg4[%dma_start3A_2424, %add3A_2400] : memref<4x2097152xf32, #tpu.memory_space<hbm>> -> memref<1x4096xf32, #tpu.memory_space<hbm>>
        %dma_start3A_2429 = tpu.memref_squeeze %dma_start3A_2428 : memref<1x4096xf32, #tpu.memory_space<hbm>> -> memref<4096xf32, #tpu.memory_space<hbm>>
        %dma_start3A_2430 = tpu.memref_slice %arg4[%dma_start3A_2424, %add3A_2400] : memref<4x2097152xf32, #tpu.memory_space<hbm>> -> memref<1x4096xf32, #tpu.memory_space<hbm>>
        %dma_start3A_2431 = tpu.memref_squeeze %dma_start3A_2430 : memref<1x4096xf32, #tpu.memory_space<hbm>> -> memref<4096xf32, #tpu.memory_space<hbm>>
        %dma_start3A_2432 = arith.constant 0 : i32
        %dma_start3A_2433 = tpu.memref_slice %arg7[%dma_start3A_2423, %dma_start3A_2432] : memref<2x4096xf32, #tpu.memory_space<vmem>> -> memref<1x4096xf32, #tpu.memory_space<vmem>>
        %dma_start3A_2434 = tpu.memref_squeeze %dma_start3A_2433 : memref<1x4096xf32, #tpu.memory_space<vmem>> -> memref<4096xf32, #tpu.memory_space<vmem>>
        tpu.enqueue_dma source(%dma_start3A_2434 : memref<4096xf32, #tpu.memory_space<vmem>>) target(%dma_start3A_2431 : memref<4096xf32, #tpu.memory_space<hbm>>) target_semaphore(%arg14 : memref<!tpu.dma_semaphore, #tpu.memory_space<semaphore_mem>>)
        %dma_start3A_2435 = arith.constant 0 : i32
        %dma_start3A_2436 = arith.constant 2 : i32
        %dma_start3A_2437 = arith.constant 0 : i32
        %dma_start3A_2438 = tpu.memref_slice %arg8[%dma_start3A_2435, %dma_start3A_2437] : memref<2x4096xf32, #tpu.memory_space<vmem>> -> memref<1x4096xf32, #tpu.memory_space<vmem>>
        %dma_start3A_2439 = tpu.memref_squeeze %dma_start3A_2438 : memref<1x4096xf32, #tpu.memory_space<vmem>> -> memref<4096xf32, #tpu.memory_space<vmem>>
        %dma_start3A_2440 = tpu.memref_slice %arg4[%dma_start3A_2436, %add3A_2405] : memref<4x2097152xf32, #tpu.memory_space<hbm>> -> memref<1x4096xf32, #tpu.memory_space<hbm>>
        %dma_start3A_2441 = tpu.memref_squeeze %dma_start3A_2440 : memref<1x4096xf32, #tpu.memory_space<hbm>> -> memref<4096xf32, #tpu.memory_space<hbm>>
        %dma_start3A_2442 = tpu.memref_slice %arg4[%dma_start3A_2436, %add3A_2405] : memref<4x2097152xf32, #tpu.memory_space<hbm>> -> memref<1x4096xf32, #tpu.memory_space<hbm>>
        %dma_start3A_2443 = tpu.memref_squeeze %dma_start3A_2442 : memref<1x4096xf32, #tpu.memory_space<hbm>> -> memref<4096xf32, #tpu.memory_space<hbm>>
        %dma_start3A_2444 = arith.constant 0 : i32
        %dma_start3A_2445 = tpu.memref_slice %arg8[%dma_start3A_2435, %dma_start3A_2444] : memref<2x4096xf32, #tpu.memory_space<vmem>> -> memref<1x4096xf32, #tpu.memory_space<vmem>>
        %dma_start3A_2446 = tpu.memref_squeeze %dma_start3A_2445 : memref<1x4096xf32, #tpu.memory_space<vmem>> -> memref<4096xf32, #tpu.memory_space<vmem>>
        tpu.enqueue_dma source(%dma_start3A_2446 : memref<4096xf32, #tpu.memory_space<vmem>>) target(%dma_start3A_2443 : memref<4096xf32, #tpu.memory_space<hbm>>) target_semaphore(%arg14 : memref<!tpu.dma_semaphore, #tpu.memory_space<semaphore_mem>>)
        %dma_start3A_2447 = arith.constant 0 : i32
        %dma_start3A_2448 = arith.constant 3 : i32
        %dma_start3A_2449 = arith.constant 0 : i32
        %dma_start3A_2450 = tpu.memref_slice %arg9[%dma_start3A_2447, %dma_start3A_2449] : memref<2x4096xf32, #tpu.memory_space<vmem>> -> memref<1x4096xf32, #tpu.memory_space<vmem>>
        %dma_start3A_2451 = tpu.memref_squeeze %dma_start3A_2450 : memref<1x4096xf32, #tpu.memory_space<vmem>> -> memref<4096xf32, #tpu.memory_space<vmem>>
        %dma_start3A_2452 = tpu.memref_slice %arg4[%dma_start3A_2448, %add3A_2410] : memref<4x2097152xf32, #tpu.memory_space<hbm>> -> memref<1x4096xf32, #tpu.memory_space<hbm>>
        %dma_start3A_2453 = tpu.memref_squeeze %dma_start3A_2452 : memref<1x4096xf32, #tpu.memory_space<hbm>> -> memref<4096xf32, #tpu.memory_space<hbm>>
        %dma_start3A_2454 = tpu.memref_slice %arg4[%dma_start3A_2448, %add3A_2410] : memref<4x2097152xf32, #tpu.memory_space<hbm>> -> memref<1x4096xf32, #tpu.memory_space<hbm>>
        %dma_start3A_2455 = tpu.memref_squeeze %dma_start3A_2454 : memref<1x4096xf32, #tpu.memory_space<hbm>> -> memref<4096xf32, #tpu.memory_space<hbm>>
        %dma_start3A_2456 = arith.constant 0 : i32
        %dma_start3A_2457 = tpu.memref_slice %arg9[%dma_start3A_2447, %dma_start3A_2456] : memref<2x4096xf32, #tpu.memory_space<vmem>> -> memref<1x4096xf32, #tpu.memory_space<vmem>>
        %dma_start3A_2458 = tpu.memref_squeeze %dma_start3A_2457 : memref<1x4096xf32, #tpu.memory_space<vmem>> -> memref<4096xf32, #tpu.memory_space<vmem>>
        tpu.enqueue_dma source(%dma_start3A_2458 : memref<4096xf32, #tpu.memory_space<vmem>>) target(%dma_start3A_2455 : memref<4096xf32, #tpu.memory_space<hbm>>) target_semaphore(%arg14 : memref<!tpu.dma_semaphore, #tpu.memory_space<semaphore_mem>>)
      } else {
      }
      %add3A_1869 = arith.constant 1 : i32
      %add3A_1870 = arith.addi %add3A_1300, %add3A_1869 : i32
      %le3A_1871 = arith.constant 15 : i32
      %le3A_1872 = arith.cmpi sle, %add3A_1870, %le3A_1871 : i32
      %convert_element_type3A_1873 = arith.extui %le3A_1872 : i1 to i32
      %cond3A_1874 = arith.constant 0 : i32
      %cond3A_1875 = arith.cmpi ne, %convert_element_type3A_1873, %cond3A_1874 : i32
      scf.if %cond3A_1875 {
        %add3A_1876 = arith.constant 1 : i32
        %add3A_1877 = arith.addi %add3A_1300, %add3A_1876 : i32
        %mul3A_1878 = arith.constant 65536 : i32
        %mul3A_1879 = arith.muli %add3A, %mul3A_1878 : i32
        %mul3A_1880 = arith.constant 4096 : i32
        %mul3A_1881 = arith.muli %add3A_1877, %mul3A_1880 : i32
        %add3A_1882 = arith.addi %mul3A_1879, %mul3A_1881 : i32
        %dma_start3A_1883 = arith.constant 0 : i32
        %dma_start3A_1884 = arith.constant 0 : i32
        %dma_start3A_1885 = tpu.memref_slice %arg5[%dma_start3A_1883, %dma_start3A_1884] : memref<2x4096xi32, #tpu.memory_space<vmem>> -> memref<1x4096xi32, #tpu.memory_space<vmem>>
        %dma_start3A_1886 = tpu.memref_squeeze %dma_start3A_1885 : memref<1x4096xi32, #tpu.memory_space<vmem>> -> memref<4096xi32, #tpu.memory_space<vmem>>
        %dma_start3A_1887 = tpu.memref_slice %arg2[%add3A_1882] : memref<2097152xi32, #tpu.memory_space<hbm>> -> memref<4096xi32, #tpu.memory_space<hbm>>
        %dma_start3A_1888 = arith.constant 0 : i32
        %dma_start3A_1889 = tpu.memref_slice %arg5[%dma_start3A_1883, %dma_start3A_1888] : memref<2x4096xi32, #tpu.memory_space<vmem>> -> memref<1x4096xi32, #tpu.memory_space<vmem>>
        %dma_start3A_1890 = tpu.memref_squeeze %dma_start3A_1889 : memref<1x4096xi32, #tpu.memory_space<vmem>> -> memref<4096xi32, #tpu.memory_space<vmem>>
        %dma_start3A_1891 = tpu.memref_slice %arg2[%add3A_1882] : memref<2097152xi32, #tpu.memory_space<hbm>> -> memref<4096xi32, #tpu.memory_space<hbm>>
        tpu.enqueue_dma source(%dma_start3A_1891 : memref<4096xi32, #tpu.memory_space<hbm>>) target(%dma_start3A_1890 : memref<4096xi32, #tpu.memory_space<vmem>>) target_semaphore(%arg10 : memref<!tpu.dma_semaphore, #tpu.memory_space<semaphore_mem>>)
      } else {
      }
    }
    %scan3A_17 = arith.constant 8 : i32
    %dma_wait3A = arith.constant 1 : i32
    %dma_wait3A_18 = arith.constant 1 : i32
    %dma_wait3A_19 = arith.constant 0 : i32
    %dma_wait3A_20 = tpu.memref_slice %arg6[%dma_wait3A_18, %dma_wait3A_19] : memref<2x4096xf32, #tpu.memory_space<vmem>> -> memref<1x4096xf32, #tpu.memory_space<vmem>>
    %dma_wait3A_21 = tpu.memref_squeeze %dma_wait3A_20 : memref<1x4096xf32, #tpu.memory_space<vmem>> -> memref<4096xf32, #tpu.memory_space<vmem>>
    %dma_wait3A_22 = arith.constant 0 : i32
    %dma_wait3A_23 = tpu.memref_slice %dma_wait3A_21[%dma_wait3A_22] : memref<4096xf32, #tpu.memory_space<vmem>> -> memref<512xf32, #tpu.memory_space<vmem>>
    %dma_wait3A_24 = arith.constant 0 : i32
    %dma_wait3A_25 = tpu.memref_slice %arg5[%dma_wait3A, %dma_wait3A_24] : memref<2x4096xi32, #tpu.memory_space<vmem>> -> memref<1x4096xi32, #tpu.memory_space<vmem>>
    %dma_wait3A_26 = tpu.memref_squeeze %dma_wait3A_25 : memref<1x4096xi32, #tpu.memory_space<vmem>> -> memref<4096xi32, #tpu.memory_space<vmem>>
    %dma_wait3A_27 = arith.constant 0 : i32
    %dma_wait3A_28 = tpu.memref_slice %dma_wait3A_26[%dma_wait3A_27] : memref<4096xi32, #tpu.memory_space<vmem>> -> memref<512xi32, #tpu.memory_space<vmem>>
    %dma_wait3A_29 = arith.constant 0 : i32
    %dma_wait3A_30 = tpu.memref_slice %arg3[%dma_wait3A_29] : memref<67108864xf32, #tpu.memory_space<hbm>> -> memref<67108864xf32, #tpu.memory_space<hbm>>
    %dma_wait3A_31 = arith.constant 0 : i32
    %dma_wait3A_32 = tpu.memref_slice %dma_wait3A_30[%dma_wait3A_31] : memref<67108864xf32, #tpu.memory_space<hbm>> -> memref<67108864xf32, #tpu.memory_space<hbm>>
    tpu.wait_indirect_dma semaphore(%arg13 : memref<!tpu.dma_semaphore, #tpu.memory_space<semaphore_mem>>) src(%dma_wait3A_32 : memref<67108864xf32, #tpu.memory_space<hbm>>) dst(%dma_wait3A_23 : memref<512xf32, #tpu.memory_space<vmem>>)
    %dma_wait3A_33 = arith.constant 1 : i32
    %dma_wait3A_34 = arith.constant 1 : i32
    %dma_wait3A_35 = arith.constant 0 : i32
    %dma_wait3A_36 = tpu.memref_slice %arg6[%dma_wait3A_34, %dma_wait3A_35] : memref<2x4096xf32, #tpu.memory_space<vmem>> -> memref<1x4096xf32, #tpu.memory_space<vmem>>
    %dma_wait3A_37 = tpu.memref_squeeze %dma_wait3A_36 : memref<1x4096xf32, #tpu.memory_space<vmem>> -> memref<4096xf32, #tpu.memory_space<vmem>>
    %dma_wait3A_38 = arith.constant 512 : i32
    %dma_wait3A_39 = tpu.memref_slice %dma_wait3A_37[%dma_wait3A_38] : memref<4096xf32, #tpu.memory_space<vmem>> -> memref<512xf32, #tpu.memory_space<vmem>>
    %dma_wait3A_40 = arith.constant 0 : i32
    %dma_wait3A_41 = tpu.memref_slice %arg5[%dma_wait3A_33, %dma_wait3A_40] : memref<2x4096xi32, #tpu.memory_space<vmem>> -> memref<1x4096xi32, #tpu.memory_space<vmem>>
    %dma_wait3A_42 = tpu.memref_squeeze %dma_wait3A_41 : memref<1x4096xi32, #tpu.memory_space<vmem>> -> memref<4096xi32, #tpu.memory_space<vmem>>
    %dma_wait3A_43 = arith.constant 512 : i32
    %dma_wait3A_44 = tpu.memref_slice %dma_wait3A_42[%dma_wait3A_43] : memref<4096xi32, #tpu.memory_space<vmem>> -> memref<512xi32, #tpu.memory_space<vmem>>
    %dma_wait3A_45 = arith.constant 0 : i32
    %dma_wait3A_46 = tpu.memref_slice %arg3[%dma_wait3A_45] : memref<67108864xf32, #tpu.memory_space<hbm>> -> memref<67108864xf32, #tpu.memory_space<hbm>>
    %dma_wait3A_47 = arith.constant 0 : i32
    %dma_wait3A_48 = tpu.memref_slice %dma_wait3A_46[%dma_wait3A_47] : memref<67108864xf32, #tpu.memory_space<hbm>> -> memref<67108864xf32, #tpu.memory_space<hbm>>
    tpu.wait_indirect_dma semaphore(%arg13 : memref<!tpu.dma_semaphore, #tpu.memory_space<semaphore_mem>>) src(%dma_wait3A_48 : memref<67108864xf32, #tpu.memory_space<hbm>>) dst(%dma_wait3A_39 : memref<512xf32, #tpu.memory_space<vmem>>)
    %dma_wait3A_49 = arith.constant 1 : i32
    %dma_wait3A_50 = arith.constant 1 : i32
    %dma_wait3A_51 = arith.constant 0 : i32
    %dma_wait3A_52 = tpu.memref_slice %arg6[%dma_wait3A_50, %dma_wait3A_51] : memref<2x4096xf32, #tpu.memory_space<vmem>> -> memref<1x4096xf32, #tpu.memory_space<vmem>>
    %dma_wait3A_53 = tpu.memref_squeeze %dma_wait3A_52 : memref<1x4096xf32, #tpu.memory_space<vmem>> -> memref<4096xf32, #tpu.memory_space<vmem>>
    %dma_wait3A_54 = arith.constant 1024 : i32
    %dma_wait3A_55 = tpu.memref_slice %dma_wait3A_53[%dma_wait3A_54] : memref<4096xf32, #tpu.memory_space<vmem>> -> memref<512xf32, #tpu.memory_space<vmem>>
    %dma_wait3A_56 = arith.constant 0 : i32
    %dma_wait3A_57 = tpu.memref_slice %arg5[%dma_wait3A_49, %dma_wait3A_56] : memref<2x4096xi32, #tpu.memory_space<vmem>> -> memref<1x4096xi32, #tpu.memory_space<vmem>>
    %dma_wait3A_58 = tpu.memref_squeeze %dma_wait3A_57 : memref<1x4096xi32, #tpu.memory_space<vmem>> -> memref<4096xi32, #tpu.memory_space<vmem>>
    %dma_wait3A_59 = arith.constant 1024 : i32
    %dma_wait3A_60 = tpu.memref_slice %dma_wait3A_58[%dma_wait3A_59] : memref<4096xi32, #tpu.memory_space<vmem>> -> memref<512xi32, #tpu.memory_space<vmem>>
    %dma_wait3A_61 = arith.constant 0 : i32
    %dma_wait3A_62 = tpu.memref_slice %arg3[%dma_wait3A_61] : memref<67108864xf32, #tpu.memory_space<hbm>> -> memref<67108864xf32, #tpu.memory_space<hbm>>
    %dma_wait3A_63 = arith.constant 0 : i32
    %dma_wait3A_64 = tpu.memref_slice %dma_wait3A_62[%dma_wait3A_63] : memref<67108864xf32, #tpu.memory_space<hbm>> -> memref<67108864xf32, #tpu.memory_space<hbm>>
    tpu.wait_indirect_dma semaphore(%arg13 : memref<!tpu.dma_semaphore, #tpu.memory_space<semaphore_mem>>) src(%dma_wait3A_64 : memref<67108864xf32, #tpu.memory_space<hbm>>) dst(%dma_wait3A_55 : memref<512xf32, #tpu.memory_space<vmem>>)
    %dma_wait3A_65 = arith.constant 1 : i32
    %dma_wait3A_66 = arith.constant 1 : i32
    %dma_wait3A_67 = arith.constant 0 : i32
    %dma_wait3A_68 = tpu.memref_slice %arg6[%dma_wait3A_66, %dma_wait3A_67] : memref<2x4096xf32, #tpu.memory_space<vmem>> -> memref<1x4096xf32, #tpu.memory_space<vmem>>
    %dma_wait3A_69 = tpu.memref_squeeze %dma_wait3A_68 : memref<1x4096xf32, #tpu.memory_space<vmem>> -> memref<4096xf32, #tpu.memory_space<vmem>>
    %dma_wait3A_70 = arith.constant 1536 : i32
    %dma_wait3A_71 = tpu.memref_slice %dma_wait3A_69[%dma_wait3A_70] : memref<4096xf32, #tpu.memory_space<vmem>> -> memref<512xf32, #tpu.memory_space<vmem>>
    %dma_wait3A_72 = arith.constant 0 : i32
    %dma_wait3A_73 = tpu.memref_slice %arg5[%dma_wait3A_65, %dma_wait3A_72] : memref<2x4096xi32, #tpu.memory_space<vmem>> -> memref<1x4096xi32, #tpu.memory_space<vmem>>
    %dma_wait3A_74 = tpu.memref_squeeze %dma_wait3A_73 : memref<1x4096xi32, #tpu.memory_space<vmem>> -> memref<4096xi32, #tpu.memory_space<vmem>>
    %dma_wait3A_75 = arith.constant 1536 : i32
    %dma_wait3A_76 = tpu.memref_slice %dma_wait3A_74[%dma_wait3A_75] : memref<4096xi32, #tpu.memory_space<vmem>> -> memref<512xi32, #tpu.memory_space<vmem>>
    %dma_wait3A_77 = arith.constant 0 : i32
    %dma_wait3A_78 = tpu.memref_slice %arg3[%dma_wait3A_77] : memref<67108864xf32, #tpu.memory_space<hbm>> -> memref<67108864xf32, #tpu.memory_space<hbm>>
    %dma_wait3A_79 = arith.constant 0 : i32
    %dma_wait3A_80 = tpu.memref_slice %dma_wait3A_78[%dma_wait3A_79] : memref<67108864xf32, #tpu.memory_space<hbm>> -> memref<67108864xf32, #tpu.memory_space<hbm>>
    tpu.wait_indirect_dma semaphore(%arg13 : memref<!tpu.dma_semaphore, #tpu.memory_space<semaphore_mem>>) src(%dma_wait3A_80 : memref<67108864xf32, #tpu.memory_space<hbm>>) dst(%dma_wait3A_71 : memref<512xf32, #tpu.memory_space<vmem>>)
    %dma_wait3A_81 = arith.constant 1 : i32
    %dma_wait3A_82 = arith.constant 1 : i32
    %dma_wait3A_83 = arith.constant 0 : i32
    %dma_wait3A_84 = tpu.memref_slice %arg6[%dma_wait3A_82, %dma_wait3A_83] : memref<2x4096xf32, #tpu.memory_space<vmem>> -> memref<1x4096xf32, #tpu.memory_space<vmem>>
    %dma_wait3A_85 = tpu.memref_squeeze %dma_wait3A_84 : memref<1x4096xf32, #tpu.memory_space<vmem>> -> memref<4096xf32, #tpu.memory_space<vmem>>
    %dma_wait3A_86 = arith.constant 2048 : i32
    %dma_wait3A_87 = tpu.memref_slice %dma_wait3A_85[%dma_wait3A_86] : memref<4096xf32, #tpu.memory_space<vmem>> -> memref<512xf32, #tpu.memory_space<vmem>>
    %dma_wait3A_88 = arith.constant 0 : i32
    %dma_wait3A_89 = tpu.memref_slice %arg5[%dma_wait3A_81, %dma_wait3A_88] : memref<2x4096xi32, #tpu.memory_space<vmem>> -> memref<1x4096xi32, #tpu.memory_space<vmem>>
    %dma_wait3A_90 = tpu.memref_squeeze %dma_wait3A_89 : memref<1x4096xi32, #tpu.memory_space<vmem>> -> memref<4096xi32, #tpu.memory_space<vmem>>
    %dma_wait3A_91 = arith.constant 2048 : i32
    %dma_wait3A_92 = tpu.memref_slice %dma_wait3A_90[%dma_wait3A_91] : memref<4096xi32, #tpu.memory_space<vmem>> -> memref<512xi32, #tpu.memory_space<vmem>>
    %dma_wait3A_93 = arith.constant 0 : i32
    %dma_wait3A_94 = tpu.memref_slice %arg3[%dma_wait3A_93] : memref<67108864xf32, #tpu.memory_space<hbm>> -> memref<67108864xf32, #tpu.memory_space<hbm>>
    %dma_wait3A_95 = arith.constant 0 : i32
    %dma_wait3A_96 = tpu.memref_slice %dma_wait3A_94[%dma_wait3A_95] : memref<67108864xf32, #tpu.memory_space<hbm>> -> memref<67108864xf32, #tpu.memory_space<hbm>>
    tpu.wait_indirect_dma semaphore(%arg13 : memref<!tpu.dma_semaphore, #tpu.memory_space<semaphore_mem>>) src(%dma_wait3A_96 : memref<67108864xf32, #tpu.memory_space<hbm>>) dst(%dma_wait3A_87 : memref<512xf32, #tpu.memory_space<vmem>>)
    %dma_wait3A_97 = arith.constant 1 : i32
    %dma_wait3A_98 = arith.constant 1 : i32
    %dma_wait3A_99 = arith.constant 0 : i32
    %dma_wait3A_100 = tpu.memref_slice %arg6[%dma_wait3A_98, %dma_wait3A_99] : memref<2x4096xf32, #tpu.memory_space<vmem>> -> memref<1x4096xf32, #tpu.memory_space<vmem>>
    %dma_wait3A_101 = tpu.memref_squeeze %dma_wait3A_100 : memref<1x4096xf32, #tpu.memory_space<vmem>> -> memref<4096xf32, #tpu.memory_space<vmem>>
    %dma_wait3A_102 = arith.constant 2560 : i32
    %dma_wait3A_103 = tpu.memref_slice %dma_wait3A_101[%dma_wait3A_102] : memref<4096xf32, #tpu.memory_space<vmem>> -> memref<512xf32, #tpu.memory_space<vmem>>
    %dma_wait3A_104 = arith.constant 0 : i32
    %dma_wait3A_105 = tpu.memref_slice %arg5[%dma_wait3A_97, %dma_wait3A_104] : memref<2x4096xi32, #tpu.memory_space<vmem>> -> memref<1x4096xi32, #tpu.memory_space<vmem>>
    %dma_wait3A_106 = tpu.memref_squeeze %dma_wait3A_105 : memref<1x4096xi32, #tpu.memory_space<vmem>> -> memref<4096xi32, #tpu.memory_space<vmem>>
    %dma_wait3A_107 = arith.constant 2560 : i32
    %dma_wait3A_108 = tpu.memref_slice %dma_wait3A_106[%dma_wait3A_107] : memref<4096xi32, #tpu.memory_space<vmem>> -> memref<512xi32, #tpu.memory_space<vmem>>
    %dma_wait3A_109 = arith.constant 0 : i32
    %dma_wait3A_110 = tpu.memref_slice %arg3[%dma_wait3A_109] : memref<67108864xf32, #tpu.memory_space<hbm>> -> memref<67108864xf32, #tpu.memory_space<hbm>>
    %dma_wait3A_111 = arith.constant 0 : i32
    %dma_wait3A_112 = tpu.memref_slice %dma_wait3A_110[%dma_wait3A_111] : memref<67108864xf32, #tpu.memory_space<hbm>> -> memref<67108864xf32, #tpu.memory_space<hbm>>
    tpu.wait_indirect_dma semaphore(%arg13 : memref<!tpu.dma_semaphore, #tpu.memory_space<semaphore_mem>>) src(%dma_wait3A_112 : memref<67108864xf32, #tpu.memory_space<hbm>>) dst(%dma_wait3A_103 : memref<512xf32, #tpu.memory_space<vmem>>)
    %dma_wait3A_113 = arith.constant 1 : i32
    %dma_wait3A_114 = arith.constant 1 : i32
    %dma_wait3A_115 = arith.constant 0 : i32
    %dma_wait3A_116 = tpu.memref_slice %arg6[%dma_wait3A_114, %dma_wait3A_115] : memref<2x4096xf32, #tpu.memory_space<vmem>> -> memref<1x4096xf32, #tpu.memory_space<vmem>>
    %dma_wait3A_117 = tpu.memref_squeeze %dma_wait3A_116 : memref<1x4096xf32, #tpu.memory_space<vmem>> -> memref<4096xf32, #tpu.memory_space<vmem>>
    %dma_wait3A_118 = arith.constant 3072 : i32
    %dma_wait3A_119 = tpu.memref_slice %dma_wait3A_117[%dma_wait3A_118] : memref<4096xf32, #tpu.memory_space<vmem>> -> memref<512xf32, #tpu.memory_space<vmem>>
    %dma_wait3A_120 = arith.constant 0 : i32
    %dma_wait3A_121 = tpu.memref_slice %arg5[%dma_wait3A_113, %dma_wait3A_120] : memref<2x4096xi32, #tpu.memory_space<vmem>> -> memref<1x4096xi32, #tpu.memory_space<vmem>>
    %dma_wait3A_122 = tpu.memref_squeeze %dma_wait3A_121 : memref<1x4096xi32, #tpu.memory_space<vmem>> -> memref<4096xi32, #tpu.memory_space<vmem>>
    %dma_wait3A_123 = arith.constant 3072 : i32
    %dma_wait3A_124 = tpu.memref_slice %dma_wait3A_122[%dma_wait3A_123] : memref<4096xi32, #tpu.memory_space<vmem>> -> memref<512xi32, #tpu.memory_space<vmem>>
    %dma_wait3A_125 = arith.constant 0 : i32
    %dma_wait3A_126 = tpu.memref_slice %arg3[%dma_wait3A_125] : memref<67108864xf32, #tpu.memory_space<hbm>> -> memref<67108864xf32, #tpu.memory_space<hbm>>
    %dma_wait3A_127 = arith.constant 0 : i32
    %dma_wait3A_128 = tpu.memref_slice %dma_wait3A_126[%dma_wait3A_127] : memref<67108864xf32, #tpu.memory_space<hbm>> -> memref<67108864xf32, #tpu.memory_space<hbm>>
    tpu.wait_indirect_dma semaphore(%arg13 : memref<!tpu.dma_semaphore, #tpu.memory_space<semaphore_mem>>) src(%dma_wait3A_128 : memref<67108864xf32, #tpu.memory_space<hbm>>) dst(%dma_wait3A_119 : memref<512xf32, #tpu.memory_space<vmem>>)
    %dma_wait3A_129 = arith.constant 1 : i32
    %dma_wait3A_130 = arith.constant 1 : i32
    %dma_wait3A_131 = arith.constant 0 : i32
    %dma_wait3A_132 = tpu.memref_slice %arg6[%dma_wait3A_130, %dma_wait3A_131] : memref<2x4096xf32, #tpu.memory_space<vmem>> -> memref<1x4096xf32, #tpu.memory_space<vmem>>
    %dma_wait3A_133 = tpu.memref_squeeze %dma_wait3A_132 : memref<1x4096xf32, #tpu.memory_space<vmem>> -> memref<4096xf32, #tpu.memory_space<vmem>>
    %dma_wait3A_134 = arith.constant 3584 : i32
    %dma_wait3A_135 = tpu.memref_slice %dma_wait3A_133[%dma_wait3A_134] : memref<4096xf32, #tpu.memory_space<vmem>> -> memref<512xf32, #tpu.memory_space<vmem>>
    %dma_wait3A_136 = arith.constant 0 : i32
    %dma_wait3A_137 = tpu.memref_slice %arg5[%dma_wait3A_129, %dma_wait3A_136] : memref<2x4096xi32, #tpu.memory_space<vmem>> -> memref<1x4096xi32, #tpu.memory_space<vmem>>
    %dma_wait3A_138 = tpu.memref_squeeze %dma_wait3A_137 : memref<1x4096xi32, #tpu.memory_space<vmem>> -> memref<4096xi32, #tpu.memory_space<vmem>>
    %dma_wait3A_139 = arith.constant 3584 : i32
    %dma_wait3A_140 = tpu.memref_slice %dma_wait3A_138[%dma_wait3A_139] : memref<4096xi32, #tpu.memory_space<vmem>> -> memref<512xi32, #tpu.memory_space<vmem>>
    %dma_wait3A_141 = arith.constant 0 : i32
    %dma_wait3A_142 = tpu.memref_slice %arg3[%dma_wait3A_141] : memref<67108864xf32, #tpu.memory_space<hbm>> -> memref<67108864xf32, #tpu.memory_space<hbm>>
    %dma_wait3A_143 = arith.constant 0 : i32
    %dma_wait3A_144 = tpu.memref_slice %dma_wait3A_142[%dma_wait3A_143] : memref<67108864xf32, #tpu.memory_space<hbm>> -> memref<67108864xf32, #tpu.memory_space<hbm>>
    tpu.wait_indirect_dma semaphore(%arg13 : memref<!tpu.dma_semaphore, #tpu.memory_space<semaphore_mem>>) src(%dma_wait3A_144 : memref<67108864xf32, #tpu.memory_space<hbm>>) dst(%dma_wait3A_135 : memref<512xf32, #tpu.memory_space<vmem>>)
    %dma_wait3A_145 = arith.constant 1 : i32
    %dma_wait3A_146 = arith.constant 1 : i32
    %dma_wait3A_147 = arith.constant 0 : i32
    %dma_wait3A_148 = tpu.memref_slice %arg7[%dma_wait3A_146, %dma_wait3A_147] : memref<2x4096xf32, #tpu.memory_space<vmem>> -> memref<1x4096xf32, #tpu.memory_space<vmem>>
    %dma_wait3A_149 = tpu.memref_squeeze %dma_wait3A_148 : memref<1x4096xf32, #tpu.memory_space<vmem>> -> memref<4096xf32, #tpu.memory_space<vmem>>
    %dma_wait3A_150 = arith.constant 0 : i32
    %dma_wait3A_151 = tpu.memref_slice %dma_wait3A_149[%dma_wait3A_150] : memref<4096xf32, #tpu.memory_space<vmem>> -> memref<512xf32, #tpu.memory_space<vmem>>
    %dma_wait3A_152 = arith.constant 0 : i32
    %dma_wait3A_153 = tpu.memref_slice %arg5[%dma_wait3A_145, %dma_wait3A_152] : memref<2x4096xi32, #tpu.memory_space<vmem>> -> memref<1x4096xi32, #tpu.memory_space<vmem>>
    %dma_wait3A_154 = tpu.memref_squeeze %dma_wait3A_153 : memref<1x4096xi32, #tpu.memory_space<vmem>> -> memref<4096xi32, #tpu.memory_space<vmem>>
    %dma_wait3A_155 = arith.constant 0 : i32
    %dma_wait3A_156 = tpu.memref_slice %dma_wait3A_154[%dma_wait3A_155] : memref<4096xi32, #tpu.memory_space<vmem>> -> memref<512xi32, #tpu.memory_space<vmem>>
    %dma_wait3A_157 = arith.constant 128 : i32
    %dma_wait3A_158 = tpu.memref_slice %arg3[%dma_wait3A_157] : memref<67108864xf32, #tpu.memory_space<hbm>> -> memref<67108736xf32, #tpu.memory_space<hbm>>
    %dma_wait3A_159 = arith.constant 0 : i32
    %dma_wait3A_160 = tpu.memref_slice %dma_wait3A_158[%dma_wait3A_159] : memref<67108736xf32, #tpu.memory_space<hbm>> -> memref<67108736xf32, #tpu.memory_space<hbm>>
    tpu.wait_indirect_dma semaphore(%arg13 : memref<!tpu.dma_semaphore, #tpu.memory_space<semaphore_mem>>) src(%dma_wait3A_160 : memref<67108736xf32, #tpu.memory_space<hbm>>) dst(%dma_wait3A_151 : memref<512xf32, #tpu.memory_space<vmem>>)
    %dma_wait3A_161 = arith.constant 1 : i32
    %dma_wait3A_162 = arith.constant 1 : i32
    %dma_wait3A_163 = arith.constant 0 : i32
    %dma_wait3A_164 = tpu.memref_slice %arg7[%dma_wait3A_162, %dma_wait3A_163] : memref<2x4096xf32, #tpu.memory_space<vmem>> -> memref<1x4096xf32, #tpu.memory_space<vmem>>
    %dma_wait3A_165 = tpu.memref_squeeze %dma_wait3A_164 : memref<1x4096xf32, #tpu.memory_space<vmem>> -> memref<4096xf32, #tpu.memory_space<vmem>>
    %dma_wait3A_166 = arith.constant 512 : i32
    %dma_wait3A_167 = tpu.memref_slice %dma_wait3A_165[%dma_wait3A_166] : memref<4096xf32, #tpu.memory_space<vmem>> -> memref<512xf32, #tpu.memory_space<vmem>>
    %dma_wait3A_168 = arith.constant 0 : i32
    %dma_wait3A_169 = tpu.memref_slice %arg5[%dma_wait3A_161, %dma_wait3A_168] : memref<2x4096xi32, #tpu.memory_space<vmem>> -> memref<1x4096xi32, #tpu.memory_space<vmem>>
    %dma_wait3A_170 = tpu.memref_squeeze %dma_wait3A_169 : memref<1x4096xi32, #tpu.memory_space<vmem>> -> memref<4096xi32, #tpu.memory_space<vmem>>
    %dma_wait3A_171 = arith.constant 512 : i32
    %dma_wait3A_172 = tpu.memref_slice %dma_wait3A_170[%dma_wait3A_171] : memref<4096xi32, #tpu.memory_space<vmem>> -> memref<512xi32, #tpu.memory_space<vmem>>
    %dma_wait3A_173 = arith.constant 128 : i32
    %dma_wait3A_174 = tpu.memref_slice %arg3[%dma_wait3A_173] : memref<67108864xf32, #tpu.memory_space<hbm>> -> memref<67108736xf32, #tpu.memory_space<hbm>>
    %dma_wait3A_175 = arith.constant 0 : i32
    %dma_wait3A_176 = tpu.memref_slice %dma_wait3A_174[%dma_wait3A_175] : memref<67108736xf32, #tpu.memory_space<hbm>> -> memref<67108736xf32, #tpu.memory_space<hbm>>
    tpu.wait_indirect_dma semaphore(%arg13 : memref<!tpu.dma_semaphore, #tpu.memory_space<semaphore_mem>>) src(%dma_wait3A_176 : memref<67108736xf32, #tpu.memory_space<hbm>>) dst(%dma_wait3A_167 : memref<512xf32, #tpu.memory_space<vmem>>)
    %dma_wait3A_177 = arith.constant 1 : i32
    %dma_wait3A_178 = arith.constant 1 : i32
    %dma_wait3A_179 = arith.constant 0 : i32
    %dma_wait3A_180 = tpu.memref_slice %arg7[%dma_wait3A_178, %dma_wait3A_179] : memref<2x4096xf32, #tpu.memory_space<vmem>> -> memref<1x4096xf32, #tpu.memory_space<vmem>>
    %dma_wait3A_181 = tpu.memref_squeeze %dma_wait3A_180 : memref<1x4096xf32, #tpu.memory_space<vmem>> -> memref<4096xf32, #tpu.memory_space<vmem>>
    %dma_wait3A_182 = arith.constant 1024 : i32
    %dma_wait3A_183 = tpu.memref_slice %dma_wait3A_181[%dma_wait3A_182] : memref<4096xf32, #tpu.memory_space<vmem>> -> memref<512xf32, #tpu.memory_space<vmem>>
    %dma_wait3A_184 = arith.constant 0 : i32
    %dma_wait3A_185 = tpu.memref_slice %arg5[%dma_wait3A_177, %dma_wait3A_184] : memref<2x4096xi32, #tpu.memory_space<vmem>> -> memref<1x4096xi32, #tpu.memory_space<vmem>>
    %dma_wait3A_186 = tpu.memref_squeeze %dma_wait3A_185 : memref<1x4096xi32, #tpu.memory_space<vmem>> -> memref<4096xi32, #tpu.memory_space<vmem>>
    %dma_wait3A_187 = arith.constant 1024 : i32
    %dma_wait3A_188 = tpu.memref_slice %dma_wait3A_186[%dma_wait3A_187] : memref<4096xi32, #tpu.memory_space<vmem>> -> memref<512xi32, #tpu.memory_space<vmem>>
    %dma_wait3A_189 = arith.constant 128 : i32
    %dma_wait3A_190 = tpu.memref_slice %arg3[%dma_wait3A_189] : memref<67108864xf32, #tpu.memory_space<hbm>> -> memref<67108736xf32, #tpu.memory_space<hbm>>
    %dma_wait3A_191 = arith.constant 0 : i32
    %dma_wait3A_192 = tpu.memref_slice %dma_wait3A_190[%dma_wait3A_191] : memref<67108736xf32, #tpu.memory_space<hbm>> -> memref<67108736xf32, #tpu.memory_space<hbm>>
    tpu.wait_indirect_dma semaphore(%arg13 : memref<!tpu.dma_semaphore, #tpu.memory_space<semaphore_mem>>) src(%dma_wait3A_192 : memref<67108736xf32, #tpu.memory_space<hbm>>) dst(%dma_wait3A_183 : memref<512xf32, #tpu.memory_space<vmem>>)
    %dma_wait3A_193 = arith.constant 1 : i32
    %dma_wait3A_194 = arith.constant 1 : i32
    %dma_wait3A_195 = arith.constant 0 : i32
    %dma_wait3A_196 = tpu.memref_slice %arg7[%dma_wait3A_194, %dma_wait3A_195] : memref<2x4096xf32, #tpu.memory_space<vmem>> -> memref<1x4096xf32, #tpu.memory_space<vmem>>
    %dma_wait3A_197 = tpu.memref_squeeze %dma_wait3A_196 : memref<1x4096xf32, #tpu.memory_space<vmem>> -> memref<4096xf32, #tpu.memory_space<vmem>>
    %dma_wait3A_198 = arith.constant 1536 : i32
    %dma_wait3A_199 = tpu.memref_slice %dma_wait3A_197[%dma_wait3A_198] : memref<4096xf32, #tpu.memory_space<vmem>> -> memref<512xf32, #tpu.memory_space<vmem>>
    %dma_wait3A_200 = arith.constant 0 : i32
    %dma_wait3A_201 = tpu.memref_slice %arg5[%dma_wait3A_193, %dma_wait3A_200] : memref<2x4096xi32, #tpu.memory_space<vmem>> -> memref<1x4096xi32, #tpu.memory_space<vmem>>
    %dma_wait3A_202 = tpu.memref_squeeze %dma_wait3A_201 : memref<1x4096xi32, #tpu.memory_space<vmem>> -> memref<4096xi32, #tpu.memory_space<vmem>>
    %dma_wait3A_203 = arith.constant 1536 : i32
    %dma_wait3A_204 = tpu.memref_slice %dma_wait3A_202[%dma_wait3A_203] : memref<4096xi32, #tpu.memory_space<vmem>> -> memref<512xi32, #tpu.memory_space<vmem>>
    %dma_wait3A_205 = arith.constant 128 : i32
    %dma_wait3A_206 = tpu.memref_slice %arg3[%dma_wait3A_205] : memref<67108864xf32, #tpu.memory_space<hbm>> -> memref<67108736xf32, #tpu.memory_space<hbm>>
    %dma_wait3A_207 = arith.constant 0 : i32
    %dma_wait3A_208 = tpu.memref_slice %dma_wait3A_206[%dma_wait3A_207] : memref<67108736xf32, #tpu.memory_space<hbm>> -> memref<67108736xf32, #tpu.memory_space<hbm>>
    tpu.wait_indirect_dma semaphore(%arg13 : memref<!tpu.dma_semaphore, #tpu.memory_space<semaphore_mem>>) src(%dma_wait3A_208 : memref<67108736xf32, #tpu.memory_space<hbm>>) dst(%dma_wait3A_199 : memref<512xf32, #tpu.memory_space<vmem>>)
    %dma_wait3A_209 = arith.constant 1 : i32
    %dma_wait3A_210 = arith.constant 1 : i32
    %dma_wait3A_211 = arith.constant 0 : i32
    %dma_wait3A_212 = tpu.memref_slice %arg7[%dma_wait3A_210, %dma_wait3A_211] : memref<2x4096xf32, #tpu.memory_space<vmem>> -> memref<1x4096xf32, #tpu.memory_space<vmem>>
    %dma_wait3A_213 = tpu.memref_squeeze %dma_wait3A_212 : memref<1x4096xf32, #tpu.memory_space<vmem>> -> memref<4096xf32, #tpu.memory_space<vmem>>
    %dma_wait3A_214 = arith.constant 2048 : i32
    %dma_wait3A_215 = tpu.memref_slice %dma_wait3A_213[%dma_wait3A_214] : memref<4096xf32, #tpu.memory_space<vmem>> -> memref<512xf32, #tpu.memory_space<vmem>>
    %dma_wait3A_216 = arith.constant 0 : i32
    %dma_wait3A_217 = tpu.memref_slice %arg5[%dma_wait3A_209, %dma_wait3A_216] : memref<2x4096xi32, #tpu.memory_space<vmem>> -> memref<1x4096xi32, #tpu.memory_space<vmem>>
    %dma_wait3A_218 = tpu.memref_squeeze %dma_wait3A_217 : memref<1x4096xi32, #tpu.memory_space<vmem>> -> memref<4096xi32, #tpu.memory_space<vmem>>
    %dma_wait3A_219 = arith.constant 2048 : i32
    %dma_wait3A_220 = tpu.memref_slice %dma_wait3A_218[%dma_wait3A_219] : memref<4096xi32, #tpu.memory_space<vmem>> -> memref<512xi32, #tpu.memory_space<vmem>>
    %dma_wait3A_221 = arith.constant 128 : i32
    %dma_wait3A_222 = tpu.memref_slice %arg3[%dma_wait3A_221] : memref<67108864xf32, #tpu.memory_space<hbm>> -> memref<67108736xf32, #tpu.memory_space<hbm>>
    %dma_wait3A_223 = arith.constant 0 : i32
    %dma_wait3A_224 = tpu.memref_slice %dma_wait3A_222[%dma_wait3A_223] : memref<67108736xf32, #tpu.memory_space<hbm>> -> memref<67108736xf32, #tpu.memory_space<hbm>>
    tpu.wait_indirect_dma semaphore(%arg13 : memref<!tpu.dma_semaphore, #tpu.memory_space<semaphore_mem>>) src(%dma_wait3A_224 : memref<67108736xf32, #tpu.memory_space<hbm>>) dst(%dma_wait3A_215 : memref<512xf32, #tpu.memory_space<vmem>>)
    %dma_wait3A_225 = arith.constant 1 : i32
    %dma_wait3A_226 = arith.constant 1 : i32
    %dma_wait3A_227 = arith.constant 0 : i32
    %dma_wait3A_228 = tpu.memref_slice %arg7[%dma_wait3A_226, %dma_wait3A_227] : memref<2x4096xf32, #tpu.memory_space<vmem>> -> memref<1x4096xf32, #tpu.memory_space<vmem>>
    %dma_wait3A_229 = tpu.memref_squeeze %dma_wait3A_228 : memref<1x4096xf32, #tpu.memory_space<vmem>> -> memref<4096xf32, #tpu.memory_space<vmem>>
    %dma_wait3A_230 = arith.constant 2560 : i32
    %dma_wait3A_231 = tpu.memref_slice %dma_wait3A_229[%dma_wait3A_230] : memref<4096xf32, #tpu.memory_space<vmem>> -> memref<512xf32, #tpu.memory_space<vmem>>
    %dma_wait3A_232 = arith.constant 0 : i32
    %dma_wait3A_233 = tpu.memref_slice %arg5[%dma_wait3A_225, %dma_wait3A_232] : memref<2x4096xi32, #tpu.memory_space<vmem>> -> memref<1x4096xi32, #tpu.memory_space<vmem>>
    %dma_wait3A_234 = tpu.memref_squeeze %dma_wait3A_233 : memref<1x4096xi32, #tpu.memory_space<vmem>> -> memref<4096xi32, #tpu.memory_space<vmem>>
    %dma_wait3A_235 = arith.constant 2560 : i32
    %dma_wait3A_236 = tpu.memref_slice %dma_wait3A_234[%dma_wait3A_235] : memref<4096xi32, #tpu.memory_space<vmem>> -> memref<512xi32, #tpu.memory_space<vmem>>
    %dma_wait3A_237 = arith.constant 128 : i32
    %dma_wait3A_238 = tpu.memref_slice %arg3[%dma_wait3A_237] : memref<67108864xf32, #tpu.memory_space<hbm>> -> memref<67108736xf32, #tpu.memory_space<hbm>>
    %dma_wait3A_239 = arith.constant 0 : i32
    %dma_wait3A_240 = tpu.memref_slice %dma_wait3A_238[%dma_wait3A_239] : memref<67108736xf32, #tpu.memory_space<hbm>> -> memref<67108736xf32, #tpu.memory_space<hbm>>
    tpu.wait_indirect_dma semaphore(%arg13 : memref<!tpu.dma_semaphore, #tpu.memory_space<semaphore_mem>>) src(%dma_wait3A_240 : memref<67108736xf32, #tpu.memory_space<hbm>>) dst(%dma_wait3A_231 : memref<512xf32, #tpu.memory_space<vmem>>)
    %dma_wait3A_241 = arith.constant 1 : i32
    %dma_wait3A_242 = arith.constant 1 : i32
    %dma_wait3A_243 = arith.constant 0 : i32
    %dma_wait3A_244 = tpu.memref_slice %arg7[%dma_wait3A_242, %dma_wait3A_243] : memref<2x4096xf32, #tpu.memory_space<vmem>> -> memref<1x4096xf32, #tpu.memory_space<vmem>>
    %dma_wait3A_245 = tpu.memref_squeeze %dma_wait3A_244 : memref<1x4096xf32, #tpu.memory_space<vmem>> -> memref<4096xf32, #tpu.memory_space<vmem>>
    %dma_wait3A_246 = arith.constant 3072 : i32
    %dma_wait3A_247 = tpu.memref_slice %dma_wait3A_245[%dma_wait3A_246] : memref<4096xf32, #tpu.memory_space<vmem>> -> memref<512xf32, #tpu.memory_space<vmem>>
    %dma_wait3A_248 = arith.constant 0 : i32
    %dma_wait3A_249 = tpu.memref_slice %arg5[%dma_wait3A_241, %dma_wait3A_248] : memref<2x4096xi32, #tpu.memory_space<vmem>> -> memref<1x4096xi32, #tpu.memory_space<vmem>>
    %dma_wait3A_250 = tpu.memref_squeeze %dma_wait3A_249 : memref<1x4096xi32, #tpu.memory_space<vmem>> -> memref<4096xi32, #tpu.memory_space<vmem>>
    %dma_wait3A_251 = arith.constant 3072 : i32
    %dma_wait3A_252 = tpu.memref_slice %dma_wait3A_250[%dma_wait3A_251] : memref<4096xi32, #tpu.memory_space<vmem>> -> memref<512xi32, #tpu.memory_space<vmem>>
    %dma_wait3A_253 = arith.constant 128 : i32
    %dma_wait3A_254 = tpu.memref_slice %arg3[%dma_wait3A_253] : memref<67108864xf32, #tpu.memory_space<hbm>> -> memref<67108736xf32, #tpu.memory_space<hbm>>
    %dma_wait3A_255 = arith.constant 0 : i32
    %dma_wait3A_256 = tpu.memref_slice %dma_wait3A_254[%dma_wait3A_255] : memref<67108736xf32, #tpu.memory_space<hbm>> -> memref<67108736xf32, #tpu.memory_space<hbm>>
    tpu.wait_indirect_dma semaphore(%arg13 : memref<!tpu.dma_semaphore, #tpu.memory_space<semaphore_mem>>) src(%dma_wait3A_256 : memref<67108736xf32, #tpu.memory_space<hbm>>) dst(%dma_wait3A_247 : memref<512xf32, #tpu.memory_space<vmem>>)
    %dma_wait3A_257 = arith.constant 1 : i32
    %dma_wait3A_258 = arith.constant 1 : i32
    %dma_wait3A_259 = arith.constant 0 : i32
    %dma_wait3A_260 = tpu.memref_slice %arg7[%dma_wait3A_258, %dma_wait3A_259] : memref<2x4096xf32, #tpu.memory_space<vmem>> -> memref<1x4096xf32, #tpu.memory_space<vmem>>
    %dma_wait3A_261 = tpu.memref_squeeze %dma_wait3A_260 : memref<1x4096xf32, #tpu.memory_space<vmem>> -> memref<4096xf32, #tpu.memory_space<vmem>>
    %dma_wait3A_262 = arith.constant 3584 : i32
    %dma_wait3A_263 = tpu.memref_slice %dma_wait3A_261[%dma_wait3A_262] : memref<4096xf32, #tpu.memory_space<vmem>> -> memref<512xf32, #tpu.memory_space<vmem>>
    %dma_wait3A_264 = arith.constant 0 : i32
    %dma_wait3A_265 = tpu.memref_slice %arg5[%dma_wait3A_257, %dma_wait3A_264] : memref<2x4096xi32, #tpu.memory_space<vmem>> -> memref<1x4096xi32, #tpu.memory_space<vmem>>
    %dma_wait3A_266 = tpu.memref_squeeze %dma_wait3A_265 : memref<1x4096xi32, #tpu.memory_space<vmem>> -> memref<4096xi32, #tpu.memory_space<vmem>>
    %dma_wait3A_267 = arith.constant 3584 : i32
    %dma_wait3A_268 = tpu.memref_slice %dma_wait3A_266[%dma_wait3A_267] : memref<4096xi32, #tpu.memory_space<vmem>> -> memref<512xi32, #tpu.memory_space<vmem>>
    %dma_wait3A_269 = arith.constant 128 : i32
    %dma_wait3A_270 = tpu.memref_slice %arg3[%dma_wait3A_269] : memref<67108864xf32, #tpu.memory_space<hbm>> -> memref<67108736xf32, #tpu.memory_space<hbm>>
    %dma_wait3A_271 = arith.constant 0 : i32
    %dma_wait3A_272 = tpu.memref_slice %dma_wait3A_270[%dma_wait3A_271] : memref<67108736xf32, #tpu.memory_space<hbm>> -> memref<67108736xf32, #tpu.memory_space<hbm>>
    tpu.wait_indirect_dma semaphore(%arg13 : memref<!tpu.dma_semaphore, #tpu.memory_space<semaphore_mem>>) src(%dma_wait3A_272 : memref<67108736xf32, #tpu.memory_space<hbm>>) dst(%dma_wait3A_263 : memref<512xf32, #tpu.memory_space<vmem>>)
    %dma_wait3A_273 = arith.constant 1 : i32
    %dma_wait3A_274 = arith.constant 1 : i32
    %dma_wait3A_275 = arith.constant 0 : i32
    %dma_wait3A_276 = tpu.memref_slice %arg8[%dma_wait3A_274, %dma_wait3A_275] : memref<2x4096xf32, #tpu.memory_space<vmem>> -> memref<1x4096xf32, #tpu.memory_space<vmem>>
    %dma_wait3A_277 = tpu.memref_squeeze %dma_wait3A_276 : memref<1x4096xf32, #tpu.memory_space<vmem>> -> memref<4096xf32, #tpu.memory_space<vmem>>
    %dma_wait3A_278 = arith.constant 0 : i32
    %dma_wait3A_279 = tpu.memref_slice %dma_wait3A_277[%dma_wait3A_278] : memref<4096xf32, #tpu.memory_space<vmem>> -> memref<512xf32, #tpu.memory_space<vmem>>
    %dma_wait3A_280 = arith.constant 0 : i32
    %dma_wait3A_281 = tpu.memref_slice %arg5[%dma_wait3A_273, %dma_wait3A_280] : memref<2x4096xi32, #tpu.memory_space<vmem>> -> memref<1x4096xi32, #tpu.memory_space<vmem>>
    %dma_wait3A_282 = tpu.memref_squeeze %dma_wait3A_281 : memref<1x4096xi32, #tpu.memory_space<vmem>> -> memref<4096xi32, #tpu.memory_space<vmem>>
    %dma_wait3A_283 = arith.constant 0 : i32
    %dma_wait3A_284 = tpu.memref_slice %dma_wait3A_282[%dma_wait3A_283] : memref<4096xi32, #tpu.memory_space<vmem>> -> memref<512xi32, #tpu.memory_space<vmem>>
    %dma_wait3A_285 = arith.constant 256 : i32
    %dma_wait3A_286 = tpu.memref_slice %arg3[%dma_wait3A_285] : memref<67108864xf32, #tpu.memory_space<hbm>> -> memref<67108608xf32, #tpu.memory_space<hbm>>
    %dma_wait3A_287 = arith.constant 0 : i32
    %dma_wait3A_288 = tpu.memref_slice %dma_wait3A_286[%dma_wait3A_287] : memref<67108608xf32, #tpu.memory_space<hbm>> -> memref<67108608xf32, #tpu.memory_space<hbm>>
    tpu.wait_indirect_dma semaphore(%arg13 : memref<!tpu.dma_semaphore, #tpu.memory_space<semaphore_mem>>) src(%dma_wait3A_288 : memref<67108608xf32, #tpu.memory_space<hbm>>) dst(%dma_wait3A_279 : memref<512xf32, #tpu.memory_space<vmem>>)
    %dma_wait3A_289 = arith.constant 1 : i32
    %dma_wait3A_290 = arith.constant 1 : i32
    %dma_wait3A_291 = arith.constant 0 : i32
    %dma_wait3A_292 = tpu.memref_slice %arg8[%dma_wait3A_290, %dma_wait3A_291] : memref<2x4096xf32, #tpu.memory_space<vmem>> -> memref<1x4096xf32, #tpu.memory_space<vmem>>
    %dma_wait3A_293 = tpu.memref_squeeze %dma_wait3A_292 : memref<1x4096xf32, #tpu.memory_space<vmem>> -> memref<4096xf32, #tpu.memory_space<vmem>>
    %dma_wait3A_294 = arith.constant 512 : i32
    %dma_wait3A_295 = tpu.memref_slice %dma_wait3A_293[%dma_wait3A_294] : memref<4096xf32, #tpu.memory_space<vmem>> -> memref<512xf32, #tpu.memory_space<vmem>>
    %dma_wait3A_296 = arith.constant 0 : i32
    %dma_wait3A_297 = tpu.memref_slice %arg5[%dma_wait3A_289, %dma_wait3A_296] : memref<2x4096xi32, #tpu.memory_space<vmem>> -> memref<1x4096xi32, #tpu.memory_space<vmem>>
    %dma_wait3A_298 = tpu.memref_squeeze %dma_wait3A_297 : memref<1x4096xi32, #tpu.memory_space<vmem>> -> memref<4096xi32, #tpu.memory_space<vmem>>
    %dma_wait3A_299 = arith.constant 512 : i32
    %dma_wait3A_300 = tpu.memref_slice %dma_wait3A_298[%dma_wait3A_299] : memref<4096xi32, #tpu.memory_space<vmem>> -> memref<512xi32, #tpu.memory_space<vmem>>
    %dma_wait3A_301 = arith.constant 256 : i32
    %dma_wait3A_302 = tpu.memref_slice %arg3[%dma_wait3A_301] : memref<67108864xf32, #tpu.memory_space<hbm>> -> memref<67108608xf32, #tpu.memory_space<hbm>>
    %dma_wait3A_303 = arith.constant 0 : i32
    %dma_wait3A_304 = tpu.memref_slice %dma_wait3A_302[%dma_wait3A_303] : memref<67108608xf32, #tpu.memory_space<hbm>> -> memref<67108608xf32, #tpu.memory_space<hbm>>
    tpu.wait_indirect_dma semaphore(%arg13 : memref<!tpu.dma_semaphore, #tpu.memory_space<semaphore_mem>>) src(%dma_wait3A_304 : memref<67108608xf32, #tpu.memory_space<hbm>>) dst(%dma_wait3A_295 : memref<512xf32, #tpu.memory_space<vmem>>)
    %dma_wait3A_305 = arith.constant 1 : i32
    %dma_wait3A_306 = arith.constant 1 : i32
    %dma_wait3A_307 = arith.constant 0 : i32
    %dma_wait3A_308 = tpu.memref_slice %arg8[%dma_wait3A_306, %dma_wait3A_307] : memref<2x4096xf32, #tpu.memory_space<vmem>> -> memref<1x4096xf32, #tpu.memory_space<vmem>>
    %dma_wait3A_309 = tpu.memref_squeeze %dma_wait3A_308 : memref<1x4096xf32, #tpu.memory_space<vmem>> -> memref<4096xf32, #tpu.memory_space<vmem>>
    %dma_wait3A_310 = arith.constant 1024 : i32
    %dma_wait3A_311 = tpu.memref_slice %dma_wait3A_309[%dma_wait3A_310] : memref<4096xf32, #tpu.memory_space<vmem>> -> memref<512xf32, #tpu.memory_space<vmem>>
    %dma_wait3A_312 = arith.constant 0 : i32
    %dma_wait3A_313 = tpu.memref_slice %arg5[%dma_wait3A_305, %dma_wait3A_312] : memref<2x4096xi32, #tpu.memory_space<vmem>> -> memref<1x4096xi32, #tpu.memory_space<vmem>>
    %dma_wait3A_314 = tpu.memref_squeeze %dma_wait3A_313 : memref<1x4096xi32, #tpu.memory_space<vmem>> -> memref<4096xi32, #tpu.memory_space<vmem>>
    %dma_wait3A_315 = arith.constant 1024 : i32
    %dma_wait3A_316 = tpu.memref_slice %dma_wait3A_314[%dma_wait3A_315] : memref<4096xi32, #tpu.memory_space<vmem>> -> memref<512xi32, #tpu.memory_space<vmem>>
    %dma_wait3A_317 = arith.constant 256 : i32
    %dma_wait3A_318 = tpu.memref_slice %arg3[%dma_wait3A_317] : memref<67108864xf32, #tpu.memory_space<hbm>> -> memref<67108608xf32, #tpu.memory_space<hbm>>
    %dma_wait3A_319 = arith.constant 0 : i32
    %dma_wait3A_320 = tpu.memref_slice %dma_wait3A_318[%dma_wait3A_319] : memref<67108608xf32, #tpu.memory_space<hbm>> -> memref<67108608xf32, #tpu.memory_space<hbm>>
    tpu.wait_indirect_dma semaphore(%arg13 : memref<!tpu.dma_semaphore, #tpu.memory_space<semaphore_mem>>) src(%dma_wait3A_320 : memref<67108608xf32, #tpu.memory_space<hbm>>) dst(%dma_wait3A_311 : memref<512xf32, #tpu.memory_space<vmem>>)
    %dma_wait3A_321 = arith.constant 1 : i32
    %dma_wait3A_322 = arith.constant 1 : i32
    %dma_wait3A_323 = arith.constant 0 : i32
    %dma_wait3A_324 = tpu.memref_slice %arg8[%dma_wait3A_322, %dma_wait3A_323] : memref<2x4096xf32, #tpu.memory_space<vmem>> -> memref<1x4096xf32, #tpu.memory_space<vmem>>
    %dma_wait3A_325 = tpu.memref_squeeze %dma_wait3A_324 : memref<1x4096xf32, #tpu.memory_space<vmem>> -> memref<4096xf32, #tpu.memory_space<vmem>>
    %dma_wait3A_326 = arith.constant 1536 : i32
    %dma_wait3A_327 = tpu.memref_slice %dma_wait3A_325[%dma_wait3A_326] : memref<4096xf32, #tpu.memory_space<vmem>> -> memref<512xf32, #tpu.memory_space<vmem>>
    %dma_wait3A_328 = arith.constant 0 : i32
    %dma_wait3A_329 = tpu.memref_slice %arg5[%dma_wait3A_321, %dma_wait3A_328] : memref<2x4096xi32, #tpu.memory_space<vmem>> -> memref<1x4096xi32, #tpu.memory_space<vmem>>
    %dma_wait3A_330 = tpu.memref_squeeze %dma_wait3A_329 : memref<1x4096xi32, #tpu.memory_space<vmem>> -> memref<4096xi32, #tpu.memory_space<vmem>>
    %dma_wait3A_331 = arith.constant 1536 : i32
    %dma_wait3A_332 = tpu.memref_slice %dma_wait3A_330[%dma_wait3A_331] : memref<4096xi32, #tpu.memory_space<vmem>> -> memref<512xi32, #tpu.memory_space<vmem>>
    %dma_wait3A_333 = arith.constant 256 : i32
    %dma_wait3A_334 = tpu.memref_slice %arg3[%dma_wait3A_333] : memref<67108864xf32, #tpu.memory_space<hbm>> -> memref<67108608xf32, #tpu.memory_space<hbm>>
    %dma_wait3A_335 = arith.constant 0 : i32
    %dma_wait3A_336 = tpu.memref_slice %dma_wait3A_334[%dma_wait3A_335] : memref<67108608xf32, #tpu.memory_space<hbm>> -> memref<67108608xf32, #tpu.memory_space<hbm>>
    tpu.wait_indirect_dma semaphore(%arg13 : memref<!tpu.dma_semaphore, #tpu.memory_space<semaphore_mem>>) src(%dma_wait3A_336 : memref<67108608xf32, #tpu.memory_space<hbm>>) dst(%dma_wait3A_327 : memref<512xf32, #tpu.memory_space<vmem>>)
    %dma_wait3A_337 = arith.constant 1 : i32
    %dma_wait3A_338 = arith.constant 1 : i32
    %dma_wait3A_339 = arith.constant 0 : i32
    %dma_wait3A_340 = tpu.memref_slice %arg8[%dma_wait3A_338, %dma_wait3A_339] : memref<2x4096xf32, #tpu.memory_space<vmem>> -> memref<1x4096xf32, #tpu.memory_space<vmem>>
    %dma_wait3A_341 = tpu.memref_squeeze %dma_wait3A_340 : memref<1x4096xf32, #tpu.memory_space<vmem>> -> memref<4096xf32, #tpu.memory_space<vmem>>
    %dma_wait3A_342 = arith.constant 2048 : i32
    %dma_wait3A_343 = tpu.memref_slice %dma_wait3A_341[%dma_wait3A_342] : memref<4096xf32, #tpu.memory_space<vmem>> -> memref<512xf32, #tpu.memory_space<vmem>>
    %dma_wait3A_344 = arith.constant 0 : i32
    %dma_wait3A_345 = tpu.memref_slice %arg5[%dma_wait3A_337, %dma_wait3A_344] : memref<2x4096xi32, #tpu.memory_space<vmem>> -> memref<1x4096xi32, #tpu.memory_space<vmem>>
    %dma_wait3A_346 = tpu.memref_squeeze %dma_wait3A_345 : memref<1x4096xi32, #tpu.memory_space<vmem>> -> memref<4096xi32, #tpu.memory_space<vmem>>
    %dma_wait3A_347 = arith.constant 2048 : i32
    %dma_wait3A_348 = tpu.memref_slice %dma_wait3A_346[%dma_wait3A_347] : memref<4096xi32, #tpu.memory_space<vmem>> -> memref<512xi32, #tpu.memory_space<vmem>>
    %dma_wait3A_349 = arith.constant 256 : i32
    %dma_wait3A_350 = tpu.memref_slice %arg3[%dma_wait3A_349] : memref<67108864xf32, #tpu.memory_space<hbm>> -> memref<67108608xf32, #tpu.memory_space<hbm>>
    %dma_wait3A_351 = arith.constant 0 : i32
    %dma_wait3A_352 = tpu.memref_slice %dma_wait3A_350[%dma_wait3A_351] : memref<67108608xf32, #tpu.memory_space<hbm>> -> memref<67108608xf32, #tpu.memory_space<hbm>>
    tpu.wait_indirect_dma semaphore(%arg13 : memref<!tpu.dma_semaphore, #tpu.memory_space<semaphore_mem>>) src(%dma_wait3A_352 : memref<67108608xf32, #tpu.memory_space<hbm>>) dst(%dma_wait3A_343 : memref<512xf32, #tpu.memory_space<vmem>>)
    %dma_wait3A_353 = arith.constant 1 : i32
    %dma_wait3A_354 = arith.constant 1 : i32
    %dma_wait3A_355 = arith.constant 0 : i32
    %dma_wait3A_356 = tpu.memref_slice %arg8[%dma_wait3A_354, %dma_wait3A_355] : memref<2x4096xf32, #tpu.memory_space<vmem>> -> memref<1x4096xf32, #tpu.memory_space<vmem>>
    %dma_wait3A_357 = tpu.memref_squeeze %dma_wait3A_356 : memref<1x4096xf32, #tpu.memory_space<vmem>> -> memref<4096xf32, #tpu.memory_space<vmem>>
    %dma_wait3A_358 = arith.constant 2560 : i32
    %dma_wait3A_359 = tpu.memref_slice %dma_wait3A_357[%dma_wait3A_358] : memref<4096xf32, #tpu.memory_space<vmem>> -> memref<512xf32, #tpu.memory_space<vmem>>
    %dma_wait3A_360 = arith.constant 0 : i32
    %dma_wait3A_361 = tpu.memref_slice %arg5[%dma_wait3A_353, %dma_wait3A_360] : memref<2x4096xi32, #tpu.memory_space<vmem>> -> memref<1x4096xi32, #tpu.memory_space<vmem>>
    %dma_wait3A_362 = tpu.memref_squeeze %dma_wait3A_361 : memref<1x4096xi32, #tpu.memory_space<vmem>> -> memref<4096xi32, #tpu.memory_space<vmem>>
    %dma_wait3A_363 = arith.constant 2560 : i32
    %dma_wait3A_364 = tpu.memref_slice %dma_wait3A_362[%dma_wait3A_363] : memref<4096xi32, #tpu.memory_space<vmem>> -> memref<512xi32, #tpu.memory_space<vmem>>
    %dma_wait3A_365 = arith.constant 256 : i32
    %dma_wait3A_366 = tpu.memref_slice %arg3[%dma_wait3A_365] : memref<67108864xf32, #tpu.memory_space<hbm>> -> memref<67108608xf32, #tpu.memory_space<hbm>>
    %dma_wait3A_367 = arith.constant 0 : i32
    %dma_wait3A_368 = tpu.memref_slice %dma_wait3A_366[%dma_wait3A_367] : memref<67108608xf32, #tpu.memory_space<hbm>> -> memref<67108608xf32, #tpu.memory_space<hbm>>
    tpu.wait_indirect_dma semaphore(%arg13 : memref<!tpu.dma_semaphore, #tpu.memory_space<semaphore_mem>>) src(%dma_wait3A_368 : memref<67108608xf32, #tpu.memory_space<hbm>>) dst(%dma_wait3A_359 : memref<512xf32, #tpu.memory_space<vmem>>)
    %dma_wait3A_369 = arith.constant 1 : i32
    %dma_wait3A_370 = arith.constant 1 : i32
    %dma_wait3A_371 = arith.constant 0 : i32
    %dma_wait3A_372 = tpu.memref_slice %arg8[%dma_wait3A_370, %dma_wait3A_371] : memref<2x4096xf32, #tpu.memory_space<vmem>> -> memref<1x4096xf32, #tpu.memory_space<vmem>>
    %dma_wait3A_373 = tpu.memref_squeeze %dma_wait3A_372 : memref<1x4096xf32, #tpu.memory_space<vmem>> -> memref<4096xf32, #tpu.memory_space<vmem>>
    %dma_wait3A_374 = arith.constant 3072 : i32
    %dma_wait3A_375 = tpu.memref_slice %dma_wait3A_373[%dma_wait3A_374] : memref<4096xf32, #tpu.memory_space<vmem>> -> memref<512xf32, #tpu.memory_space<vmem>>
    %dma_wait3A_376 = arith.constant 0 : i32
    %dma_wait3A_377 = tpu.memref_slice %arg5[%dma_wait3A_369, %dma_wait3A_376] : memref<2x4096xi32, #tpu.memory_space<vmem>> -> memref<1x4096xi32, #tpu.memory_space<vmem>>
    %dma_wait3A_378 = tpu.memref_squeeze %dma_wait3A_377 : memref<1x4096xi32, #tpu.memory_space<vmem>> -> memref<4096xi32, #tpu.memory_space<vmem>>
    %dma_wait3A_379 = arith.constant 3072 : i32
    %dma_wait3A_380 = tpu.memref_slice %dma_wait3A_378[%dma_wait3A_379] : memref<4096xi32, #tpu.memory_space<vmem>> -> memref<512xi32, #tpu.memory_space<vmem>>
    %dma_wait3A_381 = arith.constant 256 : i32
    %dma_wait3A_382 = tpu.memref_slice %arg3[%dma_wait3A_381] : memref<67108864xf32, #tpu.memory_space<hbm>> -> memref<67108608xf32, #tpu.memory_space<hbm>>
    %dma_wait3A_383 = arith.constant 0 : i32
    %dma_wait3A_384 = tpu.memref_slice %dma_wait3A_382[%dma_wait3A_383] : memref<67108608xf32, #tpu.memory_space<hbm>> -> memref<67108608xf32, #tpu.memory_space<hbm>>
    tpu.wait_indirect_dma semaphore(%arg13 : memref<!tpu.dma_semaphore, #tpu.memory_space<semaphore_mem>>) src(%dma_wait3A_384 : memref<67108608xf32, #tpu.memory_space<hbm>>) dst(%dma_wait3A_375 : memref<512xf32, #tpu.memory_space<vmem>>)
    %dma_wait3A_385 = arith.constant 1 : i32
    %dma_wait3A_386 = arith.constant 1 : i32
    %dma_wait3A_387 = arith.constant 0 : i32
    %dma_wait3A_388 = tpu.memref_slice %arg8[%dma_wait3A_386, %dma_wait3A_387] : memref<2x4096xf32, #tpu.memory_space<vmem>> -> memref<1x4096xf32, #tpu.memory_space<vmem>>
    %dma_wait3A_389 = tpu.memref_squeeze %dma_wait3A_388 : memref<1x4096xf32, #tpu.memory_space<vmem>> -> memref<4096xf32, #tpu.memory_space<vmem>>
    %dma_wait3A_390 = arith.constant 3584 : i32
    %dma_wait3A_391 = tpu.memref_slice %dma_wait3A_389[%dma_wait3A_390] : memref<4096xf32, #tpu.memory_space<vmem>> -> memref<512xf32, #tpu.memory_space<vmem>>
    %dma_wait3A_392 = arith.constant 0 : i32
    %dma_wait3A_393 = tpu.memref_slice %arg5[%dma_wait3A_385, %dma_wait3A_392] : memref<2x4096xi32, #tpu.memory_space<vmem>> -> memref<1x4096xi32, #tpu.memory_space<vmem>>
    %dma_wait3A_394 = tpu.memref_squeeze %dma_wait3A_393 : memref<1x4096xi32, #tpu.memory_space<vmem>> -> memref<4096xi32, #tpu.memory_space<vmem>>
    %dma_wait3A_395 = arith.constant 3584 : i32
    %dma_wait3A_396 = tpu.memref_slice %dma_wait3A_394[%dma_wait3A_395] : memref<4096xi32, #tpu.memory_space<vmem>> -> memref<512xi32, #tpu.memory_space<vmem>>
    %dma_wait3A_397 = arith.constant 256 : i32
    %dma_wait3A_398 = tpu.memref_slice %arg3[%dma_wait3A_397] : memref<67108864xf32, #tpu.memory_space<hbm>> -> memref<67108608xf32, #tpu.memory_space<hbm>>
    %dma_wait3A_399 = arith.constant 0 : i32
    %dma_wait3A_400 = tpu.memref_slice %dma_wait3A_398[%dma_wait3A_399] : memref<67108608xf32, #tpu.memory_space<hbm>> -> memref<67108608xf32, #tpu.memory_space<hbm>>
    tpu.wait_indirect_dma semaphore(%arg13 : memref<!tpu.dma_semaphore, #tpu.memory_space<semaphore_mem>>) src(%dma_wait3A_400 : memref<67108608xf32, #tpu.memory_space<hbm>>) dst(%dma_wait3A_391 : memref<512xf32, #tpu.memory_space<vmem>>)
    %dma_wait3A_401 = arith.constant 1 : i32
    %dma_wait3A_402 = arith.constant 1 : i32
    %dma_wait3A_403 = arith.constant 0 : i32
    %dma_wait3A_404 = tpu.memref_slice %arg9[%dma_wait3A_402, %dma_wait3A_403] : memref<2x4096xf32, #tpu.memory_space<vmem>> -> memref<1x4096xf32, #tpu.memory_space<vmem>>
    %dma_wait3A_405 = tpu.memref_squeeze %dma_wait3A_404 : memref<1x4096xf32, #tpu.memory_space<vmem>> -> memref<4096xf32, #tpu.memory_space<vmem>>
    %dma_wait3A_406 = arith.constant 0 : i32
    %dma_wait3A_407 = tpu.memref_slice %dma_wait3A_405[%dma_wait3A_406] : memref<4096xf32, #tpu.memory_space<vmem>> -> memref<512xf32, #tpu.memory_space<vmem>>
    %dma_wait3A_408 = arith.constant 0 : i32
    %dma_wait3A_409 = tpu.memref_slice %arg5[%dma_wait3A_401, %dma_wait3A_408] : memref<2x4096xi32, #tpu.memory_space<vmem>> -> memref<1x4096xi32, #tpu.memory_space<vmem>>
    %dma_wait3A_410 = tpu.memref_squeeze %dma_wait3A_409 : memref<1x4096xi32, #tpu.memory_space<vmem>> -> memref<4096xi32, #tpu.memory_space<vmem>>
    %dma_wait3A_411 = arith.constant 0 : i32
    %dma_wait3A_412 = tpu.memref_slice %dma_wait3A_410[%dma_wait3A_411] : memref<4096xi32, #tpu.memory_space<vmem>> -> memref<512xi32, #tpu.memory_space<vmem>>
    %dma_wait3A_413 = arith.constant 384 : i32
    %dma_wait3A_414 = tpu.memref_slice %arg3[%dma_wait3A_413] : memref<67108864xf32, #tpu.memory_space<hbm>> -> memref<67108480xf32, #tpu.memory_space<hbm>>
    %dma_wait3A_415 = arith.constant 0 : i32
    %dma_wait3A_416 = tpu.memref_slice %dma_wait3A_414[%dma_wait3A_415] : memref<67108480xf32, #tpu.memory_space<hbm>> -> memref<67108480xf32, #tpu.memory_space<hbm>>
    tpu.wait_indirect_dma semaphore(%arg13 : memref<!tpu.dma_semaphore, #tpu.memory_space<semaphore_mem>>) src(%dma_wait3A_416 : memref<67108480xf32, #tpu.memory_space<hbm>>) dst(%dma_wait3A_407 : memref<512xf32, #tpu.memory_space<vmem>>)
    %dma_wait3A_417 = arith.constant 1 : i32
    %dma_wait3A_418 = arith.constant 1 : i32
    %dma_wait3A_419 = arith.constant 0 : i32
    %dma_wait3A_420 = tpu.memref_slice %arg9[%dma_wait3A_418, %dma_wait3A_419] : memref<2x4096xf32, #tpu.memory_space<vmem>> -> memref<1x4096xf32, #tpu.memory_space<vmem>>
    %dma_wait3A_421 = tpu.memref_squeeze %dma_wait3A_420 : memref<1x4096xf32, #tpu.memory_space<vmem>> -> memref<4096xf32, #tpu.memory_space<vmem>>
    %dma_wait3A_422 = arith.constant 512 : i32
    %dma_wait3A_423 = tpu.memref_slice %dma_wait3A_421[%dma_wait3A_422] : memref<4096xf32, #tpu.memory_space<vmem>> -> memref<512xf32, #tpu.memory_space<vmem>>
    %dma_wait3A_424 = arith.constant 0 : i32
    %dma_wait3A_425 = tpu.memref_slice %arg5[%dma_wait3A_417, %dma_wait3A_424] : memref<2x4096xi32, #tpu.memory_space<vmem>> -> memref<1x4096xi32, #tpu.memory_space<vmem>>
    %dma_wait3A_426 = tpu.memref_squeeze %dma_wait3A_425 : memref<1x4096xi32, #tpu.memory_space<vmem>> -> memref<4096xi32, #tpu.memory_space<vmem>>
    %dma_wait3A_427 = arith.constant 512 : i32
    %dma_wait3A_428 = tpu.memref_slice %dma_wait3A_426[%dma_wait3A_427] : memref<4096xi32, #tpu.memory_space<vmem>> -> memref<512xi32, #tpu.memory_space<vmem>>
    %dma_wait3A_429 = arith.constant 384 : i32
    %dma_wait3A_430 = tpu.memref_slice %arg3[%dma_wait3A_429] : memref<67108864xf32, #tpu.memory_space<hbm>> -> memref<67108480xf32, #tpu.memory_space<hbm>>
    %dma_wait3A_431 = arith.constant 0 : i32
    %dma_wait3A_432 = tpu.memref_slice %dma_wait3A_430[%dma_wait3A_431] : memref<67108480xf32, #tpu.memory_space<hbm>> -> memref<67108480xf32, #tpu.memory_space<hbm>>
    tpu.wait_indirect_dma semaphore(%arg13 : memref<!tpu.dma_semaphore, #tpu.memory_space<semaphore_mem>>) src(%dma_wait3A_432 : memref<67108480xf32, #tpu.memory_space<hbm>>) dst(%dma_wait3A_423 : memref<512xf32, #tpu.memory_space<vmem>>)
    %dma_wait3A_433 = arith.constant 1 : i32
    %dma_wait3A_434 = arith.constant 1 : i32
    %dma_wait3A_435 = arith.constant 0 : i32
    %dma_wait3A_436 = tpu.memref_slice %arg9[%dma_wait3A_434, %dma_wait3A_435] : memref<2x4096xf32, #tpu.memory_space<vmem>> -> memref<1x4096xf32, #tpu.memory_space<vmem>>
    %dma_wait3A_437 = tpu.memref_squeeze %dma_wait3A_436 : memref<1x4096xf32, #tpu.memory_space<vmem>> -> memref<4096xf32, #tpu.memory_space<vmem>>
    %dma_wait3A_438 = arith.constant 1024 : i32
    %dma_wait3A_439 = tpu.memref_slice %dma_wait3A_437[%dma_wait3A_438] : memref<4096xf32, #tpu.memory_space<vmem>> -> memref<512xf32, #tpu.memory_space<vmem>>
    %dma_wait3A_440 = arith.constant 0 : i32
    %dma_wait3A_441 = tpu.memref_slice %arg5[%dma_wait3A_433, %dma_wait3A_440] : memref<2x4096xi32, #tpu.memory_space<vmem>> -> memref<1x4096xi32, #tpu.memory_space<vmem>>
    %dma_wait3A_442 = tpu.memref_squeeze %dma_wait3A_441 : memref<1x4096xi32, #tpu.memory_space<vmem>> -> memref<4096xi32, #tpu.memory_space<vmem>>
    %dma_wait3A_443 = arith.constant 1024 : i32
    %dma_wait3A_444 = tpu.memref_slice %dma_wait3A_442[%dma_wait3A_443] : memref<4096xi32, #tpu.memory_space<vmem>> -> memref<512xi32, #tpu.memory_space<vmem>>
    %dma_wait3A_445 = arith.constant 384 : i32
    %dma_wait3A_446 = tpu.memref_slice %arg3[%dma_wait3A_445] : memref<67108864xf32, #tpu.memory_space<hbm>> -> memref<67108480xf32, #tpu.memory_space<hbm>>
    %dma_wait3A_447 = arith.constant 0 : i32
    %dma_wait3A_448 = tpu.memref_slice %dma_wait3A_446[%dma_wait3A_447] : memref<67108480xf32, #tpu.memory_space<hbm>> -> memref<67108480xf32, #tpu.memory_space<hbm>>
    tpu.wait_indirect_dma semaphore(%arg13 : memref<!tpu.dma_semaphore, #tpu.memory_space<semaphore_mem>>) src(%dma_wait3A_448 : memref<67108480xf32, #tpu.memory_space<hbm>>) dst(%dma_wait3A_439 : memref<512xf32, #tpu.memory_space<vmem>>)
    %dma_wait3A_449 = arith.constant 1 : i32
    %dma_wait3A_450 = arith.constant 1 : i32
    %dma_wait3A_451 = arith.constant 0 : i32
    %dma_wait3A_452 = tpu.memref_slice %arg9[%dma_wait3A_450, %dma_wait3A_451] : memref<2x4096xf32, #tpu.memory_space<vmem>> -> memref<1x4096xf32, #tpu.memory_space<vmem>>
    %dma_wait3A_453 = tpu.memref_squeeze %dma_wait3A_452 : memref<1x4096xf32, #tpu.memory_space<vmem>> -> memref<4096xf32, #tpu.memory_space<vmem>>
    %dma_wait3A_454 = arith.constant 1536 : i32
    %dma_wait3A_455 = tpu.memref_slice %dma_wait3A_453[%dma_wait3A_454] : memref<4096xf32, #tpu.memory_space<vmem>> -> memref<512xf32, #tpu.memory_space<vmem>>
    %dma_wait3A_456 = arith.constant 0 : i32
    %dma_wait3A_457 = tpu.memref_slice %arg5[%dma_wait3A_449, %dma_wait3A_456] : memref<2x4096xi32, #tpu.memory_space<vmem>> -> memref<1x4096xi32, #tpu.memory_space<vmem>>
    %dma_wait3A_458 = tpu.memref_squeeze %dma_wait3A_457 : memref<1x4096xi32, #tpu.memory_space<vmem>> -> memref<4096xi32, #tpu.memory_space<vmem>>
    %dma_wait3A_459 = arith.constant 1536 : i32
    %dma_wait3A_460 = tpu.memref_slice %dma_wait3A_458[%dma_wait3A_459] : memref<4096xi32, #tpu.memory_space<vmem>> -> memref<512xi32, #tpu.memory_space<vmem>>
    %dma_wait3A_461 = arith.constant 384 : i32
    %dma_wait3A_462 = tpu.memref_slice %arg3[%dma_wait3A_461] : memref<67108864xf32, #tpu.memory_space<hbm>> -> memref<67108480xf32, #tpu.memory_space<hbm>>
    %dma_wait3A_463 = arith.constant 0 : i32
    %dma_wait3A_464 = tpu.memref_slice %dma_wait3A_462[%dma_wait3A_463] : memref<67108480xf32, #tpu.memory_space<hbm>> -> memref<67108480xf32, #tpu.memory_space<hbm>>
    tpu.wait_indirect_dma semaphore(%arg13 : memref<!tpu.dma_semaphore, #tpu.memory_space<semaphore_mem>>) src(%dma_wait3A_464 : memref<67108480xf32, #tpu.memory_space<hbm>>) dst(%dma_wait3A_455 : memref<512xf32, #tpu.memory_space<vmem>>)
    %dma_wait3A_465 = arith.constant 1 : i32
    %dma_wait3A_466 = arith.constant 1 : i32
    %dma_wait3A_467 = arith.constant 0 : i32
    %dma_wait3A_468 = tpu.memref_slice %arg9[%dma_wait3A_466, %dma_wait3A_467] : memref<2x4096xf32, #tpu.memory_space<vmem>> -> memref<1x4096xf32, #tpu.memory_space<vmem>>
    %dma_wait3A_469 = tpu.memref_squeeze %dma_wait3A_468 : memref<1x4096xf32, #tpu.memory_space<vmem>> -> memref<4096xf32, #tpu.memory_space<vmem>>
    %dma_wait3A_470 = arith.constant 2048 : i32
    %dma_wait3A_471 = tpu.memref_slice %dma_wait3A_469[%dma_wait3A_470] : memref<4096xf32, #tpu.memory_space<vmem>> -> memref<512xf32, #tpu.memory_space<vmem>>
    %dma_wait3A_472 = arith.constant 0 : i32
    %dma_wait3A_473 = tpu.memref_slice %arg5[%dma_wait3A_465, %dma_wait3A_472] : memref<2x4096xi32, #tpu.memory_space<vmem>> -> memref<1x4096xi32, #tpu.memory_space<vmem>>
    %dma_wait3A_474 = tpu.memref_squeeze %dma_wait3A_473 : memref<1x4096xi32, #tpu.memory_space<vmem>> -> memref<4096xi32, #tpu.memory_space<vmem>>
    %dma_wait3A_475 = arith.constant 2048 : i32
    %dma_wait3A_476 = tpu.memref_slice %dma_wait3A_474[%dma_wait3A_475] : memref<4096xi32, #tpu.memory_space<vmem>> -> memref<512xi32, #tpu.memory_space<vmem>>
    %dma_wait3A_477 = arith.constant 384 : i32
    %dma_wait3A_478 = tpu.memref_slice %arg3[%dma_wait3A_477] : memref<67108864xf32, #tpu.memory_space<hbm>> -> memref<67108480xf32, #tpu.memory_space<hbm>>
    %dma_wait3A_479 = arith.constant 0 : i32
    %dma_wait3A_480 = tpu.memref_slice %dma_wait3A_478[%dma_wait3A_479] : memref<67108480xf32, #tpu.memory_space<hbm>> -> memref<67108480xf32, #tpu.memory_space<hbm>>
    tpu.wait_indirect_dma semaphore(%arg13 : memref<!tpu.dma_semaphore, #tpu.memory_space<semaphore_mem>>) src(%dma_wait3A_480 : memref<67108480xf32, #tpu.memory_space<hbm>>) dst(%dma_wait3A_471 : memref<512xf32, #tpu.memory_space<vmem>>)
    %dma_wait3A_481 = arith.constant 1 : i32
    %dma_wait3A_482 = arith.constant 1 : i32
    %dma_wait3A_483 = arith.constant 0 : i32
    %dma_wait3A_484 = tpu.memref_slice %arg9[%dma_wait3A_482, %dma_wait3A_483] : memref<2x4096xf32, #tpu.memory_space<vmem>> -> memref<1x4096xf32, #tpu.memory_space<vmem>>
    %dma_wait3A_485 = tpu.memref_squeeze %dma_wait3A_484 : memref<1x4096xf32, #tpu.memory_space<vmem>> -> memref<4096xf32, #tpu.memory_space<vmem>>
    %dma_wait3A_486 = arith.constant 2560 : i32
    %dma_wait3A_487 = tpu.memref_slice %dma_wait3A_485[%dma_wait3A_486] : memref<4096xf32, #tpu.memory_space<vmem>> -> memref<512xf32, #tpu.memory_space<vmem>>
    %dma_wait3A_488 = arith.constant 0 : i32
    %dma_wait3A_489 = tpu.memref_slice %arg5[%dma_wait3A_481, %dma_wait3A_488] : memref<2x4096xi32, #tpu.memory_space<vmem>> -> memref<1x4096xi32, #tpu.memory_space<vmem>>
    %dma_wait3A_490 = tpu.memref_squeeze %dma_wait3A_489 : memref<1x4096xi32, #tpu.memory_space<vmem>> -> memref<4096xi32, #tpu.memory_space<vmem>>
    %dma_wait3A_491 = arith.constant 2560 : i32
    %dma_wait3A_492 = tpu.memref_slice %dma_wait3A_490[%dma_wait3A_491] : memref<4096xi32, #tpu.memory_space<vmem>> -> memref<512xi32, #tpu.memory_space<vmem>>
    %dma_wait3A_493 = arith.constant 384 : i32
    %dma_wait3A_494 = tpu.memref_slice %arg3[%dma_wait3A_493] : memref<67108864xf32, #tpu.memory_space<hbm>> -> memref<67108480xf32, #tpu.memory_space<hbm>>
    %dma_wait3A_495 = arith.constant 0 : i32
    %dma_wait3A_496 = tpu.memref_slice %dma_wait3A_494[%dma_wait3A_495] : memref<67108480xf32, #tpu.memory_space<hbm>> -> memref<67108480xf32, #tpu.memory_space<hbm>>
    tpu.wait_indirect_dma semaphore(%arg13 : memref<!tpu.dma_semaphore, #tpu.memory_space<semaphore_mem>>) src(%dma_wait3A_496 : memref<67108480xf32, #tpu.memory_space<hbm>>) dst(%dma_wait3A_487 : memref<512xf32, #tpu.memory_space<vmem>>)
    %dma_wait3A_497 = arith.constant 1 : i32
    %dma_wait3A_498 = arith.constant 1 : i32
    %dma_wait3A_499 = arith.constant 0 : i32
    %dma_wait3A_500 = tpu.memref_slice %arg9[%dma_wait3A_498, %dma_wait3A_499] : memref<2x4096xf32, #tpu.memory_space<vmem>> -> memref<1x4096xf32, #tpu.memory_space<vmem>>
    %dma_wait3A_501 = tpu.memref_squeeze %dma_wait3A_500 : memref<1x4096xf32, #tpu.memory_space<vmem>> -> memref<4096xf32, #tpu.memory_space<vmem>>
    %dma_wait3A_502 = arith.constant 3072 : i32
    %dma_wait3A_503 = tpu.memref_slice %dma_wait3A_501[%dma_wait3A_502] : memref<4096xf32, #tpu.memory_space<vmem>> -> memref<512xf32, #tpu.memory_space<vmem>>
    %dma_wait3A_504 = arith.constant 0 : i32
    %dma_wait3A_505 = tpu.memref_slice %arg5[%dma_wait3A_497, %dma_wait3A_504] : memref<2x4096xi32, #tpu.memory_space<vmem>> -> memref<1x4096xi32, #tpu.memory_space<vmem>>
    %dma_wait3A_506 = tpu.memref_squeeze %dma_wait3A_505 : memref<1x4096xi32, #tpu.memory_space<vmem>> -> memref<4096xi32, #tpu.memory_space<vmem>>
    %dma_wait3A_507 = arith.constant 3072 : i32
    %dma_wait3A_508 = tpu.memref_slice %dma_wait3A_506[%dma_wait3A_507] : memref<4096xi32, #tpu.memory_space<vmem>> -> memref<512xi32, #tpu.memory_space<vmem>>
    %dma_wait3A_509 = arith.constant 384 : i32
    %dma_wait3A_510 = tpu.memref_slice %arg3[%dma_wait3A_509] : memref<67108864xf32, #tpu.memory_space<hbm>> -> memref<67108480xf32, #tpu.memory_space<hbm>>
    %dma_wait3A_511 = arith.constant 0 : i32
    %dma_wait3A_512 = tpu.memref_slice %dma_wait3A_510[%dma_wait3A_511] : memref<67108480xf32, #tpu.memory_space<hbm>> -> memref<67108480xf32, #tpu.memory_space<hbm>>
    tpu.wait_indirect_dma semaphore(%arg13 : memref<!tpu.dma_semaphore, #tpu.memory_space<semaphore_mem>>) src(%dma_wait3A_512 : memref<67108480xf32, #tpu.memory_space<hbm>>) dst(%dma_wait3A_503 : memref<512xf32, #tpu.memory_space<vmem>>)
    %dma_wait3A_513 = arith.constant 1 : i32
    %dma_wait3A_514 = arith.constant 1 : i32
    %dma_wait3A_515 = arith.constant 0 : i32
    %dma_wait3A_516 = tpu.memref_slice %arg9[%dma_wait3A_514, %dma_wait3A_515] : memref<2x4096xf32, #tpu.memory_space<vmem>> -> memref<1x4096xf32, #tpu.memory_space<vmem>>
    %dma_wait3A_517 = tpu.memref_squeeze %dma_wait3A_516 : memref<1x4096xf32, #tpu.memory_space<vmem>> -> memref<4096xf32, #tpu.memory_space<vmem>>
    %dma_wait3A_518 = arith.constant 3584 : i32
    %dma_wait3A_519 = tpu.memref_slice %dma_wait3A_517[%dma_wait3A_518] : memref<4096xf32, #tpu.memory_space<vmem>> -> memref<512xf32, #tpu.memory_space<vmem>>
    %dma_wait3A_520 = arith.constant 0 : i32
    %dma_wait3A_521 = tpu.memref_slice %arg5[%dma_wait3A_513, %dma_wait3A_520] : memref<2x4096xi32, #tpu.memory_space<vmem>> -> memref<1x4096xi32, #tpu.memory_space<vmem>>
    %dma_wait3A_522 = tpu.memref_squeeze %dma_wait3A_521 : memref<1x4096xi32, #tpu.memory_space<vmem>> -> memref<4096xi32, #tpu.memory_space<vmem>>
    %dma_wait3A_523 = arith.constant 3584 : i32
    %dma_wait3A_524 = tpu.memref_slice %dma_wait3A_522[%dma_wait3A_523] : memref<4096xi32, #tpu.memory_space<vmem>> -> memref<512xi32, #tpu.memory_space<vmem>>
    %dma_wait3A_525 = arith.constant 384 : i32
    %dma_wait3A_526 = tpu.memref_slice %arg3[%dma_wait3A_525] : memref<67108864xf32, #tpu.memory_space<hbm>> -> memref<67108480xf32, #tpu.memory_space<hbm>>
    %dma_wait3A_527 = arith.constant 0 : i32
    %dma_wait3A_528 = tpu.memref_slice %dma_wait3A_526[%dma_wait3A_527] : memref<67108480xf32, #tpu.memory_space<hbm>> -> memref<67108480xf32, #tpu.memory_space<hbm>>
    tpu.wait_indirect_dma semaphore(%arg13 : memref<!tpu.dma_semaphore, #tpu.memory_space<semaphore_mem>>) src(%dma_wait3A_528 : memref<67108480xf32, #tpu.memory_space<hbm>>) dst(%dma_wait3A_519 : memref<512xf32, #tpu.memory_space<vmem>>)
    %mul3A_529 = arith.constant 65536 : i32
    %mul3A_530 = arith.muli %add3A, %mul3A_529 : i32
    %add3A_531 = arith.constant 61440 : i32
    %add3A_532 = arith.addi %mul3A_530, %add3A_531 : i32
    %mul3A_533 = arith.constant 65536 : i32
    %mul3A_534 = arith.muli %add3A, %mul3A_533 : i32
    %add3A_535 = arith.constant 61440 : i32
    %add3A_536 = arith.addi %mul3A_534, %add3A_535 : i32
    %mul3A_537 = arith.constant 65536 : i32
    %mul3A_538 = arith.muli %add3A, %mul3A_537 : i32
    %add3A_539 = arith.constant 61440 : i32
    %add3A_540 = arith.addi %mul3A_538, %add3A_539 : i32
    %mul3A_541 = arith.constant 65536 : i32
    %mul3A_542 = arith.muli %add3A, %mul3A_541 : i32
    %add3A_543 = arith.constant 61440 : i32
    %add3A_544 = arith.addi %mul3A_542, %add3A_543 : i32
    %dma_start3A_545 = arith.constant 1 : i32
    %dma_start3A_546 = arith.constant 0 : i32
    %dma_start3A_547 = arith.constant 0 : i32
    %dma_start3A_548 = tpu.memref_slice %arg6[%dma_start3A_545, %dma_start3A_547] : memref<2x4096xf32, #tpu.memory_space<vmem>> -> memref<1x4096xf32, #tpu.memory_space<vmem>>
    %dma_start3A_549 = tpu.memref_squeeze %dma_start3A_548 : memref<1x4096xf32, #tpu.memory_space<vmem>> -> memref<4096xf32, #tpu.memory_space<vmem>>
    %dma_start3A_550 = tpu.memref_slice %arg4[%dma_start3A_546, %add3A_532] : memref<4x2097152xf32, #tpu.memory_space<hbm>> -> memref<1x4096xf32, #tpu.memory_space<hbm>>
    %dma_start3A_551 = tpu.memref_squeeze %dma_start3A_550 : memref<1x4096xf32, #tpu.memory_space<hbm>> -> memref<4096xf32, #tpu.memory_space<hbm>>
    %dma_start3A_552 = tpu.memref_slice %arg4[%dma_start3A_546, %add3A_532] : memref<4x2097152xf32, #tpu.memory_space<hbm>> -> memref<1x4096xf32, #tpu.memory_space<hbm>>
    %dma_start3A_553 = tpu.memref_squeeze %dma_start3A_552 : memref<1x4096xf32, #tpu.memory_space<hbm>> -> memref<4096xf32, #tpu.memory_space<hbm>>
    %dma_start3A_554 = arith.constant 0 : i32
    %dma_start3A_555 = tpu.memref_slice %arg6[%dma_start3A_545, %dma_start3A_554] : memref<2x4096xf32, #tpu.memory_space<vmem>> -> memref<1x4096xf32, #tpu.memory_space<vmem>>
    %dma_start3A_556 = tpu.memref_squeeze %dma_start3A_555 : memref<1x4096xf32, #tpu.memory_space<vmem>> -> memref<4096xf32, #tpu.memory_space<vmem>>
    tpu.enqueue_dma source(%dma_start3A_556 : memref<4096xf32, #tpu.memory_space<vmem>>) target(%dma_start3A_553 : memref<4096xf32, #tpu.memory_space<hbm>>) target_semaphore(%arg15 : memref<!tpu.dma_semaphore, #tpu.memory_space<semaphore_mem>>)
    %dma_start3A_557 = arith.constant 1 : i32
    %dma_start3A_558 = arith.constant 1 : i32
    %dma_start3A_559 = arith.constant 0 : i32
    %dma_start3A_560 = tpu.memref_slice %arg7[%dma_start3A_557, %dma_start3A_559] : memref<2x4096xf32, #tpu.memory_space<vmem>> -> memref<1x4096xf32, #tpu.memory_space<vmem>>
    %dma_start3A_561 = tpu.memref_squeeze %dma_start3A_560 : memref<1x4096xf32, #tpu.memory_space<vmem>> -> memref<4096xf32, #tpu.memory_space<vmem>>
    %dma_start3A_562 = tpu.memref_slice %arg4[%dma_start3A_558, %add3A_536] : memref<4x2097152xf32, #tpu.memory_space<hbm>> -> memref<1x4096xf32, #tpu.memory_space<hbm>>
    %dma_start3A_563 = tpu.memref_squeeze %dma_start3A_562 : memref<1x4096xf32, #tpu.memory_space<hbm>> -> memref<4096xf32, #tpu.memory_space<hbm>>
    %dma_start3A_564 = tpu.memref_slice %arg4[%dma_start3A_558, %add3A_536] : memref<4x2097152xf32, #tpu.memory_space<hbm>> -> memref<1x4096xf32, #tpu.memory_space<hbm>>
    %dma_start3A_565 = tpu.memref_squeeze %dma_start3A_564 : memref<1x4096xf32, #tpu.memory_space<hbm>> -> memref<4096xf32, #tpu.memory_space<hbm>>
    %dma_start3A_566 = arith.constant 0 : i32
    %dma_start3A_567 = tpu.memref_slice %arg7[%dma_start3A_557, %dma_start3A_566] : memref<2x4096xf32, #tpu.memory_space<vmem>> -> memref<1x4096xf32, #tpu.memory_space<vmem>>
    %dma_start3A_568 = tpu.memref_squeeze %dma_start3A_567 : memref<1x4096xf32, #tpu.memory_space<vmem>> -> memref<4096xf32, #tpu.memory_space<vmem>>
    tpu.enqueue_dma source(%dma_start3A_568 : memref<4096xf32, #tpu.memory_space<vmem>>) target(%dma_start3A_565 : memref<4096xf32, #tpu.memory_space<hbm>>) target_semaphore(%arg15 : memref<!tpu.dma_semaphore, #tpu.memory_space<semaphore_mem>>)
    %dma_start3A_569 = arith.constant 1 : i32
    %dma_start3A_570 = arith.constant 2 : i32
    %dma_start3A_571 = arith.constant 0 : i32
    %dma_start3A_572 = tpu.memref_slice %arg8[%dma_start3A_569, %dma_start3A_571] : memref<2x4096xf32, #tpu.memory_space<vmem>> -> memref<1x4096xf32, #tpu.memory_space<vmem>>
    %dma_start3A_573 = tpu.memref_squeeze %dma_start3A_572 : memref<1x4096xf32, #tpu.memory_space<vmem>> -> memref<4096xf32, #tpu.memory_space<vmem>>
    %dma_start3A_574 = tpu.memref_slice %arg4[%dma_start3A_570, %add3A_540] : memref<4x2097152xf32, #tpu.memory_space<hbm>> -> memref<1x4096xf32, #tpu.memory_space<hbm>>
    %dma_start3A_575 = tpu.memref_squeeze %dma_start3A_574 : memref<1x4096xf32, #tpu.memory_space<hbm>> -> memref<4096xf32, #tpu.memory_space<hbm>>
    %dma_start3A_576 = tpu.memref_slice %arg4[%dma_start3A_570, %add3A_540] : memref<4x2097152xf32, #tpu.memory_space<hbm>> -> memref<1x4096xf32, #tpu.memory_space<hbm>>
    %dma_start3A_577 = tpu.memref_squeeze %dma_start3A_576 : memref<1x4096xf32, #tpu.memory_space<hbm>> -> memref<4096xf32, #tpu.memory_space<hbm>>
    %dma_start3A_578 = arith.constant 0 : i32
    %dma_start3A_579 = tpu.memref_slice %arg8[%dma_start3A_569, %dma_start3A_578] : memref<2x4096xf32, #tpu.memory_space<vmem>> -> memref<1x4096xf32, #tpu.memory_space<vmem>>
    %dma_start3A_580 = tpu.memref_squeeze %dma_start3A_579 : memref<1x4096xf32, #tpu.memory_space<vmem>> -> memref<4096xf32, #tpu.memory_space<vmem>>
    tpu.enqueue_dma source(%dma_start3A_580 : memref<4096xf32, #tpu.memory_space<vmem>>) target(%dma_start3A_577 : memref<4096xf32, #tpu.memory_space<hbm>>) target_semaphore(%arg15 : memref<!tpu.dma_semaphore, #tpu.memory_space<semaphore_mem>>)
    %dma_start3A_581 = arith.constant 1 : i32
    %dma_start3A_582 = arith.constant 3 : i32
    %dma_start3A_583 = arith.constant 0 : i32
    %dma_start3A_584 = tpu.memref_slice %arg9[%dma_start3A_581, %dma_start3A_583] : memref<2x4096xf32, #tpu.memory_space<vmem>> -> memref<1x4096xf32, #tpu.memory_space<vmem>>
    %dma_start3A_585 = tpu.memref_squeeze %dma_start3A_584 : memref<1x4096xf32, #tpu.memory_space<vmem>> -> memref<4096xf32, #tpu.memory_space<vmem>>
    %dma_start3A_586 = tpu.memref_slice %arg4[%dma_start3A_582, %add3A_544] : memref<4x2097152xf32, #tpu.memory_space<hbm>> -> memref<1x4096xf32, #tpu.memory_space<hbm>>
    %dma_start3A_587 = tpu.memref_squeeze %dma_start3A_586 : memref<1x4096xf32, #tpu.memory_space<hbm>> -> memref<4096xf32, #tpu.memory_space<hbm>>
    %dma_start3A_588 = tpu.memref_slice %arg4[%dma_start3A_582, %add3A_544] : memref<4x2097152xf32, #tpu.memory_space<hbm>> -> memref<1x4096xf32, #tpu.memory_space<hbm>>
    %dma_start3A_589 = tpu.memref_squeeze %dma_start3A_588 : memref<1x4096xf32, #tpu.memory_space<hbm>> -> memref<4096xf32, #tpu.memory_space<hbm>>
    %dma_start3A_590 = arith.constant 0 : i32
    %dma_start3A_591 = tpu.memref_slice %arg9[%dma_start3A_581, %dma_start3A_590] : memref<2x4096xf32, #tpu.memory_space<vmem>> -> memref<1x4096xf32, #tpu.memory_space<vmem>>
    %dma_start3A_592 = tpu.memref_squeeze %dma_start3A_591 : memref<1x4096xf32, #tpu.memory_space<vmem>> -> memref<4096xf32, #tpu.memory_space<vmem>>
    tpu.enqueue_dma source(%dma_start3A_592 : memref<4096xf32, #tpu.memory_space<vmem>>) target(%dma_start3A_589 : memref<4096xf32, #tpu.memory_space<hbm>>) target_semaphore(%arg15 : memref<!tpu.dma_semaphore, #tpu.memory_space<semaphore_mem>>)
    %mul3A_593 = arith.constant 65536 : i32
    %mul3A_594 = arith.muli %add3A, %mul3A_593 : i32
    %add3A_595 = arith.constant 57344 : i32
    %add3A_596 = arith.addi %mul3A_594, %add3A_595 : i32
    %mul3A_597 = arith.constant 65536 : i32
    %mul3A_598 = arith.muli %add3A, %mul3A_597 : i32
    %add3A_599 = arith.constant 57344 : i32
    %add3A_600 = arith.addi %mul3A_598, %add3A_599 : i32
    %mul3A_601 = arith.constant 65536 : i32
    %mul3A_602 = arith.muli %add3A, %mul3A_601 : i32
    %add3A_603 = arith.constant 57344 : i32
    %add3A_604 = arith.addi %mul3A_602, %add3A_603 : i32
    %mul3A_605 = arith.constant 65536 : i32
    %mul3A_606 = arith.muli %add3A, %mul3A_605 : i32
    %add3A_607 = arith.constant 57344 : i32
    %add3A_608 = arith.addi %mul3A_606, %add3A_607 : i32
    %dma_wait3A_609 = arith.constant 0 : i32
    %dma_wait3A_610 = arith.constant 0 : i32
    %dma_wait3A_611 = arith.constant 0 : i32
    %dma_wait3A_612 = tpu.memref_slice %arg6[%dma_wait3A_609, %dma_wait3A_611] : memref<2x4096xf32, #tpu.memory_space<vmem>> -> memref<1x4096xf32, #tpu.memory_space<vmem>>
    %dma_wait3A_613 = tpu.memref_squeeze %dma_wait3A_612 : memref<1x4096xf32, #tpu.memory_space<vmem>> -> memref<4096xf32, #tpu.memory_space<vmem>>
    %dma_wait3A_614 = tpu.memref_slice %arg4[%dma_wait3A_610, %add3A_596] : memref<4x2097152xf32, #tpu.memory_space<hbm>> -> memref<1x4096xf32, #tpu.memory_space<hbm>>
    %dma_wait3A_615 = tpu.memref_squeeze %dma_wait3A_614 : memref<1x4096xf32, #tpu.memory_space<hbm>> -> memref<4096xf32, #tpu.memory_space<hbm>>
    %dma_wait3A_616 = tpu.memref_slice %arg4[%dma_wait3A_610, %add3A_596] : memref<4x2097152xf32, #tpu.memory_space<hbm>> -> memref<1x4096xf32, #tpu.memory_space<hbm>>
    %dma_wait3A_617 = tpu.memref_squeeze %dma_wait3A_616 : memref<1x4096xf32, #tpu.memory_space<hbm>> -> memref<4096xf32, #tpu.memory_space<hbm>>
    %dma_wait3A_618 = arith.constant 0 : i32
    %dma_wait3A_619 = tpu.memref_slice %arg6[%dma_wait3A_609, %dma_wait3A_618] : memref<2x4096xf32, #tpu.memory_space<vmem>> -> memref<1x4096xf32, #tpu.memory_space<vmem>>
    %dma_wait3A_620 = tpu.memref_squeeze %dma_wait3A_619 : memref<1x4096xf32, #tpu.memory_space<vmem>> -> memref<4096xf32, #tpu.memory_space<vmem>>
    tpu.wait_dma2 semaphore(%arg14 : memref<!tpu.dma_semaphore, #tpu.memory_space<semaphore_mem>>) src(%dma_wait3A_620 : memref<4096xf32, #tpu.memory_space<vmem>>) dst(%dma_wait3A_617 : memref<4096xf32, #tpu.memory_space<hbm>>)
    %dma_wait3A_621 = arith.constant 0 : i32
    %dma_wait3A_622 = arith.constant 1 : i32
    %dma_wait3A_623 = arith.constant 0 : i32
    %dma_wait3A_624 = tpu.memref_slice %arg7[%dma_wait3A_621, %dma_wait3A_623] : memref<2x4096xf32, #tpu.memory_space<vmem>> -> memref<1x4096xf32, #tpu.memory_space<vmem>>
    %dma_wait3A_625 = tpu.memref_squeeze %dma_wait3A_624 : memref<1x4096xf32, #tpu.memory_space<vmem>> -> memref<4096xf32, #tpu.memory_space<vmem>>
    %dma_wait3A_626 = tpu.memref_slice %arg4[%dma_wait3A_622, %add3A_600] : memref<4x2097152xf32, #tpu.memory_space<hbm>> -> memref<1x4096xf32, #tpu.memory_space<hbm>>
    %dma_wait3A_627 = tpu.memref_squeeze %dma_wait3A_626 : memref<1x4096xf32, #tpu.memory_space<hbm>> -> memref<4096xf32, #tpu.memory_space<hbm>>
    %dma_wait3A_628 = tpu.memref_slice %arg4[%dma_wait3A_622, %add3A_600] : memref<4x2097152xf32, #tpu.memory_space<hbm>> -> memref<1x4096xf32, #tpu.memory_space<hbm>>
    %dma_wait3A_629 = tpu.memref_squeeze %dma_wait3A_628 : memref<1x4096xf32, #tpu.memory_space<hbm>> -> memref<4096xf32, #tpu.memory_space<hbm>>
    %dma_wait3A_630 = arith.constant 0 : i32
    %dma_wait3A_631 = tpu.memref_slice %arg7[%dma_wait3A_621, %dma_wait3A_630] : memref<2x4096xf32, #tpu.memory_space<vmem>> -> memref<1x4096xf32, #tpu.memory_space<vmem>>
    %dma_wait3A_632 = tpu.memref_squeeze %dma_wait3A_631 : memref<1x4096xf32, #tpu.memory_space<vmem>> -> memref<4096xf32, #tpu.memory_space<vmem>>
    tpu.wait_dma2 semaphore(%arg14 : memref<!tpu.dma_semaphore, #tpu.memory_space<semaphore_mem>>) src(%dma_wait3A_632 : memref<4096xf32, #tpu.memory_space<vmem>>) dst(%dma_wait3A_629 : memref<4096xf32, #tpu.memory_space<hbm>>)
    %dma_wait3A_633 = arith.constant 0 : i32
    %dma_wait3A_634 = arith.constant 2 : i32
    %dma_wait3A_635 = arith.constant 0 : i32
    %dma_wait3A_636 = tpu.memref_slice %arg8[%dma_wait3A_633, %dma_wait3A_635] : memref<2x4096xf32, #tpu.memory_space<vmem>> -> memref<1x4096xf32, #tpu.memory_space<vmem>>
    %dma_wait3A_637 = tpu.memref_squeeze %dma_wait3A_636 : memref<1x4096xf32, #tpu.memory_space<vmem>> -> memref<4096xf32, #tpu.memory_space<vmem>>
    %dma_wait3A_638 = tpu.memref_slice %arg4[%dma_wait3A_634, %add3A_604] : memref<4x2097152xf32, #tpu.memory_space<hbm>> -> memref<1x4096xf32, #tpu.memory_space<hbm>>
    %dma_wait3A_639 = tpu.memref_squeeze %dma_wait3A_638 : memref<1x4096xf32, #tpu.memory_space<hbm>> -> memref<4096xf32, #tpu.memory_space<hbm>>
    %dma_wait3A_640 = tpu.memref_slice %arg4[%dma_wait3A_634, %add3A_604] : memref<4x2097152xf32, #tpu.memory_space<hbm>> -> memref<1x4096xf32, #tpu.memory_space<hbm>>
    %dma_wait3A_641 = tpu.memref_squeeze %dma_wait3A_640 : memref<1x4096xf32, #tpu.memory_space<hbm>> -> memref<4096xf32, #tpu.memory_space<hbm>>
    %dma_wait3A_642 = arith.constant 0 : i32
    %dma_wait3A_643 = tpu.memref_slice %arg8[%dma_wait3A_633, %dma_wait3A_642] : memref<2x4096xf32, #tpu.memory_space<vmem>> -> memref<1x4096xf32, #tpu.memory_space<vmem>>
    %dma_wait3A_644 = tpu.memref_squeeze %dma_wait3A_643 : memref<1x4096xf32, #tpu.memory_space<vmem>> -> memref<4096xf32, #tpu.memory_space<vmem>>
    tpu.wait_dma2 semaphore(%arg14 : memref<!tpu.dma_semaphore, #tpu.memory_space<semaphore_mem>>) src(%dma_wait3A_644 : memref<4096xf32, #tpu.memory_space<vmem>>) dst(%dma_wait3A_641 : memref<4096xf32, #tpu.memory_space<hbm>>)
    %dma_wait3A_645 = arith.constant 0 : i32
    %dma_wait3A_646 = arith.constant 3 : i32
    %dma_wait3A_647 = arith.constant 0 : i32
    %dma_wait3A_648 = tpu.memref_slice %arg9[%dma_wait3A_645, %dma_wait3A_647] : memref<2x4096xf32, #tpu.memory_space<vmem>> -> memref<1x4096xf32, #tpu.memory_space<vmem>>
    %dma_wait3A_649 = tpu.memref_squeeze %dma_wait3A_648 : memref<1x4096xf32, #tpu.memory_space<vmem>> -> memref<4096xf32, #tpu.memory_space<vmem>>
    %dma_wait3A_650 = tpu.memref_slice %arg4[%dma_wait3A_646, %add3A_608] : memref<4x2097152xf32, #tpu.memory_space<hbm>> -> memref<1x4096xf32, #tpu.memory_space<hbm>>
    %dma_wait3A_651 = tpu.memref_squeeze %dma_wait3A_650 : memref<1x4096xf32, #tpu.memory_space<hbm>> -> memref<4096xf32, #tpu.memory_space<hbm>>
    %dma_wait3A_652 = tpu.memref_slice %arg4[%dma_wait3A_646, %add3A_608] : memref<4x2097152xf32, #tpu.memory_space<hbm>> -> memref<1x4096xf32, #tpu.memory_space<hbm>>
    %dma_wait3A_653 = tpu.memref_squeeze %dma_wait3A_652 : memref<1x4096xf32, #tpu.memory_space<hbm>> -> memref<4096xf32, #tpu.memory_space<hbm>>
    %dma_wait3A_654 = arith.constant 0 : i32
    %dma_wait3A_655 = tpu.memref_slice %arg9[%dma_wait3A_645, %dma_wait3A_654] : memref<2x4096xf32, #tpu.memory_space<vmem>> -> memref<1x4096xf32, #tpu.memory_space<vmem>>
    %dma_wait3A_656 = tpu.memref_squeeze %dma_wait3A_655 : memref<1x4096xf32, #tpu.memory_space<vmem>> -> memref<4096xf32, #tpu.memory_space<vmem>>
    tpu.wait_dma2 semaphore(%arg14 : memref<!tpu.dma_semaphore, #tpu.memory_space<semaphore_mem>>) src(%dma_wait3A_656 : memref<4096xf32, #tpu.memory_space<vmem>>) dst(%dma_wait3A_653 : memref<4096xf32, #tpu.memory_space<hbm>>)
    %mul3A_657 = arith.constant 65536 : i32
    %mul3A_658 = arith.muli %add3A, %mul3A_657 : i32
    %add3A_659 = arith.constant 61440 : i32
    %add3A_660 = arith.addi %mul3A_658, %add3A_659 : i32
    %mul3A_661 = arith.constant 65536 : i32
    %mul3A_662 = arith.muli %add3A, %mul3A_661 : i32
    %add3A_663 = arith.constant 61440 : i32
    %add3A_664 = arith.addi %mul3A_662, %add3A_663 : i32
    %mul3A_665 = arith.constant 65536 : i32
    %mul3A_666 = arith.muli %add3A, %mul3A_665 : i32
    %add3A_667 = arith.constant 61440 : i32
    %add3A_668 = arith.addi %mul3A_666, %add3A_667 : i32
    %mul3A_669 = arith.constant 65536 : i32
    %mul3A_670 = arith.muli %add3A, %mul3A_669 : i32
    %add3A_671 = arith.constant 61440 : i32
    %add3A_672 = arith.addi %mul3A_670, %add3A_671 : i32
    %dma_wait3A_673 = arith.constant 1 : i32
    %dma_wait3A_674 = arith.constant 0 : i32
    %dma_wait3A_675 = arith.constant 0 : i32
    %dma_wait3A_676 = tpu.memref_slice %arg6[%dma_wait3A_673, %dma_wait3A_675] : memref<2x4096xf32, #tpu.memory_space<vmem>> -> memref<1x4096xf32, #tpu.memory_space<vmem>>
    %dma_wait3A_677 = tpu.memref_squeeze %dma_wait3A_676 : memref<1x4096xf32, #tpu.memory_space<vmem>> -> memref<4096xf32, #tpu.memory_space<vmem>>
    %dma_wait3A_678 = tpu.memref_slice %arg4[%dma_wait3A_674, %add3A_660] : memref<4x2097152xf32, #tpu.memory_space<hbm>> -> memref<1x4096xf32, #tpu.memory_space<hbm>>
    %dma_wait3A_679 = tpu.memref_squeeze %dma_wait3A_678 : memref<1x4096xf32, #tpu.memory_space<hbm>> -> memref<4096xf32, #tpu.memory_space<hbm>>
    %dma_wait3A_680 = tpu.memref_slice %arg4[%dma_wait3A_674, %add3A_660] : memref<4x2097152xf32, #tpu.memory_space<hbm>> -> memref<1x4096xf32, #tpu.memory_space<hbm>>
    %dma_wait3A_681 = tpu.memref_squeeze %dma_wait3A_680 : memref<1x4096xf32, #tpu.memory_space<hbm>> -> memref<4096xf32, #tpu.memory_space<hbm>>
    %dma_wait3A_682 = arith.constant 0 : i32
    %dma_wait3A_683 = tpu.memref_slice %arg6[%dma_wait3A_673, %dma_wait3A_682] : memref<2x4096xf32, #tpu.memory_space<vmem>> -> memref<1x4096xf32, #tpu.memory_space<vmem>>
    %dma_wait3A_684 = tpu.memref_squeeze %dma_wait3A_683 : memref<1x4096xf32, #tpu.memory_space<vmem>> -> memref<4096xf32, #tpu.memory_space<vmem>>
    tpu.wait_dma2 semaphore(%arg15 : memref<!tpu.dma_semaphore, #tpu.memory_space<semaphore_mem>>) src(%dma_wait3A_684 : memref<4096xf32, #tpu.memory_space<vmem>>) dst(%dma_wait3A_681 : memref<4096xf32, #tpu.memory_space<hbm>>)
    %dma_wait3A_685 = arith.constant 1 : i32
    %dma_wait3A_686 = arith.constant 1 : i32
    %dma_wait3A_687 = arith.constant 0 : i32
    %dma_wait3A_688 = tpu.memref_slice %arg7[%dma_wait3A_685, %dma_wait3A_687] : memref<2x4096xf32, #tpu.memory_space<vmem>> -> memref<1x4096xf32, #tpu.memory_space<vmem>>
    %dma_wait3A_689 = tpu.memref_squeeze %dma_wait3A_688 : memref<1x4096xf32, #tpu.memory_space<vmem>> -> memref<4096xf32, #tpu.memory_space<vmem>>
    %dma_wait3A_690 = tpu.memref_slice %arg4[%dma_wait3A_686, %add3A_664] : memref<4x2097152xf32, #tpu.memory_space<hbm>> -> memref<1x4096xf32, #tpu.memory_space<hbm>>
    %dma_wait3A_691 = tpu.memref_squeeze %dma_wait3A_690 : memref<1x4096xf32, #tpu.memory_space<hbm>> -> memref<4096xf32, #tpu.memory_space<hbm>>
    %dma_wait3A_692 = tpu.memref_slice %arg4[%dma_wait3A_686, %add3A_664] : memref<4x2097152xf32, #tpu.memory_space<hbm>> -> memref<1x4096xf32, #tpu.memory_space<hbm>>
    %dma_wait3A_693 = tpu.memref_squeeze %dma_wait3A_692 : memref<1x4096xf32, #tpu.memory_space<hbm>> -> memref<4096xf32, #tpu.memory_space<hbm>>
    %dma_wait3A_694 = arith.constant 0 : i32
    %dma_wait3A_695 = tpu.memref_slice %arg7[%dma_wait3A_685, %dma_wait3A_694] : memref<2x4096xf32, #tpu.memory_space<vmem>> -> memref<1x4096xf32, #tpu.memory_space<vmem>>
    %dma_wait3A_696 = tpu.memref_squeeze %dma_wait3A_695 : memref<1x4096xf32, #tpu.memory_space<vmem>> -> memref<4096xf32, #tpu.memory_space<vmem>>
    tpu.wait_dma2 semaphore(%arg15 : memref<!tpu.dma_semaphore, #tpu.memory_space<semaphore_mem>>) src(%dma_wait3A_696 : memref<4096xf32, #tpu.memory_space<vmem>>) dst(%dma_wait3A_693 : memref<4096xf32, #tpu.memory_space<hbm>>)
    %dma_wait3A_697 = arith.constant 1 : i32
    %dma_wait3A_698 = arith.constant 2 : i32
    %dma_wait3A_699 = arith.constant 0 : i32
    %dma_wait3A_700 = tpu.memref_slice %arg8[%dma_wait3A_697, %dma_wait3A_699] : memref<2x4096xf32, #tpu.memory_space<vmem>> -> memref<1x4096xf32, #tpu.memory_space<vmem>>
    %dma_wait3A_701 = tpu.memref_squeeze %dma_wait3A_700 : memref<1x4096xf32, #tpu.memory_space<vmem>> -> memref<4096xf32, #tpu.memory_space<vmem>>
    %dma_wait3A_702 = tpu.memref_slice %arg4[%dma_wait3A_698, %add3A_668] : memref<4x2097152xf32, #tpu.memory_space<hbm>> -> memref<1x4096xf32, #tpu.memory_space<hbm>>
    %dma_wait3A_703 = tpu.memref_squeeze %dma_wait3A_702 : memref<1x4096xf32, #tpu.memory_space<hbm>> -> memref<4096xf32, #tpu.memory_space<hbm>>
    %dma_wait3A_704 = tpu.memref_slice %arg4[%dma_wait3A_698, %add3A_668] : memref<4x2097152xf32, #tpu.memory_space<hbm>> -> memref<1x4096xf32, #tpu.memory_space<hbm>>
    %dma_wait3A_705 = tpu.memref_squeeze %dma_wait3A_704 : memref<1x4096xf32, #tpu.memory_space<hbm>> -> memref<4096xf32, #tpu.memory_space<hbm>>
    %dma_wait3A_706 = arith.constant 0 : i32
    %dma_wait3A_707 = tpu.memref_slice %arg8[%dma_wait3A_697, %dma_wait3A_706] : memref<2x4096xf32, #tpu.memory_space<vmem>> -> memref<1x4096xf32, #tpu.memory_space<vmem>>
    %dma_wait3A_708 = tpu.memref_squeeze %dma_wait3A_707 : memref<1x4096xf32, #tpu.memory_space<vmem>> -> memref<4096xf32, #tpu.memory_space<vmem>>
    tpu.wait_dma2 semaphore(%arg15 : memref<!tpu.dma_semaphore, #tpu.memory_space<semaphore_mem>>) src(%dma_wait3A_708 : memref<4096xf32, #tpu.memory_space<vmem>>) dst(%dma_wait3A_705 : memref<4096xf32, #tpu.memory_space<hbm>>)
    %dma_wait3A_709 = arith.constant 1 : i32
    %dma_wait3A_710 = arith.constant 3 : i32
    %dma_wait3A_711 = arith.constant 0 : i32
    %dma_wait3A_712 = tpu.memref_slice %arg9[%dma_wait3A_709, %dma_wait3A_711] : memref<2x4096xf32, #tpu.memory_space<vmem>> -> memref<1x4096xf32, #tpu.memory_space<vmem>>
    %dma_wait3A_713 = tpu.memref_squeeze %dma_wait3A_712 : memref<1x4096xf32, #tpu.memory_space<vmem>> -> memref<4096xf32, #tpu.memory_space<vmem>>
    %dma_wait3A_714 = tpu.memref_slice %arg4[%dma_wait3A_710, %add3A_672] : memref<4x2097152xf32, #tpu.memory_space<hbm>> -> memref<1x4096xf32, #tpu.memory_space<hbm>>
    %dma_wait3A_715 = tpu.memref_squeeze %dma_wait3A_714 : memref<1x4096xf32, #tpu.memory_space<hbm>> -> memref<4096xf32, #tpu.memory_space<hbm>>
    %dma_wait3A_716 = tpu.memref_slice %arg4[%dma_wait3A_710, %add3A_672] : memref<4x2097152xf32, #tpu.memory_space<hbm>> -> memref<1x4096xf32, #tpu.memory_space<hbm>>
    %dma_wait3A_717 = tpu.memref_squeeze %dma_wait3A_716 : memref<1x4096xf32, #tpu.memory_space<hbm>> -> memref<4096xf32, #tpu.memory_space<hbm>>
    %dma_wait3A_718 = arith.constant 0 : i32
    %dma_wait3A_719 = tpu.memref_slice %arg9[%dma_wait3A_709, %dma_wait3A_718] : memref<2x4096xf32, #tpu.memory_space<vmem>> -> memref<1x4096xf32, #tpu.memory_space<vmem>>
    %dma_wait3A_720 = tpu.memref_squeeze %dma_wait3A_719 : memref<1x4096xf32, #tpu.memory_space<vmem>> -> memref<4096xf32, #tpu.memory_space<vmem>>
    tpu.wait_dma2 semaphore(%arg15 : memref<!tpu.dma_semaphore, #tpu.memory_space<semaphore_mem>>) src(%dma_wait3A_720 : memref<4096xf32, #tpu.memory_space<vmem>>) dst(%dma_wait3A_717 : memref<4096xf32, #tpu.memory_space<hbm>>)
    return
  }
}

module attributes {stable_mosaic.version = 14 : i64} {
  func.func @_idx_body(%arg0: i32, %arg1: memref<4096x128xf32, #tpu.memory_space<vmem>>, %arg2: memref<4096x128xf32, #tpu.memory_space<vmem>>, %arg3: memref<4096x128xf32, #tpu.memory_space<vmem>>, %arg4: memref<4096x128xi32, #tpu.memory_space<vmem>>) attributes {dimension_semantics = [#tpu.dimension_semantics<arbitrary>], iteration_bounds = array<i64: 4>, scalar_prefetch = 0 : i64, scratch_operands = 0 : i64, tpu.core_type = #tpu.core_type<tc>, window_params = [{transform_indices = @transform_0, window_bounds = array<i64: 4096, 128>}, {transform_indices = @transform_1, window_bounds = array<i64: 4096, 128>}, {transform_indices = @transform_2, window_bounds = array<i64: 4096, 128>}, {transform_indices = @transform_3, window_bounds = array<i64: 4096, 128>}]} {
    %get3A = arith.constant 0 : index
    %get3A_0 = arith.constant 0 : index
    %get3A_1 = vector.load %arg1[%get3A, %get3A_0] : memref<4096x128xf32, #tpu.memory_space<vmem>>, vector<4096x128xf32>
    %get3A_2 = arith.constant 0 : index
    %get3A_3 = arith.constant 0 : index
    %get3A_4 = vector.load %arg2[%get3A_2, %get3A_3] : memref<4096x128xf32, #tpu.memory_space<vmem>>, vector<4096x128xf32>
    %get3A_5 = arith.constant 0 : index
    %get3A_6 = arith.constant 0 : index
    %get3A_7 = vector.load %arg3[%get3A_5, %get3A_6] : memref<4096x128xf32, #tpu.memory_space<vmem>>, vector<4096x128xf32>
    %abs3A = math.absf %get3A_1 : vector<4096x128xf32>
    %lt3A = arith.constant 5.000000e-01 : f32
    %lt3A_8 = vector.broadcast %lt3A : f32 to vector<4096x128xf32>
    %lt3A_9 = arith.cmpf olt, %abs3A, %lt3A_8 : vector<4096x128xf32>
    %abs3A_10 = math.absf %get3A_4 : vector<4096x128xf32>
    %lt3A_11 = arith.constant 5.000000e-01 : f32
    %lt3A_12 = vector.broadcast %lt3A_11 : f32 to vector<4096x128xf32>
    %lt3A_13 = arith.cmpf olt, %abs3A_10, %lt3A_12 : vector<4096x128xf32>
    %and3A = arith.andi %lt3A_9, %lt3A_13 : vector<4096x128xi1>
    %abs3A_14 = math.absf %get3A_7 : vector<4096x128xf32>
    %lt3A_15 = arith.constant 5.000000e-01 : f32
    %lt3A_16 = vector.broadcast %lt3A_15 : f32 to vector<4096x128xf32>
    %lt3A_17 = arith.cmpf olt, %abs3A_14, %lt3A_16 : vector<4096x128xf32>
    %and3A_18 = arith.andi %and3A, %lt3A_17 : vector<4096x128xi1>
    %mul3A = arith.constant 2.560000e+02 : f32
    %mul3A_19 = vector.broadcast %mul3A : f32 to vector<4096x128xf32>
    %mul3A_20 = arith.mulf %get3A_1, %mul3A_19 : vector<4096x128xf32>
    %add3A = arith.constant 1.280000e+02 : f32
    %add3A_21 = vector.broadcast %add3A : f32 to vector<4096x128xf32>
    %add3A_22 = arith.addf %mul3A_20, %add3A_21 : vector<4096x128xf32>
    %convert_element_type3A = arith.fptosi %add3A_22 : vector<4096x128xf32> to vector<4096x128xi32>
    %jit3A = arith.constant 0 : i32
    %jit3A_23 = arith.constant 255 : i32
    %max3A = vector.broadcast %jit3A : i32 to vector<4096x128xi32>
    %max3A_24 = arith.maxsi %max3A, %convert_element_type3A : vector<4096x128xi32>
    %min3A = vector.broadcast %jit3A_23 : i32 to vector<4096x128xi32>
    %min3A_25 = arith.minsi %min3A, %max3A_24 : vector<4096x128xi32>
    %mul3A_26 = arith.constant 2.560000e+02 : f32
    %mul3A_27 = vector.broadcast %mul3A_26 : f32 to vector<4096x128xf32>
    %mul3A_28 = arith.mulf %get3A_4, %mul3A_27 : vector<4096x128xf32>
    %add3A_29 = arith.constant 1.280000e+02 : f32
    %add3A_30 = vector.broadcast %add3A_29 : f32 to vector<4096x128xf32>
    %add3A_31 = arith.addf %mul3A_28, %add3A_30 : vector<4096x128xf32>
    %convert_element_type3A_32 = arith.fptosi %add3A_31 : vector<4096x128xf32> to vector<4096x128xi32>
    %jit3A_33 = arith.constant 0 : i32
    %jit3A_34 = arith.constant 255 : i32
    %max3A_35 = vector.broadcast %jit3A_33 : i32 to vector<4096x128xi32>
    %max3A_36 = arith.maxsi %max3A_35, %convert_element_type3A_32 : vector<4096x128xi32>
    %min3A_37 = vector.broadcast %jit3A_34 : i32 to vector<4096x128xi32>
    %min3A_38 = arith.minsi %min3A_37, %max3A_36 : vector<4096x128xi32>
    %mul3A_39 = arith.constant 2.560000e+02 : f32
    %mul3A_40 = vector.broadcast %mul3A_39 : f32 to vector<4096x128xf32>
    %mul3A_41 = arith.mulf %get3A_7, %mul3A_40 : vector<4096x128xf32>
    %add3A_42 = arith.constant 1.280000e+02 : f32
    %add3A_43 = vector.broadcast %add3A_42 : f32 to vector<4096x128xf32>
    %add3A_44 = arith.addf %mul3A_41, %add3A_43 : vector<4096x128xf32>
    %convert_element_type3A_45 = arith.fptosi %add3A_44 : vector<4096x128xf32> to vector<4096x128xi32>
    %jit3A_46 = arith.constant 0 : i32
    %jit3A_47 = arith.constant 255 : i32
    %max3A_48 = vector.broadcast %jit3A_46 : i32 to vector<4096x128xi32>
    %max3A_49 = arith.maxsi %max3A_48, %convert_element_type3A_45 : vector<4096x128xi32>
    %min3A_50 = vector.broadcast %jit3A_47 : i32 to vector<4096x128xi32>
    %min3A_51 = arith.minsi %min3A_50, %max3A_49 : vector<4096x128xi32>
    %mul3A_52 = arith.constant 256 : i32
    %mul3A_53 = vector.broadcast %mul3A_52 : i32 to vector<4096x128xi32>
    %mul3A_54 = arith.muli %min3A_25, %mul3A_53 : vector<4096x128xi32>
    %add3A_55 = arith.addi %mul3A_54, %min3A_38 : vector<4096x128xi32>
    %mul3A_56 = arith.constant 1024 : i32
    %mul3A_57 = vector.broadcast %mul3A_56 : i32 to vector<4096x128xi32>
    %mul3A_58 = arith.muli %add3A_55, %mul3A_57 : vector<4096x128xi32>
    %shift_right_arithmetic3A = arith.constant 7 : i32
    %shift_right_arithmetic3A_59 = vector.broadcast %shift_right_arithmetic3A : i32 to vector<4096x128xi32>
    %shift_right_arithmetic3A_60 = arith.shrsi %min3A_51, %shift_right_arithmetic3A_59 : vector<4096x128xi32>
    %mul3A_61 = arith.constant 512 : i32
    %mul3A_62 = vector.broadcast %mul3A_61 : i32 to vector<4096x128xi32>
    %mul3A_63 = arith.muli %shift_right_arithmetic3A_60, %mul3A_62 : vector<4096x128xi32>
    %add3A_64 = arith.addi %mul3A_58, %mul3A_63 : vector<4096x128xi32>
    %and3A_65 = arith.constant 127 : i32
    %and3A_66 = vector.broadcast %and3A_65 : i32 to vector<4096x128xi32>
    %and3A_67 = arith.andi %min3A_51, %and3A_66 : vector<4096x128xi32>
    %add3A_68 = arith.addi %add3A_64, %and3A_67 : vector<4096x128xi32>
    %jit3A_69 = arith.constant -1 : i32
    %broadcast_in_dim3A = vector.broadcast %jit3A_69 : i32 to vector<4096x128xi32>
    %select_n3A = arith.select %and3A_18, %add3A_68, %broadcast_in_dim3A : vector<4096x128xi1>, vector<4096x128xi32>
    %swap3A = arith.constant 0 : index
    %swap3A_70 = arith.constant 0 : index
    %swap3A_71 = vector.load %arg4[%swap3A, %swap3A_70] : memref<4096x128xi32, #tpu.memory_space<vmem>>, vector<4096x128xi32>
    tpu.vector_store %arg4[%swap3A, %swap3A_70], %select_n3A {strides = array<i32>} : memref<4096x128xi32, #tpu.memory_space<vmem>>, vector<4096x128xi32>,
    return
  }
  func.func @transform_0(%arg0: i32) -> (i32, i32) {
    %c0_i32 = arith.constant 0 : i32
    %c0_i32_0 = arith.constant 0 : i32
    return %arg0, %c0_i32 : i32, i32
  }
  func.func @transform_1(%arg0: i32) -> (i32, i32) {
    %c0_i32 = arith.constant 0 : i32
    %c0_i32_0 = arith.constant 0 : i32
    return %arg0, %c0_i32 : i32, i32
  }
  func.func @transform_2(%arg0: i32) -> (i32, i32) {
    %c0_i32 = arith.constant 0 : i32
    %c0_i32_0 = arith.constant 0 : i32
    return %arg0, %c0_i32 : i32, i32
  }
  func.func @transform_3(%arg0: i32) -> (i32, i32) {
    %c0_i32 = arith.constant 0 : i32
    %c0_i32_0 = arith.constant 0 : i32
    return %arg0, %c0_i32 : i32, i32
  }
}

module attributes {stable_mosaic.version = 14 : i64} {
  func.func @_act_body(%arg0: i32, %arg1: memref<4096x128xi32, #tpu.memory_space<vmem>>, %arg2: memref<4096x128xf32, #tpu.memory_space<vmem>>, %arg3: memref<4096x128xf32, #tpu.memory_space<vmem>>, %arg4: memref<4096x128xf32, #tpu.memory_space<vmem>>, %arg5: memref<4096x128xf32, #tpu.memory_space<vmem>>, %arg6: memref<4096x128xf32, #tpu.memory_space<vmem>>, %arg7: memref<4096x128xf32, #tpu.memory_space<vmem>>, %arg8: memref<4096x128xf32, #tpu.memory_space<vmem>>, %arg9: memref<4096x128xf32, #tpu.memory_space<vmem>>) attributes {dimension_semantics = [#tpu.dimension_semantics<arbitrary>], iteration_bounds = array<i64: 4>, scalar_prefetch = 0 : i64, scratch_operands = 0 : i64, tpu.core_type = #tpu.core_type<tc>, window_params = [{transform_indices = @transform_0, window_bounds = array<i64: 4096, 128>}, {transform_indices = @transform_1, window_bounds = array<i64: 4096, 128>}, {transform_indices = @transform_2, window_bounds = array<i64: 4096, 128>}, {transform_indices = @transform_3, window_bounds = array<i64: 4096, 128>}, {transform_indices = @transform_4, window_bounds = array<i64: 4096, 128>}, {transform_indices = @transform_5, window_bounds = array<i64: 4096, 128>}, {transform_indices = @transform_6, window_bounds = array<i64: 4096, 128>}, {transform_indices = @transform_7, window_bounds = array<i64: 4096, 128>}, {transform_indices = @transform_8, window_bounds = array<i64: 4096, 128>}]} {
    %get3A = arith.constant 0 : index
    %get3A_0 = arith.constant 0 : index
    %get3A_1 = vector.load %arg1[%get3A, %get3A_0] : memref<4096x128xi32, #tpu.memory_space<vmem>>, vector<4096x128xi32>
    %ge3A = arith.constant 0 : i32
    %ge3A_2 = vector.broadcast %ge3A : i32 to vector<4096x128xi32>
    %ge3A_3 = arith.cmpi sge, %get3A_1, %ge3A_2 : vector<4096x128xi32>
    %get3A_4 = arith.constant 0 : index
    %get3A_5 = arith.constant 0 : index
    %get3A_6 = vector.load %arg2[%get3A_4, %get3A_5] : memref<4096x128xf32, #tpu.memory_space<vmem>>, vector<4096x128xf32>
    %jit3A = arith.constant 0.000000e+00 : f32
    %broadcast_in_dim3A = vector.broadcast %jit3A : f32 to vector<4096x128xf32>
    %select_n3A = arith.select %ge3A_3, %get3A_6, %broadcast_in_dim3A : vector<4096x128xi1>, vector<4096x128xf32>
    %get3A_7 = arith.constant 0 : index
    %get3A_8 = arith.constant 0 : index
    %get3A_9 = vector.load %arg3[%get3A_7, %get3A_8] : memref<4096x128xf32, #tpu.memory_space<vmem>>, vector<4096x128xf32>
    %jit3A_10 = arith.constant 0.000000e+00 : f32
    %broadcast_in_dim3A_11 = vector.broadcast %jit3A_10 : f32 to vector<4096x128xf32>
    %select_n3A_12 = arith.select %ge3A_3, %get3A_9, %broadcast_in_dim3A_11 : vector<4096x128xi1>, vector<4096x128xf32>
    %get3A_13 = arith.constant 0 : index
    %get3A_14 = arith.constant 0 : index
    %get3A_15 = vector.load %arg4[%get3A_13, %get3A_14] : memref<4096x128xf32, #tpu.memory_space<vmem>>, vector<4096x128xf32>
    %jit3A_16 = arith.constant 0.000000e+00 : f32
    %broadcast_in_dim3A_17 = vector.broadcast %jit3A_16 : f32 to vector<4096x128xf32>
    %select_n3A_18 = arith.select %ge3A_3, %get3A_15, %broadcast_in_dim3A_17 : vector<4096x128xi1>, vector<4096x128xf32>
    %get3A_19 = arith.constant 0 : index
    %get3A_20 = arith.constant 0 : index
    %get3A_21 = vector.load %arg5[%get3A_19, %get3A_20] : memref<4096x128xf32, #tpu.memory_space<vmem>>, vector<4096x128xf32>
    %jit3A_22 = arith.constant 0.000000e+00 : f32
    %broadcast_in_dim3A_23 = vector.broadcast %jit3A_22 : f32 to vector<4096x128xf32>
    %select_n3A_24 = arith.select %ge3A_3, %get3A_21, %broadcast_in_dim3A_23 : vector<4096x128xi1>, vector<4096x128xf32>
    %logistic3A = arith.negf %select_n3A : vector<4096x128xf32>
    %logistic3A_25 = math.exp %logistic3A : vector<4096x128xf32>
    %logistic3A_26 = arith.constant 1.000000e+00 : f32
    %logistic3A_27 = vector.broadcast %logistic3A_26 : f32 to vector<4096x128xf32>
    %logistic3A_28 = arith.addf %logistic3A_27, %logistic3A_25 : vector<4096x128xf32>
    %logistic3A_29 = arith.divf %logistic3A_27, %logistic3A_28 : vector<4096x128xf32>
    %swap3A = arith.constant 0 : index
    %swap3A_30 = arith.constant 0 : index
    %swap3A_31 = vector.load %arg6[%swap3A, %swap3A_30] : memref<4096x128xf32, #tpu.memory_space<vmem>>, vector<4096x128xf32>
    tpu.vector_store %arg6[%swap3A, %swap3A_30], %logistic3A_29 {strides = array<i32>} : memref<4096x128xf32, #tpu.memory_space<vmem>>, vector<4096x128xf32>,
    %logistic3A_32 = arith.negf %select_n3A_12 : vector<4096x128xf32>
    %logistic3A_33 = math.exp %logistic3A_32 : vector<4096x128xf32>
    %logistic3A_34 = arith.constant 1.000000e+00 : f32
    %logistic3A_35 = vector.broadcast %logistic3A_34 : f32 to vector<4096x128xf32>
    %logistic3A_36 = arith.addf %logistic3A_35, %logistic3A_33 : vector<4096x128xf32>
    %logistic3A_37 = arith.divf %logistic3A_35, %logistic3A_36 : vector<4096x128xf32>
    %swap3A_38 = arith.constant 0 : index
    %swap3A_39 = arith.constant 0 : index
    %swap3A_40 = vector.load %arg7[%swap3A_38, %swap3A_39] : memref<4096x128xf32, #tpu.memory_space<vmem>>, vector<4096x128xf32>
    tpu.vector_store %arg7[%swap3A_38, %swap3A_39], %logistic3A_37 {strides = array<i32>} : memref<4096x128xf32, #tpu.memory_space<vmem>>, vector<4096x128xf32>,
    %logistic3A_41 = arith.negf %select_n3A_18 : vector<4096x128xf32>
    %logistic3A_42 = math.exp %logistic3A_41 : vector<4096x128xf32>
    %logistic3A_43 = arith.constant 1.000000e+00 : f32
    %logistic3A_44 = vector.broadcast %logistic3A_43 : f32 to vector<4096x128xf32>
    %logistic3A_45 = arith.addf %logistic3A_44, %logistic3A_42 : vector<4096x128xf32>
    %logistic3A_46 = arith.divf %logistic3A_44, %logistic3A_45 : vector<4096x128xf32>
    %swap3A_47 = arith.constant 0 : index
    %swap3A_48 = arith.constant 0 : index
    %swap3A_49 = vector.load %arg8[%swap3A_47, %swap3A_48] : memref<4096x128xf32, #tpu.memory_space<vmem>>, vector<4096x128xf32>
    tpu.vector_store %arg8[%swap3A_47, %swap3A_48], %logistic3A_46 {strides = array<i32>} : memref<4096x128xf32, #tpu.memory_space<vmem>>, vector<4096x128xf32>,
    %max3A = arith.constant 0.000000e+00 : f32
    %max3A_50 = vector.broadcast %max3A : f32 to vector<4096x128xf32>
    %max3A_51 = arith.maximumf %select_n3A_24, %max3A_50 : vector<4096x128xf32>
    %swap3A_52 = arith.constant 0 : index
    %swap3A_53 = arith.constant 0 : index
    %swap3A_54 = vector.load %arg9[%swap3A_52, %swap3A_53] : memref<4096x128xf32, #tpu.memory_space<vmem>>, vector<4096x128xf32>
    tpu.vector_store %arg9[%swap3A_52, %swap3A_53], %max3A_51 {strides = array<i32>} : memref<4096x128xf32, #tpu.memory_space<vmem>>, vector<4096x128xf32>,
    return
  }
  func.func @transform_0(%arg0: i32) -> (i32, i32) {
    %c0_i32 = arith.constant 0 : i32
    %c0_i32_0 = arith.constant 0 : i32
    return %arg0, %c0_i32 : i32, i32
  }
  func.func @transform_1(%arg0: i32) -> (i32, i32) {
    %c0_i32 = arith.constant 0 : i32
    %c0_i32_0 = arith.constant 0 : i32
    return %arg0, %c0_i32 : i32, i32
  }
  func.func @transform_2(%arg0: i32) -> (i32, i32) {
    %add3A = arith.constant 4 : i32
    %add3A_0 = arith.addi %arg0, %add3A : i32
    %c0_i32 = arith.constant 0 : i32
    %c0_i32_1 = arith.constant 0 : i32
    return %add3A_0, %c0_i32 : i32, i32
  }
  func.func @transform_3(%arg0: i32) -> (i32, i32) {
    %add3A = arith.constant 8 : i32
    %add3A_0 = arith.addi %arg0, %add3A : i32
    %c0_i32 = arith.constant 0 : i32
    %c0_i32_1 = arith.constant 0 : i32
    return %add3A_0, %c0_i32 : i32, i32
  }
  func.func @transform_4(%arg0: i32) -> (i32, i32) {
    %add3A = arith.constant 12 : i32
    %add3A_0 = arith.addi %arg0, %add3A : i32
    %c0_i32 = arith.constant 0 : i32
    %c0_i32_1 = arith.constant 0 : i32
    return %add3A_0, %c0_i32 : i32, i32
  }
  func.func @transform_5(%arg0: i32) -> (i32, i32) {
    %c0_i32 = arith.constant 0 : i32
    %c0_i32_0 = arith.constant 0 : i32
    return %arg0, %c0_i32 : i32, i32
  }
  func.func @transform_6(%arg0: i32) -> (i32, i32) {
    %c0_i32 = arith.constant 0 : i32
    %c0_i32_0 = arith.constant 0 : i32
    return %arg0, %c0_i32 : i32, i32
  }
  func.func @transform_7(%arg0: i32) -> (i32, i32) {
    %c0_i32 = arith.constant 0 : i32
    %c0_i32_0 = arith.constant 0 : i32
    return %arg0, %c0_i32 : i32, i32
  }
  func.func @transform_8(%arg0: i32) -> (i32, i32) {
    %c0_i32 = arith.constant 0 : i32
    %c0_i32_0 = arith.constant 0 : i32
    return %arg0, %c0_i32 : i32, i32
  }
}

</mosaic_0001>

<sc_bundles>
// kernel: kernel.5.cloned.1.call-start
scs
__scs_entry_jumppad:
0x0: {  	(pc) =	sbr.rel $0x88, $3  }
0x1: {  	(tag) =	ssettag $0x0;
	lr =	simm.s32 $0x1  }
0x2: {  	[smem:$0x3F9F] =	sst lr;
	_ =	strace $0xD0000000  }
0x3: {  	_ = 	snop  }
0x4: {  	_ = 	snop  }
0x5: {  	_ = 	snop  }
0x6: {  	_ = 	snop  }
0x7: {  	_ = 	snop  }
__scs_overlays_trampoline_lowered:
0x8: {  	[smem:$0x3FAE] =	sst s0  }
0x9: {  	[smem:$0x3FAF] =	sst s1  }
0xa: {  	[smem:$0x3FB0] =	sst s2  }
0xb: {  	[smem:$0x3FB1] =	sst s3  }
0xc: {  	[smem:$0x3FB2] =	sst s4  }
0xd: {  	[smem:$0x3FB3] =	sst s5  }
0xe: {  	[smem:$0x3FB4] =	sst s6  }
0xf: {  	[smem:$0x3FB5] =	sst s7  }
0x10: {  	[smem:$0x3FB6] =	sst s8  }
0x11: {  	[smem:$0x3FB7] =	sst s9;
	s0 =	simm.s32 @!p0 $0x0  }
0x12: {  	s1 =	sld [smem:$0x3F9D];
	s0 =	simm.s32 @p0 $0x1  }
0x13: {  	[smem:$0x3FB8] =	sst s0;
	s0 =	simm.s32 @!p1 $0x0  }
0x14: {  	s2 =	sld [smem:$0x3F9C];
	s0 =	simm.s32 @p1 $0x1  }
0x15: {  	[smem:$0x3FB9] =	sst s0;
	s0 =	simm.s32 @!p2 $0x0  }
0x16: {  	s3 =	sld [smem:$0x3FDB];
	s0 =	simm.s32 @p2 $0x1  }
0x17: {  	s4 =	simm.s32 $0x1BF5;
	[smem:$0x3FBB] =	sst s0  }
0x18: {  	s0 =	sld [smem:$0x3F9E];
	_ =	swait.ge [sflag:s4], $0x0  }
0x19: {  	s7 =	sld [smem:$0x3F9F]  }
0x1a: {  	s8 =	sadd.s32 $0xFFFFE003, lr  }
0x1b: {  	s9 =	sadd.s32 $0xFFFFFEF7, lr;
	s5 =	simm.s32 $0xFFFFFFFF;
	p2 =	slt.u32 s8, $0xFFFFF086  }
0x1c: {  	p1 =	slt.u32 s9, $0xF7A;
	s5 =	simm.s32 @!p2 $0x0  }
0x1d: {  	s5 =	simm.s32 @p1 $0x1;
	p0 =	seq.s32 s7, s2  }
0x1e: {  	s7 =	smul.u32 @!p0 $0xF7A, s2;
	p2 =	seq.s32 @!p0 s5, $0x0  }
0x1f: {  	s9 =	smul.u32 $0xF7A, s1;
	s8 =	simm.s32 @!p0 $0x1BF5;
	p2 =	por !p2, p0  }
0x20: {  	[sflag:s8] =	ssyncset.s32 @!p0 $0xFFFFF086;
	s6 =	sadd.s32 @!p0 s3, s7;
	s7 =	simm.s32 @!p0 $0x108  }
0x21: {  	s3 =	sadd.s32 s3, s9;
	s6 =	sadd.s32 @!p0 $0x88, s6;
	s7 =	simm.s32 @p2 $0x1082  }
0x22: {  	[simem:s7], [sflag:s8] =	dma.local @!p0 [hbm:s6], $0xF7A  }
0x23: {  	s9 =	sor.u32 $0xD0000000, s2;
	s6 =	simm.s32 $0x108;
	_ =	swait.ge @!p0 [sflag:s8], $0x0  }
0x24: {  	s3 =	sadd.s32 $0x88, s3;
	s6 =	simm.s32 @!p1 $0x1082;
	[sflag:s4] =	ssyncset.s32 $0xFFFFF086  }
0x25: {  	[simem:s6], [sflag:s4] =	dma.local [hbm:s3], $0xF7A  }
0x26: {  	[smem:$0x3F9F] =	sst s1;
	(tag) =	ssettag s2;
	_ =	strace s9  }
0x27: {  	s1 =	sld [smem:$0x3FAF]  }
0x28: {  	s2 =	sld [smem:$0x3FB0]  }
0x29: {  	s4 =	sld [smem:$0x3FB2]  }
0x2a: {  	p0 =	seq.s32 s5, $0x0;
	s5 =	sld [smem:$0x3FB3]  }
0x2b: {  	s6 =	sld [smem:$0x3FB4]  }
0x2c: {  	s7 =	sld [smem:$0x3FB5]  }
0x2d: {  	s3 =	simm.s32 $0x108;
	s8 =	sld [smem:$0x3FB6]  }
0x2e: {  	s3 =	simm.s32 @!p0 $0x1082;
	s9 =	sld [smem:$0x3FB7]  }
0x2f: {  	lr =	sadd.s32 s0, s3;
	s0 =	sld [smem:$0x3FAE]  }
0x30: {  	s3 =	sld [smem:$0x3FB1]  }
0x31: {  	[smem:$0x3FBA] =	sst s10  }
0x32: {  	s10 =	sld [smem:$0x3FB8];
	_ =	sdelay $0x3  }
0x33: {  	p0 =	seq.s32 s10, $0x1;
	s10 =	sld [smem:$0x3FBA];
	_ =	sdelay $0x3  }
0x34: {  	[smem:$0x3FBA] =	sst s10  }
0x35: {  	s10 =	sld [smem:$0x3FB9];
	_ =	sdelay $0x3  }
0x36: {  	p1 =	seq.s32 s10, $0x1;
	s10 =	sld [smem:$0x3FBA];
	_ =	sdelay $0x3  }
0x37: {  	[smem:$0x3FBA] =	sst s10  }
0x38: {  	s10 =	sld [smem:$0x3FBB]  }
0x39: {  	_ = 	snop;
	(pc) =	sbr.ind lr, $3  }
0x3a: {  	_ = 	snop  }
0x3b: {  	_ = 	snop  }
0x3c: {  	p2 =	seq.s32 s10, $0x1;
	s10 =	sld [smem:$0x3FBA]  }
0x3d: {  	_ =	shalt  }
0x3e: {  	_ =	shalt  }
0x3f: {  	_ =	shalt  }
0x40: {  	_ =	shalt  }
0x41: {  	_ =	shalt  }
0x42: {  	_ =	shalt  }
0x43: {  	_ =	shalt  }
0x44: {  	_ =	shalt  }
0x45: {  	_ =	shalt  }
0x46: {  	_ =	shalt  }
0x47: {  	_ =	shalt  }
0x48: {  	_ =	shalt  }
0x49: {  	_ =	shalt  }
0x4a: {  	_ =	shalt  }
0x4b: {  	_ =	shalt  }
0x4c: {  	_ =	shalt  }
0x4d: {  	_ =	shalt  }
0x4e: {  	_ =	shalt  }
0x4f: {  	_ =	shalt  }
0x50: {  	_ =	shalt  }
0x51: {  	_ =	shalt  }
0x52: {  	_ =	shalt  }
0x53: {  	_ =	shalt  }
0x54: {  	_ =	shalt  }
0x55: {  	_ =	shalt  }
0x56: {  	_ =	shalt  }
0x57: {  	_ =	shalt  }
0x58: {  	_ =	shalt  }
0x59: {  	_ =	shalt  }
0x5a: {  	_ =	shalt  }
0x5b: {  	_ =	shalt  }
0x5c: {  	_ =	shalt  }
0x5d: {  	_ =	shalt  }
0x5e: {  	_ =	shalt  }
0x5f: {  	_ =	shalt  }
0x60: {  	_ =	shalt  }
0x61: {  	_ =	shalt  }
0x62: {  	_ =	shalt  }
0x63: {  	_ =	shalt  }
0x64: {  	_ =	shalt  }
0x65: {  	_ =	shalt  }
0x66: {  	_ =	shalt  }
0x67: {  	_ =	shalt  }
0x68: {  	_ =	shalt  }
0x69: {  	_ =	shalt  }
0x6a: {  	_ =	shalt  }
0x6b: {  	_ =	shalt  }
0x6c: {  	_ =	shalt  }
0x6d: {  	_ =	shalt  }
0x6e: {  	_ =	shalt  }
0x6f: {  	_ =	shalt  }
0x70: {  	_ =	shalt  }
0x71: {  	_ =	shalt  }
0x72: {  	_ =	shalt  }
0x73: {  	_ =	shalt  }
0x74: {  	_ =	shalt  }
0x75: {  	_ =	shalt  }
0x76: {  	_ =	shalt  }
0x77: {  	_ =	shalt  }
0x78: {  	_ =	shalt  }
0x79: {  	_ =	shalt  }
0x7a: {  	_ =	shalt  }
0x7b: {  	_ =	shalt  }
0x7c: {  	_ =	shalt  }
0x7d: {  	_ =	shalt  }
0x7e: {  	_ =	shalt  }
0x7f: {  	_ =	shalt  }
0x80: {  	_ =	shalt  }
0x81: {  	_ =	shalt  }
0x82: {  	_ =	shalt  }
0x83: {  	_ =	shalt  }
0x84: {  	_ =	shalt  }
0x85: {  	_ =	shalt  }
0x86: {  	_ =	shalt  }
0x87: {  	_ =	shalt  }
.Lfunc_end0:
.L_simem_size_0:
called_computation_lowered:
.L_overlay_start_0:
0x88: {  	s2 =	sld [smem:$0x3FD9]  }
0x89: {  	s3 =	sld [smem:$0x3FFE];
	_ =	sdelay $0x1  }
0x8a: {  	s1 =	srdreg.scid  }
0x8b: {  	s0 =	sand.u32 $0x1, s1  }
0x8c: {  	s14 =	sshll.u32 s0, $0xA;
	s2 =	sadd.s32 s3, s2  }
0x8d: {  	s2 =	sadd.s32 s2, s14  }
0x8e: {  	[smem:$0x3FC6] =	sst s2  }
0x8f: {  	_ = 	snop  }
0x90: {  	s2 =	sld [smem:$0x3FD0];
	_ =	sdelay $0x2  }
0x91: {  	s4 =	simm.s32 $0xA;
	s5 =	simm.s32 $0x10;
	s15 =	sld [smem:$0x3FC8]  }
0x92: {  	[smem:s5], [sflag:s4] =	dma.local [hbm:s2], $0x1  }
0x93: {  	_ =	swait.eq [sflag:s4], $0x1  }
0x94: {  	[sflag:s4] =	ssyncset.done $0x0  }
0x95: {  	[sflag:s4] =	ssyncadd.s32 $0xFFFFFFFF  }
0x96: {  	s16 =	sld [smem:$0x10];
	(tm) =	ssettm $0x1  }
0x97: {  	s17 =	sld [smem:$0x3FFB];
	_ =	sdelay $0x3  }
0x98: {  	_ =	strace s17  }
0x99: {  	s4 =	sld [smem:$0x3FFC];
	_ =	sdelay $0x3  }
0x9a: {  	_ =	strace s4  }
0x9b: {  	s4 =	sld [smem:$0x3FFD];
	_ =	sdelay $0x3  }
0x9c: {  	_ =	strace s4  }
0x9d: {  	_ =	strace $0x8FFFFFFF  }
0x9e: {  	s18 =	sld [smem:$0x3FDB];
	_ =	sdelay $0x1  }
0x9f: {  	s19 =	simm.s32 $_scs_section_size  }
0xa0: {  	s6 =	simm.s32 $_size__tile_overlayer_lowered;
	s7 =	simm.s32 $_tile_overlayer_lowered  }
0xa1: {  	s22 =	simm.s32 $0x1BFF;
	s21 =	sshll.u32 s7, $0x1;
	s4 =	sadd.s32 s19, s18  }
0xa2: {  	s8 =	simm.s32 $0x0;
	s20 =	sshll.u32 s6, $0x1;
	s6 =	sadd.s32 s21, s4  }
0xa3: {  	[timem:s8], [sflag:s22] =	dma.local [hbm:s6], s20  }
0xa4: {  	_ =	swait.ge [sflag:s22], s20  }
0xa5: {  	s5 =	ssub.s32 $0x0, s20;
	[sflag:s22] =	ssyncset.done $0x0  }
0xa6: {  	[sflag:s22] =	ssyncadd.s32 s5;
	_ =	sdelay $0x1  }
0xa7: {  	s23 =	simm.s32 $0x1B8B  }
0xa8: {  	_ =	swait.ge [sflag:s23], $0x1  }
0xa9: {  	[sflag:s23] =	ssyncset.done $0x0  }
0xaa: {  	s25 =	simm.s32 $0x1B8E;
	s24 =	sld [smem:$0x3FFE];
	[sflag:s23] =	ssyncadd.s32 $0xFFFFFFFF  }
0xab: {  	s26 =	simm.s32 $execute0_lowered;
	[smem:$0x3FD2] =	sst s25  }
0xac: {  	s6 =	sshll.u32 s26, $0x1;
	_ =	strace $0x80000046;
	[dreg:$0x1] =	wrdreg $0xFFFFFFFF  }
0xad: {  	s28 =	simm.s32 $_size_execute0_lowered;
	s4 =	sadd.s32 s4, s6;
	[dreg:$0x0] =	wrdreg $0x0  }
0xae: {  	s6 =	sshll.u32 s28, $0x1;
	[dreg:$0x2] =	wrdreg s4  }
0xaf: {  	[dreg:$0x3] =	wrdreg s6  }
0xb0: {  	[dreg:$0x4] =	wrdreg $0xC0  }
0xb1: {  	_ =	task [dreg:s8], $0x5FFFF  }
0xb2: {  	[dreg:$0x1] =	wrdreg $0xFFFFFFFF  }
0xb3: {  	[dreg:$0x0] =	wrdreg $0x60  }
0xb4: {  	[dreg:$0x2] =	wrdreg s24  }
0xb5: {  	[dreg:$0x3] =	wrdreg s15  }
0xb6: {  	[dreg:$0x4] =	wrdreg s16  }
0xb7: {  	[dreg:$0x5] =	wrdreg $0x9  }
0xb8: {  	_ =	task.clear_ibuf [dreg:s8], $0x6FFFF;
	_ =	strace $0x90000046  }
0xb9: {  	s29 =	simm.s32 $0x9;
	_ =	strace $0x80000048  }
0xba: {  	_ =	swait.ge [sflag:s29], $0x1  }
0xbb: {  	[sflag:s29] =	ssyncadd.s32 $0xFFFFFFFF  }
0xbc: {  	_ =	strace $0x90000048  }
0xbd: {  	_ =	sfence  }
0xbe: {  	s30 =	sld [smem:$0x0];
	_ =	sdelay $0x2  }
0xbf: {  	s31 =	sshll.u32 s1, $0xD;
	s1 =	sshrl.u32 s1, $0x2  }
0xc0: {  	s3 =	sand.u32 $0x4000, s31;
	s1 =	sadd.s32 s1, s30  }
0xc1: {  	s0 =	sor.u32 s3, s0;
	s1 =	sshll.u32 s1, $0x11  }
0xc2: {  	s0 =	sor.u32 s1, s0  }
0xc3: {  	s0 =	sadd.s32 $0x8F2B, s0  }
0xc4: {  	[sflag:s0] =	ssyncadd.remote.s32 $0x1  }
0xc5: {  	_ =	sfence.sel $0xFFFF  }
0xc6: {  	[dreg:$0x0] =	wrdreg $0xFFFFFFFF;
	(pc) =	sbr.abs _section_cstart, $3  }
0xc7: {  	[dreg:$0x1] =	wrdreg $0xFFFFFFFF  }
0xc8: {  	_ =	task.clear_ibuf [dreg:s8], $0x2FFFF;
	_ =	strace $0x9FFFFFFF  }
0xc9: {  	(tm) =	ssettm $0x7FFFFFFF  }
tec
execute0_lowered:
.L_overlay_start_1:
0x0: {  	(tag) =	ssettag $0x1  }
0x1: {  	s0 =	rddreg [dreg:$0x0]  }
0x2: {  	s2 =	rddreg [dreg:$0x1]  }
0x3: {  	s10 =	rddreg [dreg:$0x2];
	s1 =	srdreg.scid  }
0x4: {  	s3 =	stileid.u32;
	s4 =	simm.s32 $0x0;
	s28 =	simm.s32 $0x600  }
0x5: {  	s30 =	simm.s32 $0x800;
	s29 =	simm.s32 $0x8000;
	s14 =	simm.s32 $0x1400  }
0x6: {  	s12 =	simm.s32 $0x1800;
	s31 =	simm.s32 $0x2;
	s13 =	simm.s32 $0x0  }
0x7: {  	s1 =	sand.u32 $0x1, s1;
	s3 =	sshll.u32 s3, $0x11;
	[smem:$0x7FF] =	sst s4  }
0x8: {  	s0 =	sadd.s32 $0xA00, s0;
	s6 =	sadd.s32 $0x10, s2;
	s7 =	sadd.s32 $0x20, s2  }
0x9: {  	s9 =	sadd.s32 $0x30, s2;
	s5 =	sshll.u32 s1, $0x10;
	s1 =	ssub.s32 $0x2, s1  }
0xa: {  	_ =	strace $0x80000047;
	s3 =	sor.u32 s5, s3;
	s15 =	sshrl.u32 s1, $0x1  }
0xb: {  	s8 =	sshrl.u32 s3, $0x3;
	s1 =	ssub.s32 s1, s15;
	s17 =	sor.u32 $0x1000, s3  }
0xc: {  	s20 =	sor.u32 $0x2000, s3;
	s22 =	sadd.s32 $0xFFFFF000, s3;
	s23 =	sadd.s32 $0x1FF000, s3  }
0xd: {  	s24 =	sadd.s32 $0x3FF000, s3;
	s3 =	sadd.s32 $0x5FF000, s3;
	s16 =	sadd.s32 s0, s8  }
0xe: {  	s11 =	sadd.s32 s8, s10;
	s5 =	sshrl.u32 s17, $0x3;
	[dreg:$0xd] =	wrdreg s22  }
0xf: {  	s1 =	smax.u32 s1, $0x1;
	s26 =	sshrl.u32 s3, $0x3;
	[dreg:$0x4] =	wrdreg s16  }
0x10: {  	s22 =	simm.s32 $0x200;
	s3 =	simm.s32 $0x1600;
	[dreg:$0x5] =	wrdreg s11  }
0x11: {  	s17 =	simm.s32 $0x1C00;
	s8 =	sadd.s32 $0x1E00, s11;
	[dreg:$0xa] =	wrdreg s1  }
0x12: {  	s18 =	sadd.s32 $0x41E00, s11;
	s19 =	sadd.s32 $0x81E00, s11;
	[dreg:$0x6] =	wrdreg s8  }
0x13: {  	s11 =	sadd.s32 $0xC1E00, s11;
	s21 =	sadd.s32 s5, s0;
	[dreg:$0x7] =	wrdreg s18  }
0x14: {  	s1 =	sshrl.u32 s24, $0x3;
	s5 =	simm.s32 $0xC00;
	[dreg:$0x8] =	wrdreg s19  }
0x15: {  	s24 =	simm.s32 $0x1A00;
	[dreg:$0x9] =	wrdreg s11;
	s8 =	sshrl.u32 s20, $0x3  }
0x16: {  	[dreg:$0xb] =	wrdreg s21;
	s25 =	sadd.s32 s1, s10;
	s21 =	simm.s32 $0x1  }
0x17: {  	s11 =	simm.s32 $0xE00;
	s18 =	simm.s32 $0x1E00;
	s19 =	simm.s32 $0x3  }
.Ltmp0:
0x18: {  	s0 =	sadd.s32 s8, s0;
	[dreg:$0xf] =	wrdreg s25;
	(pc) =	sbr.rel .LBB2_1-.Ltmp0, $4  }
0x19: {  	s20 =	simm.s32 $0x4;
	[dreg:$0xc] =	wrdreg s0;
	s0 =	sshrl.u32 s23, $0x3  }
0x1a: {  	s25 =	simm.s32 $0x400;
	s23 =	simm.s32 $0x3000;
	s0 =	sadd.s32 s0, s10  }
0x1b: {  	[dreg:$0xe] =	wrdreg s0;
	s0 =	sadd.s32 s26, s10;
	s26 =	simm.s32 $0x1000  }
0x1c: {  	s10 =	simm.s32 $0x1200;
	[dreg:$0x10] =	wrdreg s0;
	s0 =	simm.s32 $0xA00  }
.LBB2_7:
0x1d: {  	_ =	swait.ge [sflag:s20], $0x200  }
0x1e: {  	[sflag:s20] =	ssyncset.done $0x0  }
0x1f: {  	[sflag:s20] =	ssyncadd.s32 $0xFFFFFE00  }
0x20: {  	_ =	swait.ge [sflag:s20], $0x200  }
0x21: {  	[sflag:s20] =	ssyncset.done $0x0  }
0x22: {  	[sflag:s20] =	ssyncadd.s32 $0xFFFFFE00  }
0x23: {  	_ =	swait.ge [sflag:s20], $0x200  }
0x24: {  	[sflag:s20] =	ssyncset.done $0x0  }
0x25: {  	[sflag:s20] =	ssyncadd.s32 $0xFFFFFE00  }
0x26: {  	_ =	swait.ge [sflag:s20], $0x200  }
0x27: {  	[sflag:s20] =	ssyncset.done $0x0  }
0x28: {  	[sflag:s20] =	ssyncadd.s32 $0xFFFFFE00  }
0x29: {  	_ =	swait.ge [sflag:s20], $0x200  }
0x2a: {  	[sflag:s20] =	ssyncset.done $0x0  }
0x2b: {  	[sflag:s20] =	ssyncadd.s32 $0xFFFFFE00  }
0x2c: {  	_ =	swait.ge [sflag:s20], $0x200  }
0x2d: {  	[sflag:s20] =	ssyncset.done $0x0  }
0x2e: {  	[sflag:s20] =	ssyncadd.s32 $0xFFFFFE00  }
0x2f: {  	_ =	swait.ge [sflag:s20], $0x200  }
0x30: {  	[sflag:s20] =	ssyncset.done $0x0  }
0x31: {  	[sflag:s20] =	ssyncadd.s32 $0xFFFFFE00  }
0x32: {  	_ =	swait.ge [sflag:s20], $0x200  }
0x33: {  	[sflag:s20] =	ssyncset.done $0x0  }
0x34: {  	[sflag:s20] =	ssyncadd.s32 $0xFFFFFE00  }
0x35: {  	_ =	swait.ge [sflag:s20], $0x200  }
0x36: {  	[sflag:s20] =	ssyncset.done $0x0  }
0x37: {  	[sflag:s20] =	ssyncadd.s32 $0xFFFFFE00  }
0x38: {  	_ =	swait.ge [sflag:s20], $0x200  }
0x39: {  	[sflag:s20] =	ssyncset.done $0x0  }
0x3a: {  	[sflag:s20] =	ssyncadd.s32 $0xFFFFFE00  }
0x3b: {  	_ =	swait.ge [sflag:s20], $0x200  }
0x3c: {  	[sflag:s20] =	ssyncset.done $0x0  }
0x3d: {  	[sflag:s20] =	ssyncadd.s32 $0xFFFFFE00  }
0x3e: {  	_ =	swait.ge [sflag:s20], $0x200  }
0x3f: {  	[sflag:s20] =	ssyncset.done $0x0  }
0x40: {  	[sflag:s20] =	ssyncadd.s32 $0xFFFFFE00  }
0x41: {  	_ =	swait.ge [sflag:s20], $0x200  }
0x42: {  	[sflag:s20] =	ssyncset.done $0x0  }
0x43: {  	[sflag:s20] =	ssyncadd.s32 $0xFFFFFE00  }
0x44: {  	_ =	swait.ge [sflag:s20], $0x200  }
0x45: {  	[sflag:s20] =	ssyncset.done $0x0  }
0x46: {  	[sflag:s20] =	ssyncadd.s32 $0xFFFFFE00  }
0x47: {  	_ =	swait.ge [sflag:s20], $0x200  }
0x48: {  	[sflag:s20] =	ssyncset.done $0x0  }
0x49: {  	[sflag:s20] =	ssyncadd.s32 $0xFFFFFE00  }
0x4a: {  	_ =	swait.ge [sflag:s20], $0x200  }
0x4b: {  	[sflag:s20] =	ssyncset.done $0x0  }
0x4c: {  	[sflag:s20] =	ssyncadd.s32 $0xFFFFFE00  }
0x4d: {  	_ =	swait.ge [sflag:s20], $0x200  }
0x4e: {  	[sflag:s20] =	ssyncset.done $0x0  }
0x4f: {  	[sflag:s20] =	ssyncadd.s32 $0xFFFFFE00  }
0x50: {  	_ =	swait.ge [sflag:s20], $0x200  }
0x51: {  	[sflag:s20] =	ssyncset.done $0x0  }
0x52: {  	[sflag:s20] =	ssyncadd.s32 $0xFFFFFE00  }
0x53: {  	_ =	swait.ge [sflag:s20], $0x200  }
0x54: {  	[sflag:s20] =	ssyncset.done $0x0  }
0x55: {  	[sflag:s20] =	ssyncadd.s32 $0xFFFFFE00  }
0x56: {  	_ =	swait.ge [sflag:s20], $0x200  }
0x57: {  	[sflag:s20] =	ssyncset.done $0x0  }
0x58: {  	[sflag:s20] =	ssyncadd.s32 $0xFFFFFE00  }
0x59: {  	_ =	swait.ge [sflag:s20], $0x200  }
0x5a: {  	[sflag:s20] =	ssyncset.done $0x0  }
0x5b: {  	[sflag:s20] =	ssyncadd.s32 $0xFFFFFE00  }
0x5c: {  	_ =	swait.ge [sflag:s20], $0x200  }
0x5d: {  	[sflag:s20] =	ssyncset.done $0x0  }
0x5e: {  	[sflag:s20] =	ssyncadd.s32 $0xFFFFFE00  }
0x5f: {  	_ =	swait.ge [sflag:s20], $0x200  }
0x60: {  	[sflag:s20] =	ssyncset.done $0x0  }
0x61: {  	[sflag:s20] =	ssyncadd.s32 $0xFFFFFE00  }
0x62: {  	_ =	swait.ge [sflag:s20], $0x200  }
0x63: {  	[sflag:s20] =	ssyncset.done $0x0  }
0x64: {  	[sflag:s20] =	ssyncadd.s32 $0xFFFFFE00  }
0x65: {  	_ =	swait.ge [sflag:s20], $0x200  }
0x66: {  	[sflag:s20] =	ssyncset.done $0x0  }
0x67: {  	[sflag:s20] =	ssyncadd.s32 $0xFFFFFE00  }
0x68: {  	_ =	swait.ge [sflag:s20], $0x200  }
0x69: {  	[sflag:s20] =	ssyncset.done $0x0  }
0x6a: {  	[sflag:s20] =	ssyncadd.s32 $0xFFFFFE00  }
0x6b: {  	_ =	swait.ge [sflag:s20], $0x200  }
0x6c: {  	[sflag:s20] =	ssyncset.done $0x0  }
0x6d: {  	[sflag:s20] =	ssyncadd.s32 $0xFFFFFE00  }
0x6e: {  	_ =	swait.ge [sflag:s20], $0x200  }
0x6f: {  	[sflag:s20] =	ssyncset.done $0x0  }
0x70: {  	[sflag:s20] =	ssyncadd.s32 $0xFFFFFE00  }
0x71: {  	_ =	swait.ge [sflag:s20], $0x200  }
0x72: {  	[sflag:s20] =	ssyncset.done $0x0  }
0x73: {  	[sflag:s20] =	ssyncadd.s32 $0xFFFFFE00  }
0x74: {  	_ =	swait.ge [sflag:s20], $0x200  }
0x75: {  	[sflag:s20] =	ssyncset.done $0x0  }
0x76: {  	[sflag:s20] =	ssyncadd.s32 $0xFFFFFE00  }
0x77: {  	_ =	swait.ge [sflag:s20], $0x200  }
0x78: {  	[sflag:s20] =	ssyncset.done $0x0  }
0x79: {  	[sflag:s20] =	ssyncadd.s32 $0xFFFFFE00  }
0x7a: {  	_ =	swait.ge [sflag:s20], $0x200  }
0x7b: {  	[sflag:s20] =	ssyncset.done $0x0  }
0x7c: {  	s23 =	simm.s32 $0x3000;
	s8 =	rddreg [dreg:$0x6];
	[sflag:s20] =	ssyncadd.s32 $0xFFFFFE00  }
0x7d: {  	[hbm4b:s8+s4] =	stream.linear.scatter [tilespmem:s23], [sflag:$0x6], $0x1000, $0x38;
	[tilespmem:$0xA000] =	vst v63  }
0x7e: {  	s13 =	simm.s32 $0x5000;
	s1 =	rddreg [dreg:$0x7]  }
0x7f: {  	[hbm4b:s1+s4] =	stream.linear.scatter [tilespmem:s13], [sflag:$0x6], $0x1000, $0x38;
	[tilespmem:$0xA000] =	vst v63  }
0x80: {  	s13 =	rddreg [dreg:$0x8];
	s1 =	simm.s32 $0x7000  }
0x81: {  	[hbm4b:s13+s4] =	stream.linear.scatter [tilespmem:s1], [sflag:$0x6], $0x1000, $0x38;
	[tilespmem:$0xA000] =	vst v63  }
0x82: {  	s16 =	simm.s32 $0x9000;
	s15 =	rddreg [dreg:$0x9];
	s13 =	simm.s32 $0x5  }
0x83: {  	[hbm4b:s15+s4] =	stream.linear.scatter [tilespmem:s16], [sflag:$0x6], $0x1000, $0x38;
	[tilespmem:$0xA000] =	vst v63  }
0x84: {  	_ =	swait.ge [sflag:s13], $0x1000  }
0x85: {  	[sflag:s13] =	ssyncset.done $0x0  }
0x86: {  	[sflag:s13] =	ssyncadd.s32 $0xFFFFF000  }
0x87: {  	_ =	swait.ge [sflag:s13], $0x1000  }
0x88: {  	[sflag:s13] =	ssyncset.done $0x0  }
0x89: {  	[sflag:s13] =	ssyncadd.s32 $0xFFFFF000  }
0x8a: {  	_ =	swait.ge [sflag:s13], $0x1000  }
0x8b: {  	[sflag:s13] =	ssyncset.done $0x0  }
0x8c: {  	[sflag:s13] =	ssyncadd.s32 $0xFFFFF000  }
0x8d: {  	_ =	swait.ge [sflag:s13], $0x1000  }
0x8e: {  	[sflag:s13] =	ssyncset.done $0x0  }
0x8f: {  	s1 =	simm.s32 $0x6;
	[sflag:s13] =	ssyncadd.s32 $0xFFFFF000  }
0x90: {  	_ =	swait.ge [sflag:s1], $0x1000  }
0x91: {  	[sflag:s1] =	ssyncset.done $0x0  }
0x92: {  	[sflag:s1] =	ssyncadd.s32 $0xFFFFF000  }
0x93: {  	_ =	swait.ge [sflag:s1], $0x1000  }
0x94: {  	[sflag:s1] =	ssyncset.done $0x0  }
0x95: {  	[sflag:s1] =	ssyncadd.s32 $0xFFFFF000  }
0x96: {  	_ =	swait.ge [sflag:s1], $0x1000  }
0x97: {  	[sflag:s1] =	ssyncset.done $0x0  }
0x98: {  	[sflag:s1] =	ssyncadd.s32 $0xFFFFF000  }
0x99: {  	_ =	swait.ge [sflag:s1], $0x1000  }
0x9a: {  	s15 =	rddreg [dreg:$0x11]  }
0x9b: {  	s16 =	rddreg [dreg:$0xa];
	s13 =	sadd.s32 $0x1, s15  }
0x9c: {  	p0 =	sne.s32 s13, s16  }
.Ltmp1:
0x9d: {  	_ = 	snop;
	(pc) =	sbr.rel @!p0 .LBB2_8-.Ltmp1, $3  }
0x9e: {  	_ =	sdelay $0x1  }
0x9f: {  	[sflag:s1] =	ssyncset.done $0x0  }
0xa0: {  	[sflag:s1] =	ssyncadd.s32 $0xFFFFF000  }
.LBB2_1:
0xa1: {  	[dreg:$0x11] =	wrdreg s13  }
0xa2: {  	s8 =	rddreg [dreg:$0x4]  }
0xa3: {  	[tilespmem:s4], [sflag:$0x1] =	stream.linear.gather [hbm4b:s8+s4], $0x1000, $0x38;
	[tilespmem:$0xA000] =	vst v63  }
0xa4: {  	s16 =	rddreg [dreg:$0xd];
	s8 =	simm.s32 $0x0  }
.LBB2_2:
0xa5: {  	_ =	swait.ge [sflag:s21], $0x1000  }
0xa6: {  	p0 =	seq.s32 s8, $0x0;
	[sflag:s21] =	ssyncset.done $0x0  }
0xa7: {  	s15 =	simm.s32 @!p0 $0x5;
	[sflag:s21] =	ssyncadd.s32 $0xFFFFF000  }
0xa8: {  	_ =	swait.ge @!p0 [sflag:s15], $0x1000  }
0xa9: {  	[sflag:s15] =	ssyncset.done @!p0 $0x0  }
0xaa: {  	[sflag:s15] =	ssyncadd.s32 @!p0 $0xFFFFF000  }
0xab: {  	_ =	swait.ge @!p0 [sflag:s15], $0x1000  }
0xac: {  	[sflag:s15] =	ssyncset.done @!p0 $0x0  }
0xad: {  	[sflag:s15] =	ssyncadd.s32 @!p0 $0xFFFFF000  }
0xae: {  	_ =	swait.ge @!p0 [sflag:s15], $0x1000  }
0xaf: {  	[sflag:s15] =	ssyncset.done @!p0 $0x0  }
0xb0: {  	[sflag:s15] =	ssyncadd.s32 @!p0 $0xFFFFF000  }
0xb1: {  	_ =	swait.ge @!p0 [sflag:s15], $0x1000  }
0xb2: {  	[sflag:s15] =	ssyncset.done @!p0 $0x0  }
0xb3: {  	[sflag:s15] =	ssyncadd.s32 @!p0 $0xFFFFF000;
	(ifvalue) =	ssetifvalue $0xFFFFFFFF  }
0xb4: {  	s1 =	simm.s32 $0x2000;
	(ifvalue) =	ssetifvalue $0xFFFFFFFF  }
0xb5: {  	[tilespmem:s1], [sflag:$0x3] =	stream.indirect.gather [hbm4b:s2+s22], $0x1, s4, s22, $0x40b8;
	[tilespmem:$0xA000] =	vst v63  }
0xb6: {  	(ifvalue) =	ssetifvalue $0xFFFFFFFF  }
0xb7: {  	s13 =	simm.s32 $0x2200;
	(ifvalue) =	ssetifvalue $0xFFFFFFFF  }
0xb8: {  	[tilespmem:s13], [sflag:$0x3] =	stream.indirect.gather [hbm4b:s2+s22], $0x1, s22, s22, $0x40b8;
	[tilespmem:$0xA000] =	vst v63  }
0xb9: {  	(ifvalue) =	ssetifvalue $0xFFFFFFFF  }
0xba: {  	s1 =	simm.s32 $0x2400;
	(ifvalue) =	ssetifvalue $0xFFFFFFFF  }
0xbb: {  	[tilespmem:s1], [sflag:$0x3] =	stream.indirect.gather [hbm4b:s2+s22], $0x1, s25, s22, $0x40b8;
	[tilespmem:$0xA000] =	vst v63  }
0xbc: {  	(ifvalue) =	ssetifvalue $0xFFFFFFFF  }
0xbd: {  	s13 =	simm.s32 $0x2600;
	(ifvalue) =	ssetifvalue $0xFFFFFFFF  }
0xbe: {  	[tilespmem:s13], [sflag:$0x3] =	stream.indirect.gather [hbm4b:s2+s22], $0x1, s28, s22, $0x40b8;
	[tilespmem:$0xA000] =	vst v63  }
0xbf: {  	(ifvalue) =	ssetifvalue $0xFFFFFFFF  }
0xc0: {  	s1 =	simm.s32 $0x2800;
	(ifvalue) =	ssetifvalue $0xFFFFFFFF  }
0xc1: {  	[tilespmem:s1], [sflag:$0x3] =	stream.indirect.gather [hbm4b:s2+s22], $0x1, s30, s22, $0x40b8;
	[tilespmem:$0xA000] =	vst v63  }
0xc2: {  	(ifvalue) =	ssetifvalue $0xFFFFFFFF  }
0xc3: {  	s13 =	simm.s32 $0x2A00;
	(ifvalue) =	ssetifvalue $0xFFFFFFFF  }
0xc4: {  	[tilespmem:s13], [sflag:$0x3] =	stream.indirect.gather [hbm4b:s2+s22], $0x1, s0, s22, $0x40b8;
	[tilespmem:$0xA000] =	vst v63  }
0xc5: {  	(ifvalue) =	ssetifvalue $0xFFFFFFFF  }
0xc6: {  	s1 =	simm.s32 $0x2C00;
	(ifvalue) =	ssetifvalue $0xFFFFFFFF  }
0xc7: {  	[tilespmem:s1], [sflag:$0x3] =	stream.indirect.gather [hbm4b:s2+s22], $0x1, s5, s22, $0x40b8;
	[tilespmem:$0xA000] =	vst v63  }
0xc8: {  	(ifvalue) =	ssetifvalue $0xFFFFFFFF  }
0xc9: {  	s13 =	simm.s32 $0x2E00;
	(ifvalue) =	ssetifvalue $0xFFFFFFFF  }
0xca: {  	[tilespmem:s13], [sflag:$0x3] =	stream.indirect.gather [hbm4b:s2+s22], $0x1, s11, s22, $0x40b8;
	[tilespmem:$0xA000] =	vst v63  }
0xcb: {  	(ifvalue) =	ssetifvalue $0xFFFFFFFF  }
0xcc: {  	s13 =	simm.s32 $0x4000;
	(ifvalue) =	ssetifvalue $0xFFFFFFFF  }
0xcd: {  	[tilespmem:s13], [sflag:$0x3] =	stream.indirect.gather [hbm4b:s6+s22], $0x1, s4, s22, $0x40b8;
	[tilespmem:$0xA000] =	vst v63  }
0xce: {  	(ifvalue) =	ssetifvalue $0xFFFFFFFF  }
0xcf: {  	s1 =	simm.s32 $0x4200;
	(ifvalue) =	ssetifvalue $0xFFFFFFFF  }
0xd0: {  	[tilespmem:s1], [sflag:$0x3] =	stream.indirect.gather [hbm4b:s6+s22], $0x1, s22, s22, $0x40b8;
	[tilespmem:$0xA000] =	vst v63  }
0xd1: {  	(ifvalue) =	ssetifvalue $0xFFFFFFFF  }
0xd2: {  	s13 =	simm.s32 $0x4400;
	(ifvalue) =	ssetifvalue $0xFFFFFFFF  }
0xd3: {  	[tilespmem:s13], [sflag:$0x3] =	stream.indirect.gather [hbm4b:s6+s22], $0x1, s25, s22, $0x40b8;
	[tilespmem:$0xA000] =	vst v63  }
0xd4: {  	(ifvalue) =	ssetifvalue $0xFFFFFFFF  }
0xd5: {  	s1 =	simm.s32 $0x4600;
	(ifvalue) =	ssetifvalue $0xFFFFFFFF  }
0xd6: {  	[tilespmem:s1], [sflag:$0x3] =	stream.indirect.gather [hbm4b:s6+s22], $0x1, s28, s22, $0x40b8;
	[tilespmem:$0xA000] =	vst v63  }
0xd7: {  	(ifvalue) =	ssetifvalue $0xFFFFFFFF  }
0xd8: {  	s13 =	simm.s32 $0x4800;
	(ifvalue) =	ssetifvalue $0xFFFFFFFF  }
0xd9: {  	[tilespmem:s13], [sflag:$0x3] =	stream.indirect.gather [hbm4b:s6+s22], $0x1, s30, s22, $0x40b8;
	[tilespmem:$0xA000] =	vst v63  }
0xda: {  	(ifvalue) =	ssetifvalue $0xFFFFFFFF  }
0xdb: {  	s1 =	simm.s32 $0x4A00;
	(ifvalue) =	ssetifvalue $0xFFFFFFFF  }
0xdc: {  	[tilespmem:s1], [sflag:$0x3] =	stream.indirect.gather [hbm4b:s6+s22], $0x1, s0, s22, $0x40b8;
	[tilespmem:$0xA000] =	vst v63  }
0xdd: {  	(ifvalue) =	ssetifvalue $0xFFFFFFFF  }
0xde: {  	s13 =	simm.s32 $0x4C00;
	(ifvalue) =	ssetifvalue $0xFFFFFFFF  }
0xdf: {  	[tilespmem:s13], [sflag:$0x3] =	stream.indirect.gather [hbm4b:s6+s22], $0x1, s5, s22, $0x40b8;
	[tilespmem:$0xA000] =	vst v63  }
0xe0: {  	(ifvalue) =	ssetifvalue $0xFFFFFFFF  }
0xe1: {  	s1 =	simm.s32 $0x4E00;
	(ifvalue) =	ssetifvalue $0xFFFFFFFF  }
0xe2: {  	[tilespmem:s1], [sflag:$0x3] =	stream.indirect.gather [hbm4b:s6+s22], $0x1, s11, s22, $0x40b8;
	[tilespmem:$0xA000] =	vst v63  }
0xe3: {  	(ifvalue) =	ssetifvalue $0xFFFFFFFF  }
0xe4: {  	s1 =	simm.s32 $0x6000;
	(ifvalue) =	ssetifvalue $0xFFFFFFFF  }
0xe5: {  	[tilespmem:s1], [sflag:$0x3] =	stream.indirect.gather [hbm4b:s7+s22], $0x1, s4, s22, $0x40b8;
	[tilespmem:$0xA000] =	vst v63  }
0xe6: {  	(ifvalue) =	ssetifvalue $0xFFFFFFFF  }
0xe7: {  	s13 =	simm.s32 $0x6200;
	(ifvalue) =	ssetifvalue $0xFFFFFFFF  }
0xe8: {  	[tilespmem:s13], [sflag:$0x3] =	stream.indirect.gather [hbm4b:s7+s22], $0x1, s22, s22, $0x40b8;
	[tilespmem:$0xA000] =	vst v63  }
0xe9: {  	(ifvalue) =	ssetifvalue $0xFFFFFFFF  }
0xea: {  	s1 =	simm.s32 $0x6400;
	(ifvalue) =	ssetifvalue $0xFFFFFFFF  }
0xeb: {  	[tilespmem:s1], [sflag:$0x3] =	stream.indirect.gather [hbm4b:s7+s22], $0x1, s25, s22, $0x40b8;
	[tilespmem:$0xA000] =	vst v63  }
0xec: {  	(ifvalue) =	ssetifvalue $0xFFFFFFFF  }
0xed: {  	s13 =	simm.s32 $0x6600;
	(ifvalue) =	ssetifvalue $0xFFFFFFFF  }
0xee: {  	[tilespmem:s13], [sflag:$0x3] =	stream.indirect.gather [hbm4b:s7+s22], $0x1, s28, s22, $0x40b8;
	[tilespmem:$0xA000] =	vst v63  }
0xef: {  	(ifvalue) =	ssetifvalue $0xFFFFFFFF  }
0xf0: {  	s1 =	simm.s32 $0x6800;
	(ifvalue) =	ssetifvalue $0xFFFFFFFF  }
0xf1: {  	[tilespmem:s1], [sflag:$0x3] =	stream.indirect.gather [hbm4b:s7+s22], $0x1, s30, s22, $0x40b8;
	[tilespmem:$0xA000] =	vst v63  }
0xf2: {  	(ifvalue) =	ssetifvalue $0xFFFFFFFF  }
0xf3: {  	s13 =	simm.s32 $0x6A00;
	(ifvalue) =	ssetifvalue $0xFFFFFFFF  }
0xf4: {  	[tilespmem:s13], [sflag:$0x3] =	stream.indirect.gather [hbm4b:s7+s22], $0x1, s0, s22, $0x40b8;
	[tilespmem:$0xA000] =	vst v63  }
0xf5: {  	(ifvalue) =	ssetifvalue $0xFFFFFFFF  }
0xf6: {  	s1 =	simm.s32 $0x6C00;
	(ifvalue) =	ssetifvalue $0xFFFFFFFF  }
0xf7: {  	[tilespmem:s1], [sflag:$0x3] =	stream.indirect.gather [hbm4b:s7+s22], $0x1, s5, s22, $0x40b8;
	[tilespmem:$0xA000] =	vst v63  }
0xf8: {  	(ifvalue) =	ssetifvalue $0xFFFFFFFF  }
0xf9: {  	s13 =	simm.s32 $0x6E00;
	(ifvalue) =	ssetifvalue $0xFFFFFFFF  }
0xfa: {  	[tilespmem:s13], [sflag:$0x3] =	stream.indirect.gather [hbm4b:s7+s22], $0x1, s11, s22, $0x40b8;
	[tilespmem:$0xA000] =	vst v63  }
0xfb: {  	(ifvalue) =	ssetifvalue $0xFFFFFFFF  }
0xfc: {  	(ifvalue) =	ssetifvalue $0xFFFFFFFF  }
0xfd: {  	[tilespmem:s29], [sflag:$0x3] =	stream.indirect.gather [hbm4b:s9+s22], $0x1, s4, s22, $0x40b8;
	[tilespmem:$0xA000] =	vst v63  }
0xfe: {  	(ifvalue) =	ssetifvalue $0xFFFFFFFF  }
0xff: {  	s29 =	simm.s32 $0x8200;
	(ifvalue) =	ssetifvalue $0xFFFFFFFF  }
0x100: {  	[tilespmem:s29], [sflag:$0x3] =	stream.indirect.gather [hbm4b:s9+s22], $0x1, s22, s22, $0x40b8;
	[tilespmem:$0xA000] =	vst v63  }
0x101: {  	(ifvalue) =	ssetifvalue $0xFFFFFFFF  }
0x102: {  	s1 =	simm.s32 $0x8400;
	(ifvalue) =	ssetifvalue $0xFFFFFFFF  }
0x103: {  	[tilespmem:s1], [sflag:$0x3] =	stream.indirect.gather [hbm4b:s9+s22], $0x1, s25, s22, $0x40b8;
	[tilespmem:$0xA000] =	vst v63  }
0x104: {  	(ifvalue) =	ssetifvalue $0xFFFFFFFF  }
0x105: {  	s13 =	simm.s32 $0x8600;
	(ifvalue) =	ssetifvalue $0xFFFFFFFF  }
0x106: {  	[tilespmem:s13], [sflag:$0x3] =	stream.indirect.gather [hbm4b:s9+s22], $0x1, s28, s22, $0x40b8;
	[tilespmem:$0xA000] =	vst v63  }
0x107: {  	(ifvalue) =	ssetifvalue $0xFFFFFFFF  }
0x108: {  	s29 =	simm.s32 $0x8800;
	(ifvalue) =	ssetifvalue $0xFFFFFFFF  }
0x109: {  	[tilespmem:s29], [sflag:$0x3] =	stream.indirect.gather [hbm4b:s9+s22], $0x1, s30, s22, $0x40b8;
	[tilespmem:$0xA000] =	vst v63  }
0x10a: {  	(ifvalue) =	ssetifvalue $0xFFFFFFFF  }
0x10b: {  	s1 =	simm.s32 $0x8A00;
	(ifvalue) =	ssetifvalue $0xFFFFFFFF  }
0x10c: {  	[tilespmem:s1], [sflag:$0x3] =	stream.indirect.gather [hbm4b:s9+s22], $0x1, s0, s22, $0x40b8;
	[tilespmem:$0xA000] =	vst v63  }
0x10d: {  	(ifvalue) =	ssetifvalue $0xFFFFFFFF  }
.Ltmp2:
0x10e: {  	s13 =	simm.s32 $0x8C00;
	(ifvalue) =	ssetifvalue $0xFFFFFFFF;
	(pc) =	sbr.rel @p0 .LBB2_4-.Ltmp2, $4  }
0x10f: {  	[tilespmem:s13], [sflag:$0x3] =	stream.indirect.gather [hbm4b:s9+s22], $0x1, s5, s22, $0x40b8;
	[tilespmem:$0xA000] =	vst v63  }
0x110: {  	(ifvalue) =	ssetifvalue $0xFFFFFFFF  }
0x111: {  	s29 =	simm.s32 $0x8E00;
	(ifvalue) =	ssetifvalue $0xFFFFFFFF  }
0x112: {  	[tilespmem:s29], [sflag:$0x3] =	stream.indirect.gather [hbm4b:s9+s22], $0x1, s11, s22, $0x40b8;
	[tilespmem:$0xA000] =	vst v63  }
0x113: {  	_ =	swait.ge [sflag:s20], $0x200  }
0x114: {  	[sflag:s20] =	ssyncset.done $0x0  }
0x115: {  	[sflag:s20] =	ssyncadd.s32 $0xFFFFFE00  }
0x116: {  	_ =	swait.ge [sflag:s20], $0x200  }
0x117: {  	[sflag:s20] =	ssyncset.done $0x0  }
0x118: {  	[sflag:s20] =	ssyncadd.s32 $0xFFFFFE00  }
0x119: {  	_ =	swait.ge [sflag:s20], $0x200  }
0x11a: {  	[sflag:s20] =	ssyncset.done $0x0  }
0x11b: {  	[sflag:s20] =	ssyncadd.s32 $0xFFFFFE00  }
0x11c: {  	_ =	swait.ge [sflag:s20], $0x200  }
0x11d: {  	[sflag:s20] =	ssyncset.done $0x0  }
0x11e: {  	[sflag:s20] =	ssyncadd.s32 $0xFFFFFE00  }
0x11f: {  	_ =	swait.ge [sflag:s20], $0x200  }
0x120: {  	[sflag:s20] =	ssyncset.done $0x0  }
0x121: {  	[sflag:s20] =	ssyncadd.s32 $0xFFFFFE00  }
0x122: {  	_ =	swait.ge [sflag:s20], $0x200  }
0x123: {  	[sflag:s20] =	ssyncset.done $0x0  }
0x124: {  	[sflag:s20] =	ssyncadd.s32 $0xFFFFFE00  }
0x125: {  	_ =	swait.ge [sflag:s20], $0x200  }
0x126: {  	[sflag:s20] =	ssyncset.done $0x0  }
0x127: {  	[sflag:s20] =	ssyncadd.s32 $0xFFFFFE00  }
0x128: {  	_ =	swait.ge [sflag:s20], $0x200  }
0x129: {  	[sflag:s20] =	ssyncset.done $0x0  }
0x12a: {  	[sflag:s20] =	ssyncadd.s32 $0xFFFFFE00  }
0x12b: {  	_ =	swait.ge [sflag:s20], $0x200  }
0x12c: {  	[sflag:s20] =	ssyncset.done $0x0  }
0x12d: {  	[sflag:s20] =	ssyncadd.s32 $0xFFFFFE00  }
0x12e: {  	_ =	swait.ge [sflag:s20], $0x200  }
0x12f: {  	[sflag:s20] =	ssyncset.done $0x0  }
0x130: {  	[sflag:s20] =	ssyncadd.s32 $0xFFFFFE00  }
0x131: {  	_ =	swait.ge [sflag:s20], $0x200  }
0x132: {  	[sflag:s20] =	ssyncset.done $0x0  }
0x133: {  	[sflag:s20] =	ssyncadd.s32 $0xFFFFFE00  }
0x134: {  	_ =	swait.ge [sflag:s20], $0x200  }
0x135: {  	[sflag:s20] =	ssyncset.done $0x0  }
0x136: {  	[sflag:s20] =	ssyncadd.s32 $0xFFFFFE00  }
0x137: {  	_ =	swait.ge [sflag:s20], $0x200  }
0x138: {  	[sflag:s20] =	ssyncset.done $0x0  }
0x139: {  	[sflag:s20] =	ssyncadd.s32 $0xFFFFFE00  }
0x13a: {  	_ =	swait.ge [sflag:s20], $0x200  }
0x13b: {  	[sflag:s20] =	ssyncset.done $0x0  }
0x13c: {  	[sflag:s20] =	ssyncadd.s32 $0xFFFFFE00  }
0x13d: {  	_ =	swait.ge [sflag:s20], $0x200  }
0x13e: {  	[sflag:s20] =	ssyncset.done $0x0  }
0x13f: {  	[sflag:s20] =	ssyncadd.s32 $0xFFFFFE00  }
0x140: {  	_ =	swait.ge [sflag:s20], $0x200  }
0x141: {  	[sflag:s20] =	ssyncset.done $0x0  }
0x142: {  	[sflag:s20] =	ssyncadd.s32 $0xFFFFFE00  }
0x143: {  	_ =	swait.ge [sflag:s20], $0x200  }
0x144: {  	[sflag:s20] =	ssyncset.done $0x0  }
0x145: {  	[sflag:s20] =	ssyncadd.s32 $0xFFFFFE00  }
0x146: {  	_ =	swait.ge [sflag:s20], $0x200  }
0x147: {  	[sflag:s20] =	ssyncset.done $0x0  }
0x148: {  	[sflag:s20] =	ssyncadd.s32 $0xFFFFFE00  }
0x149: {  	_ =	swait.ge [sflag:s20], $0x200  }
0x14a: {  	[sflag:s20] =	ssyncset.done $0x0  }
0x14b: {  	[sflag:s20] =	ssyncadd.s32 $0xFFFFFE00  }
0x14c: {  	_ =	swait.ge [sflag:s20], $0x200  }
0x14d: {  	[sflag:s20] =	ssyncset.done $0x0  }
0x14e: {  	[sflag:s20] =	ssyncadd.s32 $0xFFFFFE00  }
0x14f: {  	_ =	swait.ge [sflag:s20], $0x200  }
0x150: {  	[sflag:s20] =	ssyncset.done $0x0  }
0x151: {  	[sflag:s20] =	ssyncadd.s32 $0xFFFFFE00  }
0x152: {  	_ =	swait.ge [sflag:s20], $0x200  }
0x153: {  	[sflag:s20] =	ssyncset.done $0x0  }
0x154: {  	[sflag:s20] =	ssyncadd.s32 $0xFFFFFE00  }
0x155: {  	_ =	swait.ge [sflag:s20], $0x200  }
0x156: {  	[sflag:s20] =	ssyncset.done $0x0  }
0x157: {  	[sflag:s20] =	ssyncadd.s32 $0xFFFFFE00  }
0x158: {  	_ =	swait.ge [sflag:s20], $0x200  }
0x159: {  	[sflag:s20] =	ssyncset.done $0x0  }
0x15a: {  	[sflag:s20] =	ssyncadd.s32 $0xFFFFFE00  }
0x15b: {  	_ =	swait.ge [sflag:s20], $0x200  }
0x15c: {  	[sflag:s20] =	ssyncset.done $0x0  }
0x15d: {  	[sflag:s20] =	ssyncadd.s32 $0xFFFFFE00  }
0x15e: {  	_ =	swait.ge [sflag:s20], $0x200  }
0x15f: {  	[sflag:s20] =	ssyncset.done $0x0  }
0x160: {  	[sflag:s20] =	ssyncadd.s32 $0xFFFFFE00  }
0x161: {  	_ =	swait.ge [sflag:s20], $0x200  }
0x162: {  	[sflag:s20] =	ssyncset.done $0x0  }
0x163: {  	[sflag:s20] =	ssyncadd.s32 $0xFFFFFE00  }
0x164: {  	_ =	swait.ge [sflag:s20], $0x200  }
0x165: {  	[sflag:s20] =	ssyncset.done $0x0  }
0x166: {  	[sflag:s20] =	ssyncadd.s32 $0xFFFFFE00  }
0x167: {  	_ =	swait.ge [sflag:s20], $0x200  }
0x168: {  	[sflag:s20] =	ssyncset.done $0x0  }
0x169: {  	[sflag:s20] =	ssyncadd.s32 $0xFFFFFE00  }
0x16a: {  	_ =	swait.ge [sflag:s20], $0x200  }
0x16b: {  	[sflag:s20] =	ssyncset.done $0x0  }
0x16c: {  	[sflag:s20] =	ssyncadd.s32 $0xFFFFFE00  }
0x16d: {  	_ =	swait.ge [sflag:s20], $0x200  }
0x16e: {  	[sflag:s20] =	ssyncset.done $0x0  }
0x16f: {  	[sflag:s20] =	ssyncadd.s32 $0xFFFFFE00  }
0x170: {  	_ =	swait.ge [sflag:s20], $0x200  }
0x171: {  	[sflag:s20] =	ssyncset.done $0x0  }
0x172: {  	[sflag:s20] =	ssyncadd.s32 $0xFFFFFE00  }
0x173: {  	s15 =	sshrl.u32 s16, $0x3;
	s23 =	rddreg [dreg:$0x2]  }
0x174: {  	s13 =	rddreg [dreg:$0xe];
	s15 =	sadd.s32 s23, s15;
	s23 =	simm.s32 $0x3000  }
0x175: {  	[hbm4b:s15+s4] =	stream.linear.scatter [tilespmem:s23], [sflag:$0x6], $0x1000, $0x38;
	[tilespmem:$0xA000] =	vst v63  }
0x176: {  	s1 =	rddreg [dreg:$0xf];
	s15 =	sadd.s32 s8, s13;
	s13 =	simm.s32 $0x5000  }
0x177: {  	[hbm4b:s15+s4] =	stream.linear.scatter [tilespmem:s13], [sflag:$0x6], $0x1000, $0x38;
	[tilespmem:$0xA000] =	vst v63  }
0x178: {  	s15 =	sadd.s32 s8, s1;
	s1 =	simm.s32 $0x7000  }
0x179: {  	[hbm4b:s15+s4] =	stream.linear.scatter [tilespmem:s1], [sflag:$0x6], $0x1000, $0x38;
	[tilespmem:$0xA000] =	vst v63  }
0x17a: {  	s15 =	rddreg [dreg:$0x10]  }
0x17b: {  	s29 =	simm.s32 $0x9000;
	s15 =	sadd.s32 s8, s15  }
0x17c: {  	[hbm4b:s15+s4] =	stream.linear.scatter [tilespmem:s29], [sflag:$0x6], $0x1000, $0x38;
	[tilespmem:$0xA000] =	vst v63  }
0x17d: {  	s15 =	rddreg [dreg:$0xb]  }
0x17e: {  	s15 =	sadd.s32 s8, s15  }
0x17f: {  	[tilespmem:s26], [sflag:$0x2] =	stream.linear.gather [hbm4b:s15+s4], $0x1000, $0x38;
	[tilespmem:$0xA000] =	vst v63  }
0x180: {  	_ =	swait.ge [sflag:s31], $0x1000  }
0x181: {  	[sflag:s31] =	ssyncset.done $0x0  }
0x182: {  	s15 =	simm.s32 $0x6;
	[sflag:s31] =	ssyncadd.s32 $0xFFFFF000  }
0x183: {  	_ =	swait.ge [sflag:s15], $0x1000  }
0x184: {  	[sflag:s15] =	ssyncset.done $0x0  }
0x185: {  	[sflag:s15] =	ssyncadd.s32 $0xFFFFF000  }
0x186: {  	_ =	swait.ge [sflag:s15], $0x1000  }
.Ltmp3:
0x187: {  	[sflag:s15] =	ssyncset.done $0x0;
	(pc) =	sbr.rel .LBB2_5-.Ltmp3, $4  }
0x188: {  	[sflag:s15] =	ssyncadd.s32 $0xFFFFF000  }
0x189: {  	_ =	swait.ge [sflag:s15], $0x1000  }
0x18a: {  	[sflag:s15] =	ssyncset.done $0x0  }
0x18b: {  	[sflag:s15] =	ssyncadd.s32 $0xFFFFF000  }
.LBB2_4:
0x18c: {  	s15 =	rddreg [dreg:$0xb];
	s13 =	simm.s32 $0x5000  }
0x18d: {  	[tilespmem:s26], [sflag:$0x2] =	stream.linear.gather [hbm4b:s15+s4], $0x1000, $0x38;
	[tilespmem:$0xA000] =	vst v63  }
0x18e: {  	s1 =	simm.s32 $0x7000;
	s29 =	simm.s32 $0x9000;
	s15 =	simm.s32 $0x2  }
.LBB2_5:
0x18f: {  	_ =	swait.ge [sflag:s15], $0x1000  }
0x190: {  	[sflag:s15] =	ssyncset.done $0x0  }
0x191: {  	[sflag:s15] =	ssyncadd.s32 $0xFFFFF000;
	(ifvalue) =	ssetifvalue $0xFFFFFFFF  }
0x192: {  	(ifvalue) =	ssetifvalue $0xFFFFFFFF  }
0x193: {  	[tilespmem:s23], [sflag:$0x4] =	stream.indirect.gather [hbm4b:s2+s22], $0x1, s26, s22, $0x40b8;
	[tilespmem:$0xA000] =	vst v63  }
0x194: {  	(ifvalue) =	ssetifvalue $0xFFFFFFFF  }
0x195: {  	s23 =	simm.s32 $0x3200;
	(ifvalue) =	ssetifvalue $0xFFFFFFFF  }
0x196: {  	[tilespmem:s23], [sflag:$0x4] =	stream.indirect.gather [hbm4b:s2+s22], $0x1, s10, s22, $0x40b8;
	[tilespmem:$0xA000] =	vst v63  }
0x197: {  	(ifvalue) =	ssetifvalue $0xFFFFFFFF  }
0x198: {  	s23 =	simm.s32 $0x3400;
	(ifvalue) =	ssetifvalue $0xFFFFFFFF  }
0x199: {  	[tilespmem:s23], [sflag:$0x4] =	stream.indirect.gather [hbm4b:s2+s22], $0x1, s14, s22, $0x40b8;
	[tilespmem:$0xA000] =	vst v63  }
0x19a: {  	(ifvalue) =	ssetifvalue $0xFFFFFFFF  }
0x19b: {  	s23 =	simm.s32 $0x3600;
	(ifvalue) =	ssetifvalue $0xFFFFFFFF  }
0x19c: {  	[tilespmem:s23], [sflag:$0x4] =	stream.indirect.gather [hbm4b:s2+s22], $0x1, s3, s22, $0x40b8;
	[tilespmem:$0xA000] =	vst v63  }
0x19d: {  	(ifvalue) =	ssetifvalue $0xFFFFFFFF  }
0x19e: {  	s23 =	simm.s32 $0x3800;
	(ifvalue) =	ssetifvalue $0xFFFFFFFF  }
0x19f: {  	[tilespmem:s23], [sflag:$0x4] =	stream.indirect.gather [hbm4b:s2+s22], $0x1, s12, s22, $0x40b8;
	[tilespmem:$0xA000] =	vst v63  }
0x1a0: {  	(ifvalue) =	ssetifvalue $0xFFFFFFFF  }
0x1a1: {  	s23 =	simm.s32 $0x3A00;
	(ifvalue) =	ssetifvalue $0xFFFFFFFF  }
0x1a2: {  	[tilespmem:s23], [sflag:$0x4] =	stream.indirect.gather [hbm4b:s2+s22], $0x1, s24, s22, $0x40b8;
	[tilespmem:$0xA000] =	vst v63  }
0x1a3: {  	(ifvalue) =	ssetifvalue $0xFFFFFFFF  }
0x1a4: {  	s23 =	simm.s32 $0x3C00;
	(ifvalue) =	ssetifvalue $0xFFFFFFFF  }
0x1a5: {  	[tilespmem:s23], [sflag:$0x4] =	stream.indirect.gather [hbm4b:s2+s22], $0x1, s17, s22, $0x40b8;
	[tilespmem:$0xA000] =	vst v63  }
0x1a6: {  	(ifvalue) =	ssetifvalue $0xFFFFFFFF  }
0x1a7: {  	s23 =	simm.s32 $0x3E00;
	(ifvalue) =	ssetifvalue $0xFFFFFFFF  }
0x1a8: {  	[tilespmem:s23], [sflag:$0x4] =	stream.indirect.gather [hbm4b:s2+s22], $0x1, s18, s22, $0x40b8;
	[tilespmem:$0xA000] =	vst v63  }
0x1a9: {  	(ifvalue) =	ssetifvalue $0xFFFFFFFF  }
0x1aa: {  	(ifvalue) =	ssetifvalue $0xFFFFFFFF  }
0x1ab: {  	[tilespmem:s13], [sflag:$0x4] =	stream.indirect.gather [hbm4b:s6+s22], $0x1, s26, s22, $0x40b8;
	[tilespmem:$0xA000] =	vst v63  }
0x1ac: {  	(ifvalue) =	ssetifvalue $0xFFFFFFFF  }
0x1ad: {  	s23 =	simm.s32 $0x5200;
	(ifvalue) =	ssetifvalue $0xFFFFFFFF  }
0x1ae: {  	[tilespmem:s23], [sflag:$0x4] =	stream.indirect.gather [hbm4b:s6+s22], $0x1, s10, s22, $0x40b8;
	[tilespmem:$0xA000] =	vst v63  }
0x1af: {  	(ifvalue) =	ssetifvalue $0xFFFFFFFF  }
0x1b0: {  	s15 =	simm.s32 $0x5400;
	(ifvalue) =	ssetifvalue $0xFFFFFFFF  }
0x1b1: {  	[tilespmem:s15], [sflag:$0x4] =	stream.indirect.gather [hbm4b:s6+s22], $0x1, s14, s22, $0x40b8;
	[tilespmem:$0xA000] =	vst v63  }
0x1b2: {  	(ifvalue) =	ssetifvalue $0xFFFFFFFF  }
0x1b3: {  	s23 =	simm.s32 $0x5600;
	(ifvalue) =	ssetifvalue $0xFFFFFFFF  }
0x1b4: {  	[tilespmem:s23], [sflag:$0x4] =	stream.indirect.gather [hbm4b:s6+s22], $0x1, s3, s22, $0x40b8;
	[tilespmem:$0xA000] =	vst v63  }
0x1b5: {  	(ifvalue) =	ssetifvalue $0xFFFFFFFF  }
0x1b6: {  	s15 =	simm.s32 $0x5800;
	(ifvalue) =	ssetifvalue $0xFFFFFFFF  }
0x1b7: {  	[tilespmem:s15], [sflag:$0x4] =	stream.indirect.gather [hbm4b:s6+s22], $0x1, s12, s22, $0x40b8;
	[tilespmem:$0xA000] =	vst v63  }
0x1b8: {  	(ifvalue) =	ssetifvalue $0xFFFFFFFF  }
0x1b9: {  	s23 =	simm.s32 $0x5A00;
	(ifvalue) =	ssetifvalue $0xFFFFFFFF  }
0x1ba: {  	[tilespmem:s23], [sflag:$0x4] =	stream.indirect.gather [hbm4b:s6+s22], $0x1, s24, s22, $0x40b8;
	[tilespmem:$0xA000] =	vst v63  }
0x1bb: {  	(ifvalue) =	ssetifvalue $0xFFFFFFFF  }
0x1bc: {  	s15 =	simm.s32 $0x5C00;
	(ifvalue) =	ssetifvalue $0xFFFFFFFF  }
0x1bd: {  	[tilespmem:s15], [sflag:$0x4] =	stream.indirect.gather [hbm4b:s6+s22], $0x1, s17, s22, $0x40b8;
	[tilespmem:$0xA000] =	vst v63  }
0x1be: {  	(ifvalue) =	ssetifvalue $0xFFFFFFFF  }
0x1bf: {  	s23 =	simm.s32 $0x5E00;
	(ifvalue) =	ssetifvalue $0xFFFFFFFF  }
0x1c0: {  	[tilespmem:s23], [sflag:$0x4] =	stream.indirect.gather [hbm4b:s6+s22], $0x1, s18, s22, $0x40b8;
	[tilespmem:$0xA000] =	vst v63  }
0x1c1: {  	(ifvalue) =	ssetifvalue $0xFFFFFFFF  }
0x1c2: {  	(ifvalue) =	ssetifvalue $0xFFFFFFFF  }
0x1c3: {  	[tilespmem:s1], [sflag:$0x4] =	stream.indirect.gather [hbm4b:s7+s22], $0x1, s26, s22, $0x40b8;
	[tilespmem:$0xA000] =	vst v63  }
0x1c4: {  	(ifvalue) =	ssetifvalue $0xFFFFFFFF  }
0x1c5: {  	s13 =	simm.s32 $0x7200;
	(ifvalue) =	ssetifvalue $0xFFFFFFFF  }
0x1c6: {  	[tilespmem:s13], [sflag:$0x4] =	stream.indirect.gather [hbm4b:s7+s22], $0x1, s10, s22, $0x40b8;
	[tilespmem:$0xA000] =	vst v63  }
0x1c7: {  	(ifvalue) =	ssetifvalue $0xFFFFFFFF  }
0x1c8: {  	s15 =	simm.s32 $0x7400;
	(ifvalue) =	ssetifvalue $0xFFFFFFFF  }
0x1c9: {  	[tilespmem:s15], [sflag:$0x4] =	stream.indirect.gather [hbm4b:s7+s22], $0x1, s14, s22, $0x40b8;
	[tilespmem:$0xA000] =	vst v63  }
0x1ca: {  	(ifvalue) =	ssetifvalue $0xFFFFFFFF  }
0x1cb: {  	s23 =	simm.s32 $0x7600;
	(ifvalue) =	ssetifvalue $0xFFFFFFFF  }
0x1cc: {  	[tilespmem:s23], [sflag:$0x4] =	stream.indirect.gather [hbm4b:s7+s22], $0x1, s3, s22, $0x40b8;
	[tilespmem:$0xA000] =	vst v63  }
0x1cd: {  	(ifvalue) =	ssetifvalue $0xFFFFFFFF  }
0x1ce: {  	s13 =	simm.s32 $0x7800;
	(ifvalue) =	ssetifvalue $0xFFFFFFFF  }
0x1cf: {  	[tilespmem:s13], [sflag:$0x4] =	stream.indirect.gather [hbm4b:s7+s22], $0x1, s12, s22, $0x40b8;
	[tilespmem:$0xA000] =	vst v63  }
0x1d0: {  	(ifvalue) =	ssetifvalue $0xFFFFFFFF  }
0x1d1: {  	s15 =	simm.s32 $0x7A00;
	(ifvalue) =	ssetifvalue $0xFFFFFFFF  }
0x1d2: {  	[tilespmem:s15], [sflag:$0x4] =	stream.indirect.gather [hbm4b:s7+s22], $0x1, s24, s22, $0x40b8;
	[tilespmem:$0xA000] =	vst v63  }
0x1d3: {  	(ifvalue) =	ssetifvalue $0xFFFFFFFF  }
0x1d4: {  	s23 =	simm.s32 $0x7C00;
	(ifvalue) =	ssetifvalue $0xFFFFFFFF  }
0x1d5: {  	[tilespmem:s23], [sflag:$0x4] =	stream.indirect.gather [hbm4b:s7+s22], $0x1, s17, s22, $0x40b8;
	[tilespmem:$0xA000] =	vst v63  }
0x1d6: {  	(ifvalue) =	ssetifvalue $0xFFFFFFFF  }
0x1d7: {  	s13 =	simm.s32 $0x7E00;
	(ifvalue) =	ssetifvalue $0xFFFFFFFF  }
0x1d8: {  	[tilespmem:s13], [sflag:$0x4] =	stream.indirect.gather [hbm4b:s7+s22], $0x1, s18, s22, $0x40b8;
	[tilespmem:$0xA000] =	vst v63  }
0x1d9: {  	(ifvalue) =	ssetifvalue $0xFFFFFFFF  }
0x1da: {  	(ifvalue) =	ssetifvalue $0xFFFFFFFF  }
0x1db: {  	[tilespmem:s29], [sflag:$0x4] =	stream.indirect.gather [hbm4b:s9+s22], $0x1, s26, s22, $0x40b8;
	[tilespmem:$0xA000] =	vst v63  }
0x1dc: {  	(ifvalue) =	ssetifvalue $0xFFFFFFFF  }
0x1dd: {  	s15 =	simm.s32 $0x9200;
	(ifvalue) =	ssetifvalue $0xFFFFFFFF  }
0x1de: {  	[tilespmem:s15], [sflag:$0x4] =	stream.indirect.gather [hbm4b:s9+s22], $0x1, s10, s22, $0x40b8;
	[tilespmem:$0xA000] =	vst v63  }
0x1df: {  	(ifvalue) =	ssetifvalue $0xFFFFFFFF  }
0x1e0: {  	s23 =	simm.s32 $0x9400;
	(ifvalue) =	ssetifvalue $0xFFFFFFFF  }
0x1e1: {  	[tilespmem:s23], [sflag:$0x4] =	stream.indirect.gather [hbm4b:s9+s22], $0x1, s14, s22, $0x40b8;
	[tilespmem:$0xA000] =	vst v63  }
0x1e2: {  	(ifvalue) =	ssetifvalue $0xFFFFFFFF  }
0x1e3: {  	s13 =	simm.s32 $0x9600;
	(ifvalue) =	ssetifvalue $0xFFFFFFFF  }
0x1e4: {  	[tilespmem:s13], [sflag:$0x4] =	stream.indirect.gather [hbm4b:s9+s22], $0x1, s3, s22, $0x40b8;
	[tilespmem:$0xA000] =	vst v63  }
0x1e5: {  	(ifvalue) =	ssetifvalue $0xFFFFFFFF  }
0x1e6: {  	s15 =	simm.s32 $0x9800;
	(ifvalue) =	ssetifvalue $0xFFFFFFFF  }
0x1e7: {  	[tilespmem:s15], [sflag:$0x4] =	stream.indirect.gather [hbm4b:s9+s22], $0x1, s12, s22, $0x40b8;
	[tilespmem:$0xA000] =	vst v63  }
0x1e8: {  	(ifvalue) =	ssetifvalue $0xFFFFFFFF  }
0x1e9: {  	s23 =	simm.s32 $0x9A00;
	(ifvalue) =	ssetifvalue $0xFFFFFFFF  }
0x1ea: {  	[tilespmem:s23], [sflag:$0x4] =	stream.indirect.gather [hbm4b:s9+s22], $0x1, s24, s22, $0x40b8;
	[tilespmem:$0xA000] =	vst v63  }
0x1eb: {  	(ifvalue) =	ssetifvalue $0xFFFFFFFF  }
0x1ec: {  	s13 =	simm.s32 $0x9C00;
	(ifvalue) =	ssetifvalue $0xFFFFFFFF  }
0x1ed: {  	[tilespmem:s13], [sflag:$0x4] =	stream.indirect.gather [hbm4b:s9+s22], $0x1, s17, s22, $0x40b8;
	[tilespmem:$0xA000] =	vst v63  }
0x1ee: {  	(ifvalue) =	ssetifvalue $0xFFFFFFFF  }
0x1ef: {  	s15 =	simm.s32 $0x9E00;
	(ifvalue) =	ssetifvalue $0xFFFFFFFF  }
0x1f0: {  	[tilespmem:s15], [sflag:$0x4] =	stream.indirect.gather [hbm4b:s9+s22], $0x1, s18, s22, $0x40b8;
	[tilespmem:$0xA000] =	vst v63  }
0x1f1: {  	_ =	swait.ge [sflag:s19], $0x200  }
0x1f2: {  	[sflag:s19] =	ssyncset.done $0x0  }
0x1f3: {  	[sflag:s19] =	ssyncadd.s32 $0xFFFFFE00  }
0x1f4: {  	_ =	swait.ge [sflag:s19], $0x200  }
0x1f5: {  	[sflag:s19] =	ssyncset.done $0x0  }
0x1f6: {  	[sflag:s19] =	ssyncadd.s32 $0xFFFFFE00  }
0x1f7: {  	_ =	swait.ge [sflag:s19], $0x200  }
0x1f8: {  	[sflag:s19] =	ssyncset.done $0x0  }
0x1f9: {  	[sflag:s19] =	ssyncadd.s32 $0xFFFFFE00  }
0x1fa: {  	_ =	swait.ge [sflag:s19], $0x200  }
0x1fb: {  	[sflag:s19] =	ssyncset.done $0x0  }
0x1fc: {  	[sflag:s19] =	ssyncadd.s32 $0xFFFFFE00  }
0x1fd: {  	_ =	swait.ge [sflag:s19], $0x200  }
0x1fe: {  	[sflag:s19] =	ssyncset.done $0x0  }
0x1ff: {  	[sflag:s19] =	ssyncadd.s32 $0xFFFFFE00  }
0x200: {  	_ =	swait.ge [sflag:s19], $0x200  }
0x201: {  	[sflag:s19] =	ssyncset.done $0x0  }
0x202: {  	[sflag:s19] =	ssyncadd.s32 $0xFFFFFE00  }
0x203: {  	_ =	swait.ge [sflag:s19], $0x200  }
0x204: {  	[sflag:s19] =	ssyncset.done $0x0  }
0x205: {  	[sflag:s19] =	ssyncadd.s32 $0xFFFFFE00  }
0x206: {  	_ =	swait.ge [sflag:s19], $0x200  }
0x207: {  	[sflag:s19] =	ssyncset.done $0x0  }
0x208: {  	[sflag:s19] =	ssyncadd.s32 $0xFFFFFE00  }
0x209: {  	_ =	swait.ge [sflag:s19], $0x200  }
0x20a: {  	[sflag:s19] =	ssyncset.done $0x0  }
0x20b: {  	[sflag:s19] =	ssyncadd.s32 $0xFFFFFE00  }
0x20c: {  	_ =	swait.ge [sflag:s19], $0x200  }
0x20d: {  	[sflag:s19] =	ssyncset.done $0x0  }
0x20e: {  	[sflag:s19] =	ssyncadd.s32 $0xFFFFFE00  }
0x20f: {  	_ =	swait.ge [sflag:s19], $0x200  }
0x210: {  	[sflag:s19] =	ssyncset.done $0x0  }
0x211: {  	[sflag:s19] =	ssyncadd.s32 $0xFFFFFE00  }
0x212: {  	_ =	swait.ge [sflag:s19], $0x200  }
0x213: {  	[sflag:s19] =	ssyncset.done $0x0  }
0x214: {  	[sflag:s19] =	ssyncadd.s32 $0xFFFFFE00  }
0x215: {  	_ =	swait.ge [sflag:s19], $0x200  }
0x216: {  	[sflag:s19] =	ssyncset.done $0x0  }
0x217: {  	[sflag:s19] =	ssyncadd.s32 $0xFFFFFE00  }
0x218: {  	_ =	swait.ge [sflag:s19], $0x200  }
0x219: {  	[sflag:s19] =	ssyncset.done $0x0  }
0x21a: {  	[sflag:s19] =	ssyncadd.s32 $0xFFFFFE00  }
0x21b: {  	_ =	swait.ge [sflag:s19], $0x200  }
0x21c: {  	[sflag:s19] =	ssyncset.done $0x0  }
0x21d: {  	[sflag:s19] =	ssyncadd.s32 $0xFFFFFE00  }
0x21e: {  	_ =	swait.ge [sflag:s19], $0x200  }
0x21f: {  	[sflag:s19] =	ssyncset.done $0x0  }
0x220: {  	[sflag:s19] =	ssyncadd.s32 $0xFFFFFE00  }
0x221: {  	_ =	swait.ge [sflag:s19], $0x200  }
0x222: {  	[sflag:s19] =	ssyncset.done $0x0  }
0x223: {  	[sflag:s19] =	ssyncadd.s32 $0xFFFFFE00  }
0x224: {  	_ =	swait.ge [sflag:s19], $0x200  }
0x225: {  	[sflag:s19] =	ssyncset.done $0x0  }
0x226: {  	[sflag:s19] =	ssyncadd.s32 $0xFFFFFE00  }
0x227: {  	_ =	swait.ge [sflag:s19], $0x200  }
0x228: {  	[sflag:s19] =	ssyncset.done $0x0  }
0x229: {  	[sflag:s19] =	ssyncadd.s32 $0xFFFFFE00  }
0x22a: {  	_ =	swait.ge [sflag:s19], $0x200  }
0x22b: {  	[sflag:s19] =	ssyncset.done $0x0  }
0x22c: {  	[sflag:s19] =	ssyncadd.s32 $0xFFFFFE00  }
0x22d: {  	_ =	swait.ge [sflag:s19], $0x200  }
0x22e: {  	[sflag:s19] =	ssyncset.done $0x0  }
0x22f: {  	[sflag:s19] =	ssyncadd.s32 $0xFFFFFE00  }
0x230: {  	_ =	swait.ge [sflag:s19], $0x200  }
0x231: {  	[sflag:s19] =	ssyncset.done $0x0  }
0x232: {  	[sflag:s19] =	ssyncadd.s32 $0xFFFFFE00  }
0x233: {  	_ =	swait.ge [sflag:s19], $0x200  }
0x234: {  	[sflag:s19] =	ssyncset.done $0x0  }
0x235: {  	[sflag:s19] =	ssyncadd.s32 $0xFFFFFE00  }
0x236: {  	_ =	swait.ge [sflag:s19], $0x200  }
0x237: {  	[sflag:s19] =	ssyncset.done $0x0  }
0x238: {  	[sflag:s19] =	ssyncadd.s32 $0xFFFFFE00  }
0x239: {  	_ =	swait.ge [sflag:s19], $0x200  }
0x23a: {  	[sflag:s19] =	ssyncset.done $0x0  }
0x23b: {  	[sflag:s19] =	ssyncadd.s32 $0xFFFFFE00  }
0x23c: {  	_ =	swait.ge [sflag:s19], $0x200  }
0x23d: {  	[sflag:s19] =	ssyncset.done $0x0  }
0x23e: {  	[sflag:s19] =	ssyncadd.s32 $0xFFFFFE00  }
0x23f: {  	_ =	swait.ge [sflag:s19], $0x200  }
0x240: {  	[sflag:s19] =	ssyncset.done $0x0  }
0x241: {  	[sflag:s19] =	ssyncadd.s32 $0xFFFFFE00  }
0x242: {  	_ =	swait.ge [sflag:s19], $0x200  }
0x243: {  	[sflag:s19] =	ssyncset.done $0x0  }
0x244: {  	[sflag:s19] =	ssyncadd.s32 $0xFFFFFE00  }
0x245: {  	_ =	swait.ge [sflag:s19], $0x200  }
0x246: {  	[sflag:s19] =	ssyncset.done $0x0  }
0x247: {  	[sflag:s19] =	ssyncadd.s32 $0xFFFFFE00  }
0x248: {  	_ =	swait.ge [sflag:s19], $0x200  }
0x249: {  	[sflag:s19] =	ssyncset.done $0x0  }
0x24a: {  	[sflag:s19] =	ssyncadd.s32 $0xFFFFFE00  }
0x24b: {  	_ =	swait.ge [sflag:s19], $0x200  }
0x24c: {  	[sflag:s19] =	ssyncset.done $0x0  }
0x24d: {  	[sflag:s19] =	ssyncadd.s32 $0xFFFFFE00  }
0x24e: {  	_ =	swait.ge [sflag:s19], $0x200  }
0x24f: {  	[sflag:s19] =	ssyncset.done $0x0;
	s23 =	rddreg [dreg:$0x5]  }
0x250: {  	s1 =	simm.s32 $0x2000;
	[sflag:s19] =	ssyncadd.s32 $0xFFFFFE00;
	s15 =	sadd.s32 s8, s23  }
0x251: {  	[hbm4b:s15+s4] =	stream.linear.scatter [tilespmem:s1], [sflag:$0x5], $0x1000, $0x38;
	[tilespmem:$0xA000] =	vst v63  }
0x252: {  	p0 =	seq.s32 s8, $0x1C00;
	s13 =	sadd.s32 $0x40000, s15;
	s1 =	simm.s32 $0x4000  }
0x253: {  	[hbm4b:s13+s4] =	stream.linear.scatter [tilespmem:s1], [sflag:$0x5], $0x1000, $0x38;
	[tilespmem:$0xA000] =	vst v63  }
.Ltmp4:
0x254: {  	_ = 	snop;
	(pc) =	sbr.rel @p0 .LBB2_7-.Ltmp4, $4  }
0x255: {  	s1 =	sadd.s32 $0x80000, s15;
	s13 =	simm.s32 $0x6000  }
0x256: {  	[hbm4b:s1+s4] =	stream.linear.scatter [tilespmem:s13], [sflag:$0x5], $0x1000, $0x38;
	[tilespmem:$0xA000] =	vst v63  }
0x257: {  	s29 =	simm.s32 $0x8000;
	s15 =	sadd.s32 $0xC0000, s15  }
0x258: {  	[hbm4b:s15+s4] =	stream.linear.scatter [tilespmem:s29], [sflag:$0x5], $0x1000, $0x38;
	[tilespmem:$0xA000] =	vst v63  }
.Ltmp5:
0x259: {  	(pc) =	sbr.rel .LBB2_2-.Ltmp5, $4  }
0x25a: {  	_ = 	snop  }
0x25b: {  	s15 =	rddreg [dreg:$0xc];
	s16 =	sadd.s32 $0x2000, s16  }
0x25c: {  	s23 =	simm.s32 $0x3000;
	s15 =	sadd.s32 s8, s15;
	s8 =	sadd.s32 $0x400, s8  }
0x25d: {  	[tilespmem:s4], [sflag:$0x1] =	stream.linear.gather [hbm4b:s15+s4], $0x1000, $0x38;
	[tilespmem:$0xA000] =	vst v63  }
.LBB2_8:
0x25e: {  	_ =	sfence.sel $0x180000  }
0x25f: {  	[bflag:$0x0] =	sbarrier.arrive $0xFFFF  }
0x260: {  	_ =	strace $0x90000047  }
0x261: {  	s0 =	stileid.u32;
	[bflag:$0x2] =	sbarrier.arrive $0xFFFF  }
0x262: {  	p0 =	sne.s32 s0, $0x0;
	s0 =	rddreg [dreg:$0x3]  }
0x263: {  	s0 =	sadd.s32 @!p0 $0x100000, s0  }
0x264: {  	[sflag:s0] =	ssyncadd.tile.s32 @!p0 $0x1;
	_ =	shalt  }
.Lfunc_end2:
_tile_overlayer_lowered:
.L_overlay_start_2:
0x265: {  	(tag) =	ssettag $0x2  }
0x266: {  	s0 =	rddreg [dreg:$0x0];
	s2 =	stileid.u32  }
0x267: {  	s1 =	rddreg [dreg:$0x1];
	p0 =	sne.s32 s2, $0x0  }
0x268: {  	s3 =	rddreg [dreg:$0x2];
	[bflag:$0x3] =	sbarrier.arrive $0xFFFF;
	s2 =	simm.s32 @!p0 $0x1C07  }
0x269: {  	[timem:s3], [sflag:s2] =	dma.local @!p0 [hbm:s0], s1  }
0x26a: {  	s0 =	simm.s32 @!p0 $0x7  }
0x26b: {  	_ =	swait.ge @!p0 [sflag:s0], s1  }
0x26c: {  	s1 =	ssub.s32 @!p0 $0x0, s1;
	[sflag:s0] =	ssyncset.done @!p0 $0x0  }
0x26d: {  	[sflag:s0] =	ssyncadd.s32 @!p0 s1  }
0x26e: {  	[bflag:$0x3] =	sbarrier.arrive $0xFFFF  }
0x26f: {  	_ =	shalt  }

</sc_bundles>
